<compile_context>
chip_gen: v7x
topology: tpu7x:2x2x1
jax: 0.10.2.dev20260603
libtpu: 0.0.44.dev20260713+nightly
codegen_flags: <defaults>
</compile_context>

<pallas_src>
import functools

import jax
import jax.numpy as jnp
from jax import lax
from jax.experimental import pallas as pl
from jax.experimental.pallas import tpu as pltpu
from jax.experimental.pallas import tpu_sc as plsc

R, C = 128, 32768
HC = C // 2
NC, NS, L = 2, 16, 16
NW = NC * NS
RPW = R // NW
NV = C // L
HV = NV // 2
U = 16
NB = 3

_mesh = plsc.VectorSubcoreMesh(
    core_axis_name="c", subcore_axis_name="s", num_cores=NC, num_subcores=NS
)

_GATHER_DNUMS = lax.GatherDimensionNumbers(
    offset_dims=(), collapsed_slice_dims=(0,), start_index_map=(0,)
)


def _shuffle(v, idx):
    return lax.gather(
        v, idx[:, None], _GATHER_DNUMS, slice_sizes=(1,),
        unique_indices=True, indices_are_sorted=False,
        mode=lax.GatherScatterMode.PROMISE_IN_BOUNDS,
    )


def _lane_reduce(v, op):
    idx0 = lax.iota(jnp.int32, L)
    for sh in (1, 2, 4, 8):
        v = op(v, _shuffle(v, idx0 ^ sh))
    return v


def _exp_sum(buf, lo, hi):
    zeros = jnp.zeros((L,), jnp.float32)
    ys0 = tuple(buf[pl.ds((lo + u) * L, L)] for u in range(U))

    @plsc.parallel_loop(lo, hi, step=U, carry=(zeros,) * U + ys0)
    def _ex(i, carry):
        accs, ys = carry[:U], carry[U:]
        es = [jnp.exp(ys[u]) for u in range(U)]
        new_accs, new_ys = [], []
        for u in range(U):
            buf[pl.ds((i + u) * L, L)] = es[u]
            new_accs.append(accs[u] + es[u])
            new_ys.append(buf[pl.ds((i + U + u) * L, L)])
        return tuple(new_accs) + tuple(new_ys)

    return _ex[:U]


def _scale(buf, lo, hi, inv):
    ys0 = tuple(buf[pl.ds((lo + u) * L, L)] for u in range(U))

    @plsc.parallel_loop(lo, hi, step=U, carry=ys0)
    def _sc(i, ys):
        new_ys = []
        for u in range(U):
            buf[pl.ds((i + u) * L, L)] = ys[u] * inv
            new_ys.append(buf[pl.ds((i + U + u) * L, L)])
        return tuple(new_ys)


def _inv_sum(accs):
    s = accs[0]
    for u in range(1, len(accs)):
        s = s + accs[u]
    return 1.0 / _lane_reduce(s, jnp.add)


@functools.partial(
    pl.kernel,
    out_type=jax.ShapeDtypeStruct((R, C), jnp.float32),
    mesh=_mesh,
    scratch_types=[
        [pltpu.VMEM((C + U * L,), jnp.float32)] * NB,
        [pltpu.SemaphoreType.DMA] * NB,
        [pltpu.SemaphoreType.DMA] * NB,
        pltpu.SemaphoreType.DMA,
        pltpu.SemaphoreType.DMA,
    ],
)
def _softmax_rows(in_hbm, out_hbm, bufs, sins, souts, sin0b, sout3b):
    wid = lax.axis_index("s") * NC + lax.axis_index("c")
    rows = [wid * RPW + k for k in range(RPW)]

    pltpu.async_copy(
        in_hbm.at[rows[0], pl.ds(0, HC)], bufs[0].at[pl.ds(0, HC)], sins[0]
    )
    pltpu.async_copy(
        in_hbm.at[rows[0], pl.ds(HC, HC)], bufs[0].at[pl.ds(HC, HC)], sin0b
    )

    lane = lax.iota(jnp.int32, L)
    minf = -jnp.inf

    for k in range(RPW):
        buf = bufs[k % NB]
        if k == 0:
            pltpu.make_async_copy(
                in_hbm.at[rows[0], pl.ds(0, HC)], buf.at[pl.ds(0, HC)], sins[0]
            ).wait()
        else:
            pltpu.make_async_copy(
                in_hbm.at[rows[k]], buf.at[pl.ds(0, C)], sins[k % NB]
            ).wait()

        if k + 1 < RPW:
            nb = (k + 1) % NB
            if k + 1 >= NB:
                pltpu.make_async_copy(
                    bufs[nb].at[pl.ds(0, C)], out_hbm.at[rows[k + 1 - NB]],
                    souts[nb],
                ).wait()
            pltpu.async_copy(
                in_hbm.at[rows[k + 1]], bufs[nb].at[pl.ds(0, C)], sins[nb]
            )

        buf[pl.ds(0, L)] = jnp.where(lane == 0, minf, buf[pl.ds(0, L)])

        if k == 0:
            accs_a = _exp_sum(buf, 0, HV)
            pltpu.make_async_copy(
                in_hbm.at[rows[0], pl.ds(HC, HC)], buf.at[pl.ds(HC, HC)], sin0b
            ).wait()
            accs_b = _exp_sum(buf, HV, NV)
            inv = _inv_sum(accs_a + accs_b)
        else:
            inv = _inv_sum(_exp_sum(buf, 0, NV))

        if k == RPW - 1:
            _scale(buf, 0, HV, inv)
            pltpu.async_copy(
                buf.at[pl.ds(0, HC)], out_hbm.at[rows[k], pl.ds(0, HC)],
                souts[k % NB],
            )
            _scale(buf, HV, NV, inv)
            pltpu.async_copy(
                buf.at[pl.ds(HC, HC)], out_hbm.at[rows[k], pl.ds(HC, HC)],
                sout3b,
            )
        else:
            _scale(buf, 0, NV, inv)
            pltpu.async_copy(
                buf.at[pl.ds(0, C)], out_hbm.at[rows[k]], souts[k % NB]
            )

    for k in (RPW - 2, RPW - 3):
        pltpu.make_async_copy(
            bufs[k % NB].at[pl.ds(0, C)], out_hbm.at[rows[k]], souts[k % NB]
        ).wait()
    kl = RPW - 1
    pltpu.make_async_copy(
        bufs[kl % NB].at[pl.ds(0, HC)], out_hbm.at[rows[kl], pl.ds(0, HC)],
        souts[kl % NB],
    ).wait()
    pltpu.make_async_copy(
        bufs[kl % NB].at[pl.ds(HC, HC)], out_hbm.at[rows[kl], pl.ds(HC, HC)],
        sout3b,
    ).wait()


def kernel(input):
    return _softmax_rows(input)

# --- scband reference (transcript-rebuilt; emitter-appended) ---
"""Pipeline reference for scband-softmax-legal-5136780886769 (READ-ONLY COPY).

The authoritative reference and input builder live on the scoring server;
editing this copy changes nothing except your own understanding.
"""

import jax, jax.numpy as jnp
import numpy as np

def setup_inputs(seed: int = 0) -> dict:
    key = jax.random.key(seed)
    input = jax.random.normal(key, (128, 32768), dtype=jnp.float32)
    return {"input": input}

def reference(input):
    # SoftmaxLegal with is_relation=True and a parser whose stack has >= 2 items,
    # so legal_indices != [0] and rel_or_not() is True:
    #   tmp = softmax(input[:, 1:], dim=-1)
    #   ret = zeros_like(input); ret[:, 1:] = tmp
    tmp = jax.nn.softmax(input[:, 1:], axis=-1)
    ret = jnp.zeros_like(input)
    ret = ret.at[:, 1:].set(tmp)
    return ret

if __name__ == "__main__":
    import jax
    _d = setup_inputs()
    print(jax.jit(kernel)(*tuple(_d.values())))

</pallas_src>

<mosaic_0001>
#map = affine_map<(d0, d1) -> (0, 0)>
module attributes {stable_mosaic.version = 14 : i64} {
  func.func @_softmax_rows(%arg0: i32, %arg1: i32, %arg2: memref<128x32768xf32, #tpu.memory_space<hbm>>, %arg3: memref<128x32768xf32, #tpu.memory_space<hbm>>, %arg4: memref<33024xf32, #tpu.memory_space<vmem>>, %arg5: memref<33024xf32, #tpu.memory_space<vmem>>, %arg6: memref<33024xf32, #tpu.memory_space<vmem>>, %arg7: memref<!tpu.dma_semaphore, #tpu.memory_space<semaphore_mem>>, %arg8: memref<!tpu.dma_semaphore, #tpu.memory_space<semaphore_mem>>, %arg9: memref<!tpu.dma_semaphore, #tpu.memory_space<semaphore_mem>>, %arg10: memref<!tpu.dma_semaphore, #tpu.memory_space<semaphore_mem>>, %arg11: memref<!tpu.dma_semaphore, #tpu.memory_space<semaphore_mem>>, %arg12: memref<!tpu.dma_semaphore, #tpu.memory_space<semaphore_mem>>, %arg13: memref<!tpu.dma_semaphore, #tpu.memory_space<semaphore_mem>>, %arg14: memref<!tpu.dma_semaphore, #tpu.memory_space<semaphore_mem>>) attributes {dimension_semantics = [#tpu.dimension_semantics<core_parallel>, #tpu.dimension_semantics<subcore_parallel>], iteration_bounds = array<i64: 2, 16>, scalar_prefetch = 0 : i64, scratch_operands = 11 : i64, tpu.core_type = #tpu.core_type<sc_vector_subcore>, window_params = [{transform_indices = #map}, {transform_indices = #map}]} {
    %mul3A = arith.constant 2 : i32
    %mul3A_0 = arith.muli %arg1, %mul3A : i32
    %add3A = arith.addi %mul3A_0, %arg0 : i32
    %mul3A_1 = arith.constant 4 : i32
    %mul3A_2 = arith.muli %add3A, %mul3A_1 : i32
    %add3A_3 = arith.constant 0 : i32
    %add3A_4 = arith.addi %mul3A_2, %add3A_3 : i32
    %mul3A_5 = arith.constant 4 : i32
    %mul3A_6 = arith.muli %add3A, %mul3A_5 : i32
    %add3A_7 = arith.constant 1 : i32
    %add3A_8 = arith.addi %mul3A_6, %add3A_7 : i32
    %mul3A_9 = arith.constant 4 : i32
    %mul3A_10 = arith.muli %add3A, %mul3A_9 : i32
    %add3A_11 = arith.constant 2 : i32
    %add3A_12 = arith.addi %mul3A_10, %add3A_11 : i32
    %mul3A_13 = arith.constant 4 : i32
    %mul3A_14 = arith.muli %add3A, %mul3A_13 : i32
    %add3A_15 = arith.constant 3 : i32
    %add3A_16 = arith.addi %mul3A_14, %add3A_15 : i32
    %dma_start3A = arith.constant 0 : i32
    %dma_start3A_17 = tpu.memref_slice %arg4[%dma_start3A] : memref<33024xf32, #tpu.memory_space<vmem>> -> memref<16384xf32, #tpu.memory_space<vmem>>
    %dma_start3A_18 = arith.constant 0 : i32
    %dma_start3A_19 = tpu.memref_slice %arg2[%add3A_4, %dma_start3A_18] : memref<128x32768xf32, #tpu.memory_space<hbm>> -> memref<1x16384xf32, #tpu.memory_space<hbm>>
    %dma_start3A_20 = tpu.memref_squeeze %dma_start3A_19 : memref<1x16384xf32, #tpu.memory_space<hbm>> -> memref<16384xf32, #tpu.memory_space<hbm>>
    %dma_start3A_21 = arith.constant 0 : i32
    %dma_start3A_22 = tpu.memref_slice %arg4[%dma_start3A_21] : memref<33024xf32, #tpu.memory_space<vmem>> -> memref<16384xf32, #tpu.memory_space<vmem>>
    %dma_start3A_23 = arith.constant 0 : i32
    %dma_start3A_24 = tpu.memref_slice %arg2[%add3A_4, %dma_start3A_23] : memref<128x32768xf32, #tpu.memory_space<hbm>> -> memref<1x16384xf32, #tpu.memory_space<hbm>>
    %dma_start3A_25 = tpu.memref_squeeze %dma_start3A_24 : memref<1x16384xf32, #tpu.memory_space<hbm>> -> memref<16384xf32, #tpu.memory_space<hbm>>
    tpu.enqueue_dma source(%dma_start3A_25 : memref<16384xf32, #tpu.memory_space<hbm>>) target(%dma_start3A_22 : memref<16384xf32, #tpu.memory_space<vmem>>) target_semaphore(%arg7 : memref<!tpu.dma_semaphore, #tpu.memory_space<semaphore_mem>>)
    %dma_start3A_26 = arith.constant 16384 : i32
    %dma_start3A_27 = tpu.memref_slice %arg4[%dma_start3A_26] : memref<33024xf32, #tpu.memory_space<vmem>> -> memref<16384xf32, #tpu.memory_space<vmem>>
    %dma_start3A_28 = arith.constant 16384 : i32
    %dma_start3A_29 = tpu.memref_slice %arg2[%add3A_4, %dma_start3A_28] : memref<128x32768xf32, #tpu.memory_space<hbm>> -> memref<1x16384xf32, #tpu.memory_space<hbm>>
    %dma_start3A_30 = tpu.memref_squeeze %dma_start3A_29 : memref<1x16384xf32, #tpu.memory_space<hbm>> -> memref<16384xf32, #tpu.memory_space<hbm>>
    %dma_start3A_31 = arith.constant 16384 : i32
    %dma_start3A_32 = tpu.memref_slice %arg4[%dma_start3A_31] : memref<33024xf32, #tpu.memory_space<vmem>> -> memref<16384xf32, #tpu.memory_space<vmem>>
    %dma_start3A_33 = arith.constant 16384 : i32
    %dma_start3A_34 = tpu.memref_slice %arg2[%add3A_4, %dma_start3A_33] : memref<128x32768xf32, #tpu.memory_space<hbm>> -> memref<1x16384xf32, #tpu.memory_space<hbm>>
    %dma_start3A_35 = tpu.memref_squeeze %dma_start3A_34 : memref<1x16384xf32, #tpu.memory_space<hbm>> -> memref<16384xf32, #tpu.memory_space<hbm>>
    tpu.enqueue_dma source(%dma_start3A_35 : memref<16384xf32, #tpu.memory_space<hbm>>) target(%dma_start3A_32 : memref<16384xf32, #tpu.memory_space<vmem>>) target_semaphore(%arg13 : memref<!tpu.dma_semaphore, #tpu.memory_space<semaphore_mem>>)
    %iota3A = tpu.iota {dimensions = array<i32: 0>} : vector<16xi32>
    %dma_wait3A = arith.constant 0 : i32
    %dma_wait3A_36 = tpu.memref_slice %arg4[%dma_wait3A] : memref<33024xf32, #tpu.memory_space<vmem>> -> memref<16384xf32, #tpu.memory_space<vmem>>
    %dma_wait3A_37 = arith.constant 0 : i32
    %dma_wait3A_38 = tpu.memref_slice %arg2[%add3A_4, %dma_wait3A_37] : memref<128x32768xf32, #tpu.memory_space<hbm>> -> memref<1x16384xf32, #tpu.memory_space<hbm>>
    %dma_wait3A_39 = tpu.memref_squeeze %dma_wait3A_38 : memref<1x16384xf32, #tpu.memory_space<hbm>> -> memref<16384xf32, #tpu.memory_space<hbm>>
    %dma_wait3A_40 = arith.constant 0 : i32
    %dma_wait3A_41 = tpu.memref_slice %arg4[%dma_wait3A_40] : memref<33024xf32, #tpu.memory_space<vmem>> -> memref<16384xf32, #tpu.memory_space<vmem>>
    %dma_wait3A_42 = arith.constant 0 : i32
    %dma_wait3A_43 = tpu.memref_slice %arg2[%add3A_4, %dma_wait3A_42] : memref<128x32768xf32, #tpu.memory_space<hbm>> -> memref<1x16384xf32, #tpu.memory_space<hbm>>
    %dma_wait3A_44 = tpu.memref_squeeze %dma_wait3A_43 : memref<1x16384xf32, #tpu.memory_space<hbm>> -> memref<16384xf32, #tpu.memory_space<hbm>>
    tpu.wait_dma2 semaphore(%arg7 : memref<!tpu.dma_semaphore, #tpu.memory_space<semaphore_mem>>) src(%dma_wait3A_44 : memref<16384xf32, #tpu.memory_space<hbm>>) dst(%dma_wait3A_41 : memref<16384xf32, #tpu.memory_space<vmem>>)
    %dma_start3A_45 = arith.constant 0 : i32
    %dma_start3A_46 = tpu.memref_slice %arg5[%dma_start3A_45] : memref<33024xf32, #tpu.memory_space<vmem>> -> memref<32768xf32, #tpu.memory_space<vmem>>
    %dma_start3A_47 = arith.constant 0 : i32
    %dma_start3A_48 = tpu.memref_slice %arg2[%add3A_8, %dma_start3A_47] : memref<128x32768xf32, #tpu.memory_space<hbm>> -> memref<1x32768xf32, #tpu.memory_space<hbm>>
    %dma_start3A_49 = tpu.memref_squeeze %dma_start3A_48 : memref<1x32768xf32, #tpu.memory_space<hbm>> -> memref<32768xf32, #tpu.memory_space<hbm>>
    %dma_start3A_50 = arith.constant 0 : i32
    %dma_start3A_51 = tpu.memref_slice %arg5[%dma_start3A_50] : memref<33024xf32, #tpu.memory_space<vmem>> -> memref<32768xf32, #tpu.memory_space<vmem>>
    %dma_start3A_52 = arith.constant 0 : i32
    %dma_start3A_53 = tpu.memref_slice %arg2[%add3A_8, %dma_start3A_52] : memref<128x32768xf32, #tpu.memory_space<hbm>> -> memref<1x32768xf32, #tpu.memory_space<hbm>>
    %dma_start3A_54 = tpu.memref_squeeze %dma_start3A_53 : memref<1x32768xf32, #tpu.memory_space<hbm>> -> memref<32768xf32, #tpu.memory_space<hbm>>
    tpu.enqueue_dma source(%dma_start3A_54 : memref<32768xf32, #tpu.memory_space<hbm>>) target(%dma_start3A_51 : memref<32768xf32, #tpu.memory_space<vmem>>) target_semaphore(%arg8 : memref<!tpu.dma_semaphore, #tpu.memory_space<semaphore_mem>>)
    %eq3A = arith.constant 0 : i32
    %eq3A_55 = vector.broadcast %eq3A : i32 to vector<16xi32>
    %eq3A_56 = arith.cmpi eq, %iota3A, %eq3A_55 : vector<16xi32>
    %get3A = arith.constant 0 : index
    %get3A_57 = tpu.vector_load %arg4[%get3A] {strides = array<i32>} : memref<33024xf32, #tpu.memory_space<vmem>>, vector<16xf32>,
    %get3A_58 = vector.shape_cast %get3A_57 : vector<16xf32> to vector<16xf32>
    %jit3A = arith.constant 0xFF800000 : f32
    %broadcast_in_dim3A = vector.broadcast %jit3A : f32 to vector<16xf32>
    %select_n3A = arith.select %eq3A_56, %broadcast_in_dim3A, %get3A_58 : vector<16xi1>, vector<16xf32>
    %swap3A = arith.constant 0 : index
    %swap3A_59 = tpu.vector_load %arg4[%swap3A] {strides = array<i32>} : memref<33024xf32, #tpu.memory_space<vmem>>, vector<16xf32>,
    %swap3A_60 = vector.shape_cast %swap3A_59 : vector<16xf32> to vector<16xf32>
    %swap3A_61 = vector.shape_cast %select_n3A : vector<16xf32> to vector<16xf32>
    tpu.vector_store %arg4[%swap3A], %swap3A_61 {strides = array<i32>} : memref<33024xf32, #tpu.memory_space<vmem>>, vector<16xf32>,
    %broadcast_in_dim3A_62 = arith.constant 0.000000e+00 : f32
    %broadcast_in_dim3A_63 = vector.broadcast %broadcast_in_dim3A_62 : f32 to vector<16xf32>
    %get3A_64 = arith.constant 0 : index
    %get3A_65 = tpu.vector_load %arg4[%get3A_64] {strides = array<i32>} : memref<33024xf32, #tpu.memory_space<vmem>>, vector<16xf32>,
    %get3A_66 = vector.shape_cast %get3A_65 : vector<16xf32> to vector<16xf32>
    %get3A_67 = arith.constant 16 : index
    %get3A_68 = tpu.vector_load %arg4[%get3A_67] {strides = array<i32>} : memref<33024xf32, #tpu.memory_space<vmem>>, vector<16xf32>,
    %get3A_69 = vector.shape_cast %get3A_68 : vector<16xf32> to vector<16xf32>
    %get3A_70 = arith.constant 32 : index
    %get3A_71 = tpu.vector_load %arg4[%get3A_70] {strides = array<i32>} : memref<33024xf32, #tpu.memory_space<vmem>>, vector<16xf32>,
    %get3A_72 = vector.shape_cast %get3A_71 : vector<16xf32> to vector<16xf32>
    %get3A_73 = arith.constant 48 : index
    %get3A_74 = tpu.vector_load %arg4[%get3A_73] {strides = array<i32>} : memref<33024xf32, #tpu.memory_space<vmem>>, vector<16xf32>,
    %get3A_75 = vector.shape_cast %get3A_74 : vector<16xf32> to vector<16xf32>
    %get3A_76 = arith.constant 64 : index
    %get3A_77 = tpu.vector_load %arg4[%get3A_76] {strides = array<i32>} : memref<33024xf32, #tpu.memory_space<vmem>>, vector<16xf32>,
    %get3A_78 = vector.shape_cast %get3A_77 : vector<16xf32> to vector<16xf32>
    %get3A_79 = arith.constant 80 : index
    %get3A_80 = tpu.vector_load %arg4[%get3A_79] {strides = array<i32>} : memref<33024xf32, #tpu.memory_space<vmem>>, vector<16xf32>,
    %get3A_81 = vector.shape_cast %get3A_80 : vector<16xf32> to vector<16xf32>
    %get3A_82 = arith.constant 96 : index
    %get3A_83 = tpu.vector_load %arg4[%get3A_82] {strides = array<i32>} : memref<33024xf32, #tpu.memory_space<vmem>>, vector<16xf32>,
    %get3A_84 = vector.shape_cast %get3A_83 : vector<16xf32> to vector<16xf32>
    %get3A_85 = arith.constant 112 : index
    %get3A_86 = tpu.vector_load %arg4[%get3A_85] {strides = array<i32>} : memref<33024xf32, #tpu.memory_space<vmem>>, vector<16xf32>,
    %get3A_87 = vector.shape_cast %get3A_86 : vector<16xf32> to vector<16xf32>
    %get3A_88 = arith.constant 128 : index
    %get3A_89 = tpu.vector_load %arg4[%get3A_88] {strides = array<i32>} : memref<33024xf32, #tpu.memory_space<vmem>>, vector<16xf32>,
    %get3A_90 = vector.shape_cast %get3A_89 : vector<16xf32> to vector<16xf32>
    %get3A_91 = arith.constant 144 : index
    %get3A_92 = tpu.vector_load %arg4[%get3A_91] {strides = array<i32>} : memref<33024xf32, #tpu.memory_space<vmem>>, vector<16xf32>,
    %get3A_93 = vector.shape_cast %get3A_92 : vector<16xf32> to vector<16xf32>
    %get3A_94 = arith.constant 160 : index
    %get3A_95 = tpu.vector_load %arg4[%get3A_94] {strides = array<i32>} : memref<33024xf32, #tpu.memory_space<vmem>>, vector<16xf32>,
    %get3A_96 = vector.shape_cast %get3A_95 : vector<16xf32> to vector<16xf32>
    %get3A_97 = arith.constant 176 : index
    %get3A_98 = tpu.vector_load %arg4[%get3A_97] {strides = array<i32>} : memref<33024xf32, #tpu.memory_space<vmem>>, vector<16xf32>,
    %get3A_99 = vector.shape_cast %get3A_98 : vector<16xf32> to vector<16xf32>
    %get3A_100 = arith.constant 192 : index
    %get3A_101 = tpu.vector_load %arg4[%get3A_100] {strides = array<i32>} : memref<33024xf32, #tpu.memory_space<vmem>>, vector<16xf32>,
    %get3A_102 = vector.shape_cast %get3A_101 : vector<16xf32> to vector<16xf32>
    %get3A_103 = arith.constant 208 : index
    %get3A_104 = tpu.vector_load %arg4[%get3A_103] {strides = array<i32>} : memref<33024xf32, #tpu.memory_space<vmem>>, vector<16xf32>,
    %get3A_105 = vector.shape_cast %get3A_104 : vector<16xf32> to vector<16xf32>
    %get3A_106 = arith.constant 224 : index
    %get3A_107 = tpu.vector_load %arg4[%get3A_106] {strides = array<i32>} : memref<33024xf32, #tpu.memory_space<vmem>>, vector<16xf32>,
    %get3A_108 = vector.shape_cast %get3A_107 : vector<16xf32> to vector<16xf32>
    %get3A_109 = arith.constant 240 : index
    %get3A_110 = tpu.vector_load %arg4[%get3A_109] {strides = array<i32>} : memref<33024xf32, #tpu.memory_space<vmem>>, vector<16xf32>,
    %get3A_111 = vector.shape_cast %get3A_110 : vector<16xf32> to vector<16xf32>
    %parallel_loop3A = arith.constant 0 : i32
    %parallel_loop3A_112 = arith.constant 1024 : i32
    %parallel_loop3A_113 = arith.constant 16 : i32
    %parallel_loop3A_114:32 = scf.for %parallel_loop3A_991 = %parallel_loop3A to %parallel_loop3A_112 step %parallel_loop3A_113 iter_args(%parallel_loop3A_992 = %broadcast_in_dim3A_63, %parallel_loop3A_993 = %broadcast_in_dim3A_63, %parallel_loop3A_994 = %broadcast_in_dim3A_63, %parallel_loop3A_995 = %broadcast_in_dim3A_63, %parallel_loop3A_996 = %broadcast_in_dim3A_63, %parallel_loop3A_997 = %broadcast_in_dim3A_63, %parallel_loop3A_998 = %broadcast_in_dim3A_63, %parallel_loop3A_999 = %broadcast_in_dim3A_63, %parallel_loop3A_1000 = %broadcast_in_dim3A_63, %parallel_loop3A_1001 = %broadcast_in_dim3A_63, %parallel_loop3A_1002 = %broadcast_in_dim3A_63, %parallel_loop3A_1003 = %broadcast_in_dim3A_63, %parallel_loop3A_1004 = %broadcast_in_dim3A_63, %parallel_loop3A_1005 = %broadcast_in_dim3A_63, %parallel_loop3A_1006 = %broadcast_in_dim3A_63, %parallel_loop3A_1007 = %broadcast_in_dim3A_63, %parallel_loop3A_1008 = %get3A_66, %parallel_loop3A_1009 = %get3A_69, %parallel_loop3A_1010 = %get3A_72, %parallel_loop3A_1011 = %get3A_75, %parallel_loop3A_1012 = %get3A_78, %parallel_loop3A_1013 = %get3A_81, %parallel_loop3A_1014 = %get3A_84, %parallel_loop3A_1015 = %get3A_87, %parallel_loop3A_1016 = %get3A_90, %parallel_loop3A_1017 = %get3A_93, %parallel_loop3A_1018 = %get3A_96, %parallel_loop3A_1019 = %get3A_99, %parallel_loop3A_1020 = %get3A_102, %parallel_loop3A_1021 = %get3A_105, %parallel_loop3A_1022 = %get3A_108, %parallel_loop3A_1023 = %get3A_111) -> (vector<16xf32>, vector<16xf32>, vector<16xf32>, vector<16xf32>, vector<16xf32>, vector<16xf32>, vector<16xf32>, vector<16xf32>, vector<16xf32>, vector<16xf32>, vector<16xf32>, vector<16xf32>, vector<16xf32>, vector<16xf32>, vector<16xf32>, vector<16xf32>, vector<16xf32>, vector<16xf32>, vector<16xf32>, vector<16xf32>, vector<16xf32>, vector<16xf32>, vector<16xf32>, vector<16xf32>, vector<16xf32>, vector<16xf32>, vector<16xf32>, vector<16xf32>, vector<16xf32>, vector<16xf32>, vector<16xf32>, vector<16xf32>)  : i32 {
      %parallel_loop3A_1024 = math.exp %parallel_loop3A_1008 : vector<16xf32>
      %parallel_loop3A_1025 = math.exp %parallel_loop3A_1009 : vector<16xf32>
      %parallel_loop3A_1026 = math.exp %parallel_loop3A_1010 : vector<16xf32>
      %parallel_loop3A_1027 = math.exp %parallel_loop3A_1011 : vector<16xf32>
      %parallel_loop3A_1028 = math.exp %parallel_loop3A_1012 : vector<16xf32>
      %parallel_loop3A_1029 = math.exp %parallel_loop3A_1013 : vector<16xf32>
      %parallel_loop3A_1030 = math.exp %parallel_loop3A_1014 : vector<16xf32>
      %parallel_loop3A_1031 = math.exp %parallel_loop3A_1015 : vector<16xf32>
      %parallel_loop3A_1032 = math.exp %parallel_loop3A_1016 : vector<16xf32>
      %parallel_loop3A_1033 = math.exp %parallel_loop3A_1017 : vector<16xf32>
      %parallel_loop3A_1034 = math.exp %parallel_loop3A_1018 : vector<16xf32>
      %parallel_loop3A_1035 = math.exp %parallel_loop3A_1019 : vector<16xf32>
      %parallel_loop3A_1036 = math.exp %parallel_loop3A_1020 : vector<16xf32>
      %parallel_loop3A_1037 = math.exp %parallel_loop3A_1021 : vector<16xf32>
      %parallel_loop3A_1038 = math.exp %parallel_loop3A_1022 : vector<16xf32>
      %parallel_loop3A_1039 = math.exp %parallel_loop3A_1023 : vector<16xf32>
      %parallel_loop3A_1040 = arith.constant 0 : i32
      %parallel_loop3A_1041 = arith.addi %parallel_loop3A_991, %parallel_loop3A_1040 : i32
      %parallel_loop3A_1042 = arith.constant 16 : i32
      %parallel_loop3A_1043 = arith.muli %parallel_loop3A_1041, %parallel_loop3A_1042 : i32
      %parallel_loop3A_1044 = arith.index_cast %parallel_loop3A_1043 : i32 to index
      %parallel_loop3A_1045 = tpu.vector_load %arg4[%parallel_loop3A_1044] {strides = array<i32>} : memref<33024xf32, #tpu.memory_space<vmem>>, vector<16xf32>,
      %parallel_loop3A_1046 = vector.shape_cast %parallel_loop3A_1045 : vector<16xf32> to vector<16xf32>
      %parallel_loop3A_1047 = vector.shape_cast %parallel_loop3A_1024 : vector<16xf32> to vector<16xf32>
      tpu.vector_store %arg4[%parallel_loop3A_1044], %parallel_loop3A_1047 {strides = array<i32>} : memref<33024xf32, #tpu.memory_space<vmem>>, vector<16xf32>,
      %parallel_loop3A_1048 = arith.addf %parallel_loop3A_992, %parallel_loop3A_1024 : vector<16xf32>
      %parallel_loop3A_1049 = arith.constant 16 : i32
      %parallel_loop3A_1050 = arith.addi %parallel_loop3A_991, %parallel_loop3A_1049 : i32
      %parallel_loop3A_1051 = arith.constant 0 : i32
      %parallel_loop3A_1052 = arith.addi %parallel_loop3A_1050, %parallel_loop3A_1051 : i32
      %parallel_loop3A_1053 = arith.constant 16 : i32
      %parallel_loop3A_1054 = arith.muli %parallel_loop3A_1052, %parallel_loop3A_1053 : i32
      %parallel_loop3A_1055 = arith.index_cast %parallel_loop3A_1054 : i32 to index
      %parallel_loop3A_1056 = tpu.vector_load %arg4[%parallel_loop3A_1055] {strides = array<i32>} : memref<33024xf32, #tpu.memory_space<vmem>>, vector<16xf32>,
      %parallel_loop3A_1057 = vector.shape_cast %parallel_loop3A_1056 : vector<16xf32> to vector<16xf32>
      %parallel_loop3A_1058 = arith.constant 1 : i32
      %parallel_loop3A_1059 = arith.addi %parallel_loop3A_991, %parallel_loop3A_1058 : i32
      %parallel_loop3A_1060 = arith.constant 16 : i32
      %parallel_loop3A_1061 = arith.muli %parallel_loop3A_1059, %parallel_loop3A_1060 : i32
      %parallel_loop3A_1062 = arith.index_cast %parallel_loop3A_1061 : i32 to index
      %parallel_loop3A_1063 = tpu.vector_load %arg4[%parallel_loop3A_1062] {strides = array<i32>} : memref<33024xf32, #tpu.memory_space<vmem>>, vector<16xf32>,
      %parallel_loop3A_1064 = vector.shape_cast %parallel_loop3A_1063 : vector<16xf32> to vector<16xf32>
      %parallel_loop3A_1065 = vector.shape_cast %parallel_loop3A_1025 : vector<16xf32> to vector<16xf32>
      tpu.vector_store %arg4[%parallel_loop3A_1062], %parallel_loop3A_1065 {strides = array<i32>} : memref<33024xf32, #tpu.memory_space<vmem>>, vector<16xf32>,
      %parallel_loop3A_1066 = arith.addf %parallel_loop3A_993, %parallel_loop3A_1025 : vector<16xf32>
      %parallel_loop3A_1067 = arith.constant 16 : i32
      %parallel_loop3A_1068 = arith.addi %parallel_loop3A_991, %parallel_loop3A_1067 : i32
      %parallel_loop3A_1069 = arith.constant 1 : i32
      %parallel_loop3A_1070 = arith.addi %parallel_loop3A_1068, %parallel_loop3A_1069 : i32
      %parallel_loop3A_1071 = arith.constant 16 : i32
      %parallel_loop3A_1072 = arith.muli %parallel_loop3A_1070, %parallel_loop3A_1071 : i32
      %parallel_loop3A_1073 = arith.index_cast %parallel_loop3A_1072 : i32 to index
      %parallel_loop3A_1074 = tpu.vector_load %arg4[%parallel_loop3A_1073] {strides = array<i32>} : memref<33024xf32, #tpu.memory_space<vmem>>, vector<16xf32>,
      %parallel_loop3A_1075 = vector.shape_cast %parallel_loop3A_1074 : vector<16xf32> to vector<16xf32>
      %parallel_loop3A_1076 = arith.constant 2 : i32
      %parallel_loop3A_1077 = arith.addi %parallel_loop3A_991, %parallel_loop3A_1076 : i32
      %parallel_loop3A_1078 = arith.constant 16 : i32
      %parallel_loop3A_1079 = arith.muli %parallel_loop3A_1077, %parallel_loop3A_1078 : i32
      %parallel_loop3A_1080 = arith.index_cast %parallel_loop3A_1079 : i32 to index
      %parallel_loop3A_1081 = tpu.vector_load %arg4[%parallel_loop3A_1080] {strides = array<i32>} : memref<33024xf32, #tpu.memory_space<vmem>>, vector<16xf32>,
      %parallel_loop3A_1082 = vector.shape_cast %parallel_loop3A_1081 : vector<16xf32> to vector<16xf32>
      %parallel_loop3A_1083 = vector.shape_cast %parallel_loop3A_1026 : vector<16xf32> to vector<16xf32>
      tpu.vector_store %arg4[%parallel_loop3A_1080], %parallel_loop3A_1083 {strides = array<i32>} : memref<33024xf32, #tpu.memory_space<vmem>>, vector<16xf32>,
      %parallel_loop3A_1084 = arith.addf %parallel_loop3A_994, %parallel_loop3A_1026 : vector<16xf32>
      %parallel_loop3A_1085 = arith.constant 16 : i32
      %parallel_loop3A_1086 = arith.addi %parallel_loop3A_991, %parallel_loop3A_1085 : i32
      %parallel_loop3A_1087 = arith.constant 2 : i32
      %parallel_loop3A_1088 = arith.addi %parallel_loop3A_1086, %parallel_loop3A_1087 : i32
      %parallel_loop3A_1089 = arith.constant 16 : i32
      %parallel_loop3A_1090 = arith.muli %parallel_loop3A_1088, %parallel_loop3A_1089 : i32
      %parallel_loop3A_1091 = arith.index_cast %parallel_loop3A_1090 : i32 to index
      %parallel_loop3A_1092 = tpu.vector_load %arg4[%parallel_loop3A_1091] {strides = array<i32>} : memref<33024xf32, #tpu.memory_space<vmem>>, vector<16xf32>,
      %parallel_loop3A_1093 = vector.shape_cast %parallel_loop3A_1092 : vector<16xf32> to vector<16xf32>
      %parallel_loop3A_1094 = arith.constant 3 : i32
      %parallel_loop3A_1095 = arith.addi %parallel_loop3A_991, %parallel_loop3A_1094 : i32
      %parallel_loop3A_1096 = arith.constant 16 : i32
      %parallel_loop3A_1097 = arith.muli %parallel_loop3A_1095, %parallel_loop3A_1096 : i32
      %parallel_loop3A_1098 = arith.index_cast %parallel_loop3A_1097 : i32 to index
      %parallel_loop3A_1099 = tpu.vector_load %arg4[%parallel_loop3A_1098] {strides = array<i32>} : memref<33024xf32, #tpu.memory_space<vmem>>, vector<16xf32>,
      %parallel_loop3A_1100 = vector.shape_cast %parallel_loop3A_1099 : vector<16xf32> to vector<16xf32>
      %parallel_loop3A_1101 = vector.shape_cast %parallel_loop3A_1027 : vector<16xf32> to vector<16xf32>
      tpu.vector_store %arg4[%parallel_loop3A_1098], %parallel_loop3A_1101 {strides = array<i32>} : memref<33024xf32, #tpu.memory_space<vmem>>, vector<16xf32>,
      %parallel_loop3A_1102 = arith.addf %parallel_loop3A_995, %parallel_loop3A_1027 : vector<16xf32>
      %parallel_loop3A_1103 = arith.constant 16 : i32
      %parallel_loop3A_1104 = arith.addi %parallel_loop3A_991, %parallel_loop3A_1103 : i32
      %parallel_loop3A_1105 = arith.constant 3 : i32
      %parallel_loop3A_1106 = arith.addi %parallel_loop3A_1104, %parallel_loop3A_1105 : i32
      %parallel_loop3A_1107 = arith.constant 16 : i32
      %parallel_loop3A_1108 = arith.muli %parallel_loop3A_1106, %parallel_loop3A_1107 : i32
      %parallel_loop3A_1109 = arith.index_cast %parallel_loop3A_1108 : i32 to index
      %parallel_loop3A_1110 = tpu.vector_load %arg4[%parallel_loop3A_1109] {strides = array<i32>} : memref<33024xf32, #tpu.memory_space<vmem>>, vector<16xf32>,
      %parallel_loop3A_1111 = vector.shape_cast %parallel_loop3A_1110 : vector<16xf32> to vector<16xf32>
      %parallel_loop3A_1112 = arith.constant 4 : i32
      %parallel_loop3A_1113 = arith.addi %parallel_loop3A_991, %parallel_loop3A_1112 : i32
      %parallel_loop3A_1114 = arith.constant 16 : i32
      %parallel_loop3A_1115 = arith.muli %parallel_loop3A_1113, %parallel_loop3A_1114 : i32
      %parallel_loop3A_1116 = arith.index_cast %parallel_loop3A_1115 : i32 to index
      %parallel_loop3A_1117 = tpu.vector_load %arg4[%parallel_loop3A_1116] {strides = array<i32>} : memref<33024xf32, #tpu.memory_space<vmem>>, vector<16xf32>,
      %parallel_loop3A_1118 = vector.shape_cast %parallel_loop3A_1117 : vector<16xf32> to vector<16xf32>
      %parallel_loop3A_1119 = vector.shape_cast %parallel_loop3A_1028 : vector<16xf32> to vector<16xf32>
      tpu.vector_store %arg4[%parallel_loop3A_1116], %parallel_loop3A_1119 {strides = array<i32>} : memref<33024xf32, #tpu.memory_space<vmem>>, vector<16xf32>,
      %parallel_loop3A_1120 = arith.addf %parallel_loop3A_996, %parallel_loop3A_1028 : vector<16xf32>
      %parallel_loop3A_1121 = arith.constant 16 : i32
      %parallel_loop3A_1122 = arith.addi %parallel_loop3A_991, %parallel_loop3A_1121 : i32
      %parallel_loop3A_1123 = arith.constant 4 : i32
      %parallel_loop3A_1124 = arith.addi %parallel_loop3A_1122, %parallel_loop3A_1123 : i32
      %parallel_loop3A_1125 = arith.constant 16 : i32
      %parallel_loop3A_1126 = arith.muli %parallel_loop3A_1124, %parallel_loop3A_1125 : i32
      %parallel_loop3A_1127 = arith.index_cast %parallel_loop3A_1126 : i32 to index
      %parallel_loop3A_1128 = tpu.vector_load %arg4[%parallel_loop3A_1127] {strides = array<i32>} : memref<33024xf32, #tpu.memory_space<vmem>>, vector<16xf32>,
      %parallel_loop3A_1129 = vector.shape_cast %parallel_loop3A_1128 : vector<16xf32> to vector<16xf32>
      %parallel_loop3A_1130 = arith.constant 5 : i32
      %parallel_loop3A_1131 = arith.addi %parallel_loop3A_991, %parallel_loop3A_1130 : i32
      %parallel_loop3A_1132 = arith.constant 16 : i32
      %parallel_loop3A_1133 = arith.muli %parallel_loop3A_1131, %parallel_loop3A_1132 : i32
      %parallel_loop3A_1134 = arith.index_cast %parallel_loop3A_1133 : i32 to index
      %parallel_loop3A_1135 = tpu.vector_load %arg4[%parallel_loop3A_1134] {strides = array<i32>} : memref<33024xf32, #tpu.memory_space<vmem>>, vector<16xf32>,
      %parallel_loop3A_1136 = vector.shape_cast %parallel_loop3A_1135 : vector<16xf32> to vector<16xf32>
      %parallel_loop3A_1137 = vector.shape_cast %parallel_loop3A_1029 : vector<16xf32> to vector<16xf32>
      tpu.vector_store %arg4[%parallel_loop3A_1134], %parallel_loop3A_1137 {strides = array<i32>} : memref<33024xf32, #tpu.memory_space<vmem>>, vector<16xf32>,
      %parallel_loop3A_1138 = arith.addf %parallel_loop3A_997, %parallel_loop3A_1029 : vector<16xf32>
      %parallel_loop3A_1139 = arith.constant 16 : i32
      %parallel_loop3A_1140 = arith.addi %parallel_loop3A_991, %parallel_loop3A_1139 : i32
      %parallel_loop3A_1141 = arith.constant 5 : i32
      %parallel_loop3A_1142 = arith.addi %parallel_loop3A_1140, %parallel_loop3A_1141 : i32
      %parallel_loop3A_1143 = arith.constant 16 : i32
      %parallel_loop3A_1144 = arith.muli %parallel_loop3A_1142, %parallel_loop3A_1143 : i32
      %parallel_loop3A_1145 = arith.index_cast %parallel_loop3A_1144 : i32 to index
      %parallel_loop3A_1146 = tpu.vector_load %arg4[%parallel_loop3A_1145] {strides = array<i32>} : memref<33024xf32, #tpu.memory_space<vmem>>, vector<16xf32>,
      %parallel_loop3A_1147 = vector.shape_cast %parallel_loop3A_1146 : vector<16xf32> to vector<16xf32>
      %parallel_loop3A_1148 = arith.constant 6 : i32
      %parallel_loop3A_1149 = arith.addi %parallel_loop3A_991, %parallel_loop3A_1148 : i32
      %parallel_loop3A_1150 = arith.constant 16 : i32
      %parallel_loop3A_1151 = arith.muli %parallel_loop3A_1149, %parallel_loop3A_1150 : i32
      %parallel_loop3A_1152 = arith.index_cast %parallel_loop3A_1151 : i32 to index
      %parallel_loop3A_1153 = tpu.vector_load %arg4[%parallel_loop3A_1152] {strides = array<i32>} : memref<33024xf32, #tpu.memory_space<vmem>>, vector<16xf32>,
      %parallel_loop3A_1154 = vector.shape_cast %parallel_loop3A_1153 : vector<16xf32> to vector<16xf32>
      %parallel_loop3A_1155 = vector.shape_cast %parallel_loop3A_1030 : vector<16xf32> to vector<16xf32>
      tpu.vector_store %arg4[%parallel_loop3A_1152], %parallel_loop3A_1155 {strides = array<i32>} : memref<33024xf32, #tpu.memory_space<vmem>>, vector<16xf32>,
      %parallel_loop3A_1156 = arith.addf %parallel_loop3A_998, %parallel_loop3A_1030 : vector<16xf32>
      %parallel_loop3A_1157 = arith.constant 16 : i32
      %parallel_loop3A_1158 = arith.addi %parallel_loop3A_991, %parallel_loop3A_1157 : i32
      %parallel_loop3A_1159 = arith.constant 6 : i32
      %parallel_loop3A_1160 = arith.addi %parallel_loop3A_1158, %parallel_loop3A_1159 : i32
      %parallel_loop3A_1161 = arith.constant 16 : i32
      %parallel_loop3A_1162 = arith.muli %parallel_loop3A_1160, %parallel_loop3A_1161 : i32
      %parallel_loop3A_1163 = arith.index_cast %parallel_loop3A_1162 : i32 to index
      %parallel_loop3A_1164 = tpu.vector_load %arg4[%parallel_loop3A_1163] {strides = array<i32>} : memref<33024xf32, #tpu.memory_space<vmem>>, vector<16xf32>,
      %parallel_loop3A_1165 = vector.shape_cast %parallel_loop3A_1164 : vector<16xf32> to vector<16xf32>
      %parallel_loop3A_1166 = arith.constant 7 : i32
      %parallel_loop3A_1167 = arith.addi %parallel_loop3A_991, %parallel_loop3A_1166 : i32
      %parallel_loop3A_1168 = arith.constant 16 : i32
      %parallel_loop3A_1169 = arith.muli %parallel_loop3A_1167, %parallel_loop3A_1168 : i32
      %parallel_loop3A_1170 = arith.index_cast %parallel_loop3A_1169 : i32 to index
      %parallel_loop3A_1171 = tpu.vector_load %arg4[%parallel_loop3A_1170] {strides = array<i32>} : memref<33024xf32, #tpu.memory_space<vmem>>, vector<16xf32>,
      %parallel_loop3A_1172 = vector.shape_cast %parallel_loop3A_1171 : vector<16xf32> to vector<16xf32>
      %parallel_loop3A_1173 = vector.shape_cast %parallel_loop3A_1031 : vector<16xf32> to vector<16xf32>
      tpu.vector_store %arg4[%parallel_loop3A_1170], %parallel_loop3A_1173 {strides = array<i32>} : memref<33024xf32, #tpu.memory_space<vmem>>, vector<16xf32>,
      %parallel_loop3A_1174 = arith.addf %parallel_loop3A_999, %parallel_loop3A_1031 : vector<16xf32>
      %parallel_loop3A_1175 = arith.constant 16 : i32
      %parallel_loop3A_1176 = arith.addi %parallel_loop3A_991, %parallel_loop3A_1175 : i32
      %parallel_loop3A_1177 = arith.constant 7 : i32
      %parallel_loop3A_1178 = arith.addi %parallel_loop3A_1176, %parallel_loop3A_1177 : i32
      %parallel_loop3A_1179 = arith.constant 16 : i32
      %parallel_loop3A_1180 = arith.muli %parallel_loop3A_1178, %parallel_loop3A_1179 : i32
      %parallel_loop3A_1181 = arith.index_cast %parallel_loop3A_1180 : i32 to index
      %parallel_loop3A_1182 = tpu.vector_load %arg4[%parallel_loop3A_1181] {strides = array<i32>} : memref<33024xf32, #tpu.memory_space<vmem>>, vector<16xf32>,
      %parallel_loop3A_1183 = vector.shape_cast %parallel_loop3A_1182 : vector<16xf32> to vector<16xf32>
      %parallel_loop3A_1184 = arith.constant 8 : i32
      %parallel_loop3A_1185 = arith.addi %parallel_loop3A_991, %parallel_loop3A_1184 : i32
      %parallel_loop3A_1186 = arith.constant 16 : i32
      %parallel_loop3A_1187 = arith.muli %parallel_loop3A_1185, %parallel_loop3A_1186 : i32
      %parallel_loop3A_1188 = arith.index_cast %parallel_loop3A_1187 : i32 to index
      %parallel_loop3A_1189 = tpu.vector_load %arg4[%parallel_loop3A_1188] {strides = array<i32>} : memref<33024xf32, #tpu.memory_space<vmem>>, vector<16xf32>,
      %parallel_loop3A_1190 = vector.shape_cast %parallel_loop3A_1189 : vector<16xf32> to vector<16xf32>
      %parallel_loop3A_1191 = vector.shape_cast %parallel_loop3A_1032 : vector<16xf32> to vector<16xf32>
      tpu.vector_store %arg4[%parallel_loop3A_1188], %parallel_loop3A_1191 {strides = array<i32>} : memref<33024xf32, #tpu.memory_space<vmem>>, vector<16xf32>,
      %parallel_loop3A_1192 = arith.addf %parallel_loop3A_1000, %parallel_loop3A_1032 : vector<16xf32>
      %parallel_loop3A_1193 = arith.constant 16 : i32
      %parallel_loop3A_1194 = arith.addi %parallel_loop3A_991, %parallel_loop3A_1193 : i32
      %parallel_loop3A_1195 = arith.constant 8 : i32
      %parallel_loop3A_1196 = arith.addi %parallel_loop3A_1194, %parallel_loop3A_1195 : i32
      %parallel_loop3A_1197 = arith.constant 16 : i32
      %parallel_loop3A_1198 = arith.muli %parallel_loop3A_1196, %parallel_loop3A_1197 : i32
      %parallel_loop3A_1199 = arith.index_cast %parallel_loop3A_1198 : i32 to index
      %parallel_loop3A_1200 = tpu.vector_load %arg4[%parallel_loop3A_1199] {strides = array<i32>} : memref<33024xf32, #tpu.memory_space<vmem>>, vector<16xf32>,
      %parallel_loop3A_1201 = vector.shape_cast %parallel_loop3A_1200 : vector<16xf32> to vector<16xf32>
      %parallel_loop3A_1202 = arith.constant 9 : i32
      %parallel_loop3A_1203 = arith.addi %parallel_loop3A_991, %parallel_loop3A_1202 : i32
      %parallel_loop3A_1204 = arith.constant 16 : i32
      %parallel_loop3A_1205 = arith.muli %parallel_loop3A_1203, %parallel_loop3A_1204 : i32
      %parallel_loop3A_1206 = arith.index_cast %parallel_loop3A_1205 : i32 to index
      %parallel_loop3A_1207 = tpu.vector_load %arg4[%parallel_loop3A_1206] {strides = array<i32>} : memref<33024xf32, #tpu.memory_space<vmem>>, vector<16xf32>,
      %parallel_loop3A_1208 = vector.shape_cast %parallel_loop3A_1207 : vector<16xf32> to vector<16xf32>
      %parallel_loop3A_1209 = vector.shape_cast %parallel_loop3A_1033 : vector<16xf32> to vector<16xf32>
      tpu.vector_store %arg4[%parallel_loop3A_1206], %parallel_loop3A_1209 {strides = array<i32>} : memref<33024xf32, #tpu.memory_space<vmem>>, vector<16xf32>,
      %parallel_loop3A_1210 = arith.addf %parallel_loop3A_1001, %parallel_loop3A_1033 : vector<16xf32>
      %parallel_loop3A_1211 = arith.constant 16 : i32
      %parallel_loop3A_1212 = arith.addi %parallel_loop3A_991, %parallel_loop3A_1211 : i32
      %parallel_loop3A_1213 = arith.constant 9 : i32
      %parallel_loop3A_1214 = arith.addi %parallel_loop3A_1212, %parallel_loop3A_1213 : i32
      %parallel_loop3A_1215 = arith.constant 16 : i32
      %parallel_loop3A_1216 = arith.muli %parallel_loop3A_1214, %parallel_loop3A_1215 : i32
      %parallel_loop3A_1217 = arith.index_cast %parallel_loop3A_1216 : i32 to index
      %parallel_loop3A_1218 = tpu.vector_load %arg4[%parallel_loop3A_1217] {strides = array<i32>} : memref<33024xf32, #tpu.memory_space<vmem>>, vector<16xf32>,
      %parallel_loop3A_1219 = vector.shape_cast %parallel_loop3A_1218 : vector<16xf32> to vector<16xf32>
      %parallel_loop3A_1220 = arith.constant 10 : i32
      %parallel_loop3A_1221 = arith.addi %parallel_loop3A_991, %parallel_loop3A_1220 : i32
      %parallel_loop3A_1222 = arith.constant 16 : i32
      %parallel_loop3A_1223 = arith.muli %parallel_loop3A_1221, %parallel_loop3A_1222 : i32
      %parallel_loop3A_1224 = arith.index_cast %parallel_loop3A_1223 : i32 to index
      %parallel_loop3A_1225 = tpu.vector_load %arg4[%parallel_loop3A_1224] {strides = array<i32>} : memref<33024xf32, #tpu.memory_space<vmem>>, vector<16xf32>,
      %parallel_loop3A_1226 = vector.shape_cast %parallel_loop3A_1225 : vector<16xf32> to vector<16xf32>
      %parallel_loop3A_1227 = vector.shape_cast %parallel_loop3A_1034 : vector<16xf32> to vector<16xf32>
      tpu.vector_store %arg4[%parallel_loop3A_1224], %parallel_loop3A_1227 {strides = array<i32>} : memref<33024xf32, #tpu.memory_space<vmem>>, vector<16xf32>,
      %parallel_loop3A_1228 = arith.addf %parallel_loop3A_1002, %parallel_loop3A_1034 : vector<16xf32>
      %parallel_loop3A_1229 = arith.constant 16 : i32
      %parallel_loop3A_1230 = arith.addi %parallel_loop3A_991, %parallel_loop3A_1229 : i32
      %parallel_loop3A_1231 = arith.constant 10 : i32
      %parallel_loop3A_1232 = arith.addi %parallel_loop3A_1230, %parallel_loop3A_1231 : i32
      %parallel_loop3A_1233 = arith.constant 16 : i32
      %parallel_loop3A_1234 = arith.muli %parallel_loop3A_1232, %parallel_loop3A_1233 : i32
      %parallel_loop3A_1235 = arith.index_cast %parallel_loop3A_1234 : i32 to index
      %parallel_loop3A_1236 = tpu.vector_load %arg4[%parallel_loop3A_1235] {strides = array<i32>} : memref<33024xf32, #tpu.memory_space<vmem>>, vector<16xf32>,
      %parallel_loop3A_1237 = vector.shape_cast %parallel_loop3A_1236 : vector<16xf32> to vector<16xf32>
      %parallel_loop3A_1238 = arith.constant 11 : i32
      %parallel_loop3A_1239 = arith.addi %parallel_loop3A_991, %parallel_loop3A_1238 : i32
      %parallel_loop3A_1240 = arith.constant 16 : i32
      %parallel_loop3A_1241 = arith.muli %parallel_loop3A_1239, %parallel_loop3A_1240 : i32
      %parallel_loop3A_1242 = arith.index_cast %parallel_loop3A_1241 : i32 to index
      %parallel_loop3A_1243 = tpu.vector_load %arg4[%parallel_loop3A_1242] {strides = array<i32>} : memref<33024xf32, #tpu.memory_space<vmem>>, vector<16xf32>,
      %parallel_loop3A_1244 = vector.shape_cast %parallel_loop3A_1243 : vector<16xf32> to vector<16xf32>
      %parallel_loop3A_1245 = vector.shape_cast %parallel_loop3A_1035 : vector<16xf32> to vector<16xf32>
      tpu.vector_store %arg4[%parallel_loop3A_1242], %parallel_loop3A_1245 {strides = array<i32>} : memref<33024xf32, #tpu.memory_space<vmem>>, vector<16xf32>,
      %parallel_loop3A_1246 = arith.addf %parallel_loop3A_1003, %parallel_loop3A_1035 : vector<16xf32>
      %parallel_loop3A_1247 = arith.constant 16 : i32
      %parallel_loop3A_1248 = arith.addi %parallel_loop3A_991, %parallel_loop3A_1247 : i32
      %parallel_loop3A_1249 = arith.constant 11 : i32
      %parallel_loop3A_1250 = arith.addi %parallel_loop3A_1248, %parallel_loop3A_1249 : i32
      %parallel_loop3A_1251 = arith.constant 16 : i32
      %parallel_loop3A_1252 = arith.muli %parallel_loop3A_1250, %parallel_loop3A_1251 : i32
      %parallel_loop3A_1253 = arith.index_cast %parallel_loop3A_1252 : i32 to index
      %parallel_loop3A_1254 = tpu.vector_load %arg4[%parallel_loop3A_1253] {strides = array<i32>} : memref<33024xf32, #tpu.memory_space<vmem>>, vector<16xf32>,
      %parallel_loop3A_1255 = vector.shape_cast %parallel_loop3A_1254 : vector<16xf32> to vector<16xf32>
      %parallel_loop3A_1256 = arith.constant 12 : i32
      %parallel_loop3A_1257 = arith.addi %parallel_loop3A_991, %parallel_loop3A_1256 : i32
      %parallel_loop3A_1258 = arith.constant 16 : i32
      %parallel_loop3A_1259 = arith.muli %parallel_loop3A_1257, %parallel_loop3A_1258 : i32
      %parallel_loop3A_1260 = arith.index_cast %parallel_loop3A_1259 : i32 to index
      %parallel_loop3A_1261 = tpu.vector_load %arg4[%parallel_loop3A_1260] {strides = array<i32>} : memref<33024xf32, #tpu.memory_space<vmem>>, vector<16xf32>,
      %parallel_loop3A_1262 = vector.shape_cast %parallel_loop3A_1261 : vector<16xf32> to vector<16xf32>
      %parallel_loop3A_1263 = vector.shape_cast %parallel_loop3A_1036 : vector<16xf32> to vector<16xf32>
      tpu.vector_store %arg4[%parallel_loop3A_1260], %parallel_loop3A_1263 {strides = array<i32>} : memref<33024xf32, #tpu.memory_space<vmem>>, vector<16xf32>,
      %parallel_loop3A_1264 = arith.addf %parallel_loop3A_1004, %parallel_loop3A_1036 : vector<16xf32>
      %parallel_loop3A_1265 = arith.constant 16 : i32
      %parallel_loop3A_1266 = arith.addi %parallel_loop3A_991, %parallel_loop3A_1265 : i32
      %parallel_loop3A_1267 = arith.constant 12 : i32
      %parallel_loop3A_1268 = arith.addi %parallel_loop3A_1266, %parallel_loop3A_1267 : i32
      %parallel_loop3A_1269 = arith.constant 16 : i32
      %parallel_loop3A_1270 = arith.muli %parallel_loop3A_1268, %parallel_loop3A_1269 : i32
      %parallel_loop3A_1271 = arith.index_cast %parallel_loop3A_1270 : i32 to index
      %parallel_loop3A_1272 = tpu.vector_load %arg4[%parallel_loop3A_1271] {strides = array<i32>} : memref<33024xf32, #tpu.memory_space<vmem>>, vector<16xf32>,
      %parallel_loop3A_1273 = vector.shape_cast %parallel_loop3A_1272 : vector<16xf32> to vector<16xf32>
      %parallel_loop3A_1274 = arith.constant 13 : i32
      %parallel_loop3A_1275 = arith.addi %parallel_loop3A_991, %parallel_loop3A_1274 : i32
      %parallel_loop3A_1276 = arith.constant 16 : i32
      %parallel_loop3A_1277 = arith.muli %parallel_loop3A_1275, %parallel_loop3A_1276 : i32
      %parallel_loop3A_1278 = arith.index_cast %parallel_loop3A_1277 : i32 to index
      %parallel_loop3A_1279 = tpu.vector_load %arg4[%parallel_loop3A_1278] {strides = array<i32>} : memref<33024xf32, #tpu.memory_space<vmem>>, vector<16xf32>,
      %parallel_loop3A_1280 = vector.shape_cast %parallel_loop3A_1279 : vector<16xf32> to vector<16xf32>
      %parallel_loop3A_1281 = vector.shape_cast %parallel_loop3A_1037 : vector<16xf32> to vector<16xf32>
      tpu.vector_store %arg4[%parallel_loop3A_1278], %parallel_loop3A_1281 {strides = array<i32>} : memref<33024xf32, #tpu.memory_space<vmem>>, vector<16xf32>,
      %parallel_loop3A_1282 = arith.addf %parallel_loop3A_1005, %parallel_loop3A_1037 : vector<16xf32>
      %parallel_loop3A_1283 = arith.constant 16 : i32
      %parallel_loop3A_1284 = arith.addi %parallel_loop3A_991, %parallel_loop3A_1283 : i32
      %parallel_loop3A_1285 = arith.constant 13 : i32
      %parallel_loop3A_1286 = arith.addi %parallel_loop3A_1284, %parallel_loop3A_1285 : i32
      %parallel_loop3A_1287 = arith.constant 16 : i32
      %parallel_loop3A_1288 = arith.muli %parallel_loop3A_1286, %parallel_loop3A_1287 : i32
      %parallel_loop3A_1289 = arith.index_cast %parallel_loop3A_1288 : i32 to index
      %parallel_loop3A_1290 = tpu.vector_load %arg4[%parallel_loop3A_1289] {strides = array<i32>} : memref<33024xf32, #tpu.memory_space<vmem>>, vector<16xf32>,
      %parallel_loop3A_1291 = vector.shape_cast %parallel_loop3A_1290 : vector<16xf32> to vector<16xf32>
      %parallel_loop3A_1292 = arith.constant 14 : i32
      %parallel_loop3A_1293 = arith.addi %parallel_loop3A_991, %parallel_loop3A_1292 : i32
      %parallel_loop3A_1294 = arith.constant 16 : i32
      %parallel_loop3A_1295 = arith.muli %parallel_loop3A_1293, %parallel_loop3A_1294 : i32
      %parallel_loop3A_1296 = arith.index_cast %parallel_loop3A_1295 : i32 to index
      %parallel_loop3A_1297 = tpu.vector_load %arg4[%parallel_loop3A_1296] {strides = array<i32>} : memref<33024xf32, #tpu.memory_space<vmem>>, vector<16xf32>,
      %parallel_loop3A_1298 = vector.shape_cast %parallel_loop3A_1297 : vector<16xf32> to vector<16xf32>
      %parallel_loop3A_1299 = vector.shape_cast %parallel_loop3A_1038 : vector<16xf32> to vector<16xf32>
      tpu.vector_store %arg4[%parallel_loop3A_1296], %parallel_loop3A_1299 {strides = array<i32>} : memref<33024xf32, #tpu.memory_space<vmem>>, vector<16xf32>,
      %parallel_loop3A_1300 = arith.addf %parallel_loop3A_1006, %parallel_loop3A_1038 : vector<16xf32>
      %parallel_loop3A_1301 = arith.constant 16 : i32
      %parallel_loop3A_1302 = arith.addi %parallel_loop3A_991, %parallel_loop3A_1301 : i32
      %parallel_loop3A_1303 = arith.constant 14 : i32
      %parallel_loop3A_1304 = arith.addi %parallel_loop3A_1302, %parallel_loop3A_1303 : i32
      %parallel_loop3A_1305 = arith.constant 16 : i32
      %parallel_loop3A_1306 = arith.muli %parallel_loop3A_1304, %parallel_loop3A_1305 : i32
      %parallel_loop3A_1307 = arith.index_cast %parallel_loop3A_1306 : i32 to index
      %parallel_loop3A_1308 = tpu.vector_load %arg4[%parallel_loop3A_1307] {strides = array<i32>} : memref<33024xf32, #tpu.memory_space<vmem>>, vector<16xf32>,
      %parallel_loop3A_1309 = vector.shape_cast %parallel_loop3A_1308 : vector<16xf32> to vector<16xf32>
      %parallel_loop3A_1310 = arith.constant 15 : i32
      %parallel_loop3A_1311 = arith.addi %parallel_loop3A_991, %parallel_loop3A_1310 : i32
      %parallel_loop3A_1312 = arith.constant 16 : i32
      %parallel_loop3A_1313 = arith.muli %parallel_loop3A_1311, %parallel_loop3A_1312 : i32
      %parallel_loop3A_1314 = arith.index_cast %parallel_loop3A_1313 : i32 to index
      %parallel_loop3A_1315 = tpu.vector_load %arg4[%parallel_loop3A_1314] {strides = array<i32>} : memref<33024xf32, #tpu.memory_space<vmem>>, vector<16xf32>,
      %parallel_loop3A_1316 = vector.shape_cast %parallel_loop3A_1315 : vector<16xf32> to vector<16xf32>
      %parallel_loop3A_1317 = vector.shape_cast %parallel_loop3A_1039 : vector<16xf32> to vector<16xf32>
      tpu.vector_store %arg4[%parallel_loop3A_1314], %parallel_loop3A_1317 {strides = array<i32>} : memref<33024xf32, #tpu.memory_space<vmem>>, vector<16xf32>,
      %parallel_loop3A_1318 = arith.addf %parallel_loop3A_1007, %parallel_loop3A_1039 : vector<16xf32>
      %parallel_loop3A_1319 = arith.constant 16 : i32
      %parallel_loop3A_1320 = arith.addi %parallel_loop3A_991, %parallel_loop3A_1319 : i32
      %parallel_loop3A_1321 = arith.constant 15 : i32
      %parallel_loop3A_1322 = arith.addi %parallel_loop3A_1320, %parallel_loop3A_1321 : i32
      %parallel_loop3A_1323 = arith.constant 16 : i32
      %parallel_loop3A_1324 = arith.muli %parallel_loop3A_1322, %parallel_loop3A_1323 : i32
      %parallel_loop3A_1325 = arith.index_cast %parallel_loop3A_1324 : i32 to index
      %parallel_loop3A_1326 = tpu.vector_load %arg4[%parallel_loop3A_1325] {strides = array<i32>} : memref<33024xf32, #tpu.memory_space<vmem>>, vector<16xf32>,
      %parallel_loop3A_1327 = vector.shape_cast %parallel_loop3A_1326 : vector<16xf32> to vector<16xf32>
      scf.yield %parallel_loop3A_1048, %parallel_loop3A_1066, %parallel_loop3A_1084, %parallel_loop3A_1102, %parallel_loop3A_1120, %parallel_loop3A_1138, %parallel_loop3A_1156, %parallel_loop3A_1174, %parallel_loop3A_1192, %parallel_loop3A_1210, %parallel_loop3A_1228, %parallel_loop3A_1246, %parallel_loop3A_1264, %parallel_loop3A_1282, %parallel_loop3A_1300, %parallel_loop3A_1318, %parallel_loop3A_1057, %parallel_loop3A_1075, %parallel_loop3A_1093, %parallel_loop3A_1111, %parallel_loop3A_1129, %parallel_loop3A_1147, %parallel_loop3A_1165, %parallel_loop3A_1183, %parallel_loop3A_1201, %parallel_loop3A_1219, %parallel_loop3A_1237, %parallel_loop3A_1255, %parallel_loop3A_1273, %parallel_loop3A_1291, %parallel_loop3A_1309, %parallel_loop3A_1327 : vector<16xf32>, vector<16xf32>, vector<16xf32>, vector<16xf32>, vector<16xf32>, vector<16xf32>, vector<16xf32>, vector<16xf32>, vector<16xf32>, vector<16xf32>, vector<16xf32>, vector<16xf32>, vector<16xf32>, vector<16xf32>, vector<16xf32>, vector<16xf32>, vector<16xf32>, vector<16xf32>, vector<16xf32>, vector<16xf32>, vector<16xf32>, vector<16xf32>, vector<16xf32>, vector<16xf32>, vector<16xf32>, vector<16xf32>, vector<16xf32>, vector<16xf32>, vector<16xf32>, vector<16xf32>, vector<16xf32>, vector<16xf32>
    } {sc.loop_unroll_factor = 1 : i64, sc.parallel_access}
    %dma_wait3A_115 = arith.constant 16384 : i32
    %dma_wait3A_116 = tpu.memref_slice %arg4[%dma_wait3A_115] : memref<33024xf32, #tpu.memory_space<vmem>> -> memref<16384xf32, #tpu.memory_space<vmem>>
    %dma_wait3A_117 = arith.constant 16384 : i32
    %dma_wait3A_118 = tpu.memref_slice %arg2[%add3A_4, %dma_wait3A_117] : memref<128x32768xf32, #tpu.memory_space<hbm>> -> memref<1x16384xf32, #tpu.memory_space<hbm>>
    %dma_wait3A_119 = tpu.memref_squeeze %dma_wait3A_118 : memref<1x16384xf32, #tpu.memory_space<hbm>> -> memref<16384xf32, #tpu.memory_space<hbm>>
    %dma_wait3A_120 = arith.constant 16384 : i32
    %dma_wait3A_121 = tpu.memref_slice %arg4[%dma_wait3A_120] : memref<33024xf32, #tpu.memory_space<vmem>> -> memref<16384xf32, #tpu.memory_space<vmem>>
    %dma_wait3A_122 = arith.constant 16384 : i32
    %dma_wait3A_123 = tpu.memref_slice %arg2[%add3A_4, %dma_wait3A_122] : memref<128x32768xf32, #tpu.memory_space<hbm>> -> memref<1x16384xf32, #tpu.memory_space<hbm>>
    %dma_wait3A_124 = tpu.memref_squeeze %dma_wait3A_123 : memref<1x16384xf32, #tpu.memory_space<hbm>> -> memref<16384xf32, #tpu.memory_space<hbm>>
    tpu.wait_dma2 semaphore(%arg13 : memref<!tpu.dma_semaphore, #tpu.memory_space<semaphore_mem>>) src(%dma_wait3A_124 : memref<16384xf32, #tpu.memory_space<hbm>>) dst(%dma_wait3A_121 : memref<16384xf32, #tpu.memory_space<vmem>>)
    %broadcast_in_dim3A_125 = arith.constant 0.000000e+00 : f32
    %broadcast_in_dim3A_126 = vector.broadcast %broadcast_in_dim3A_125 : f32 to vector<16xf32>
    %get3A_127 = arith.constant 16384 : index
    %get3A_128 = tpu.vector_load %arg4[%get3A_127] {strides = array<i32>} : memref<33024xf32, #tpu.memory_space<vmem>>, vector<16xf32>,
    %get3A_129 = vector.shape_cast %get3A_128 : vector<16xf32> to vector<16xf32>
    %get3A_130 = arith.constant 16400 : index
    %get3A_131 = tpu.vector_load %arg4[%get3A_130] {strides = array<i32>} : memref<33024xf32, #tpu.memory_space<vmem>>, vector<16xf32>,
    %get3A_132 = vector.shape_cast %get3A_131 : vector<16xf32> to vector<16xf32>
    %get3A_133 = arith.constant 16416 : index
    %get3A_134 = tpu.vector_load %arg4[%get3A_133] {strides = array<i32>} : memref<33024xf32, #tpu.memory_space<vmem>>, vector<16xf32>,
    %get3A_135 = vector.shape_cast %get3A_134 : vector<16xf32> to vector<16xf32>
    %get3A_136 = arith.constant 16432 : index
    %get3A_137 = tpu.vector_load %arg4[%get3A_136] {strides = array<i32>} : memref<33024xf32, #tpu.memory_space<vmem>>, vector<16xf32>,
    %get3A_138 = vector.shape_cast %get3A_137 : vector<16xf32> to vector<16xf32>
    %get3A_139 = arith.constant 16448 : index
    %get3A_140 = tpu.vector_load %arg4[%get3A_139] {strides = array<i32>} : memref<33024xf32, #tpu.memory_space<vmem>>, vector<16xf32>,
    %get3A_141 = vector.shape_cast %get3A_140 : vector<16xf32> to vector<16xf32>
    %get3A_142 = arith.constant 16464 : index
    %get3A_143 = tpu.vector_load %arg4[%get3A_142] {strides = array<i32>} : memref<33024xf32, #tpu.memory_space<vmem>>, vector<16xf32>,
    %get3A_144 = vector.shape_cast %get3A_143 : vector<16xf32> to vector<16xf32>
    %get3A_145 = arith.constant 16480 : index
    %get3A_146 = tpu.vector_load %arg4[%get3A_145] {strides = array<i32>} : memref<33024xf32, #tpu.memory_space<vmem>>, vector<16xf32>,
    %get3A_147 = vector.shape_cast %get3A_146 : vector<16xf32> to vector<16xf32>
    %get3A_148 = arith.constant 16496 : index
    %get3A_149 = tpu.vector_load %arg4[%get3A_148] {strides = array<i32>} : memref<33024xf32, #tpu.memory_space<vmem>>, vector<16xf32>,
    %get3A_150 = vector.shape_cast %get3A_149 : vector<16xf32> to vector<16xf32>
    %get3A_151 = arith.constant 16512 : index
    %get3A_152 = tpu.vector_load %arg4[%get3A_151] {strides = array<i32>} : memref<33024xf32, #tpu.memory_space<vmem>>, vector<16xf32>,
    %get3A_153 = vector.shape_cast %get3A_152 : vector<16xf32> to vector<16xf32>
    %get3A_154 = arith.constant 16528 : index
    %get3A_155 = tpu.vector_load %arg4[%get3A_154] {strides = array<i32>} : memref<33024xf32, #tpu.memory_space<vmem>>, vector<16xf32>,
    %get3A_156 = vector.shape_cast %get3A_155 : vector<16xf32> to vector<16xf32>
    %get3A_157 = arith.constant 16544 : index
    %get3A_158 = tpu.vector_load %arg4[%get3A_157] {strides = array<i32>} : memref<33024xf32, #tpu.memory_space<vmem>>, vector<16xf32>,
    %get3A_159 = vector.shape_cast %get3A_158 : vector<16xf32> to vector<16xf32>
    %get3A_160 = arith.constant 16560 : index
    %get3A_161 = tpu.vector_load %arg4[%get3A_160] {strides = array<i32>} : memref<33024xf32, #tpu.memory_space<vmem>>, vector<16xf32>,
    %get3A_162 = vector.shape_cast %get3A_161 : vector<16xf32> to vector<16xf32>
    %get3A_163 = arith.constant 16576 : index
    %get3A_164 = tpu.vector_load %arg4[%get3A_163] {strides = array<i32>} : memref<33024xf32, #tpu.memory_space<vmem>>, vector<16xf32>,
    %get3A_165 = vector.shape_cast %get3A_164 : vector<16xf32> to vector<16xf32>
    %get3A_166 = arith.constant 16592 : index
    %get3A_167 = tpu.vector_load %arg4[%get3A_166] {strides = array<i32>} : memref<33024xf32, #tpu.memory_space<vmem>>, vector<16xf32>,
    %get3A_168 = vector.shape_cast %get3A_167 : vector<16xf32> to vector<16xf32>
    %get3A_169 = arith.constant 16608 : index
    %get3A_170 = tpu.vector_load %arg4[%get3A_169] {strides = array<i32>} : memref<33024xf32, #tpu.memory_space<vmem>>, vector<16xf32>,
    %get3A_171 = vector.shape_cast %get3A_170 : vector<16xf32> to vector<16xf32>
    %get3A_172 = arith.constant 16624 : index
    %get3A_173 = tpu.vector_load %arg4[%get3A_172] {strides = array<i32>} : memref<33024xf32, #tpu.memory_space<vmem>>, vector<16xf32>,
    %get3A_174 = vector.shape_cast %get3A_173 : vector<16xf32> to vector<16xf32>
    %parallel_loop3A_175 = arith.constant 1024 : i32
    %parallel_loop3A_176 = arith.constant 2048 : i32
    %parallel_loop3A_177 = arith.constant 16 : i32
    %parallel_loop3A_178:32 = scf.for %parallel_loop3A_991 = %parallel_loop3A_175 to %parallel_loop3A_176 step %parallel_loop3A_177 iter_args(%parallel_loop3A_992 = %broadcast_in_dim3A_126, %parallel_loop3A_993 = %broadcast_in_dim3A_126, %parallel_loop3A_994 = %broadcast_in_dim3A_126, %parallel_loop3A_995 = %broadcast_in_dim3A_126, %parallel_loop3A_996 = %broadcast_in_dim3A_126, %parallel_loop3A_997 = %broadcast_in_dim3A_126, %parallel_loop3A_998 = %broadcast_in_dim3A_126, %parallel_loop3A_999 = %broadcast_in_dim3A_126, %parallel_loop3A_1000 = %broadcast_in_dim3A_126, %parallel_loop3A_1001 = %broadcast_in_dim3A_126, %parallel_loop3A_1002 = %broadcast_in_dim3A_126, %parallel_loop3A_1003 = %broadcast_in_dim3A_126, %parallel_loop3A_1004 = %broadcast_in_dim3A_126, %parallel_loop3A_1005 = %broadcast_in_dim3A_126, %parallel_loop3A_1006 = %broadcast_in_dim3A_126, %parallel_loop3A_1007 = %broadcast_in_dim3A_126, %parallel_loop3A_1008 = %get3A_129, %parallel_loop3A_1009 = %get3A_132, %parallel_loop3A_1010 = %get3A_135, %parallel_loop3A_1011 = %get3A_138, %parallel_loop3A_1012 = %get3A_141, %parallel_loop3A_1013 = %get3A_144, %parallel_loop3A_1014 = %get3A_147, %parallel_loop3A_1015 = %get3A_150, %parallel_loop3A_1016 = %get3A_153, %parallel_loop3A_1017 = %get3A_156, %parallel_loop3A_1018 = %get3A_159, %parallel_loop3A_1019 = %get3A_162, %parallel_loop3A_1020 = %get3A_165, %parallel_loop3A_1021 = %get3A_168, %parallel_loop3A_1022 = %get3A_171, %parallel_loop3A_1023 = %get3A_174) -> (vector<16xf32>, vector<16xf32>, vector<16xf32>, vector<16xf32>, vector<16xf32>, vector<16xf32>, vector<16xf32>, vector<16xf32>, vector<16xf32>, vector<16xf32>, vector<16xf32>, vector<16xf32>, vector<16xf32>, vector<16xf32>, vector<16xf32>, vector<16xf32>, vector<16xf32>, vector<16xf32>, vector<16xf32>, vector<16xf32>, vector<16xf32>, vector<16xf32>, vector<16xf32>, vector<16xf32>, vector<16xf32>, vector<16xf32>, vector<16xf32>, vector<16xf32>, vector<16xf32>, vector<16xf32>, vector<16xf32>, vector<16xf32>)  : i32 {
      %parallel_loop3A_1024 = math.exp %parallel_loop3A_1008 : vector<16xf32>
      %parallel_loop3A_1025 = math.exp %parallel_loop3A_1009 : vector<16xf32>
      %parallel_loop3A_1026 = math.exp %parallel_loop3A_1010 : vector<16xf32>
      %parallel_loop3A_1027 = math.exp %parallel_loop3A_1011 : vector<16xf32>
      %parallel_loop3A_1028 = math.exp %parallel_loop3A_1012 : vector<16xf32>
      %parallel_loop3A_1029 = math.exp %parallel_loop3A_1013 : vector<16xf32>
      %parallel_loop3A_1030 = math.exp %parallel_loop3A_1014 : vector<16xf32>
      %parallel_loop3A_1031 = math.exp %parallel_loop3A_1015 : vector<16xf32>
      %parallel_loop3A_1032 = math.exp %parallel_loop3A_1016 : vector<16xf32>
      %parallel_loop3A_1033 = math.exp %parallel_loop3A_1017 : vector<16xf32>
      %parallel_loop3A_1034 = math.exp %parallel_loop3A_1018 : vector<16xf32>
      %parallel_loop3A_1035 = math.exp %parallel_loop3A_1019 : vector<16xf32>
      %parallel_loop3A_1036 = math.exp %parallel_loop3A_1020 : vector<16xf32>
      %parallel_loop3A_1037 = math.exp %parallel_loop3A_1021 : vector<16xf32>
      %parallel_loop3A_1038 = math.exp %parallel_loop3A_1022 : vector<16xf32>
      %parallel_loop3A_1039 = math.exp %parallel_loop3A_1023 : vector<16xf32>
      %parallel_loop3A_1040 = arith.constant 0 : i32
      %parallel_loop3A_1041 = arith.addi %parallel_loop3A_991, %parallel_loop3A_1040 : i32
      %parallel_loop3A_1042 = arith.constant 16 : i32
      %parallel_loop3A_1043 = arith.muli %parallel_loop3A_1041, %parallel_loop3A_1042 : i32
      %parallel_loop3A_1044 = arith.index_cast %parallel_loop3A_1043 : i32 to index
      %parallel_loop3A_1045 = tpu.vector_load %arg4[%parallel_loop3A_1044] {strides = array<i32>} : memref<33024xf32, #tpu.memory_space<vmem>>, vector<16xf32>,
      %parallel_loop3A_1046 = vector.shape_cast %parallel_loop3A_1045 : vector<16xf32> to vector<16xf32>
      %parallel_loop3A_1047 = vector.shape_cast %parallel_loop3A_1024 : vector<16xf32> to vector<16xf32>
      tpu.vector_store %arg4[%parallel_loop3A_1044], %parallel_loop3A_1047 {strides = array<i32>} : memref<33024xf32, #tpu.memory_space<vmem>>, vector<16xf32>,
      %parallel_loop3A_1048 = arith.addf %parallel_loop3A_992, %parallel_loop3A_1024 : vector<16xf32>
      %parallel_loop3A_1049 = arith.constant 16 : i32
      %parallel_loop3A_1050 = arith.addi %parallel_loop3A_991, %parallel_loop3A_1049 : i32
      %parallel_loop3A_1051 = arith.constant 0 : i32
      %parallel_loop3A_1052 = arith.addi %parallel_loop3A_1050, %parallel_loop3A_1051 : i32
      %parallel_loop3A_1053 = arith.constant 16 : i32
      %parallel_loop3A_1054 = arith.muli %parallel_loop3A_1052, %parallel_loop3A_1053 : i32
      %parallel_loop3A_1055 = arith.index_cast %parallel_loop3A_1054 : i32 to index
      %parallel_loop3A_1056 = tpu.vector_load %arg4[%parallel_loop3A_1055] {strides = array<i32>} : memref<33024xf32, #tpu.memory_space<vmem>>, vector<16xf32>,
      %parallel_loop3A_1057 = vector.shape_cast %parallel_loop3A_1056 : vector<16xf32> to vector<16xf32>
      %parallel_loop3A_1058 = arith.constant 1 : i32
      %parallel_loop3A_1059 = arith.addi %parallel_loop3A_991, %parallel_loop3A_1058 : i32
      %parallel_loop3A_1060 = arith.constant 16 : i32
      %parallel_loop3A_1061 = arith.muli %parallel_loop3A_1059, %parallel_loop3A_1060 : i32
      %parallel_loop3A_1062 = arith.index_cast %parallel_loop3A_1061 : i32 to index
      %parallel_loop3A_1063 = tpu.vector_load %arg4[%parallel_loop3A_1062] {strides = array<i32>} : memref<33024xf32, #tpu.memory_space<vmem>>, vector<16xf32>,
      %parallel_loop3A_1064 = vector.shape_cast %parallel_loop3A_1063 : vector<16xf32> to vector<16xf32>
      %parallel_loop3A_1065 = vector.shape_cast %parallel_loop3A_1025 : vector<16xf32> to vector<16xf32>
      tpu.vector_store %arg4[%parallel_loop3A_1062], %parallel_loop3A_1065 {strides = array<i32>} : memref<33024xf32, #tpu.memory_space<vmem>>, vector<16xf32>,
      %parallel_loop3A_1066 = arith.addf %parallel_loop3A_993, %parallel_loop3A_1025 : vector<16xf32>
      %parallel_loop3A_1067 = arith.constant 16 : i32
      %parallel_loop3A_1068 = arith.addi %parallel_loop3A_991, %parallel_loop3A_1067 : i32
      %parallel_loop3A_1069 = arith.constant 1 : i32
      %parallel_loop3A_1070 = arith.addi %parallel_loop3A_1068, %parallel_loop3A_1069 : i32
      %parallel_loop3A_1071 = arith.constant 16 : i32
      %parallel_loop3A_1072 = arith.muli %parallel_loop3A_1070, %parallel_loop3A_1071 : i32
      %parallel_loop3A_1073 = arith.index_cast %parallel_loop3A_1072 : i32 to index
      %parallel_loop3A_1074 = tpu.vector_load %arg4[%parallel_loop3A_1073] {strides = array<i32>} : memref<33024xf32, #tpu.memory_space<vmem>>, vector<16xf32>,
      %parallel_loop3A_1075 = vector.shape_cast %parallel_loop3A_1074 : vector<16xf32> to vector<16xf32>
      %parallel_loop3A_1076 = arith.constant 2 : i32
      %parallel_loop3A_1077 = arith.addi %parallel_loop3A_991, %parallel_loop3A_1076 : i32
      %parallel_loop3A_1078 = arith.constant 16 : i32
      %parallel_loop3A_1079 = arith.muli %parallel_loop3A_1077, %parallel_loop3A_1078 : i32
      %parallel_loop3A_1080 = arith.index_cast %parallel_loop3A_1079 : i32 to index
      %parallel_loop3A_1081 = tpu.vector_load %arg4[%parallel_loop3A_1080] {strides = array<i32>} : memref<33024xf32, #tpu.memory_space<vmem>>, vector<16xf32>,
      %parallel_loop3A_1082 = vector.shape_cast %parallel_loop3A_1081 : vector<16xf32> to vector<16xf32>
      %parallel_loop3A_1083 = vector.shape_cast %parallel_loop3A_1026 : vector<16xf32> to vector<16xf32>
      tpu.vector_store %arg4[%parallel_loop3A_1080], %parallel_loop3A_1083 {strides = array<i32>} : memref<33024xf32, #tpu.memory_space<vmem>>, vector<16xf32>,
      %parallel_loop3A_1084 = arith.addf %parallel_loop3A_994, %parallel_loop3A_1026 : vector<16xf32>
      %parallel_loop3A_1085 = arith.constant 16 : i32
      %parallel_loop3A_1086 = arith.addi %parallel_loop3A_991, %parallel_loop3A_1085 : i32
      %parallel_loop3A_1087 = arith.constant 2 : i32
      %parallel_loop3A_1088 = arith.addi %parallel_loop3A_1086, %parallel_loop3A_1087 : i32
      %parallel_loop3A_1089 = arith.constant 16 : i32
      %parallel_loop3A_1090 = arith.muli %parallel_loop3A_1088, %parallel_loop3A_1089 : i32
      %parallel_loop3A_1091 = arith.index_cast %parallel_loop3A_1090 : i32 to index
      %parallel_loop3A_1092 = tpu.vector_load %arg4[%parallel_loop3A_1091] {strides = array<i32>} : memref<33024xf32, #tpu.memory_space<vmem>>, vector<16xf32>,
      %parallel_loop3A_1093 = vector.shape_cast %parallel_loop3A_1092 : vector<16xf32> to vector<16xf32>
      %parallel_loop3A_1094 = arith.constant 3 : i32
      %parallel_loop3A_1095 = arith.addi %parallel_loop3A_991, %parallel_loop3A_1094 : i32
      %parallel_loop3A_1096 = arith.constant 16 : i32
      %parallel_loop3A_1097 = arith.muli %parallel_loop3A_1095, %parallel_loop3A_1096 : i32
      %parallel_loop3A_1098 = arith.index_cast %parallel_loop3A_1097 : i32 to index
      %parallel_loop3A_1099 = tpu.vector_load %arg4[%parallel_loop3A_1098] {strides = array<i32>} : memref<33024xf32, #tpu.memory_space<vmem>>, vector<16xf32>,
      %parallel_loop3A_1100 = vector.shape_cast %parallel_loop3A_1099 : vector<16xf32> to vector<16xf32>
      %parallel_loop3A_1101 = vector.shape_cast %parallel_loop3A_1027 : vector<16xf32> to vector<16xf32>
      tpu.vector_store %arg4[%parallel_loop3A_1098], %parallel_loop3A_1101 {strides = array<i32>} : memref<33024xf32, #tpu.memory_space<vmem>>, vector<16xf32>,
      %parallel_loop3A_1102 = arith.addf %parallel_loop3A_995, %parallel_loop3A_1027 : vector<16xf32>
      %parallel_loop3A_1103 = arith.constant 16 : i32
      %parallel_loop3A_1104 = arith.addi %parallel_loop3A_991, %parallel_loop3A_1103 : i32
      %parallel_loop3A_1105 = arith.constant 3 : i32
      %parallel_loop3A_1106 = arith.addi %parallel_loop3A_1104, %parallel_loop3A_1105 : i32
      %parallel_loop3A_1107 = arith.constant 16 : i32
      %parallel_loop3A_1108 = arith.muli %parallel_loop3A_1106, %parallel_loop3A_1107 : i32
      %parallel_loop3A_1109 = arith.index_cast %parallel_loop3A_1108 : i32 to index
      %parallel_loop3A_1110 = tpu.vector_load %arg4[%parallel_loop3A_1109] {strides = array<i32>} : memref<33024xf32, #tpu.memory_space<vmem>>, vector<16xf32>,
      %parallel_loop3A_1111 = vector.shape_cast %parallel_loop3A_1110 : vector<16xf32> to vector<16xf32>
      %parallel_loop3A_1112 = arith.constant 4 : i32
      %parallel_loop3A_1113 = arith.addi %parallel_loop3A_991, %parallel_loop3A_1112 : i32
      %parallel_loop3A_1114 = arith.constant 16 : i32
      %parallel_loop3A_1115 = arith.muli %parallel_loop3A_1113, %parallel_loop3A_1114 : i32
      %parallel_loop3A_1116 = arith.index_cast %parallel_loop3A_1115 : i32 to index
      %parallel_loop3A_1117 = tpu.vector_load %arg4[%parallel_loop3A_1116] {strides = array<i32>} : memref<33024xf32, #tpu.memory_space<vmem>>, vector<16xf32>,
      %parallel_loop3A_1118 = vector.shape_cast %parallel_loop3A_1117 : vector<16xf32> to vector<16xf32>
      %parallel_loop3A_1119 = vector.shape_cast %parallel_loop3A_1028 : vector<16xf32> to vector<16xf32>
      tpu.vector_store %arg4[%parallel_loop3A_1116], %parallel_loop3A_1119 {strides = array<i32>} : memref<33024xf32, #tpu.memory_space<vmem>>, vector<16xf32>,
      %parallel_loop3A_1120 = arith.addf %parallel_loop3A_996, %parallel_loop3A_1028 : vector<16xf32>
      %parallel_loop3A_1121 = arith.constant 16 : i32
      %parallel_loop3A_1122 = arith.addi %parallel_loop3A_991, %parallel_loop3A_1121 : i32
      %parallel_loop3A_1123 = arith.constant 4 : i32
      %parallel_loop3A_1124 = arith.addi %parallel_loop3A_1122, %parallel_loop3A_1123 : i32
      %parallel_loop3A_1125 = arith.constant 16 : i32
      %parallel_loop3A_1126 = arith.muli %parallel_loop3A_1124, %parallel_loop3A_1125 : i32
      %parallel_loop3A_1127 = arith.index_cast %parallel_loop3A_1126 : i32 to index
      %parallel_loop3A_1128 = tpu.vector_load %arg4[%parallel_loop3A_1127] {strides = array<i32>} : memref<33024xf32, #tpu.memory_space<vmem>>, vector<16xf32>,
      %parallel_loop3A_1129 = vector.shape_cast %parallel_loop3A_1128 : vector<16xf32> to vector<16xf32>
      %parallel_loop3A_1130 = arith.constant 5 : i32
      %parallel_loop3A_1131 = arith.addi %parallel_loop3A_991, %parallel_loop3A_1130 : i32
      %parallel_loop3A_1132 = arith.constant 16 : i32
      %parallel_loop3A_1133 = arith.muli %parallel_loop3A_1131, %parallel_loop3A_1132 : i32
      %parallel_loop3A_1134 = arith.index_cast %parallel_loop3A_1133 : i32 to index
      %parallel_loop3A_1135 = tpu.vector_load %arg4[%parallel_loop3A_1134] {strides = array<i32>} : memref<33024xf32, #tpu.memory_space<vmem>>, vector<16xf32>,
      %parallel_loop3A_1136 = vector.shape_cast %parallel_loop3A_1135 : vector<16xf32> to vector<16xf32>
      %parallel_loop3A_1137 = vector.shape_cast %parallel_loop3A_1029 : vector<16xf32> to vector<16xf32>
      tpu.vector_store %arg4[%parallel_loop3A_1134], %parallel_loop3A_1137 {strides = array<i32>} : memref<33024xf32, #tpu.memory_space<vmem>>, vector<16xf32>,
      %parallel_loop3A_1138 = arith.addf %parallel_loop3A_997, %parallel_loop3A_1029 : vector<16xf32>
      %parallel_loop3A_1139 = arith.constant 16 : i32
      %parallel_loop3A_1140 = arith.addi %parallel_loop3A_991, %parallel_loop3A_1139 : i32
      %parallel_loop3A_1141 = arith.constant 5 : i32
      %parallel_loop3A_1142 = arith.addi %parallel_loop3A_1140, %parallel_loop3A_1141 : i32
      %parallel_loop3A_1143 = arith.constant 16 : i32
      %parallel_loop3A_1144 = arith.muli %parallel_loop3A_1142, %parallel_loop3A_1143 : i32
      %parallel_loop3A_1145 = arith.index_cast %parallel_loop3A_1144 : i32 to index
      %parallel_loop3A_1146 = tpu.vector_load %arg4[%parallel_loop3A_1145] {strides = array<i32>} : memref<33024xf32, #tpu.memory_space<vmem>>, vector<16xf32>,
      %parallel_loop3A_1147 = vector.shape_cast %parallel_loop3A_1146 : vector<16xf32> to vector<16xf32>
      %parallel_loop3A_1148 = arith.constant 6 : i32
      %parallel_loop3A_1149 = arith.addi %parallel_loop3A_991, %parallel_loop3A_1148 : i32
      %parallel_loop3A_1150 = arith.constant 16 : i32
      %parallel_loop3A_1151 = arith.muli %parallel_loop3A_1149, %parallel_loop3A_1150 : i32
      %parallel_loop3A_1152 = arith.index_cast %parallel_loop3A_1151 : i32 to index
      %parallel_loop3A_1153 = tpu.vector_load %arg4[%parallel_loop3A_1152] {strides = array<i32>} : memref<33024xf32, #tpu.memory_space<vmem>>, vector<16xf32>,
      %parallel_loop3A_1154 = vector.shape_cast %parallel_loop3A_1153 : vector<16xf32> to vector<16xf32>
      %parallel_loop3A_1155 = vector.shape_cast %parallel_loop3A_1030 : vector<16xf32> to vector<16xf32>
      tpu.vector_store %arg4[%parallel_loop3A_1152], %parallel_loop3A_1155 {strides = array<i32>} : memref<33024xf32, #tpu.memory_space<vmem>>, vector<16xf32>,
      %parallel_loop3A_1156 = arith.addf %parallel_loop3A_998, %parallel_loop3A_1030 : vector<16xf32>
      %parallel_loop3A_1157 = arith.constant 16 : i32
      %parallel_loop3A_1158 = arith.addi %parallel_loop3A_991, %parallel_loop3A_1157 : i32
      %parallel_loop3A_1159 = arith.constant 6 : i32
      %parallel_loop3A_1160 = arith.addi %parallel_loop3A_1158, %parallel_loop3A_1159 : i32
      %parallel_loop3A_1161 = arith.constant 16 : i32
      %parallel_loop3A_1162 = arith.muli %parallel_loop3A_1160, %parallel_loop3A_1161 : i32
      %parallel_loop3A_1163 = arith.index_cast %parallel_loop3A_1162 : i32 to index
      %parallel_loop3A_1164 = tpu.vector_load %arg4[%parallel_loop3A_1163] {strides = array<i32>} : memref<33024xf32, #tpu.memory_space<vmem>>, vector<16xf32>,
      %parallel_loop3A_1165 = vector.shape_cast %parallel_loop3A_1164 : vector<16xf32> to vector<16xf32>
      %parallel_loop3A_1166 = arith.constant 7 : i32
      %parallel_loop3A_1167 = arith.addi %parallel_loop3A_991, %parallel_loop3A_1166 : i32
      %parallel_loop3A_1168 = arith.constant 16 : i32
      %parallel_loop3A_1169 = arith.muli %parallel_loop3A_1167, %parallel_loop3A_1168 : i32
      %parallel_loop3A_1170 = arith.index_cast %parallel_loop3A_1169 : i32 to index
      %parallel_loop3A_1171 = tpu.vector_load %arg4[%parallel_loop3A_1170] {strides = array<i32>} : memref<33024xf32, #tpu.memory_space<vmem>>, vector<16xf32>,
      %parallel_loop3A_1172 = vector.shape_cast %parallel_loop3A_1171 : vector<16xf32> to vector<16xf32>
      %parallel_loop3A_1173 = vector.shape_cast %parallel_loop3A_1031 : vector<16xf32> to vector<16xf32>
      tpu.vector_store %arg4[%parallel_loop3A_1170], %parallel_loop3A_1173 {strides = array<i32>} : memref<33024xf32, #tpu.memory_space<vmem>>, vector<16xf32>,
      %parallel_loop3A_1174 = arith.addf %parallel_loop3A_999, %parallel_loop3A_1031 : vector<16xf32>
      %parallel_loop3A_1175 = arith.constant 16 : i32
      %parallel_loop3A_1176 = arith.addi %parallel_loop3A_991, %parallel_loop3A_1175 : i32
      %parallel_loop3A_1177 = arith.constant 7 : i32
      %parallel_loop3A_1178 = arith.addi %parallel_loop3A_1176, %parallel_loop3A_1177 : i32
      %parallel_loop3A_1179 = arith.constant 16 : i32
      %parallel_loop3A_1180 = arith.muli %parallel_loop3A_1178, %parallel_loop3A_1179 : i32
      %parallel_loop3A_1181 = arith.index_cast %parallel_loop3A_1180 : i32 to index
      %parallel_loop3A_1182 = tpu.vector_load %arg4[%parallel_loop3A_1181] {strides = array<i32>} : memref<33024xf32, #tpu.memory_space<vmem>>, vector<16xf32>,
      %parallel_loop3A_1183 = vector.shape_cast %parallel_loop3A_1182 : vector<16xf32> to vector<16xf32>
      %parallel_loop3A_1184 = arith.constant 8 : i32
      %parallel_loop3A_1185 = arith.addi %parallel_loop3A_991, %parallel_loop3A_1184 : i32
      %parallel_loop3A_1186 = arith.constant 16 : i32
      %parallel_loop3A_1187 = arith.muli %parallel_loop3A_1185, %parallel_loop3A_1186 : i32
      %parallel_loop3A_1188 = arith.index_cast %parallel_loop3A_1187 : i32 to index
      %parallel_loop3A_1189 = tpu.vector_load %arg4[%parallel_loop3A_1188] {strides = array<i32>} : memref<33024xf32, #tpu.memory_space<vmem>>, vector<16xf32>,
      %parallel_loop3A_1190 = vector.shape_cast %parallel_loop3A_1189 : vector<16xf32> to vector<16xf32>
      %parallel_loop3A_1191 = vector.shape_cast %parallel_loop3A_1032 : vector<16xf32> to vector<16xf32>
      tpu.vector_store %arg4[%parallel_loop3A_1188], %parallel_loop3A_1191 {strides = array<i32>} : memref<33024xf32, #tpu.memory_space<vmem>>, vector<16xf32>,
      %parallel_loop3A_1192 = arith.addf %parallel_loop3A_1000, %parallel_loop3A_1032 : vector<16xf32>
      %parallel_loop3A_1193 = arith.constant 16 : i32
      %parallel_loop3A_1194 = arith.addi %parallel_loop3A_991, %parallel_loop3A_1193 : i32
      %parallel_loop3A_1195 = arith.constant 8 : i32
      %parallel_loop3A_1196 = arith.addi %parallel_loop3A_1194, %parallel_loop3A_1195 : i32
      %parallel_loop3A_1197 = arith.constant 16 : i32
      %parallel_loop3A_1198 = arith.muli %parallel_loop3A_1196, %parallel_loop3A_1197 : i32
      %parallel_loop3A_1199 = arith.index_cast %parallel_loop3A_1198 : i32 to index
      %parallel_loop3A_1200 = tpu.vector_load %arg4[%parallel_loop3A_1199] {strides = array<i32>} : memref<33024xf32, #tpu.memory_space<vmem>>, vector<16xf32>,
      %parallel_loop3A_1201 = vector.shape_cast %parallel_loop3A_1200 : vector<16xf32> to vector<16xf32>
      %parallel_loop3A_1202 = arith.constant 9 : i32
      %parallel_loop3A_1203 = arith.addi %parallel_loop3A_991, %parallel_loop3A_1202 : i32
      %parallel_loop3A_1204 = arith.constant 16 : i32
      %parallel_loop3A_1205 = arith.muli %parallel_loop3A_1203, %parallel_loop3A_1204 : i32
      %parallel_loop3A_1206 = arith.index_cast %parallel_loop3A_1205 : i32 to index
      %parallel_loop3A_1207 = tpu.vector_load %arg4[%parallel_loop3A_1206] {strides = array<i32>} : memref<33024xf32, #tpu.memory_space<vmem>>, vector<16xf32>,
      %parallel_loop3A_1208 = vector.shape_cast %parallel_loop3A_1207 : vector<16xf32> to vector<16xf32>
      %parallel_loop3A_1209 = vector.shape_cast %parallel_loop3A_1033 : vector<16xf32> to vector<16xf32>
      tpu.vector_store %arg4[%parallel_loop3A_1206], %parallel_loop3A_1209 {strides = array<i32>} : memref<33024xf32, #tpu.memory_space<vmem>>, vector<16xf32>,
      %parallel_loop3A_1210 = arith.addf %parallel_loop3A_1001, %parallel_loop3A_1033 : vector<16xf32>
      %parallel_loop3A_1211 = arith.constant 16 : i32
      %parallel_loop3A_1212 = arith.addi %parallel_loop3A_991, %parallel_loop3A_1211 : i32
      %parallel_loop3A_1213 = arith.constant 9 : i32
      %parallel_loop3A_1214 = arith.addi %parallel_loop3A_1212, %parallel_loop3A_1213 : i32
      %parallel_loop3A_1215 = arith.constant 16 : i32
      %parallel_loop3A_1216 = arith.muli %parallel_loop3A_1214, %parallel_loop3A_1215 : i32
      %parallel_loop3A_1217 = arith.index_cast %parallel_loop3A_1216 : i32 to index
      %parallel_loop3A_1218 = tpu.vector_load %arg4[%parallel_loop3A_1217] {strides = array<i32>} : memref<33024xf32, #tpu.memory_space<vmem>>, vector<16xf32>,
      %parallel_loop3A_1219 = vector.shape_cast %parallel_loop3A_1218 : vector<16xf32> to vector<16xf32>
      %parallel_loop3A_1220 = arith.constant 10 : i32
      %parallel_loop3A_1221 = arith.addi %parallel_loop3A_991, %parallel_loop3A_1220 : i32
      %parallel_loop3A_1222 = arith.constant 16 : i32
      %parallel_loop3A_1223 = arith.muli %parallel_loop3A_1221, %parallel_loop3A_1222 : i32
      %parallel_loop3A_1224 = arith.index_cast %parallel_loop3A_1223 : i32 to index
      %parallel_loop3A_1225 = tpu.vector_load %arg4[%parallel_loop3A_1224] {strides = array<i32>} : memref<33024xf32, #tpu.memory_space<vmem>>, vector<16xf32>,
      %parallel_loop3A_1226 = vector.shape_cast %parallel_loop3A_1225 : vector<16xf32> to vector<16xf32>
      %parallel_loop3A_1227 = vector.shape_cast %parallel_loop3A_1034 : vector<16xf32> to vector<16xf32>
      tpu.vector_store %arg4[%parallel_loop3A_1224], %parallel_loop3A_1227 {strides = array<i32>} : memref<33024xf32, #tpu.memory_space<vmem>>, vector<16xf32>,
      %parallel_loop3A_1228 = arith.addf %parallel_loop3A_1002, %parallel_loop3A_1034 : vector<16xf32>
      %parallel_loop3A_1229 = arith.constant 16 : i32
      %parallel_loop3A_1230 = arith.addi %parallel_loop3A_991, %parallel_loop3A_1229 : i32
      %parallel_loop3A_1231 = arith.constant 10 : i32
      %parallel_loop3A_1232 = arith.addi %parallel_loop3A_1230, %parallel_loop3A_1231 : i32
      %parallel_loop3A_1233 = arith.constant 16 : i32
      %parallel_loop3A_1234 = arith.muli %parallel_loop3A_1232, %parallel_loop3A_1233 : i32
      %parallel_loop3A_1235 = arith.index_cast %parallel_loop3A_1234 : i32 to index
      %parallel_loop3A_1236 = tpu.vector_load %arg4[%parallel_loop3A_1235] {strides = array<i32>} : memref<33024xf32, #tpu.memory_space<vmem>>, vector<16xf32>,
      %parallel_loop3A_1237 = vector.shape_cast %parallel_loop3A_1236 : vector<16xf32> to vector<16xf32>
      %parallel_loop3A_1238 = arith.constant 11 : i32
      %parallel_loop3A_1239 = arith.addi %parallel_loop3A_991, %parallel_loop3A_1238 : i32
      %parallel_loop3A_1240 = arith.constant 16 : i32
      %parallel_loop3A_1241 = arith.muli %parallel_loop3A_1239, %parallel_loop3A_1240 : i32
      %parallel_loop3A_1242 = arith.index_cast %parallel_loop3A_1241 : i32 to index
      %parallel_loop3A_1243 = tpu.vector_load %arg4[%parallel_loop3A_1242] {strides = array<i32>} : memref<33024xf32, #tpu.memory_space<vmem>>, vector<16xf32>,
      %parallel_loop3A_1244 = vector.shape_cast %parallel_loop3A_1243 : vector<16xf32> to vector<16xf32>
      %parallel_loop3A_1245 = vector.shape_cast %parallel_loop3A_1035 : vector<16xf32> to vector<16xf32>
      tpu.vector_store %arg4[%parallel_loop3A_1242], %parallel_loop3A_1245 {strides = array<i32>} : memref<33024xf32, #tpu.memory_space<vmem>>, vector<16xf32>,
      %parallel_loop3A_1246 = arith.addf %parallel_loop3A_1003, %parallel_loop3A_1035 : vector<16xf32>
      %parallel_loop3A_1247 = arith.constant 16 : i32
      %parallel_loop3A_1248 = arith.addi %parallel_loop3A_991, %parallel_loop3A_1247 : i32
      %parallel_loop3A_1249 = arith.constant 11 : i32
      %parallel_loop3A_1250 = arith.addi %parallel_loop3A_1248, %parallel_loop3A_1249 : i32
      %parallel_loop3A_1251 = arith.constant 16 : i32
      %parallel_loop3A_1252 = arith.muli %parallel_loop3A_1250, %parallel_loop3A_1251 : i32
      %parallel_loop3A_1253 = arith.index_cast %parallel_loop3A_1252 : i32 to index
      %parallel_loop3A_1254 = tpu.vector_load %arg4[%parallel_loop3A_1253] {strides = array<i32>} : memref<33024xf32, #tpu.memory_space<vmem>>, vector<16xf32>,
      %parallel_loop3A_1255 = vector.shape_cast %parallel_loop3A_1254 : vector<16xf32> to vector<16xf32>
      %parallel_loop3A_1256 = arith.constant 12 : i32
      %parallel_loop3A_1257 = arith.addi %parallel_loop3A_991, %parallel_loop3A_1256 : i32
      %parallel_loop3A_1258 = arith.constant 16 : i32
      %parallel_loop3A_1259 = arith.muli %parallel_loop3A_1257, %parallel_loop3A_1258 : i32
      %parallel_loop3A_1260 = arith.index_cast %parallel_loop3A_1259 : i32 to index
      %parallel_loop3A_1261 = tpu.vector_load %arg4[%parallel_loop3A_1260] {strides = array<i32>} : memref<33024xf32, #tpu.memory_space<vmem>>, vector<16xf32>,
      %parallel_loop3A_1262 = vector.shape_cast %parallel_loop3A_1261 : vector<16xf32> to vector<16xf32>
      %parallel_loop3A_1263 = vector.shape_cast %parallel_loop3A_1036 : vector<16xf32> to vector<16xf32>
      tpu.vector_store %arg4[%parallel_loop3A_1260], %parallel_loop3A_1263 {strides = array<i32>} : memref<33024xf32, #tpu.memory_space<vmem>>, vector<16xf32>,
      %parallel_loop3A_1264 = arith.addf %parallel_loop3A_1004, %parallel_loop3A_1036 : vector<16xf32>
      %parallel_loop3A_1265 = arith.constant 16 : i32
      %parallel_loop3A_1266 = arith.addi %parallel_loop3A_991, %parallel_loop3A_1265 : i32
      %parallel_loop3A_1267 = arith.constant 12 : i32
      %parallel_loop3A_1268 = arith.addi %parallel_loop3A_1266, %parallel_loop3A_1267 : i32
      %parallel_loop3A_1269 = arith.constant 16 : i32
      %parallel_loop3A_1270 = arith.muli %parallel_loop3A_1268, %parallel_loop3A_1269 : i32
      %parallel_loop3A_1271 = arith.index_cast %parallel_loop3A_1270 : i32 to index
      %parallel_loop3A_1272 = tpu.vector_load %arg4[%parallel_loop3A_1271] {strides = array<i32>} : memref<33024xf32, #tpu.memory_space<vmem>>, vector<16xf32>,
      %parallel_loop3A_1273 = vector.shape_cast %parallel_loop3A_1272 : vector<16xf32> to vector<16xf32>
      %parallel_loop3A_1274 = arith.constant 13 : i32
      %parallel_loop3A_1275 = arith.addi %parallel_loop3A_991, %parallel_loop3A_1274 : i32
      %parallel_loop3A_1276 = arith.constant 16 : i32
      %parallel_loop3A_1277 = arith.muli %parallel_loop3A_1275, %parallel_loop3A_1276 : i32
      %parallel_loop3A_1278 = arith.index_cast %parallel_loop3A_1277 : i32 to index
      %parallel_loop3A_1279 = tpu.vector_load %arg4[%parallel_loop3A_1278] {strides = array<i32>} : memref<33024xf32, #tpu.memory_space<vmem>>, vector<16xf32>,
      %parallel_loop3A_1280 = vector.shape_cast %parallel_loop3A_1279 : vector<16xf32> to vector<16xf32>
      %parallel_loop3A_1281 = vector.shape_cast %parallel_loop3A_1037 : vector<16xf32> to vector<16xf32>
      tpu.vector_store %arg4[%parallel_loop3A_1278], %parallel_loop3A_1281 {strides = array<i32>} : memref<33024xf32, #tpu.memory_space<vmem>>, vector<16xf32>,
      %parallel_loop3A_1282 = arith.addf %parallel_loop3A_1005, %parallel_loop3A_1037 : vector<16xf32>
      %parallel_loop3A_1283 = arith.constant 16 : i32
      %parallel_loop3A_1284 = arith.addi %parallel_loop3A_991, %parallel_loop3A_1283 : i32
      %parallel_loop3A_1285 = arith.constant 13 : i32
      %parallel_loop3A_1286 = arith.addi %parallel_loop3A_1284, %parallel_loop3A_1285 : i32
      %parallel_loop3A_1287 = arith.constant 16 : i32
      %parallel_loop3A_1288 = arith.muli %parallel_loop3A_1286, %parallel_loop3A_1287 : i32
      %parallel_loop3A_1289 = arith.index_cast %parallel_loop3A_1288 : i32 to index
      %parallel_loop3A_1290 = tpu.vector_load %arg4[%parallel_loop3A_1289] {strides = array<i32>} : memref<33024xf32, #tpu.memory_space<vmem>>, vector<16xf32>,
      %parallel_loop3A_1291 = vector.shape_cast %parallel_loop3A_1290 : vector<16xf32> to vector<16xf32>
      %parallel_loop3A_1292 = arith.constant 14 : i32
      %parallel_loop3A_1293 = arith.addi %parallel_loop3A_991, %parallel_loop3A_1292 : i32
      %parallel_loop3A_1294 = arith.constant 16 : i32
      %parallel_loop3A_1295 = arith.muli %parallel_loop3A_1293, %parallel_loop3A_1294 : i32
      %parallel_loop3A_1296 = arith.index_cast %parallel_loop3A_1295 : i32 to index
      %parallel_loop3A_1297 = tpu.vector_load %arg4[%parallel_loop3A_1296] {strides = array<i32>} : memref<33024xf32, #tpu.memory_space<vmem>>, vector<16xf32>,
      %parallel_loop3A_1298 = vector.shape_cast %parallel_loop3A_1297 : vector<16xf32> to vector<16xf32>
      %parallel_loop3A_1299 = vector.shape_cast %parallel_loop3A_1038 : vector<16xf32> to vector<16xf32>
      tpu.vector_store %arg4[%parallel_loop3A_1296], %parallel_loop3A_1299 {strides = array<i32>} : memref<33024xf32, #tpu.memory_space<vmem>>, vector<16xf32>,
      %parallel_loop3A_1300 = arith.addf %parallel_loop3A_1006, %parallel_loop3A_1038 : vector<16xf32>
      %parallel_loop3A_1301 = arith.constant 16 : i32
      %parallel_loop3A_1302 = arith.addi %parallel_loop3A_991, %parallel_loop3A_1301 : i32
      %parallel_loop3A_1303 = arith.constant 14 : i32
      %parallel_loop3A_1304 = arith.addi %parallel_loop3A_1302, %parallel_loop3A_1303 : i32
      %parallel_loop3A_1305 = arith.constant 16 : i32
      %parallel_loop3A_1306 = arith.muli %parallel_loop3A_1304, %parallel_loop3A_1305 : i32
      %parallel_loop3A_1307 = arith.index_cast %parallel_loop3A_1306 : i32 to index
      %parallel_loop3A_1308 = tpu.vector_load %arg4[%parallel_loop3A_1307] {strides = array<i32>} : memref<33024xf32, #tpu.memory_space<vmem>>, vector<16xf32>,
      %parallel_loop3A_1309 = vector.shape_cast %parallel_loop3A_1308 : vector<16xf32> to vector<16xf32>
      %parallel_loop3A_1310 = arith.constant 15 : i32
      %parallel_loop3A_1311 = arith.addi %parallel_loop3A_991, %parallel_loop3A_1310 : i32
      %parallel_loop3A_1312 = arith.constant 16 : i32
      %parallel_loop3A_1313 = arith.muli %parallel_loop3A_1311, %parallel_loop3A_1312 : i32
      %parallel_loop3A_1314 = arith.index_cast %parallel_loop3A_1313 : i32 to index
      %parallel_loop3A_1315 = tpu.vector_load %arg4[%parallel_loop3A_1314] {strides = array<i32>} : memref<33024xf32, #tpu.memory_space<vmem>>, vector<16xf32>,
      %parallel_loop3A_1316 = vector.shape_cast %parallel_loop3A_1315 : vector<16xf32> to vector<16xf32>
      %parallel_loop3A_1317 = vector.shape_cast %parallel_loop3A_1039 : vector<16xf32> to vector<16xf32>
      tpu.vector_store %arg4[%parallel_loop3A_1314], %parallel_loop3A_1317 {strides = array<i32>} : memref<33024xf32, #tpu.memory_space<vmem>>, vector<16xf32>,
      %parallel_loop3A_1318 = arith.addf %parallel_loop3A_1007, %parallel_loop3A_1039 : vector<16xf32>
      %parallel_loop3A_1319 = arith.constant 16 : i32
      %parallel_loop3A_1320 = arith.addi %parallel_loop3A_991, %parallel_loop3A_1319 : i32
      %parallel_loop3A_1321 = arith.constant 15 : i32
      %parallel_loop3A_1322 = arith.addi %parallel_loop3A_1320, %parallel_loop3A_1321 : i32
      %parallel_loop3A_1323 = arith.constant 16 : i32
      %parallel_loop3A_1324 = arith.muli %parallel_loop3A_1322, %parallel_loop3A_1323 : i32
      %parallel_loop3A_1325 = arith.index_cast %parallel_loop3A_1324 : i32 to index
      %parallel_loop3A_1326 = tpu.vector_load %arg4[%parallel_loop3A_1325] {strides = array<i32>} : memref<33024xf32, #tpu.memory_space<vmem>>, vector<16xf32>,
      %parallel_loop3A_1327 = vector.shape_cast %parallel_loop3A_1326 : vector<16xf32> to vector<16xf32>
      scf.yield %parallel_loop3A_1048, %parallel_loop3A_1066, %parallel_loop3A_1084, %parallel_loop3A_1102, %parallel_loop3A_1120, %parallel_loop3A_1138, %parallel_loop3A_1156, %parallel_loop3A_1174, %parallel_loop3A_1192, %parallel_loop3A_1210, %parallel_loop3A_1228, %parallel_loop3A_1246, %parallel_loop3A_1264, %parallel_loop3A_1282, %parallel_loop3A_1300, %parallel_loop3A_1318, %parallel_loop3A_1057, %parallel_loop3A_1075, %parallel_loop3A_1093, %parallel_loop3A_1111, %parallel_loop3A_1129, %parallel_loop3A_1147, %parallel_loop3A_1165, %parallel_loop3A_1183, %parallel_loop3A_1201, %parallel_loop3A_1219, %parallel_loop3A_1237, %parallel_loop3A_1255, %parallel_loop3A_1273, %parallel_loop3A_1291, %parallel_loop3A_1309, %parallel_loop3A_1327 : vector<16xf32>, vector<16xf32>, vector<16xf32>, vector<16xf32>, vector<16xf32>, vector<16xf32>, vector<16xf32>, vector<16xf32>, vector<16xf32>, vector<16xf32>, vector<16xf32>, vector<16xf32>, vector<16xf32>, vector<16xf32>, vector<16xf32>, vector<16xf32>, vector<16xf32>, vector<16xf32>, vector<16xf32>, vector<16xf32>, vector<16xf32>, vector<16xf32>, vector<16xf32>, vector<16xf32>, vector<16xf32>, vector<16xf32>, vector<16xf32>, vector<16xf32>, vector<16xf32>, vector<16xf32>, vector<16xf32>, vector<16xf32>
    } {sc.loop_unroll_factor = 1 : i64, sc.parallel_access}
    %add3A_179 = arith.addf %parallel_loop3A_114#0, %parallel_loop3A_114#1 : vector<16xf32>
    %add3A_180 = arith.addf %add3A_179, %parallel_loop3A_114#2 : vector<16xf32>
    %add3A_181 = arith.addf %add3A_180, %parallel_loop3A_114#3 : vector<16xf32>
    %add3A_182 = arith.addf %add3A_181, %parallel_loop3A_114#4 : vector<16xf32>
    %add3A_183 = arith.addf %add3A_182, %parallel_loop3A_114#5 : vector<16xf32>
    %add3A_184 = arith.addf %add3A_183, %parallel_loop3A_114#6 : vector<16xf32>
    %add3A_185 = arith.addf %add3A_184, %parallel_loop3A_114#7 : vector<16xf32>
    %add3A_186 = arith.addf %add3A_185, %parallel_loop3A_114#8 : vector<16xf32>
    %add3A_187 = arith.addf %add3A_186, %parallel_loop3A_114#9 : vector<16xf32>
    %add3A_188 = arith.addf %add3A_187, %parallel_loop3A_114#10 : vector<16xf32>
    %add3A_189 = arith.addf %add3A_188, %parallel_loop3A_114#11 : vector<16xf32>
    %add3A_190 = arith.addf %add3A_189, %parallel_loop3A_114#12 : vector<16xf32>
    %add3A_191 = arith.addf %add3A_190, %parallel_loop3A_114#13 : vector<16xf32>
    %add3A_192 = arith.addf %add3A_191, %parallel_loop3A_114#14 : vector<16xf32>
    %add3A_193 = arith.addf %add3A_192, %parallel_loop3A_114#15 : vector<16xf32>
    %add3A_194 = arith.addf %add3A_193, %parallel_loop3A_178#0 : vector<16xf32>
    %add3A_195 = arith.addf %add3A_194, %parallel_loop3A_178#1 : vector<16xf32>
    %add3A_196 = arith.addf %add3A_195, %parallel_loop3A_178#2 : vector<16xf32>
    %add3A_197 = arith.addf %add3A_196, %parallel_loop3A_178#3 : vector<16xf32>
    %add3A_198 = arith.addf %add3A_197, %parallel_loop3A_178#4 : vector<16xf32>
    %add3A_199 = arith.addf %add3A_198, %parallel_loop3A_178#5 : vector<16xf32>
    %add3A_200 = arith.addf %add3A_199, %parallel_loop3A_178#6 : vector<16xf32>
    %add3A_201 = arith.addf %add3A_200, %parallel_loop3A_178#7 : vector<16xf32>
    %add3A_202 = arith.addf %add3A_201, %parallel_loop3A_178#8 : vector<16xf32>
    %add3A_203 = arith.addf %add3A_202, %parallel_loop3A_178#9 : vector<16xf32>
    %add3A_204 = arith.addf %add3A_203, %parallel_loop3A_178#10 : vector<16xf32>
    %add3A_205 = arith.addf %add3A_204, %parallel_loop3A_178#11 : vector<16xf32>
    %add3A_206 = arith.addf %add3A_205, %parallel_loop3A_178#12 : vector<16xf32>
    %add3A_207 = arith.addf %add3A_206, %parallel_loop3A_178#13 : vector<16xf32>
    %add3A_208 = arith.addf %add3A_207, %parallel_loop3A_178#14 : vector<16xf32>
    %add3A_209 = arith.addf %add3A_208, %parallel_loop3A_178#15 : vector<16xf32>
    %iota3A_210 = tpu.iota {dimensions = array<i32: 0>} : vector<16xi32>
    %xor3A = arith.constant 1 : i32
    %xor3A_211 = vector.broadcast %xor3A : i32 to vector<16xi32>
    %xor3A_212 = arith.xori %iota3A_210, %xor3A_211 : vector<16xi32>
    %broadcast_in_dim3A_213 = vector.shape_cast %xor3A_212 : vector<16xi32> to vector<16x1xi32>
    %gather3A = vector.shape_cast %broadcast_in_dim3A_213 : vector<16x1xi32> to vector<16xi32>
    %gather3A_214 = tpu.dynamic_gather %add3A_209[%gather3A] in [0] : vector<16xf32>, vector<16xi32> -> vector<16xf32>
    %add3A_215 = arith.addf %add3A_209, %gather3A_214 : vector<16xf32>
    %xor3A_216 = arith.constant 2 : i32
    %xor3A_217 = vector.broadcast %xor3A_216 : i32 to vector<16xi32>
    %xor3A_218 = arith.xori %iota3A_210, %xor3A_217 : vector<16xi32>
    %broadcast_in_dim3A_219 = vector.shape_cast %xor3A_218 : vector<16xi32> to vector<16x1xi32>
    %gather3A_220 = vector.shape_cast %broadcast_in_dim3A_219 : vector<16x1xi32> to vector<16xi32>
    %gather3A_221 = tpu.dynamic_gather %add3A_215[%gather3A_220] in [0] : vector<16xf32>, vector<16xi32> -> vector<16xf32>
    %add3A_222 = arith.addf %add3A_215, %gather3A_221 : vector<16xf32>
    %xor3A_223 = arith.constant 4 : i32
    %xor3A_224 = vector.broadcast %xor3A_223 : i32 to vector<16xi32>
    %xor3A_225 = arith.xori %iota3A_210, %xor3A_224 : vector<16xi32>
    %broadcast_in_dim3A_226 = vector.shape_cast %xor3A_225 : vector<16xi32> to vector<16x1xi32>
    %gather3A_227 = vector.shape_cast %broadcast_in_dim3A_226 : vector<16x1xi32> to vector<16xi32>
    %gather3A_228 = tpu.dynamic_gather %add3A_222[%gather3A_227] in [0] : vector<16xf32>, vector<16xi32> -> vector<16xf32>
    %add3A_229 = arith.addf %add3A_222, %gather3A_228 : vector<16xf32>
    %xor3A_230 = arith.constant 8 : i32
    %xor3A_231 = vector.broadcast %xor3A_230 : i32 to vector<16xi32>
    %xor3A_232 = arith.xori %iota3A_210, %xor3A_231 : vector<16xi32>
    %broadcast_in_dim3A_233 = vector.shape_cast %xor3A_232 : vector<16xi32> to vector<16x1xi32>
    %gather3A_234 = vector.shape_cast %broadcast_in_dim3A_233 : vector<16x1xi32> to vector<16xi32>
    %gather3A_235 = tpu.dynamic_gather %add3A_229[%gather3A_234] in [0] : vector<16xf32>, vector<16xi32> -> vector<16xf32>
    %add3A_236 = arith.addf %add3A_229, %gather3A_235 : vector<16xf32>
    %div3A = arith.constant 1.000000e+00 : f32
    %div3A_237 = vector.broadcast %div3A : f32 to vector<16xf32>
    %div3A_238 = arith.divf %div3A_237, %add3A_236 : vector<16xf32>
    %get3A_239 = arith.constant 0 : index
    %get3A_240 = tpu.vector_load %arg4[%get3A_239] {strides = array<i32>} : memref<33024xf32, #tpu.memory_space<vmem>>, vector<16xf32>,
    %get3A_241 = vector.shape_cast %get3A_240 : vector<16xf32> to vector<16xf32>
    %get3A_242 = arith.constant 16 : index
    %get3A_243 = tpu.vector_load %arg4[%get3A_242] {strides = array<i32>} : memref<33024xf32, #tpu.memory_space<vmem>>, vector<16xf32>,
    %get3A_244 = vector.shape_cast %get3A_243 : vector<16xf32> to vector<16xf32>
    %get3A_245 = arith.constant 32 : index
    %get3A_246 = tpu.vector_load %arg4[%get3A_245] {strides = array<i32>} : memref<33024xf32, #tpu.memory_space<vmem>>, vector<16xf32>,
    %get3A_247 = vector.shape_cast %get3A_246 : vector<16xf32> to vector<16xf32>
    %get3A_248 = arith.constant 48 : index
    %get3A_249 = tpu.vector_load %arg4[%get3A_248] {strides = array<i32>} : memref<33024xf32, #tpu.memory_space<vmem>>, vector<16xf32>,
    %get3A_250 = vector.shape_cast %get3A_249 : vector<16xf32> to vector<16xf32>
    %get3A_251 = arith.constant 64 : index
    %get3A_252 = tpu.vector_load %arg4[%get3A_251] {strides = array<i32>} : memref<33024xf32, #tpu.memory_space<vmem>>, vector<16xf32>,
    %get3A_253 = vector.shape_cast %get3A_252 : vector<16xf32> to vector<16xf32>
    %get3A_254 = arith.constant 80 : index
    %get3A_255 = tpu.vector_load %arg4[%get3A_254] {strides = array<i32>} : memref<33024xf32, #tpu.memory_space<vmem>>, vector<16xf32>,
    %get3A_256 = vector.shape_cast %get3A_255 : vector<16xf32> to vector<16xf32>
    %get3A_257 = arith.constant 96 : index
    %get3A_258 = tpu.vector_load %arg4[%get3A_257] {strides = array<i32>} : memref<33024xf32, #tpu.memory_space<vmem>>, vector<16xf32>,
    %get3A_259 = vector.shape_cast %get3A_258 : vector<16xf32> to vector<16xf32>
    %get3A_260 = arith.constant 112 : index
    %get3A_261 = tpu.vector_load %arg4[%get3A_260] {strides = array<i32>} : memref<33024xf32, #tpu.memory_space<vmem>>, vector<16xf32>,
    %get3A_262 = vector.shape_cast %get3A_261 : vector<16xf32> to vector<16xf32>
    %get3A_263 = arith.constant 128 : index
    %get3A_264 = tpu.vector_load %arg4[%get3A_263] {strides = array<i32>} : memref<33024xf32, #tpu.memory_space<vmem>>, vector<16xf32>,
    %get3A_265 = vector.shape_cast %get3A_264 : vector<16xf32> to vector<16xf32>
    %get3A_266 = arith.constant 144 : index
    %get3A_267 = tpu.vector_load %arg4[%get3A_266] {strides = array<i32>} : memref<33024xf32, #tpu.memory_space<vmem>>, vector<16xf32>,
    %get3A_268 = vector.shape_cast %get3A_267 : vector<16xf32> to vector<16xf32>
    %get3A_269 = arith.constant 160 : index
    %get3A_270 = tpu.vector_load %arg4[%get3A_269] {strides = array<i32>} : memref<33024xf32, #tpu.memory_space<vmem>>, vector<16xf32>,
    %get3A_271 = vector.shape_cast %get3A_270 : vector<16xf32> to vector<16xf32>
    %get3A_272 = arith.constant 176 : index
    %get3A_273 = tpu.vector_load %arg4[%get3A_272] {strides = array<i32>} : memref<33024xf32, #tpu.memory_space<vmem>>, vector<16xf32>,
    %get3A_274 = vector.shape_cast %get3A_273 : vector<16xf32> to vector<16xf32>
    %get3A_275 = arith.constant 192 : index
    %get3A_276 = tpu.vector_load %arg4[%get3A_275] {strides = array<i32>} : memref<33024xf32, #tpu.memory_space<vmem>>, vector<16xf32>,
    %get3A_277 = vector.shape_cast %get3A_276 : vector<16xf32> to vector<16xf32>
    %get3A_278 = arith.constant 208 : index
    %get3A_279 = tpu.vector_load %arg4[%get3A_278] {strides = array<i32>} : memref<33024xf32, #tpu.memory_space<vmem>>, vector<16xf32>,
    %get3A_280 = vector.shape_cast %get3A_279 : vector<16xf32> to vector<16xf32>
    %get3A_281 = arith.constant 224 : index
    %get3A_282 = tpu.vector_load %arg4[%get3A_281] {strides = array<i32>} : memref<33024xf32, #tpu.memory_space<vmem>>, vector<16xf32>,
    %get3A_283 = vector.shape_cast %get3A_282 : vector<16xf32> to vector<16xf32>
    %get3A_284 = arith.constant 240 : index
    %get3A_285 = tpu.vector_load %arg4[%get3A_284] {strides = array<i32>} : memref<33024xf32, #tpu.memory_space<vmem>>, vector<16xf32>,
    %get3A_286 = vector.shape_cast %get3A_285 : vector<16xf32> to vector<16xf32>
    %parallel_loop3A_287 = arith.constant 0 : i32
    %parallel_loop3A_288 = arith.constant 2048 : i32
    %parallel_loop3A_289 = arith.constant 16 : i32
    %parallel_loop3A_290:16 = scf.for %parallel_loop3A_991 = %parallel_loop3A_287 to %parallel_loop3A_288 step %parallel_loop3A_289 iter_args(%parallel_loop3A_992 = %get3A_241, %parallel_loop3A_993 = %get3A_244, %parallel_loop3A_994 = %get3A_247, %parallel_loop3A_995 = %get3A_250, %parallel_loop3A_996 = %get3A_253, %parallel_loop3A_997 = %get3A_256, %parallel_loop3A_998 = %get3A_259, %parallel_loop3A_999 = %get3A_262, %parallel_loop3A_1000 = %get3A_265, %parallel_loop3A_1001 = %get3A_268, %parallel_loop3A_1002 = %get3A_271, %parallel_loop3A_1003 = %get3A_274, %parallel_loop3A_1004 = %get3A_277, %parallel_loop3A_1005 = %get3A_280, %parallel_loop3A_1006 = %get3A_283, %parallel_loop3A_1007 = %get3A_286) -> (vector<16xf32>, vector<16xf32>, vector<16xf32>, vector<16xf32>, vector<16xf32>, vector<16xf32>, vector<16xf32>, vector<16xf32>, vector<16xf32>, vector<16xf32>, vector<16xf32>, vector<16xf32>, vector<16xf32>, vector<16xf32>, vector<16xf32>, vector<16xf32>)  : i32 {
      %parallel_loop3A_1008 = arith.mulf %parallel_loop3A_992, %div3A_238 : vector<16xf32>
      %parallel_loop3A_1009 = arith.constant 0 : i32
      %parallel_loop3A_1010 = arith.addi %parallel_loop3A_991, %parallel_loop3A_1009 : i32
      %parallel_loop3A_1011 = arith.constant 16 : i32
      %parallel_loop3A_1012 = arith.muli %parallel_loop3A_1010, %parallel_loop3A_1011 : i32
      %parallel_loop3A_1013 = arith.index_cast %parallel_loop3A_1012 : i32 to index
      %parallel_loop3A_1014 = tpu.vector_load %arg4[%parallel_loop3A_1013] {strides = array<i32>} : memref<33024xf32, #tpu.memory_space<vmem>>, vector<16xf32>,
      %parallel_loop3A_1015 = vector.shape_cast %parallel_loop3A_1014 : vector<16xf32> to vector<16xf32>
      %parallel_loop3A_1016 = vector.shape_cast %parallel_loop3A_1008 : vector<16xf32> to vector<16xf32>
      tpu.vector_store %arg4[%parallel_loop3A_1013], %parallel_loop3A_1016 {strides = array<i32>} : memref<33024xf32, #tpu.memory_space<vmem>>, vector<16xf32>,
      %parallel_loop3A_1017 = arith.constant 16 : i32
      %parallel_loop3A_1018 = arith.addi %parallel_loop3A_991, %parallel_loop3A_1017 : i32
      %parallel_loop3A_1019 = arith.constant 0 : i32
      %parallel_loop3A_1020 = arith.addi %parallel_loop3A_1018, %parallel_loop3A_1019 : i32
      %parallel_loop3A_1021 = arith.constant 16 : i32
      %parallel_loop3A_1022 = arith.muli %parallel_loop3A_1020, %parallel_loop3A_1021 : i32
      %parallel_loop3A_1023 = arith.index_cast %parallel_loop3A_1022 : i32 to index
      %parallel_loop3A_1024 = tpu.vector_load %arg4[%parallel_loop3A_1023] {strides = array<i32>} : memref<33024xf32, #tpu.memory_space<vmem>>, vector<16xf32>,
      %parallel_loop3A_1025 = vector.shape_cast %parallel_loop3A_1024 : vector<16xf32> to vector<16xf32>
      %parallel_loop3A_1026 = arith.mulf %parallel_loop3A_993, %div3A_238 : vector<16xf32>
      %parallel_loop3A_1027 = arith.constant 1 : i32
      %parallel_loop3A_1028 = arith.addi %parallel_loop3A_991, %parallel_loop3A_1027 : i32
      %parallel_loop3A_1029 = arith.constant 16 : i32
      %parallel_loop3A_1030 = arith.muli %parallel_loop3A_1028, %parallel_loop3A_1029 : i32
      %parallel_loop3A_1031 = arith.index_cast %parallel_loop3A_1030 : i32 to index
      %parallel_loop3A_1032 = tpu.vector_load %arg4[%parallel_loop3A_1031] {strides = array<i32>} : memref<33024xf32, #tpu.memory_space<vmem>>, vector<16xf32>,
      %parallel_loop3A_1033 = vector.shape_cast %parallel_loop3A_1032 : vector<16xf32> to vector<16xf32>
      %parallel_loop3A_1034 = vector.shape_cast %parallel_loop3A_1026 : vector<16xf32> to vector<16xf32>
      tpu.vector_store %arg4[%parallel_loop3A_1031], %parallel_loop3A_1034 {strides = array<i32>} : memref<33024xf32, #tpu.memory_space<vmem>>, vector<16xf32>,
      %parallel_loop3A_1035 = arith.constant 16 : i32
      %parallel_loop3A_1036 = arith.addi %parallel_loop3A_991, %parallel_loop3A_1035 : i32
      %parallel_loop3A_1037 = arith.constant 1 : i32
      %parallel_loop3A_1038 = arith.addi %parallel_loop3A_1036, %parallel_loop3A_1037 : i32
      %parallel_loop3A_1039 = arith.constant 16 : i32
      %parallel_loop3A_1040 = arith.muli %parallel_loop3A_1038, %parallel_loop3A_1039 : i32
      %parallel_loop3A_1041 = arith.index_cast %parallel_loop3A_1040 : i32 to index
      %parallel_loop3A_1042 = tpu.vector_load %arg4[%parallel_loop3A_1041] {strides = array<i32>} : memref<33024xf32, #tpu.memory_space<vmem>>, vector<16xf32>,
      %parallel_loop3A_1043 = vector.shape_cast %parallel_loop3A_1042 : vector<16xf32> to vector<16xf32>
      %parallel_loop3A_1044 = arith.mulf %parallel_loop3A_994, %div3A_238 : vector<16xf32>
      %parallel_loop3A_1045 = arith.constant 2 : i32
      %parallel_loop3A_1046 = arith.addi %parallel_loop3A_991, %parallel_loop3A_1045 : i32
      %parallel_loop3A_1047 = arith.constant 16 : i32
      %parallel_loop3A_1048 = arith.muli %parallel_loop3A_1046, %parallel_loop3A_1047 : i32
      %parallel_loop3A_1049 = arith.index_cast %parallel_loop3A_1048 : i32 to index
      %parallel_loop3A_1050 = tpu.vector_load %arg4[%parallel_loop3A_1049] {strides = array<i32>} : memref<33024xf32, #tpu.memory_space<vmem>>, vector<16xf32>,
      %parallel_loop3A_1051 = vector.shape_cast %parallel_loop3A_1050 : vector<16xf32> to vector<16xf32>
      %parallel_loop3A_1052 = vector.shape_cast %parallel_loop3A_1044 : vector<16xf32> to vector<16xf32>
      tpu.vector_store %arg4[%parallel_loop3A_1049], %parallel_loop3A_1052 {strides = array<i32>} : memref<33024xf32, #tpu.memory_space<vmem>>, vector<16xf32>,
      %parallel_loop3A_1053 = arith.constant 16 : i32
      %parallel_loop3A_1054 = arith.addi %parallel_loop3A_991, %parallel_loop3A_1053 : i32
      %parallel_loop3A_1055 = arith.constant 2 : i32
      %parallel_loop3A_1056 = arith.addi %parallel_loop3A_1054, %parallel_loop3A_1055 : i32
      %parallel_loop3A_1057 = arith.constant 16 : i32
      %parallel_loop3A_1058 = arith.muli %parallel_loop3A_1056, %parallel_loop3A_1057 : i32
      %parallel_loop3A_1059 = arith.index_cast %parallel_loop3A_1058 : i32 to index
      %parallel_loop3A_1060 = tpu.vector_load %arg4[%parallel_loop3A_1059] {strides = array<i32>} : memref<33024xf32, #tpu.memory_space<vmem>>, vector<16xf32>,
      %parallel_loop3A_1061 = vector.shape_cast %parallel_loop3A_1060 : vector<16xf32> to vector<16xf32>
      %parallel_loop3A_1062 = arith.mulf %parallel_loop3A_995, %div3A_238 : vector<16xf32>
      %parallel_loop3A_1063 = arith.constant 3 : i32
      %parallel_loop3A_1064 = arith.addi %parallel_loop3A_991, %parallel_loop3A_1063 : i32
      %parallel_loop3A_1065 = arith.constant 16 : i32
      %parallel_loop3A_1066 = arith.muli %parallel_loop3A_1064, %parallel_loop3A_1065 : i32
      %parallel_loop3A_1067 = arith.index_cast %parallel_loop3A_1066 : i32 to index
      %parallel_loop3A_1068 = tpu.vector_load %arg4[%parallel_loop3A_1067] {strides = array<i32>} : memref<33024xf32, #tpu.memory_space<vmem>>, vector<16xf32>,
      %parallel_loop3A_1069 = vector.shape_cast %parallel_loop3A_1068 : vector<16xf32> to vector<16xf32>
      %parallel_loop3A_1070 = vector.shape_cast %parallel_loop3A_1062 : vector<16xf32> to vector<16xf32>
      tpu.vector_store %arg4[%parallel_loop3A_1067], %parallel_loop3A_1070 {strides = array<i32>} : memref<33024xf32, #tpu.memory_space<vmem>>, vector<16xf32>,
      %parallel_loop3A_1071 = arith.constant 16 : i32
      %parallel_loop3A_1072 = arith.addi %parallel_loop3A_991, %parallel_loop3A_1071 : i32
      %parallel_loop3A_1073 = arith.constant 3 : i32
      %parallel_loop3A_1074 = arith.addi %parallel_loop3A_1072, %parallel_loop3A_1073 : i32
      %parallel_loop3A_1075 = arith.constant 16 : i32
      %parallel_loop3A_1076 = arith.muli %parallel_loop3A_1074, %parallel_loop3A_1075 : i32
      %parallel_loop3A_1077 = arith.index_cast %parallel_loop3A_1076 : i32 to index
      %parallel_loop3A_1078 = tpu.vector_load %arg4[%parallel_loop3A_1077] {strides = array<i32>} : memref<33024xf32, #tpu.memory_space<vmem>>, vector<16xf32>,
      %parallel_loop3A_1079 = vector.shape_cast %parallel_loop3A_1078 : vector<16xf32> to vector<16xf32>
      %parallel_loop3A_1080 = arith.mulf %parallel_loop3A_996, %div3A_238 : vector<16xf32>
      %parallel_loop3A_1081 = arith.constant 4 : i32
      %parallel_loop3A_1082 = arith.addi %parallel_loop3A_991, %parallel_loop3A_1081 : i32
      %parallel_loop3A_1083 = arith.constant 16 : i32
      %parallel_loop3A_1084 = arith.muli %parallel_loop3A_1082, %parallel_loop3A_1083 : i32
      %parallel_loop3A_1085 = arith.index_cast %parallel_loop3A_1084 : i32 to index
      %parallel_loop3A_1086 = tpu.vector_load %arg4[%parallel_loop3A_1085] {strides = array<i32>} : memref<33024xf32, #tpu.memory_space<vmem>>, vector<16xf32>,
      %parallel_loop3A_1087 = vector.shape_cast %parallel_loop3A_1086 : vector<16xf32> to vector<16xf32>
      %parallel_loop3A_1088 = vector.shape_cast %parallel_loop3A_1080 : vector<16xf32> to vector<16xf32>
      tpu.vector_store %arg4[%parallel_loop3A_1085], %parallel_loop3A_1088 {strides = array<i32>} : memref<33024xf32, #tpu.memory_space<vmem>>, vector<16xf32>,
      %parallel_loop3A_1089 = arith.constant 16 : i32
      %parallel_loop3A_1090 = arith.addi %parallel_loop3A_991, %parallel_loop3A_1089 : i32
      %parallel_loop3A_1091 = arith.constant 4 : i32
      %parallel_loop3A_1092 = arith.addi %parallel_loop3A_1090, %parallel_loop3A_1091 : i32
      %parallel_loop3A_1093 = arith.constant 16 : i32
      %parallel_loop3A_1094 = arith.muli %parallel_loop3A_1092, %parallel_loop3A_1093 : i32
      %parallel_loop3A_1095 = arith.index_cast %parallel_loop3A_1094 : i32 to index
      %parallel_loop3A_1096 = tpu.vector_load %arg4[%parallel_loop3A_1095] {strides = array<i32>} : memref<33024xf32, #tpu.memory_space<vmem>>, vector<16xf32>,
      %parallel_loop3A_1097 = vector.shape_cast %parallel_loop3A_1096 : vector<16xf32> to vector<16xf32>
      %parallel_loop3A_1098 = arith.mulf %parallel_loop3A_997, %div3A_238 : vector<16xf32>
      %parallel_loop3A_1099 = arith.constant 5 : i32
      %parallel_loop3A_1100 = arith.addi %parallel_loop3A_991, %parallel_loop3A_1099 : i32
      %parallel_loop3A_1101 = arith.constant 16 : i32
      %parallel_loop3A_1102 = arith.muli %parallel_loop3A_1100, %parallel_loop3A_1101 : i32
      %parallel_loop3A_1103 = arith.index_cast %parallel_loop3A_1102 : i32 to index
      %parallel_loop3A_1104 = tpu.vector_load %arg4[%parallel_loop3A_1103] {strides = array<i32>} : memref<33024xf32, #tpu.memory_space<vmem>>, vector<16xf32>,
      %parallel_loop3A_1105 = vector.shape_cast %parallel_loop3A_1104 : vector<16xf32> to vector<16xf32>
      %parallel_loop3A_1106 = vector.shape_cast %parallel_loop3A_1098 : vector<16xf32> to vector<16xf32>
      tpu.vector_store %arg4[%parallel_loop3A_1103], %parallel_loop3A_1106 {strides = array<i32>} : memref<33024xf32, #tpu.memory_space<vmem>>, vector<16xf32>,
      %parallel_loop3A_1107 = arith.constant 16 : i32
      %parallel_loop3A_1108 = arith.addi %parallel_loop3A_991, %parallel_loop3A_1107 : i32
      %parallel_loop3A_1109 = arith.constant 5 : i32
      %parallel_loop3A_1110 = arith.addi %parallel_loop3A_1108, %parallel_loop3A_1109 : i32
      %parallel_loop3A_1111 = arith.constant 16 : i32
      %parallel_loop3A_1112 = arith.muli %parallel_loop3A_1110, %parallel_loop3A_1111 : i32
      %parallel_loop3A_1113 = arith.index_cast %parallel_loop3A_1112 : i32 to index
      %parallel_loop3A_1114 = tpu.vector_load %arg4[%parallel_loop3A_1113] {strides = array<i32>} : memref<33024xf32, #tpu.memory_space<vmem>>, vector<16xf32>,
      %parallel_loop3A_1115 = vector.shape_cast %parallel_loop3A_1114 : vector<16xf32> to vector<16xf32>
      %parallel_loop3A_1116 = arith.mulf %parallel_loop3A_998, %div3A_238 : vector<16xf32>
      %parallel_loop3A_1117 = arith.constant 6 : i32
      %parallel_loop3A_1118 = arith.addi %parallel_loop3A_991, %parallel_loop3A_1117 : i32
      %parallel_loop3A_1119 = arith.constant 16 : i32
      %parallel_loop3A_1120 = arith.muli %parallel_loop3A_1118, %parallel_loop3A_1119 : i32
      %parallel_loop3A_1121 = arith.index_cast %parallel_loop3A_1120 : i32 to index
      %parallel_loop3A_1122 = tpu.vector_load %arg4[%parallel_loop3A_1121] {strides = array<i32>} : memref<33024xf32, #tpu.memory_space<vmem>>, vector<16xf32>,
      %parallel_loop3A_1123 = vector.shape_cast %parallel_loop3A_1122 : vector<16xf32> to vector<16xf32>
      %parallel_loop3A_1124 = vector.shape_cast %parallel_loop3A_1116 : vector<16xf32> to vector<16xf32>
      tpu.vector_store %arg4[%parallel_loop3A_1121], %parallel_loop3A_1124 {strides = array<i32>} : memref<33024xf32, #tpu.memory_space<vmem>>, vector<16xf32>,
      %parallel_loop3A_1125 = arith.constant 16 : i32
      %parallel_loop3A_1126 = arith.addi %parallel_loop3A_991, %parallel_loop3A_1125 : i32
      %parallel_loop3A_1127 = arith.constant 6 : i32
      %parallel_loop3A_1128 = arith.addi %parallel_loop3A_1126, %parallel_loop3A_1127 : i32
      %parallel_loop3A_1129 = arith.constant 16 : i32
      %parallel_loop3A_1130 = arith.muli %parallel_loop3A_1128, %parallel_loop3A_1129 : i32
      %parallel_loop3A_1131 = arith.index_cast %parallel_loop3A_1130 : i32 to index
      %parallel_loop3A_1132 = tpu.vector_load %arg4[%parallel_loop3A_1131] {strides = array<i32>} : memref<33024xf32, #tpu.memory_space<vmem>>, vector<16xf32>,
      %parallel_loop3A_1133 = vector.shape_cast %parallel_loop3A_1132 : vector<16xf32> to vector<16xf32>
      %parallel_loop3A_1134 = arith.mulf %parallel_loop3A_999, %div3A_238 : vector<16xf32>
      %parallel_loop3A_1135 = arith.constant 7 : i32
      %parallel_loop3A_1136 = arith.addi %parallel_loop3A_991, %parallel_loop3A_1135 : i32
      %parallel_loop3A_1137 = arith.constant 16 : i32
      %parallel_loop3A_1138 = arith.muli %parallel_loop3A_1136, %parallel_loop3A_1137 : i32
      %parallel_loop3A_1139 = arith.index_cast %parallel_loop3A_1138 : i32 to index
      %parallel_loop3A_1140 = tpu.vector_load %arg4[%parallel_loop3A_1139] {strides = array<i32>} : memref<33024xf32, #tpu.memory_space<vmem>>, vector<16xf32>,
      %parallel_loop3A_1141 = vector.shape_cast %parallel_loop3A_1140 : vector<16xf32> to vector<16xf32>
      %parallel_loop3A_1142 = vector.shape_cast %parallel_loop3A_1134 : vector<16xf32> to vector<16xf32>
      tpu.vector_store %arg4[%parallel_loop3A_1139], %parallel_loop3A_1142 {strides = array<i32>} : memref<33024xf32, #tpu.memory_space<vmem>>, vector<16xf32>,
      %parallel_loop3A_1143 = arith.constant 16 : i32
      %parallel_loop3A_1144 = arith.addi %parallel_loop3A_991, %parallel_loop3A_1143 : i32
      %parallel_loop3A_1145 = arith.constant 7 : i32
      %parallel_loop3A_1146 = arith.addi %parallel_loop3A_1144, %parallel_loop3A_1145 : i32
      %parallel_loop3A_1147 = arith.constant 16 : i32
      %parallel_loop3A_1148 = arith.muli %parallel_loop3A_1146, %parallel_loop3A_1147 : i32
      %parallel_loop3A_1149 = arith.index_cast %parallel_loop3A_1148 : i32 to index
      %parallel_loop3A_1150 = tpu.vector_load %arg4[%parallel_loop3A_1149] {strides = array<i32>} : memref<33024xf32, #tpu.memory_space<vmem>>, vector<16xf32>,
      %parallel_loop3A_1151 = vector.shape_cast %parallel_loop3A_1150 : vector<16xf32> to vector<16xf32>
      %parallel_loop3A_1152 = arith.mulf %parallel_loop3A_1000, %div3A_238 : vector<16xf32>
      %parallel_loop3A_1153 = arith.constant 8 : i32
      %parallel_loop3A_1154 = arith.addi %parallel_loop3A_991, %parallel_loop3A_1153 : i32
      %parallel_loop3A_1155 = arith.constant 16 : i32
      %parallel_loop3A_1156 = arith.muli %parallel_loop3A_1154, %parallel_loop3A_1155 : i32
      %parallel_loop3A_1157 = arith.index_cast %parallel_loop3A_1156 : i32 to index
      %parallel_loop3A_1158 = tpu.vector_load %arg4[%parallel_loop3A_1157] {strides = array<i32>} : memref<33024xf32, #tpu.memory_space<vmem>>, vector<16xf32>,
      %parallel_loop3A_1159 = vector.shape_cast %parallel_loop3A_1158 : vector<16xf32> to vector<16xf32>
      %parallel_loop3A_1160 = vector.shape_cast %parallel_loop3A_1152 : vector<16xf32> to vector<16xf32>
      tpu.vector_store %arg4[%parallel_loop3A_1157], %parallel_loop3A_1160 {strides = array<i32>} : memref<33024xf32, #tpu.memory_space<vmem>>, vector<16xf32>,
      %parallel_loop3A_1161 = arith.constant 16 : i32
      %parallel_loop3A_1162 = arith.addi %parallel_loop3A_991, %parallel_loop3A_1161 : i32
      %parallel_loop3A_1163 = arith.constant 8 : i32
      %parallel_loop3A_1164 = arith.addi %parallel_loop3A_1162, %parallel_loop3A_1163 : i32
      %parallel_loop3A_1165 = arith.constant 16 : i32
      %parallel_loop3A_1166 = arith.muli %parallel_loop3A_1164, %parallel_loop3A_1165 : i32
      %parallel_loop3A_1167 = arith.index_cast %parallel_loop3A_1166 : i32 to index
      %parallel_loop3A_1168 = tpu.vector_load %arg4[%parallel_loop3A_1167] {strides = array<i32>} : memref<33024xf32, #tpu.memory_space<vmem>>, vector<16xf32>,
      %parallel_loop3A_1169 = vector.shape_cast %parallel_loop3A_1168 : vector<16xf32> to vector<16xf32>
      %parallel_loop3A_1170 = arith.mulf %parallel_loop3A_1001, %div3A_238 : vector<16xf32>
      %parallel_loop3A_1171 = arith.constant 9 : i32
      %parallel_loop3A_1172 = arith.addi %parallel_loop3A_991, %parallel_loop3A_1171 : i32
      %parallel_loop3A_1173 = arith.constant 16 : i32
      %parallel_loop3A_1174 = arith.muli %parallel_loop3A_1172, %parallel_loop3A_1173 : i32
      %parallel_loop3A_1175 = arith.index_cast %parallel_loop3A_1174 : i32 to index
      %parallel_loop3A_1176 = tpu.vector_load %arg4[%parallel_loop3A_1175] {strides = array<i32>} : memref<33024xf32, #tpu.memory_space<vmem>>, vector<16xf32>,
      %parallel_loop3A_1177 = vector.shape_cast %parallel_loop3A_1176 : vector<16xf32> to vector<16xf32>
      %parallel_loop3A_1178 = vector.shape_cast %parallel_loop3A_1170 : vector<16xf32> to vector<16xf32>
      tpu.vector_store %arg4[%parallel_loop3A_1175], %parallel_loop3A_1178 {strides = array<i32>} : memref<33024xf32, #tpu.memory_space<vmem>>, vector<16xf32>,
      %parallel_loop3A_1179 = arith.constant 16 : i32
      %parallel_loop3A_1180 = arith.addi %parallel_loop3A_991, %parallel_loop3A_1179 : i32
      %parallel_loop3A_1181 = arith.constant 9 : i32
      %parallel_loop3A_1182 = arith.addi %parallel_loop3A_1180, %parallel_loop3A_1181 : i32
      %parallel_loop3A_1183 = arith.constant 16 : i32
      %parallel_loop3A_1184 = arith.muli %parallel_loop3A_1182, %parallel_loop3A_1183 : i32
      %parallel_loop3A_1185 = arith.index_cast %parallel_loop3A_1184 : i32 to index
      %parallel_loop3A_1186 = tpu.vector_load %arg4[%parallel_loop3A_1185] {strides = array<i32>} : memref<33024xf32, #tpu.memory_space<vmem>>, vector<16xf32>,
      %parallel_loop3A_1187 = vector.shape_cast %parallel_loop3A_1186 : vector<16xf32> to vector<16xf32>
      %parallel_loop3A_1188 = arith.mulf %parallel_loop3A_1002, %div3A_238 : vector<16xf32>
      %parallel_loop3A_1189 = arith.constant 10 : i32
      %parallel_loop3A_1190 = arith.addi %parallel_loop3A_991, %parallel_loop3A_1189 : i32
      %parallel_loop3A_1191 = arith.constant 16 : i32
      %parallel_loop3A_1192 = arith.muli %parallel_loop3A_1190, %parallel_loop3A_1191 : i32
      %parallel_loop3A_1193 = arith.index_cast %parallel_loop3A_1192 : i32 to index
      %parallel_loop3A_1194 = tpu.vector_load %arg4[%parallel_loop3A_1193] {strides = array<i32>} : memref<33024xf32, #tpu.memory_space<vmem>>, vector<16xf32>,
      %parallel_loop3A_1195 = vector.shape_cast %parallel_loop3A_1194 : vector<16xf32> to vector<16xf32>
      %parallel_loop3A_1196 = vector.shape_cast %parallel_loop3A_1188 : vector<16xf32> to vector<16xf32>
      tpu.vector_store %arg4[%parallel_loop3A_1193], %parallel_loop3A_1196 {strides = array<i32>} : memref<33024xf32, #tpu.memory_space<vmem>>, vector<16xf32>,
      %parallel_loop3A_1197 = arith.constant 16 : i32
      %parallel_loop3A_1198 = arith.addi %parallel_loop3A_991, %parallel_loop3A_1197 : i32
      %parallel_loop3A_1199 = arith.constant 10 : i32
      %parallel_loop3A_1200 = arith.addi %parallel_loop3A_1198, %parallel_loop3A_1199 : i32
      %parallel_loop3A_1201 = arith.constant 16 : i32
      %parallel_loop3A_1202 = arith.muli %parallel_loop3A_1200, %parallel_loop3A_1201 : i32
      %parallel_loop3A_1203 = arith.index_cast %parallel_loop3A_1202 : i32 to index
      %parallel_loop3A_1204 = tpu.vector_load %arg4[%parallel_loop3A_1203] {strides = array<i32>} : memref<33024xf32, #tpu.memory_space<vmem>>, vector<16xf32>,
      %parallel_loop3A_1205 = vector.shape_cast %parallel_loop3A_1204 : vector<16xf32> to vector<16xf32>
      %parallel_loop3A_1206 = arith.mulf %parallel_loop3A_1003, %div3A_238 : vector<16xf32>
      %parallel_loop3A_1207 = arith.constant 11 : i32
      %parallel_loop3A_1208 = arith.addi %parallel_loop3A_991, %parallel_loop3A_1207 : i32
      %parallel_loop3A_1209 = arith.constant 16 : i32
      %parallel_loop3A_1210 = arith.muli %parallel_loop3A_1208, %parallel_loop3A_1209 : i32
      %parallel_loop3A_1211 = arith.index_cast %parallel_loop3A_1210 : i32 to index
      %parallel_loop3A_1212 = tpu.vector_load %arg4[%parallel_loop3A_1211] {strides = array<i32>} : memref<33024xf32, #tpu.memory_space<vmem>>, vector<16xf32>,
      %parallel_loop3A_1213 = vector.shape_cast %parallel_loop3A_1212 : vector<16xf32> to vector<16xf32>
      %parallel_loop3A_1214 = vector.shape_cast %parallel_loop3A_1206 : vector<16xf32> to vector<16xf32>
      tpu.vector_store %arg4[%parallel_loop3A_1211], %parallel_loop3A_1214 {strides = array<i32>} : memref<33024xf32, #tpu.memory_space<vmem>>, vector<16xf32>,
      %parallel_loop3A_1215 = arith.constant 16 : i32
      %parallel_loop3A_1216 = arith.addi %parallel_loop3A_991, %parallel_loop3A_1215 : i32
      %parallel_loop3A_1217 = arith.constant 11 : i32
      %parallel_loop3A_1218 = arith.addi %parallel_loop3A_1216, %parallel_loop3A_1217 : i32
      %parallel_loop3A_1219 = arith.constant 16 : i32
      %parallel_loop3A_1220 = arith.muli %parallel_loop3A_1218, %parallel_loop3A_1219 : i32
      %parallel_loop3A_1221 = arith.index_cast %parallel_loop3A_1220 : i32 to index
      %parallel_loop3A_1222 = tpu.vector_load %arg4[%parallel_loop3A_1221] {strides = array<i32>} : memref<33024xf32, #tpu.memory_space<vmem>>, vector<16xf32>,
      %parallel_loop3A_1223 = vector.shape_cast %parallel_loop3A_1222 : vector<16xf32> to vector<16xf32>
      %parallel_loop3A_1224 = arith.mulf %parallel_loop3A_1004, %div3A_238 : vector<16xf32>
      %parallel_loop3A_1225 = arith.constant 12 : i32
      %parallel_loop3A_1226 = arith.addi %parallel_loop3A_991, %parallel_loop3A_1225 : i32
      %parallel_loop3A_1227 = arith.constant 16 : i32
      %parallel_loop3A_1228 = arith.muli %parallel_loop3A_1226, %parallel_loop3A_1227 : i32
      %parallel_loop3A_1229 = arith.index_cast %parallel_loop3A_1228 : i32 to index
      %parallel_loop3A_1230 = tpu.vector_load %arg4[%parallel_loop3A_1229] {strides = array<i32>} : memref<33024xf32, #tpu.memory_space<vmem>>, vector<16xf32>,
      %parallel_loop3A_1231 = vector.shape_cast %parallel_loop3A_1230 : vector<16xf32> to vector<16xf32>
      %parallel_loop3A_1232 = vector.shape_cast %parallel_loop3A_1224 : vector<16xf32> to vector<16xf32>
      tpu.vector_store %arg4[%parallel_loop3A_1229], %parallel_loop3A_1232 {strides = array<i32>} : memref<33024xf32, #tpu.memory_space<vmem>>, vector<16xf32>,
      %parallel_loop3A_1233 = arith.constant 16 : i32
      %parallel_loop3A_1234 = arith.addi %parallel_loop3A_991, %parallel_loop3A_1233 : i32
      %parallel_loop3A_1235 = arith.constant 12 : i32
      %parallel_loop3A_1236 = arith.addi %parallel_loop3A_1234, %parallel_loop3A_1235 : i32
      %parallel_loop3A_1237 = arith.constant 16 : i32
      %parallel_loop3A_1238 = arith.muli %parallel_loop3A_1236, %parallel_loop3A_1237 : i32
      %parallel_loop3A_1239 = arith.index_cast %parallel_loop3A_1238 : i32 to index
      %parallel_loop3A_1240 = tpu.vector_load %arg4[%parallel_loop3A_1239] {strides = array<i32>} : memref<33024xf32, #tpu.memory_space<vmem>>, vector<16xf32>,
      %parallel_loop3A_1241 = vector.shape_cast %parallel_loop3A_1240 : vector<16xf32> to vector<16xf32>
      %parallel_loop3A_1242 = arith.mulf %parallel_loop3A_1005, %div3A_238 : vector<16xf32>
      %parallel_loop3A_1243 = arith.constant 13 : i32
      %parallel_loop3A_1244 = arith.addi %parallel_loop3A_991, %parallel_loop3A_1243 : i32
      %parallel_loop3A_1245 = arith.constant 16 : i32
      %parallel_loop3A_1246 = arith.muli %parallel_loop3A_1244, %parallel_loop3A_1245 : i32
      %parallel_loop3A_1247 = arith.index_cast %parallel_loop3A_1246 : i32 to index
      %parallel_loop3A_1248 = tpu.vector_load %arg4[%parallel_loop3A_1247] {strides = array<i32>} : memref<33024xf32, #tpu.memory_space<vmem>>, vector<16xf32>,
      %parallel_loop3A_1249 = vector.shape_cast %parallel_loop3A_1248 : vector<16xf32> to vector<16xf32>
      %parallel_loop3A_1250 = vector.shape_cast %parallel_loop3A_1242 : vector<16xf32> to vector<16xf32>
      tpu.vector_store %arg4[%parallel_loop3A_1247], %parallel_loop3A_1250 {strides = array<i32>} : memref<33024xf32, #tpu.memory_space<vmem>>, vector<16xf32>,
      %parallel_loop3A_1251 = arith.constant 16 : i32
      %parallel_loop3A_1252 = arith.addi %parallel_loop3A_991, %parallel_loop3A_1251 : i32
      %parallel_loop3A_1253 = arith.constant 13 : i32
      %parallel_loop3A_1254 = arith.addi %parallel_loop3A_1252, %parallel_loop3A_1253 : i32
      %parallel_loop3A_1255 = arith.constant 16 : i32
      %parallel_loop3A_1256 = arith.muli %parallel_loop3A_1254, %parallel_loop3A_1255 : i32
      %parallel_loop3A_1257 = arith.index_cast %parallel_loop3A_1256 : i32 to index
      %parallel_loop3A_1258 = tpu.vector_load %arg4[%parallel_loop3A_1257] {strides = array<i32>} : memref<33024xf32, #tpu.memory_space<vmem>>, vector<16xf32>,
      %parallel_loop3A_1259 = vector.shape_cast %parallel_loop3A_1258 : vector<16xf32> to vector<16xf32>
      %parallel_loop3A_1260 = arith.mulf %parallel_loop3A_1006, %div3A_238 : vector<16xf32>
      %parallel_loop3A_1261 = arith.constant 14 : i32
      %parallel_loop3A_1262 = arith.addi %parallel_loop3A_991, %parallel_loop3A_1261 : i32
      %parallel_loop3A_1263 = arith.constant 16 : i32
      %parallel_loop3A_1264 = arith.muli %parallel_loop3A_1262, %parallel_loop3A_1263 : i32
      %parallel_loop3A_1265 = arith.index_cast %parallel_loop3A_1264 : i32 to index
      %parallel_loop3A_1266 = tpu.vector_load %arg4[%parallel_loop3A_1265] {strides = array<i32>} : memref<33024xf32, #tpu.memory_space<vmem>>, vector<16xf32>,
      %parallel_loop3A_1267 = vector.shape_cast %parallel_loop3A_1266 : vector<16xf32> to vector<16xf32>
      %parallel_loop3A_1268 = vector.shape_cast %parallel_loop3A_1260 : vector<16xf32> to vector<16xf32>
      tpu.vector_store %arg4[%parallel_loop3A_1265], %parallel_loop3A_1268 {strides = array<i32>} : memref<33024xf32, #tpu.memory_space<vmem>>, vector<16xf32>,
      %parallel_loop3A_1269 = arith.constant 16 : i32
      %parallel_loop3A_1270 = arith.addi %parallel_loop3A_991, %parallel_loop3A_1269 : i32
      %parallel_loop3A_1271 = arith.constant 14 : i32
      %parallel_loop3A_1272 = arith.addi %parallel_loop3A_1270, %parallel_loop3A_1271 : i32
      %parallel_loop3A_1273 = arith.constant 16 : i32
      %parallel_loop3A_1274 = arith.muli %parallel_loop3A_1272, %parallel_loop3A_1273 : i32
      %parallel_loop3A_1275 = arith.index_cast %parallel_loop3A_1274 : i32 to index
      %parallel_loop3A_1276 = tpu.vector_load %arg4[%parallel_loop3A_1275] {strides = array<i32>} : memref<33024xf32, #tpu.memory_space<vmem>>, vector<16xf32>,
      %parallel_loop3A_1277 = vector.shape_cast %parallel_loop3A_1276 : vector<16xf32> to vector<16xf32>
      %parallel_loop3A_1278 = arith.mulf %parallel_loop3A_1007, %div3A_238 : vector<16xf32>
      %parallel_loop3A_1279 = arith.constant 15 : i32
      %parallel_loop3A_1280 = arith.addi %parallel_loop3A_991, %parallel_loop3A_1279 : i32
      %parallel_loop3A_1281 = arith.constant 16 : i32
      %parallel_loop3A_1282 = arith.muli %parallel_loop3A_1280, %parallel_loop3A_1281 : i32
      %parallel_loop3A_1283 = arith.index_cast %parallel_loop3A_1282 : i32 to index
      %parallel_loop3A_1284 = tpu.vector_load %arg4[%parallel_loop3A_1283] {strides = array<i32>} : memref<33024xf32, #tpu.memory_space<vmem>>, vector<16xf32>,
      %parallel_loop3A_1285 = vector.shape_cast %parallel_loop3A_1284 : vector<16xf32> to vector<16xf32>
      %parallel_loop3A_1286 = vector.shape_cast %parallel_loop3A_1278 : vector<16xf32> to vector<16xf32>
      tpu.vector_store %arg4[%parallel_loop3A_1283], %parallel_loop3A_1286 {strides = array<i32>} : memref<33024xf32, #tpu.memory_space<vmem>>, vector<16xf32>,
      %parallel_loop3A_1287 = arith.constant 16 : i32
      %parallel_loop3A_1288 = arith.addi %parallel_loop3A_991, %parallel_loop3A_1287 : i32
      %parallel_loop3A_1289 = arith.constant 15 : i32
      %parallel_loop3A_1290 = arith.addi %parallel_loop3A_1288, %parallel_loop3A_1289 : i32
      %parallel_loop3A_1291 = arith.constant 16 : i32
      %parallel_loop3A_1292 = arith.muli %parallel_loop3A_1290, %parallel_loop3A_1291 : i32
      %parallel_loop3A_1293 = arith.index_cast %parallel_loop3A_1292 : i32 to index
      %parallel_loop3A_1294 = tpu.vector_load %arg4[%parallel_loop3A_1293] {strides = array<i32>} : memref<33024xf32, #tpu.memory_space<vmem>>, vector<16xf32>,
      %parallel_loop3A_1295 = vector.shape_cast %parallel_loop3A_1294 : vector<16xf32> to vector<16xf32>
      scf.yield %parallel_loop3A_1025, %parallel_loop3A_1043, %parallel_loop3A_1061, %parallel_loop3A_1079, %parallel_loop3A_1097, %parallel_loop3A_1115, %parallel_loop3A_1133, %parallel_loop3A_1151, %parallel_loop3A_1169, %parallel_loop3A_1187, %parallel_loop3A_1205, %parallel_loop3A_1223, %parallel_loop3A_1241, %parallel_loop3A_1259, %parallel_loop3A_1277, %parallel_loop3A_1295 : vector<16xf32>, vector<16xf32>, vector<16xf32>, vector<16xf32>, vector<16xf32>, vector<16xf32>, vector<16xf32>, vector<16xf32>, vector<16xf32>, vector<16xf32>, vector<16xf32>, vector<16xf32>, vector<16xf32>, vector<16xf32>, vector<16xf32>, vector<16xf32>
    } {sc.loop_unroll_factor = 1 : i64, sc.parallel_access}
    %dma_start3A_291 = arith.constant 0 : i32
    %dma_start3A_292 = tpu.memref_slice %arg4[%dma_start3A_291] : memref<33024xf32, #tpu.memory_space<vmem>> -> memref<32768xf32, #tpu.memory_space<vmem>>
    %dma_start3A_293 = arith.constant 0 : i32
    %dma_start3A_294 = tpu.memref_slice %arg3[%add3A_4, %dma_start3A_293] : memref<128x32768xf32, #tpu.memory_space<hbm>> -> memref<1x32768xf32, #tpu.memory_space<hbm>>
    %dma_start3A_295 = tpu.memref_squeeze %dma_start3A_294 : memref<1x32768xf32, #tpu.memory_space<hbm>> -> memref<32768xf32, #tpu.memory_space<hbm>>
    %dma_start3A_296 = arith.constant 0 : i32
    %dma_start3A_297 = tpu.memref_slice %arg3[%add3A_4, %dma_start3A_296] : memref<128x32768xf32, #tpu.memory_space<hbm>> -> memref<1x32768xf32, #tpu.memory_space<hbm>>
    %dma_start3A_298 = tpu.memref_squeeze %dma_start3A_297 : memref<1x32768xf32, #tpu.memory_space<hbm>> -> memref<32768xf32, #tpu.memory_space<hbm>>
    %dma_start3A_299 = arith.constant 0 : i32
    %dma_start3A_300 = tpu.memref_slice %arg4[%dma_start3A_299] : memref<33024xf32, #tpu.memory_space<vmem>> -> memref<32768xf32, #tpu.memory_space<vmem>>
    tpu.enqueue_dma source(%dma_start3A_300 : memref<32768xf32, #tpu.memory_space<vmem>>) target(%dma_start3A_298 : memref<32768xf32, #tpu.memory_space<hbm>>) target_semaphore(%arg10 : memref<!tpu.dma_semaphore, #tpu.memory_space<semaphore_mem>>)
    %dma_wait3A_301 = arith.constant 0 : i32
    %dma_wait3A_302 = tpu.memref_slice %arg5[%dma_wait3A_301] : memref<33024xf32, #tpu.memory_space<vmem>> -> memref<32768xf32, #tpu.memory_space<vmem>>
    %dma_wait3A_303 = arith.constant 0 : i32
    %dma_wait3A_304 = tpu.memref_slice %arg2[%add3A_8, %dma_wait3A_303] : memref<128x32768xf32, #tpu.memory_space<hbm>> -> memref<1x32768xf32, #tpu.memory_space<hbm>>
    %dma_wait3A_305 = tpu.memref_squeeze %dma_wait3A_304 : memref<1x32768xf32, #tpu.memory_space<hbm>> -> memref<32768xf32, #tpu.memory_space<hbm>>
    %dma_wait3A_306 = arith.constant 0 : i32
    %dma_wait3A_307 = tpu.memref_slice %arg5[%dma_wait3A_306] : memref<33024xf32, #tpu.memory_space<vmem>> -> memref<32768xf32, #tpu.memory_space<vmem>>
    %dma_wait3A_308 = arith.constant 0 : i32
    %dma_wait3A_309 = tpu.memref_slice %arg2[%add3A_8, %dma_wait3A_308] : memref<128x32768xf32, #tpu.memory_space<hbm>> -> memref<1x32768xf32, #tpu.memory_space<hbm>>
    %dma_wait3A_310 = tpu.memref_squeeze %dma_wait3A_309 : memref<1x32768xf32, #tpu.memory_space<hbm>> -> memref<32768xf32, #tpu.memory_space<hbm>>
    tpu.wait_dma2 semaphore(%arg8 : memref<!tpu.dma_semaphore, #tpu.memory_space<semaphore_mem>>) src(%dma_wait3A_310 : memref<32768xf32, #tpu.memory_space<hbm>>) dst(%dma_wait3A_307 : memref<32768xf32, #tpu.memory_space<vmem>>)
    %dma_start3A_311 = arith.constant 0 : i32
    %dma_start3A_312 = tpu.memref_slice %arg6[%dma_start3A_311] : memref<33024xf32, #tpu.memory_space<vmem>> -> memref<32768xf32, #tpu.memory_space<vmem>>
    %dma_start3A_313 = arith.constant 0 : i32
    %dma_start3A_314 = tpu.memref_slice %arg2[%add3A_12, %dma_start3A_313] : memref<128x32768xf32, #tpu.memory_space<hbm>> -> memref<1x32768xf32, #tpu.memory_space<hbm>>
    %dma_start3A_315 = tpu.memref_squeeze %dma_start3A_314 : memref<1x32768xf32, #tpu.memory_space<hbm>> -> memref<32768xf32, #tpu.memory_space<hbm>>
    %dma_start3A_316 = arith.constant 0 : i32
    %dma_start3A_317 = tpu.memref_slice %arg6[%dma_start3A_316] : memref<33024xf32, #tpu.memory_space<vmem>> -> memref<32768xf32, #tpu.memory_space<vmem>>
    %dma_start3A_318 = arith.constant 0 : i32
    %dma_start3A_319 = tpu.memref_slice %arg2[%add3A_12, %dma_start3A_318] : memref<128x32768xf32, #tpu.memory_space<hbm>> -> memref<1x32768xf32, #tpu.memory_space<hbm>>
    %dma_start3A_320 = tpu.memref_squeeze %dma_start3A_319 : memref<1x32768xf32, #tpu.memory_space<hbm>> -> memref<32768xf32, #tpu.memory_space<hbm>>
    tpu.enqueue_dma source(%dma_start3A_320 : memref<32768xf32, #tpu.memory_space<hbm>>) target(%dma_start3A_317 : memref<32768xf32, #tpu.memory_space<vmem>>) target_semaphore(%arg9 : memref<!tpu.dma_semaphore, #tpu.memory_space<semaphore_mem>>)
    %eq3A_321 = arith.constant 0 : i32
    %eq3A_322 = vector.broadcast %eq3A_321 : i32 to vector<16xi32>
    %eq3A_323 = arith.cmpi eq, %iota3A, %eq3A_322 : vector<16xi32>
    %get3A_324 = arith.constant 0 : index
    %get3A_325 = tpu.vector_load %arg5[%get3A_324] {strides = array<i32>} : memref<33024xf32, #tpu.memory_space<vmem>>, vector<16xf32>,
    %get3A_326 = vector.shape_cast %get3A_325 : vector<16xf32> to vector<16xf32>
    %jit3A_327 = arith.constant 0xFF800000 : f32
    %broadcast_in_dim3A_328 = vector.broadcast %jit3A_327 : f32 to vector<16xf32>
    %select_n3A_329 = arith.select %eq3A_323, %broadcast_in_dim3A_328, %get3A_326 : vector<16xi1>, vector<16xf32>
    %swap3A_330 = arith.constant 0 : index
    %swap3A_331 = tpu.vector_load %arg5[%swap3A_330] {strides = array<i32>} : memref<33024xf32, #tpu.memory_space<vmem>>, vector<16xf32>,
    %swap3A_332 = vector.shape_cast %swap3A_331 : vector<16xf32> to vector<16xf32>
    %swap3A_333 = vector.shape_cast %select_n3A_329 : vector<16xf32> to vector<16xf32>
    tpu.vector_store %arg5[%swap3A_330], %swap3A_333 {strides = array<i32>} : memref<33024xf32, #tpu.memory_space<vmem>>, vector<16xf32>,
    %broadcast_in_dim3A_334 = arith.constant 0.000000e+00 : f32
    %broadcast_in_dim3A_335 = vector.broadcast %broadcast_in_dim3A_334 : f32 to vector<16xf32>
    %get3A_336 = arith.constant 0 : index
    %get3A_337 = tpu.vector_load %arg5[%get3A_336] {strides = array<i32>} : memref<33024xf32, #tpu.memory_space<vmem>>, vector<16xf32>,
    %get3A_338 = vector.shape_cast %get3A_337 : vector<16xf32> to vector<16xf32>
    %get3A_339 = arith.constant 16 : index
    %get3A_340 = tpu.vector_load %arg5[%get3A_339] {strides = array<i32>} : memref<33024xf32, #tpu.memory_space<vmem>>, vector<16xf32>,
    %get3A_341 = vector.shape_cast %get3A_340 : vector<16xf32> to vector<16xf32>
    %get3A_342 = arith.constant 32 : index
    %get3A_343 = tpu.vector_load %arg5[%get3A_342] {strides = array<i32>} : memref<33024xf32, #tpu.memory_space<vmem>>, vector<16xf32>,
    %get3A_344 = vector.shape_cast %get3A_343 : vector<16xf32> to vector<16xf32>
    %get3A_345 = arith.constant 48 : index
    %get3A_346 = tpu.vector_load %arg5[%get3A_345] {strides = array<i32>} : memref<33024xf32, #tpu.memory_space<vmem>>, vector<16xf32>,
    %get3A_347 = vector.shape_cast %get3A_346 : vector<16xf32> to vector<16xf32>
    %get3A_348 = arith.constant 64 : index
    %get3A_349 = tpu.vector_load %arg5[%get3A_348] {strides = array<i32>} : memref<33024xf32, #tpu.memory_space<vmem>>, vector<16xf32>,
    %get3A_350 = vector.shape_cast %get3A_349 : vector<16xf32> to vector<16xf32>
    %get3A_351 = arith.constant 80 : index
    %get3A_352 = tpu.vector_load %arg5[%get3A_351] {strides = array<i32>} : memref<33024xf32, #tpu.memory_space<vmem>>, vector<16xf32>,
    %get3A_353 = vector.shape_cast %get3A_352 : vector<16xf32> to vector<16xf32>
    %get3A_354 = arith.constant 96 : index
    %get3A_355 = tpu.vector_load %arg5[%get3A_354] {strides = array<i32>} : memref<33024xf32, #tpu.memory_space<vmem>>, vector<16xf32>,
    %get3A_356 = vector.shape_cast %get3A_355 : vector<16xf32> to vector<16xf32>
    %get3A_357 = arith.constant 112 : index
    %get3A_358 = tpu.vector_load %arg5[%get3A_357] {strides = array<i32>} : memref<33024xf32, #tpu.memory_space<vmem>>, vector<16xf32>,
    %get3A_359 = vector.shape_cast %get3A_358 : vector<16xf32> to vector<16xf32>
    %get3A_360 = arith.constant 128 : index
    %get3A_361 = tpu.vector_load %arg5[%get3A_360] {strides = array<i32>} : memref<33024xf32, #tpu.memory_space<vmem>>, vector<16xf32>,
    %get3A_362 = vector.shape_cast %get3A_361 : vector<16xf32> to vector<16xf32>
    %get3A_363 = arith.constant 144 : index
    %get3A_364 = tpu.vector_load %arg5[%get3A_363] {strides = array<i32>} : memref<33024xf32, #tpu.memory_space<vmem>>, vector<16xf32>,
    %get3A_365 = vector.shape_cast %get3A_364 : vector<16xf32> to vector<16xf32>
    %get3A_366 = arith.constant 160 : index
    %get3A_367 = tpu.vector_load %arg5[%get3A_366] {strides = array<i32>} : memref<33024xf32, #tpu.memory_space<vmem>>, vector<16xf32>,
    %get3A_368 = vector.shape_cast %get3A_367 : vector<16xf32> to vector<16xf32>
    %get3A_369 = arith.constant 176 : index
    %get3A_370 = tpu.vector_load %arg5[%get3A_369] {strides = array<i32>} : memref<33024xf32, #tpu.memory_space<vmem>>, vector<16xf32>,
    %get3A_371 = vector.shape_cast %get3A_370 : vector<16xf32> to vector<16xf32>
    %get3A_372 = arith.constant 192 : index
    %get3A_373 = tpu.vector_load %arg5[%get3A_372] {strides = array<i32>} : memref<33024xf32, #tpu.memory_space<vmem>>, vector<16xf32>,
    %get3A_374 = vector.shape_cast %get3A_373 : vector<16xf32> to vector<16xf32>
    %get3A_375 = arith.constant 208 : index
    %get3A_376 = tpu.vector_load %arg5[%get3A_375] {strides = array<i32>} : memref<33024xf32, #tpu.memory_space<vmem>>, vector<16xf32>,
    %get3A_377 = vector.shape_cast %get3A_376 : vector<16xf32> to vector<16xf32>
    %get3A_378 = arith.constant 224 : index
    %get3A_379 = tpu.vector_load %arg5[%get3A_378] {strides = array<i32>} : memref<33024xf32, #tpu.memory_space<vmem>>, vector<16xf32>,
    %get3A_380 = vector.shape_cast %get3A_379 : vector<16xf32> to vector<16xf32>
    %get3A_381 = arith.constant 240 : index
    %get3A_382 = tpu.vector_load %arg5[%get3A_381] {strides = array<i32>} : memref<33024xf32, #tpu.memory_space<vmem>>, vector<16xf32>,
    %get3A_383 = vector.shape_cast %get3A_382 : vector<16xf32> to vector<16xf32>
    %parallel_loop3A_384 = arith.constant 0 : i32
    %parallel_loop3A_385 = arith.constant 2048 : i32
    %parallel_loop3A_386 = arith.constant 16 : i32
    %parallel_loop3A_387:32 = scf.for %parallel_loop3A_991 = %parallel_loop3A_384 to %parallel_loop3A_385 step %parallel_loop3A_386 iter_args(%parallel_loop3A_992 = %broadcast_in_dim3A_335, %parallel_loop3A_993 = %broadcast_in_dim3A_335, %parallel_loop3A_994 = %broadcast_in_dim3A_335, %parallel_loop3A_995 = %broadcast_in_dim3A_335, %parallel_loop3A_996 = %broadcast_in_dim3A_335, %parallel_loop3A_997 = %broadcast_in_dim3A_335, %parallel_loop3A_998 = %broadcast_in_dim3A_335, %parallel_loop3A_999 = %broadcast_in_dim3A_335, %parallel_loop3A_1000 = %broadcast_in_dim3A_335, %parallel_loop3A_1001 = %broadcast_in_dim3A_335, %parallel_loop3A_1002 = %broadcast_in_dim3A_335, %parallel_loop3A_1003 = %broadcast_in_dim3A_335, %parallel_loop3A_1004 = %broadcast_in_dim3A_335, %parallel_loop3A_1005 = %broadcast_in_dim3A_335, %parallel_loop3A_1006 = %broadcast_in_dim3A_335, %parallel_loop3A_1007 = %broadcast_in_dim3A_335, %parallel_loop3A_1008 = %get3A_338, %parallel_loop3A_1009 = %get3A_341, %parallel_loop3A_1010 = %get3A_344, %parallel_loop3A_1011 = %get3A_347, %parallel_loop3A_1012 = %get3A_350, %parallel_loop3A_1013 = %get3A_353, %parallel_loop3A_1014 = %get3A_356, %parallel_loop3A_1015 = %get3A_359, %parallel_loop3A_1016 = %get3A_362, %parallel_loop3A_1017 = %get3A_365, %parallel_loop3A_1018 = %get3A_368, %parallel_loop3A_1019 = %get3A_371, %parallel_loop3A_1020 = %get3A_374, %parallel_loop3A_1021 = %get3A_377, %parallel_loop3A_1022 = %get3A_380, %parallel_loop3A_1023 = %get3A_383) -> (vector<16xf32>, vector<16xf32>, vector<16xf32>, vector<16xf32>, vector<16xf32>, vector<16xf32>, vector<16xf32>, vector<16xf32>, vector<16xf32>, vector<16xf32>, vector<16xf32>, vector<16xf32>, vector<16xf32>, vector<16xf32>, vector<16xf32>, vector<16xf32>, vector<16xf32>, vector<16xf32>, vector<16xf32>, vector<16xf32>, vector<16xf32>, vector<16xf32>, vector<16xf32>, vector<16xf32>, vector<16xf32>, vector<16xf32>, vector<16xf32>, vector<16xf32>, vector<16xf32>, vector<16xf32>, vector<16xf32>, vector<16xf32>)  : i32 {
      %parallel_loop3A_1024 = math.exp %parallel_loop3A_1008 : vector<16xf32>
      %parallel_loop3A_1025 = math.exp %parallel_loop3A_1009 : vector<16xf32>
      %parallel_loop3A_1026 = math.exp %parallel_loop3A_1010 : vector<16xf32>
      %parallel_loop3A_1027 = math.exp %parallel_loop3A_1011 : vector<16xf32>
      %parallel_loop3A_1028 = math.exp %parallel_loop3A_1012 : vector<16xf32>
      %parallel_loop3A_1029 = math.exp %parallel_loop3A_1013 : vector<16xf32>
      %parallel_loop3A_1030 = math.exp %parallel_loop3A_1014 : vector<16xf32>
      %parallel_loop3A_1031 = math.exp %parallel_loop3A_1015 : vector<16xf32>
      %parallel_loop3A_1032 = math.exp %parallel_loop3A_1016 : vector<16xf32>
      %parallel_loop3A_1033 = math.exp %parallel_loop3A_1017 : vector<16xf32>
      %parallel_loop3A_1034 = math.exp %parallel_loop3A_1018 : vector<16xf32>
      %parallel_loop3A_1035 = math.exp %parallel_loop3A_1019 : vector<16xf32>
      %parallel_loop3A_1036 = math.exp %parallel_loop3A_1020 : vector<16xf32>
      %parallel_loop3A_1037 = math.exp %parallel_loop3A_1021 : vector<16xf32>
      %parallel_loop3A_1038 = math.exp %parallel_loop3A_1022 : vector<16xf32>
      %parallel_loop3A_1039 = math.exp %parallel_loop3A_1023 : vector<16xf32>
      %parallel_loop3A_1040 = arith.constant 0 : i32
      %parallel_loop3A_1041 = arith.addi %parallel_loop3A_991, %parallel_loop3A_1040 : i32
      %parallel_loop3A_1042 = arith.constant 16 : i32
      %parallel_loop3A_1043 = arith.muli %parallel_loop3A_1041, %parallel_loop3A_1042 : i32
      %parallel_loop3A_1044 = arith.index_cast %parallel_loop3A_1043 : i32 to index
      %parallel_loop3A_1045 = tpu.vector_load %arg5[%parallel_loop3A_1044] {strides = array<i32>} : memref<33024xf32, #tpu.memory_space<vmem>>, vector<16xf32>,
      %parallel_loop3A_1046 = vector.shape_cast %parallel_loop3A_1045 : vector<16xf32> to vector<16xf32>
      %parallel_loop3A_1047 = vector.shape_cast %parallel_loop3A_1024 : vector<16xf32> to vector<16xf32>
      tpu.vector_store %arg5[%parallel_loop3A_1044], %parallel_loop3A_1047 {strides = array<i32>} : memref<33024xf32, #tpu.memory_space<vmem>>, vector<16xf32>,
      %parallel_loop3A_1048 = arith.addf %parallel_loop3A_992, %parallel_loop3A_1024 : vector<16xf32>
      %parallel_loop3A_1049 = arith.constant 16 : i32
      %parallel_loop3A_1050 = arith.addi %parallel_loop3A_991, %parallel_loop3A_1049 : i32
      %parallel_loop3A_1051 = arith.constant 0 : i32
      %parallel_loop3A_1052 = arith.addi %parallel_loop3A_1050, %parallel_loop3A_1051 : i32
      %parallel_loop3A_1053 = arith.constant 16 : i32
      %parallel_loop3A_1054 = arith.muli %parallel_loop3A_1052, %parallel_loop3A_1053 : i32
      %parallel_loop3A_1055 = arith.index_cast %parallel_loop3A_1054 : i32 to index
      %parallel_loop3A_1056 = tpu.vector_load %arg5[%parallel_loop3A_1055] {strides = array<i32>} : memref<33024xf32, #tpu.memory_space<vmem>>, vector<16xf32>,
      %parallel_loop3A_1057 = vector.shape_cast %parallel_loop3A_1056 : vector<16xf32> to vector<16xf32>
      %parallel_loop3A_1058 = arith.constant 1 : i32
      %parallel_loop3A_1059 = arith.addi %parallel_loop3A_991, %parallel_loop3A_1058 : i32
      %parallel_loop3A_1060 = arith.constant 16 : i32
      %parallel_loop3A_1061 = arith.muli %parallel_loop3A_1059, %parallel_loop3A_1060 : i32
      %parallel_loop3A_1062 = arith.index_cast %parallel_loop3A_1061 : i32 to index
      %parallel_loop3A_1063 = tpu.vector_load %arg5[%parallel_loop3A_1062] {strides = array<i32>} : memref<33024xf32, #tpu.memory_space<vmem>>, vector<16xf32>,
      %parallel_loop3A_1064 = vector.shape_cast %parallel_loop3A_1063 : vector<16xf32> to vector<16xf32>
      %parallel_loop3A_1065 = vector.shape_cast %parallel_loop3A_1025 : vector<16xf32> to vector<16xf32>
      tpu.vector_store %arg5[%parallel_loop3A_1062], %parallel_loop3A_1065 {strides = array<i32>} : memref<33024xf32, #tpu.memory_space<vmem>>, vector<16xf32>,
      %parallel_loop3A_1066 = arith.addf %parallel_loop3A_993, %parallel_loop3A_1025 : vector<16xf32>
      %parallel_loop3A_1067 = arith.constant 16 : i32
      %parallel_loop3A_1068 = arith.addi %parallel_loop3A_991, %parallel_loop3A_1067 : i32
      %parallel_loop3A_1069 = arith.constant 1 : i32
      %parallel_loop3A_1070 = arith.addi %parallel_loop3A_1068, %parallel_loop3A_1069 : i32
      %parallel_loop3A_1071 = arith.constant 16 : i32
      %parallel_loop3A_1072 = arith.muli %parallel_loop3A_1070, %parallel_loop3A_1071 : i32
      %parallel_loop3A_1073 = arith.index_cast %parallel_loop3A_1072 : i32 to index
      %parallel_loop3A_1074 = tpu.vector_load %arg5[%parallel_loop3A_1073] {strides = array<i32>} : memref<33024xf32, #tpu.memory_space<vmem>>, vector<16xf32>,
      %parallel_loop3A_1075 = vector.shape_cast %parallel_loop3A_1074 : vector<16xf32> to vector<16xf32>
      %parallel_loop3A_1076 = arith.constant 2 : i32
      %parallel_loop3A_1077 = arith.addi %parallel_loop3A_991, %parallel_loop3A_1076 : i32
      %parallel_loop3A_1078 = arith.constant 16 : i32
      %parallel_loop3A_1079 = arith.muli %parallel_loop3A_1077, %parallel_loop3A_1078 : i32
      %parallel_loop3A_1080 = arith.index_cast %parallel_loop3A_1079 : i32 to index
      %parallel_loop3A_1081 = tpu.vector_load %arg5[%parallel_loop3A_1080] {strides = array<i32>} : memref<33024xf32, #tpu.memory_space<vmem>>, vector<16xf32>,
      %parallel_loop3A_1082 = vector.shape_cast %parallel_loop3A_1081 : vector<16xf32> to vector<16xf32>
      %parallel_loop3A_1083 = vector.shape_cast %parallel_loop3A_1026 : vector<16xf32> to vector<16xf32>
      tpu.vector_store %arg5[%parallel_loop3A_1080], %parallel_loop3A_1083 {strides = array<i32>} : memref<33024xf32, #tpu.memory_space<vmem>>, vector<16xf32>,
      %parallel_loop3A_1084 = arith.addf %parallel_loop3A_994, %parallel_loop3A_1026 : vector<16xf32>
      %parallel_loop3A_1085 = arith.constant 16 : i32
      %parallel_loop3A_1086 = arith.addi %parallel_loop3A_991, %parallel_loop3A_1085 : i32
      %parallel_loop3A_1087 = arith.constant 2 : i32
      %parallel_loop3A_1088 = arith.addi %parallel_loop3A_1086, %parallel_loop3A_1087 : i32
      %parallel_loop3A_1089 = arith.constant 16 : i32
      %parallel_loop3A_1090 = arith.muli %parallel_loop3A_1088, %parallel_loop3A_1089 : i32
      %parallel_loop3A_1091 = arith.index_cast %parallel_loop3A_1090 : i32 to index
      %parallel_loop3A_1092 = tpu.vector_load %arg5[%parallel_loop3A_1091] {strides = array<i32>} : memref<33024xf32, #tpu.memory_space<vmem>>, vector<16xf32>,
      %parallel_loop3A_1093 = vector.shape_cast %parallel_loop3A_1092 : vector<16xf32> to vector<16xf32>
      %parallel_loop3A_1094 = arith.constant 3 : i32
      %parallel_loop3A_1095 = arith.addi %parallel_loop3A_991, %parallel_loop3A_1094 : i32
      %parallel_loop3A_1096 = arith.constant 16 : i32
      %parallel_loop3A_1097 = arith.muli %parallel_loop3A_1095, %parallel_loop3A_1096 : i32
      %parallel_loop3A_1098 = arith.index_cast %parallel_loop3A_1097 : i32 to index
      %parallel_loop3A_1099 = tpu.vector_load %arg5[%parallel_loop3A_1098] {strides = array<i32>} : memref<33024xf32, #tpu.memory_space<vmem>>, vector<16xf32>,
      %parallel_loop3A_1100 = vector.shape_cast %parallel_loop3A_1099 : vector<16xf32> to vector<16xf32>
      %parallel_loop3A_1101 = vector.shape_cast %parallel_loop3A_1027 : vector<16xf32> to vector<16xf32>
      tpu.vector_store %arg5[%parallel_loop3A_1098], %parallel_loop3A_1101 {strides = array<i32>} : memref<33024xf32, #tpu.memory_space<vmem>>, vector<16xf32>,
      %parallel_loop3A_1102 = arith.addf %parallel_loop3A_995, %parallel_loop3A_1027 : vector<16xf32>
      %parallel_loop3A_1103 = arith.constant 16 : i32
      %parallel_loop3A_1104 = arith.addi %parallel_loop3A_991, %parallel_loop3A_1103 : i32
      %parallel_loop3A_1105 = arith.constant 3 : i32
      %parallel_loop3A_1106 = arith.addi %parallel_loop3A_1104, %parallel_loop3A_1105 : i32
      %parallel_loop3A_1107 = arith.constant 16 : i32
      %parallel_loop3A_1108 = arith.muli %parallel_loop3A_1106, %parallel_loop3A_1107 : i32
      %parallel_loop3A_1109 = arith.index_cast %parallel_loop3A_1108 : i32 to index
      %parallel_loop3A_1110 = tpu.vector_load %arg5[%parallel_loop3A_1109] {strides = array<i32>} : memref<33024xf32, #tpu.memory_space<vmem>>, vector<16xf32>,
      %parallel_loop3A_1111 = vector.shape_cast %parallel_loop3A_1110 : vector<16xf32> to vector<16xf32>
      %parallel_loop3A_1112 = arith.constant 4 : i32
      %parallel_loop3A_1113 = arith.addi %parallel_loop3A_991, %parallel_loop3A_1112 : i32
      %parallel_loop3A_1114 = arith.constant 16 : i32
      %parallel_loop3A_1115 = arith.muli %parallel_loop3A_1113, %parallel_loop3A_1114 : i32
      %parallel_loop3A_1116 = arith.index_cast %parallel_loop3A_1115 : i32 to index
      %parallel_loop3A_1117 = tpu.vector_load %arg5[%parallel_loop3A_1116] {strides = array<i32>} : memref<33024xf32, #tpu.memory_space<vmem>>, vector<16xf32>,
      %parallel_loop3A_1118 = vector.shape_cast %parallel_loop3A_1117 : vector<16xf32> to vector<16xf32>
      %parallel_loop3A_1119 = vector.shape_cast %parallel_loop3A_1028 : vector<16xf32> to vector<16xf32>
      tpu.vector_store %arg5[%parallel_loop3A_1116], %parallel_loop3A_1119 {strides = array<i32>} : memref<33024xf32, #tpu.memory_space<vmem>>, vector<16xf32>,
      %parallel_loop3A_1120 = arith.addf %parallel_loop3A_996, %parallel_loop3A_1028 : vector<16xf32>
      %parallel_loop3A_1121 = arith.constant 16 : i32
      %parallel_loop3A_1122 = arith.addi %parallel_loop3A_991, %parallel_loop3A_1121 : i32
      %parallel_loop3A_1123 = arith.constant 4 : i32
      %parallel_loop3A_1124 = arith.addi %parallel_loop3A_1122, %parallel_loop3A_1123 : i32
      %parallel_loop3A_1125 = arith.constant 16 : i32
      %parallel_loop3A_1126 = arith.muli %parallel_loop3A_1124, %parallel_loop3A_1125 : i32
      %parallel_loop3A_1127 = arith.index_cast %parallel_loop3A_1126 : i32 to index
      %parallel_loop3A_1128 = tpu.vector_load %arg5[%parallel_loop3A_1127] {strides = array<i32>} : memref<33024xf32, #tpu.memory_space<vmem>>, vector<16xf32>,
      %parallel_loop3A_1129 = vector.shape_cast %parallel_loop3A_1128 : vector<16xf32> to vector<16xf32>
      %parallel_loop3A_1130 = arith.constant 5 : i32
      %parallel_loop3A_1131 = arith.addi %parallel_loop3A_991, %parallel_loop3A_1130 : i32
      %parallel_loop3A_1132 = arith.constant 16 : i32
      %parallel_loop3A_1133 = arith.muli %parallel_loop3A_1131, %parallel_loop3A_1132 : i32
      %parallel_loop3A_1134 = arith.index_cast %parallel_loop3A_1133 : i32 to index
      %parallel_loop3A_1135 = tpu.vector_load %arg5[%parallel_loop3A_1134] {strides = array<i32>} : memref<33024xf32, #tpu.memory_space<vmem>>, vector<16xf32>,
      %parallel_loop3A_1136 = vector.shape_cast %parallel_loop3A_1135 : vector<16xf32> to vector<16xf32>
      %parallel_loop3A_1137 = vector.shape_cast %parallel_loop3A_1029 : vector<16xf32> to vector<16xf32>
      tpu.vector_store %arg5[%parallel_loop3A_1134], %parallel_loop3A_1137 {strides = array<i32>} : memref<33024xf32, #tpu.memory_space<vmem>>, vector<16xf32>,
      %parallel_loop3A_1138 = arith.addf %parallel_loop3A_997, %parallel_loop3A_1029 : vector<16xf32>
      %parallel_loop3A_1139 = arith.constant 16 : i32
      %parallel_loop3A_1140 = arith.addi %parallel_loop3A_991, %parallel_loop3A_1139 : i32
      %parallel_loop3A_1141 = arith.constant 5 : i32
      %parallel_loop3A_1142 = arith.addi %parallel_loop3A_1140, %parallel_loop3A_1141 : i32
      %parallel_loop3A_1143 = arith.constant 16 : i32
      %parallel_loop3A_1144 = arith.muli %parallel_loop3A_1142, %parallel_loop3A_1143 : i32
      %parallel_loop3A_1145 = arith.index_cast %parallel_loop3A_1144 : i32 to index
      %parallel_loop3A_1146 = tpu.vector_load %arg5[%parallel_loop3A_1145] {strides = array<i32>} : memref<33024xf32, #tpu.memory_space<vmem>>, vector<16xf32>,
      %parallel_loop3A_1147 = vector.shape_cast %parallel_loop3A_1146 : vector<16xf32> to vector<16xf32>
      %parallel_loop3A_1148 = arith.constant 6 : i32
      %parallel_loop3A_1149 = arith.addi %parallel_loop3A_991, %parallel_loop3A_1148 : i32
      %parallel_loop3A_1150 = arith.constant 16 : i32
      %parallel_loop3A_1151 = arith.muli %parallel_loop3A_1149, %parallel_loop3A_1150 : i32
      %parallel_loop3A_1152 = arith.index_cast %parallel_loop3A_1151 : i32 to index
      %parallel_loop3A_1153 = tpu.vector_load %arg5[%parallel_loop3A_1152] {strides = array<i32>} : memref<33024xf32, #tpu.memory_space<vmem>>, vector<16xf32>,
      %parallel_loop3A_1154 = vector.shape_cast %parallel_loop3A_1153 : vector<16xf32> to vector<16xf32>
      %parallel_loop3A_1155 = vector.shape_cast %parallel_loop3A_1030 : vector<16xf32> to vector<16xf32>
      tpu.vector_store %arg5[%parallel_loop3A_1152], %parallel_loop3A_1155 {strides = array<i32>} : memref<33024xf32, #tpu.memory_space<vmem>>, vector<16xf32>,
      %parallel_loop3A_1156 = arith.addf %parallel_loop3A_998, %parallel_loop3A_1030 : vector<16xf32>
      %parallel_loop3A_1157 = arith.constant 16 : i32
      %parallel_loop3A_1158 = arith.addi %parallel_loop3A_991, %parallel_loop3A_1157 : i32
      %parallel_loop3A_1159 = arith.constant 6 : i32
      %parallel_loop3A_1160 = arith.addi %parallel_loop3A_1158, %parallel_loop3A_1159 : i32
      %parallel_loop3A_1161 = arith.constant 16 : i32
      %parallel_loop3A_1162 = arith.muli %parallel_loop3A_1160, %parallel_loop3A_1161 : i32
      %parallel_loop3A_1163 = arith.index_cast %parallel_loop3A_1162 : i32 to index
      %parallel_loop3A_1164 = tpu.vector_load %arg5[%parallel_loop3A_1163] {strides = array<i32>} : memref<33024xf32, #tpu.memory_space<vmem>>, vector<16xf32>,
      %parallel_loop3A_1165 = vector.shape_cast %parallel_loop3A_1164 : vector<16xf32> to vector<16xf32>
      %parallel_loop3A_1166 = arith.constant 7 : i32
      %parallel_loop3A_1167 = arith.addi %parallel_loop3A_991, %parallel_loop3A_1166 : i32
      %parallel_loop3A_1168 = arith.constant 16 : i32
      %parallel_loop3A_1169 = arith.muli %parallel_loop3A_1167, %parallel_loop3A_1168 : i32
      %parallel_loop3A_1170 = arith.index_cast %parallel_loop3A_1169 : i32 to index
      %parallel_loop3A_1171 = tpu.vector_load %arg5[%parallel_loop3A_1170] {strides = array<i32>} : memref<33024xf32, #tpu.memory_space<vmem>>, vector<16xf32>,
      %parallel_loop3A_1172 = vector.shape_cast %parallel_loop3A_1171 : vector<16xf32> to vector<16xf32>
      %parallel_loop3A_1173 = vector.shape_cast %parallel_loop3A_1031 : vector<16xf32> to vector<16xf32>
      tpu.vector_store %arg5[%parallel_loop3A_1170], %parallel_loop3A_1173 {strides = array<i32>} : memref<33024xf32, #tpu.memory_space<vmem>>, vector<16xf32>,
      %parallel_loop3A_1174 = arith.addf %parallel_loop3A_999, %parallel_loop3A_1031 : vector<16xf32>
      %parallel_loop3A_1175 = arith.constant 16 : i32
      %parallel_loop3A_1176 = arith.addi %parallel_loop3A_991, %parallel_loop3A_1175 : i32
      %parallel_loop3A_1177 = arith.constant 7 : i32
      %parallel_loop3A_1178 = arith.addi %parallel_loop3A_1176, %parallel_loop3A_1177 : i32
      %parallel_loop3A_1179 = arith.constant 16 : i32
      %parallel_loop3A_1180 = arith.muli %parallel_loop3A_1178, %parallel_loop3A_1179 : i32
      %parallel_loop3A_1181 = arith.index_cast %parallel_loop3A_1180 : i32 to index
      %parallel_loop3A_1182 = tpu.vector_load %arg5[%parallel_loop3A_1181] {strides = array<i32>} : memref<33024xf32, #tpu.memory_space<vmem>>, vector<16xf32>,
      %parallel_loop3A_1183 = vector.shape_cast %parallel_loop3A_1182 : vector<16xf32> to vector<16xf32>
      %parallel_loop3A_1184 = arith.constant 8 : i32
      %parallel_loop3A_1185 = arith.addi %parallel_loop3A_991, %parallel_loop3A_1184 : i32
      %parallel_loop3A_1186 = arith.constant 16 : i32
      %parallel_loop3A_1187 = arith.muli %parallel_loop3A_1185, %parallel_loop3A_1186 : i32
      %parallel_loop3A_1188 = arith.index_cast %parallel_loop3A_1187 : i32 to index
      %parallel_loop3A_1189 = tpu.vector_load %arg5[%parallel_loop3A_1188] {strides = array<i32>} : memref<33024xf32, #tpu.memory_space<vmem>>, vector<16xf32>,
      %parallel_loop3A_1190 = vector.shape_cast %parallel_loop3A_1189 : vector<16xf32> to vector<16xf32>
      %parallel_loop3A_1191 = vector.shape_cast %parallel_loop3A_1032 : vector<16xf32> to vector<16xf32>
      tpu.vector_store %arg5[%parallel_loop3A_1188], %parallel_loop3A_1191 {strides = array<i32>} : memref<33024xf32, #tpu.memory_space<vmem>>, vector<16xf32>,
      %parallel_loop3A_1192 = arith.addf %parallel_loop3A_1000, %parallel_loop3A_1032 : vector<16xf32>
      %parallel_loop3A_1193 = arith.constant 16 : i32
      %parallel_loop3A_1194 = arith.addi %parallel_loop3A_991, %parallel_loop3A_1193 : i32
      %parallel_loop3A_1195 = arith.constant 8 : i32
      %parallel_loop3A_1196 = arith.addi %parallel_loop3A_1194, %parallel_loop3A_1195 : i32
      %parallel_loop3A_1197 = arith.constant 16 : i32
      %parallel_loop3A_1198 = arith.muli %parallel_loop3A_1196, %parallel_loop3A_1197 : i32
      %parallel_loop3A_1199 = arith.index_cast %parallel_loop3A_1198 : i32 to index
      %parallel_loop3A_1200 = tpu.vector_load %arg5[%parallel_loop3A_1199] {strides = array<i32>} : memref<33024xf32, #tpu.memory_space<vmem>>, vector<16xf32>,
      %parallel_loop3A_1201 = vector.shape_cast %parallel_loop3A_1200 : vector<16xf32> to vector<16xf32>
      %parallel_loop3A_1202 = arith.constant 9 : i32
      %parallel_loop3A_1203 = arith.addi %parallel_loop3A_991, %parallel_loop3A_1202 : i32
      %parallel_loop3A_1204 = arith.constant 16 : i32
      %parallel_loop3A_1205 = arith.muli %parallel_loop3A_1203, %parallel_loop3A_1204 : i32
      %parallel_loop3A_1206 = arith.index_cast %parallel_loop3A_1205 : i32 to index
      %parallel_loop3A_1207 = tpu.vector_load %arg5[%parallel_loop3A_1206] {strides = array<i32>} : memref<33024xf32, #tpu.memory_space<vmem>>, vector<16xf32>,
      %parallel_loop3A_1208 = vector.shape_cast %parallel_loop3A_1207 : vector<16xf32> to vector<16xf32>
      %parallel_loop3A_1209 = vector.shape_cast %parallel_loop3A_1033 : vector<16xf32> to vector<16xf32>
      tpu.vector_store %arg5[%parallel_loop3A_1206], %parallel_loop3A_1209 {strides = array<i32>} : memref<33024xf32, #tpu.memory_space<vmem>>, vector<16xf32>,
      %parallel_loop3A_1210 = arith.addf %parallel_loop3A_1001, %parallel_loop3A_1033 : vector<16xf32>
      %parallel_loop3A_1211 = arith.constant 16 : i32
      %parallel_loop3A_1212 = arith.addi %parallel_loop3A_991, %parallel_loop3A_1211 : i32
      %parallel_loop3A_1213 = arith.constant 9 : i32
      %parallel_loop3A_1214 = arith.addi %parallel_loop3A_1212, %parallel_loop3A_1213 : i32
      %parallel_loop3A_1215 = arith.constant 16 : i32
      %parallel_loop3A_1216 = arith.muli %parallel_loop3A_1214, %parallel_loop3A_1215 : i32
      %parallel_loop3A_1217 = arith.index_cast %parallel_loop3A_1216 : i32 to index
      %parallel_loop3A_1218 = tpu.vector_load %arg5[%parallel_loop3A_1217] {strides = array<i32>} : memref<33024xf32, #tpu.memory_space<vmem>>, vector<16xf32>,
      %parallel_loop3A_1219 = vector.shape_cast %parallel_loop3A_1218 : vector<16xf32> to vector<16xf32>
      %parallel_loop3A_1220 = arith.constant 10 : i32
      %parallel_loop3A_1221 = arith.addi %parallel_loop3A_991, %parallel_loop3A_1220 : i32
      %parallel_loop3A_1222 = arith.constant 16 : i32
      %parallel_loop3A_1223 = arith.muli %parallel_loop3A_1221, %parallel_loop3A_1222 : i32
      %parallel_loop3A_1224 = arith.index_cast %parallel_loop3A_1223 : i32 to index
      %parallel_loop3A_1225 = tpu.vector_load %arg5[%parallel_loop3A_1224] {strides = array<i32>} : memref<33024xf32, #tpu.memory_space<vmem>>, vector<16xf32>,
      %parallel_loop3A_1226 = vector.shape_cast %parallel_loop3A_1225 : vector<16xf32> to vector<16xf32>
      %parallel_loop3A_1227 = vector.shape_cast %parallel_loop3A_1034 : vector<16xf32> to vector<16xf32>
      tpu.vector_store %arg5[%parallel_loop3A_1224], %parallel_loop3A_1227 {strides = array<i32>} : memref<33024xf32, #tpu.memory_space<vmem>>, vector<16xf32>,
      %parallel_loop3A_1228 = arith.addf %parallel_loop3A_1002, %parallel_loop3A_1034 : vector<16xf32>
      %parallel_loop3A_1229 = arith.constant 16 : i32
      %parallel_loop3A_1230 = arith.addi %parallel_loop3A_991, %parallel_loop3A_1229 : i32
      %parallel_loop3A_1231 = arith.constant 10 : i32
      %parallel_loop3A_1232 = arith.addi %parallel_loop3A_1230, %parallel_loop3A_1231 : i32
      %parallel_loop3A_1233 = arith.constant 16 : i32
      %parallel_loop3A_1234 = arith.muli %parallel_loop3A_1232, %parallel_loop3A_1233 : i32
      %parallel_loop3A_1235 = arith.index_cast %parallel_loop3A_1234 : i32 to index
      %parallel_loop3A_1236 = tpu.vector_load %arg5[%parallel_loop3A_1235] {strides = array<i32>} : memref<33024xf32, #tpu.memory_space<vmem>>, vector<16xf32>,
      %parallel_loop3A_1237 = vector.shape_cast %parallel_loop3A_1236 : vector<16xf32> to vector<16xf32>
      %parallel_loop3A_1238 = arith.constant 11 : i32
      %parallel_loop3A_1239 = arith.addi %parallel_loop3A_991, %parallel_loop3A_1238 : i32
      %parallel_loop3A_1240 = arith.constant 16 : i32
      %parallel_loop3A_1241 = arith.muli %parallel_loop3A_1239, %parallel_loop3A_1240 : i32
      %parallel_loop3A_1242 = arith.index_cast %parallel_loop3A_1241 : i32 to index
      %parallel_loop3A_1243 = tpu.vector_load %arg5[%parallel_loop3A_1242] {strides = array<i32>} : memref<33024xf32, #tpu.memory_space<vmem>>, vector<16xf32>,
      %parallel_loop3A_1244 = vector.shape_cast %parallel_loop3A_1243 : vector<16xf32> to vector<16xf32>
      %parallel_loop3A_1245 = vector.shape_cast %parallel_loop3A_1035 : vector<16xf32> to vector<16xf32>
      tpu.vector_store %arg5[%parallel_loop3A_1242], %parallel_loop3A_1245 {strides = array<i32>} : memref<33024xf32, #tpu.memory_space<vmem>>, vector<16xf32>,
      %parallel_loop3A_1246 = arith.addf %parallel_loop3A_1003, %parallel_loop3A_1035 : vector<16xf32>
      %parallel_loop3A_1247 = arith.constant 16 : i32
      %parallel_loop3A_1248 = arith.addi %parallel_loop3A_991, %parallel_loop3A_1247 : i32
      %parallel_loop3A_1249 = arith.constant 11 : i32
      %parallel_loop3A_1250 = arith.addi %parallel_loop3A_1248, %parallel_loop3A_1249 : i32
      %parallel_loop3A_1251 = arith.constant 16 : i32
      %parallel_loop3A_1252 = arith.muli %parallel_loop3A_1250, %parallel_loop3A_1251 : i32
      %parallel_loop3A_1253 = arith.index_cast %parallel_loop3A_1252 : i32 to index
      %parallel_loop3A_1254 = tpu.vector_load %arg5[%parallel_loop3A_1253] {strides = array<i32>} : memref<33024xf32, #tpu.memory_space<vmem>>, vector<16xf32>,
      %parallel_loop3A_1255 = vector.shape_cast %parallel_loop3A_1254 : vector<16xf32> to vector<16xf32>
      %parallel_loop3A_1256 = arith.constant 12 : i32
      %parallel_loop3A_1257 = arith.addi %parallel_loop3A_991, %parallel_loop3A_1256 : i32
      %parallel_loop3A_1258 = arith.constant 16 : i32
      %parallel_loop3A_1259 = arith.muli %parallel_loop3A_1257, %parallel_loop3A_1258 : i32
      %parallel_loop3A_1260 = arith.index_cast %parallel_loop3A_1259 : i32 to index
      %parallel_loop3A_1261 = tpu.vector_load %arg5[%parallel_loop3A_1260] {strides = array<i32>} : memref<33024xf32, #tpu.memory_space<vmem>>, vector<16xf32>,
      %parallel_loop3A_1262 = vector.shape_cast %parallel_loop3A_1261 : vector<16xf32> to vector<16xf32>
      %parallel_loop3A_1263 = vector.shape_cast %parallel_loop3A_1036 : vector<16xf32> to vector<16xf32>
      tpu.vector_store %arg5[%parallel_loop3A_1260], %parallel_loop3A_1263 {strides = array<i32>} : memref<33024xf32, #tpu.memory_space<vmem>>, vector<16xf32>,
      %parallel_loop3A_1264 = arith.addf %parallel_loop3A_1004, %parallel_loop3A_1036 : vector<16xf32>
      %parallel_loop3A_1265 = arith.constant 16 : i32
      %parallel_loop3A_1266 = arith.addi %parallel_loop3A_991, %parallel_loop3A_1265 : i32
      %parallel_loop3A_1267 = arith.constant 12 : i32
      %parallel_loop3A_1268 = arith.addi %parallel_loop3A_1266, %parallel_loop3A_1267 : i32
      %parallel_loop3A_1269 = arith.constant 16 : i32
      %parallel_loop3A_1270 = arith.muli %parallel_loop3A_1268, %parallel_loop3A_1269 : i32
      %parallel_loop3A_1271 = arith.index_cast %parallel_loop3A_1270 : i32 to index
      %parallel_loop3A_1272 = tpu.vector_load %arg5[%parallel_loop3A_1271] {strides = array<i32>} : memref<33024xf32, #tpu.memory_space<vmem>>, vector<16xf32>,
      %parallel_loop3A_1273 = vector.shape_cast %parallel_loop3A_1272 : vector<16xf32> to vector<16xf32>
      %parallel_loop3A_1274 = arith.constant 13 : i32
      %parallel_loop3A_1275 = arith.addi %parallel_loop3A_991, %parallel_loop3A_1274 : i32
      %parallel_loop3A_1276 = arith.constant 16 : i32
      %parallel_loop3A_1277 = arith.muli %parallel_loop3A_1275, %parallel_loop3A_1276 : i32
      %parallel_loop3A_1278 = arith.index_cast %parallel_loop3A_1277 : i32 to index
      %parallel_loop3A_1279 = tpu.vector_load %arg5[%parallel_loop3A_1278] {strides = array<i32>} : memref<33024xf32, #tpu.memory_space<vmem>>, vector<16xf32>,
      %parallel_loop3A_1280 = vector.shape_cast %parallel_loop3A_1279 : vector<16xf32> to vector<16xf32>
      %parallel_loop3A_1281 = vector.shape_cast %parallel_loop3A_1037 : vector<16xf32> to vector<16xf32>
      tpu.vector_store %arg5[%parallel_loop3A_1278], %parallel_loop3A_1281 {strides = array<i32>} : memref<33024xf32, #tpu.memory_space<vmem>>, vector<16xf32>,
      %parallel_loop3A_1282 = arith.addf %parallel_loop3A_1005, %parallel_loop3A_1037 : vector<16xf32>
      %parallel_loop3A_1283 = arith.constant 16 : i32
      %parallel_loop3A_1284 = arith.addi %parallel_loop3A_991, %parallel_loop3A_1283 : i32
      %parallel_loop3A_1285 = arith.constant 13 : i32
      %parallel_loop3A_1286 = arith.addi %parallel_loop3A_1284, %parallel_loop3A_1285 : i32
      %parallel_loop3A_1287 = arith.constant 16 : i32
      %parallel_loop3A_1288 = arith.muli %parallel_loop3A_1286, %parallel_loop3A_1287 : i32
      %parallel_loop3A_1289 = arith.index_cast %parallel_loop3A_1288 : i32 to index
      %parallel_loop3A_1290 = tpu.vector_load %arg5[%parallel_loop3A_1289] {strides = array<i32>} : memref<33024xf32, #tpu.memory_space<vmem>>, vector<16xf32>,
      %parallel_loop3A_1291 = vector.shape_cast %parallel_loop3A_1290 : vector<16xf32> to vector<16xf32>
      %parallel_loop3A_1292 = arith.constant 14 : i32
      %parallel_loop3A_1293 = arith.addi %parallel_loop3A_991, %parallel_loop3A_1292 : i32
      %parallel_loop3A_1294 = arith.constant 16 : i32
      %parallel_loop3A_1295 = arith.muli %parallel_loop3A_1293, %parallel_loop3A_1294 : i32
      %parallel_loop3A_1296 = arith.index_cast %parallel_loop3A_1295 : i32 to index
      %parallel_loop3A_1297 = tpu.vector_load %arg5[%parallel_loop3A_1296] {strides = array<i32>} : memref<33024xf32, #tpu.memory_space<vmem>>, vector<16xf32>,
      %parallel_loop3A_1298 = vector.shape_cast %parallel_loop3A_1297 : vector<16xf32> to vector<16xf32>
      %parallel_loop3A_1299 = vector.shape_cast %parallel_loop3A_1038 : vector<16xf32> to vector<16xf32>
      tpu.vector_store %arg5[%parallel_loop3A_1296], %parallel_loop3A_1299 {strides = array<i32>} : memref<33024xf32, #tpu.memory_space<vmem>>, vector<16xf32>,
      %parallel_loop3A_1300 = arith.addf %parallel_loop3A_1006, %parallel_loop3A_1038 : vector<16xf32>
      %parallel_loop3A_1301 = arith.constant 16 : i32
      %parallel_loop3A_1302 = arith.addi %parallel_loop3A_991, %parallel_loop3A_1301 : i32
      %parallel_loop3A_1303 = arith.constant 14 : i32
      %parallel_loop3A_1304 = arith.addi %parallel_loop3A_1302, %parallel_loop3A_1303 : i32
      %parallel_loop3A_1305 = arith.constant 16 : i32
      %parallel_loop3A_1306 = arith.muli %parallel_loop3A_1304, %parallel_loop3A_1305 : i32
      %parallel_loop3A_1307 = arith.index_cast %parallel_loop3A_1306 : i32 to index
      %parallel_loop3A_1308 = tpu.vector_load %arg5[%parallel_loop3A_1307] {strides = array<i32>} : memref<33024xf32, #tpu.memory_space<vmem>>, vector<16xf32>,
      %parallel_loop3A_1309 = vector.shape_cast %parallel_loop3A_1308 : vector<16xf32> to vector<16xf32>
      %parallel_loop3A_1310 = arith.constant 15 : i32
      %parallel_loop3A_1311 = arith.addi %parallel_loop3A_991, %parallel_loop3A_1310 : i32
      %parallel_loop3A_1312 = arith.constant 16 : i32
      %parallel_loop3A_1313 = arith.muli %parallel_loop3A_1311, %parallel_loop3A_1312 : i32
      %parallel_loop3A_1314 = arith.index_cast %parallel_loop3A_1313 : i32 to index
      %parallel_loop3A_1315 = tpu.vector_load %arg5[%parallel_loop3A_1314] {strides = array<i32>} : memref<33024xf32, #tpu.memory_space<vmem>>, vector<16xf32>,
      %parallel_loop3A_1316 = vector.shape_cast %parallel_loop3A_1315 : vector<16xf32> to vector<16xf32>
      %parallel_loop3A_1317 = vector.shape_cast %parallel_loop3A_1039 : vector<16xf32> to vector<16xf32>
      tpu.vector_store %arg5[%parallel_loop3A_1314], %parallel_loop3A_1317 {strides = array<i32>} : memref<33024xf32, #tpu.memory_space<vmem>>, vector<16xf32>,
      %parallel_loop3A_1318 = arith.addf %parallel_loop3A_1007, %parallel_loop3A_1039 : vector<16xf32>
      %parallel_loop3A_1319 = arith.constant 16 : i32
      %parallel_loop3A_1320 = arith.addi %parallel_loop3A_991, %parallel_loop3A_1319 : i32
      %parallel_loop3A_1321 = arith.constant 15 : i32
      %parallel_loop3A_1322 = arith.addi %parallel_loop3A_1320, %parallel_loop3A_1321 : i32
      %parallel_loop3A_1323 = arith.constant 16 : i32
      %parallel_loop3A_1324 = arith.muli %parallel_loop3A_1322, %parallel_loop3A_1323 : i32
      %parallel_loop3A_1325 = arith.index_cast %parallel_loop3A_1324 : i32 to index
      %parallel_loop3A_1326 = tpu.vector_load %arg5[%parallel_loop3A_1325] {strides = array<i32>} : memref<33024xf32, #tpu.memory_space<vmem>>, vector<16xf32>,
      %parallel_loop3A_1327 = vector.shape_cast %parallel_loop3A_1326 : vector<16xf32> to vector<16xf32>
      scf.yield %parallel_loop3A_1048, %parallel_loop3A_1066, %parallel_loop3A_1084, %parallel_loop3A_1102, %parallel_loop3A_1120, %parallel_loop3A_1138, %parallel_loop3A_1156, %parallel_loop3A_1174, %parallel_loop3A_1192, %parallel_loop3A_1210, %parallel_loop3A_1228, %parallel_loop3A_1246, %parallel_loop3A_1264, %parallel_loop3A_1282, %parallel_loop3A_1300, %parallel_loop3A_1318, %parallel_loop3A_1057, %parallel_loop3A_1075, %parallel_loop3A_1093, %parallel_loop3A_1111, %parallel_loop3A_1129, %parallel_loop3A_1147, %parallel_loop3A_1165, %parallel_loop3A_1183, %parallel_loop3A_1201, %parallel_loop3A_1219, %parallel_loop3A_1237, %parallel_loop3A_1255, %parallel_loop3A_1273, %parallel_loop3A_1291, %parallel_loop3A_1309, %parallel_loop3A_1327 : vector<16xf32>, vector<16xf32>, vector<16xf32>, vector<16xf32>, vector<16xf32>, vector<16xf32>, vector<16xf32>, vector<16xf32>, vector<16xf32>, vector<16xf32>, vector<16xf32>, vector<16xf32>, vector<16xf32>, vector<16xf32>, vector<16xf32>, vector<16xf32>, vector<16xf32>, vector<16xf32>, vector<16xf32>, vector<16xf32>, vector<16xf32>, vector<16xf32>, vector<16xf32>, vector<16xf32>, vector<16xf32>, vector<16xf32>, vector<16xf32>, vector<16xf32>, vector<16xf32>, vector<16xf32>, vector<16xf32>, vector<16xf32>
    } {sc.loop_unroll_factor = 1 : i64, sc.parallel_access}
    %add3A_388 = arith.addf %parallel_loop3A_387#0, %parallel_loop3A_387#1 : vector<16xf32>
    %add3A_389 = arith.addf %add3A_388, %parallel_loop3A_387#2 : vector<16xf32>
    %add3A_390 = arith.addf %add3A_389, %parallel_loop3A_387#3 : vector<16xf32>
    %add3A_391 = arith.addf %add3A_390, %parallel_loop3A_387#4 : vector<16xf32>
    %add3A_392 = arith.addf %add3A_391, %parallel_loop3A_387#5 : vector<16xf32>
    %add3A_393 = arith.addf %add3A_392, %parallel_loop3A_387#6 : vector<16xf32>
    %add3A_394 = arith.addf %add3A_393, %parallel_loop3A_387#7 : vector<16xf32>
    %add3A_395 = arith.addf %add3A_394, %parallel_loop3A_387#8 : vector<16xf32>
    %add3A_396 = arith.addf %add3A_395, %parallel_loop3A_387#9 : vector<16xf32>
    %add3A_397 = arith.addf %add3A_396, %parallel_loop3A_387#10 : vector<16xf32>
    %add3A_398 = arith.addf %add3A_397, %parallel_loop3A_387#11 : vector<16xf32>
    %add3A_399 = arith.addf %add3A_398, %parallel_loop3A_387#12 : vector<16xf32>
    %add3A_400 = arith.addf %add3A_399, %parallel_loop3A_387#13 : vector<16xf32>
    %add3A_401 = arith.addf %add3A_400, %parallel_loop3A_387#14 : vector<16xf32>
    %add3A_402 = arith.addf %add3A_401, %parallel_loop3A_387#15 : vector<16xf32>
    %iota3A_403 = tpu.iota {dimensions = array<i32: 0>} : vector<16xi32>
    %xor3A_404 = arith.constant 1 : i32
    %xor3A_405 = vector.broadcast %xor3A_404 : i32 to vector<16xi32>
    %xor3A_406 = arith.xori %iota3A_403, %xor3A_405 : vector<16xi32>
    %broadcast_in_dim3A_407 = vector.shape_cast %xor3A_406 : vector<16xi32> to vector<16x1xi32>
    %gather3A_408 = vector.shape_cast %broadcast_in_dim3A_407 : vector<16x1xi32> to vector<16xi32>
    %gather3A_409 = tpu.dynamic_gather %add3A_402[%gather3A_408] in [0] : vector<16xf32>, vector<16xi32> -> vector<16xf32>
    %add3A_410 = arith.addf %add3A_402, %gather3A_409 : vector<16xf32>
    %xor3A_411 = arith.constant 2 : i32
    %xor3A_412 = vector.broadcast %xor3A_411 : i32 to vector<16xi32>
    %xor3A_413 = arith.xori %iota3A_403, %xor3A_412 : vector<16xi32>
    %broadcast_in_dim3A_414 = vector.shape_cast %xor3A_413 : vector<16xi32> to vector<16x1xi32>
    %gather3A_415 = vector.shape_cast %broadcast_in_dim3A_414 : vector<16x1xi32> to vector<16xi32>
    %gather3A_416 = tpu.dynamic_gather %add3A_410[%gather3A_415] in [0] : vector<16xf32>, vector<16xi32> -> vector<16xf32>
    %add3A_417 = arith.addf %add3A_410, %gather3A_416 : vector<16xf32>
    %xor3A_418 = arith.constant 4 : i32
    %xor3A_419 = vector.broadcast %xor3A_418 : i32 to vector<16xi32>
    %xor3A_420 = arith.xori %iota3A_403, %xor3A_419 : vector<16xi32>
    %broadcast_in_dim3A_421 = vector.shape_cast %xor3A_420 : vector<16xi32> to vector<16x1xi32>
    %gather3A_422 = vector.shape_cast %broadcast_in_dim3A_421 : vector<16x1xi32> to vector<16xi32>
    %gather3A_423 = tpu.dynamic_gather %add3A_417[%gather3A_422] in [0] : vector<16xf32>, vector<16xi32> -> vector<16xf32>
    %add3A_424 = arith.addf %add3A_417, %gather3A_423 : vector<16xf32>
    %xor3A_425 = arith.constant 8 : i32
    %xor3A_426 = vector.broadcast %xor3A_425 : i32 to vector<16xi32>
    %xor3A_427 = arith.xori %iota3A_403, %xor3A_426 : vector<16xi32>
    %broadcast_in_dim3A_428 = vector.shape_cast %xor3A_427 : vector<16xi32> to vector<16x1xi32>
    %gather3A_429 = vector.shape_cast %broadcast_in_dim3A_428 : vector<16x1xi32> to vector<16xi32>
    %gather3A_430 = tpu.dynamic_gather %add3A_424[%gather3A_429] in [0] : vector<16xf32>, vector<16xi32> -> vector<16xf32>
    %add3A_431 = arith.addf %add3A_424, %gather3A_430 : vector<16xf32>
    %div3A_432 = arith.constant 1.000000e+00 : f32
    %div3A_433 = vector.broadcast %div3A_432 : f32 to vector<16xf32>
    %div3A_434 = arith.divf %div3A_433, %add3A_431 : vector<16xf32>
    %get3A_435 = arith.constant 0 : index
    %get3A_436 = tpu.vector_load %arg5[%get3A_435] {strides = array<i32>} : memref<33024xf32, #tpu.memory_space<vmem>>, vector<16xf32>,
    %get3A_437 = vector.shape_cast %get3A_436 : vector<16xf32> to vector<16xf32>
    %get3A_438 = arith.constant 16 : index
    %get3A_439 = tpu.vector_load %arg5[%get3A_438] {strides = array<i32>} : memref<33024xf32, #tpu.memory_space<vmem>>, vector<16xf32>,
    %get3A_440 = vector.shape_cast %get3A_439 : vector<16xf32> to vector<16xf32>
    %get3A_441 = arith.constant 32 : index
    %get3A_442 = tpu.vector_load %arg5[%get3A_441] {strides = array<i32>} : memref<33024xf32, #tpu.memory_space<vmem>>, vector<16xf32>,
    %get3A_443 = vector.shape_cast %get3A_442 : vector<16xf32> to vector<16xf32>
    %get3A_444 = arith.constant 48 : index
    %get3A_445 = tpu.vector_load %arg5[%get3A_444] {strides = array<i32>} : memref<33024xf32, #tpu.memory_space<vmem>>, vector<16xf32>,
    %get3A_446 = vector.shape_cast %get3A_445 : vector<16xf32> to vector<16xf32>
    %get3A_447 = arith.constant 64 : index
    %get3A_448 = tpu.vector_load %arg5[%get3A_447] {strides = array<i32>} : memref<33024xf32, #tpu.memory_space<vmem>>, vector<16xf32>,
    %get3A_449 = vector.shape_cast %get3A_448 : vector<16xf32> to vector<16xf32>
    %get3A_450 = arith.constant 80 : index
    %get3A_451 = tpu.vector_load %arg5[%get3A_450] {strides = array<i32>} : memref<33024xf32, #tpu.memory_space<vmem>>, vector<16xf32>,
    %get3A_452 = vector.shape_cast %get3A_451 : vector<16xf32> to vector<16xf32>
    %get3A_453 = arith.constant 96 : index
    %get3A_454 = tpu.vector_load %arg5[%get3A_453] {strides = array<i32>} : memref<33024xf32, #tpu.memory_space<vmem>>, vector<16xf32>,
    %get3A_455 = vector.shape_cast %get3A_454 : vector<16xf32> to vector<16xf32>
    %get3A_456 = arith.constant 112 : index
    %get3A_457 = tpu.vector_load %arg5[%get3A_456] {strides = array<i32>} : memref<33024xf32, #tpu.memory_space<vmem>>, vector<16xf32>,
    %get3A_458 = vector.shape_cast %get3A_457 : vector<16xf32> to vector<16xf32>
    %get3A_459 = arith.constant 128 : index
    %get3A_460 = tpu.vector_load %arg5[%get3A_459] {strides = array<i32>} : memref<33024xf32, #tpu.memory_space<vmem>>, vector<16xf32>,
    %get3A_461 = vector.shape_cast %get3A_460 : vector<16xf32> to vector<16xf32>
    %get3A_462 = arith.constant 144 : index
    %get3A_463 = tpu.vector_load %arg5[%get3A_462] {strides = array<i32>} : memref<33024xf32, #tpu.memory_space<vmem>>, vector<16xf32>,
    %get3A_464 = vector.shape_cast %get3A_463 : vector<16xf32> to vector<16xf32>
    %get3A_465 = arith.constant 160 : index
    %get3A_466 = tpu.vector_load %arg5[%get3A_465] {strides = array<i32>} : memref<33024xf32, #tpu.memory_space<vmem>>, vector<16xf32>,
    %get3A_467 = vector.shape_cast %get3A_466 : vector<16xf32> to vector<16xf32>
    %get3A_468 = arith.constant 176 : index
    %get3A_469 = tpu.vector_load %arg5[%get3A_468] {strides = array<i32>} : memref<33024xf32, #tpu.memory_space<vmem>>, vector<16xf32>,
    %get3A_470 = vector.shape_cast %get3A_469 : vector<16xf32> to vector<16xf32>
    %get3A_471 = arith.constant 192 : index
    %get3A_472 = tpu.vector_load %arg5[%get3A_471] {strides = array<i32>} : memref<33024xf32, #tpu.memory_space<vmem>>, vector<16xf32>,
    %get3A_473 = vector.shape_cast %get3A_472 : vector<16xf32> to vector<16xf32>
    %get3A_474 = arith.constant 208 : index
    %get3A_475 = tpu.vector_load %arg5[%get3A_474] {strides = array<i32>} : memref<33024xf32, #tpu.memory_space<vmem>>, vector<16xf32>,
    %get3A_476 = vector.shape_cast %get3A_475 : vector<16xf32> to vector<16xf32>
    %get3A_477 = arith.constant 224 : index
    %get3A_478 = tpu.vector_load %arg5[%get3A_477] {strides = array<i32>} : memref<33024xf32, #tpu.memory_space<vmem>>, vector<16xf32>,
    %get3A_479 = vector.shape_cast %get3A_478 : vector<16xf32> to vector<16xf32>
    %get3A_480 = arith.constant 240 : index
    %get3A_481 = tpu.vector_load %arg5[%get3A_480] {strides = array<i32>} : memref<33024xf32, #tpu.memory_space<vmem>>, vector<16xf32>,
    %get3A_482 = vector.shape_cast %get3A_481 : vector<16xf32> to vector<16xf32>
    %parallel_loop3A_483 = arith.constant 0 : i32
    %parallel_loop3A_484 = arith.constant 2048 : i32
    %parallel_loop3A_485 = arith.constant 16 : i32
    %parallel_loop3A_486:16 = scf.for %parallel_loop3A_991 = %parallel_loop3A_483 to %parallel_loop3A_484 step %parallel_loop3A_485 iter_args(%parallel_loop3A_992 = %get3A_437, %parallel_loop3A_993 = %get3A_440, %parallel_loop3A_994 = %get3A_443, %parallel_loop3A_995 = %get3A_446, %parallel_loop3A_996 = %get3A_449, %parallel_loop3A_997 = %get3A_452, %parallel_loop3A_998 = %get3A_455, %parallel_loop3A_999 = %get3A_458, %parallel_loop3A_1000 = %get3A_461, %parallel_loop3A_1001 = %get3A_464, %parallel_loop3A_1002 = %get3A_467, %parallel_loop3A_1003 = %get3A_470, %parallel_loop3A_1004 = %get3A_473, %parallel_loop3A_1005 = %get3A_476, %parallel_loop3A_1006 = %get3A_479, %parallel_loop3A_1007 = %get3A_482) -> (vector<16xf32>, vector<16xf32>, vector<16xf32>, vector<16xf32>, vector<16xf32>, vector<16xf32>, vector<16xf32>, vector<16xf32>, vector<16xf32>, vector<16xf32>, vector<16xf32>, vector<16xf32>, vector<16xf32>, vector<16xf32>, vector<16xf32>, vector<16xf32>)  : i32 {
      %parallel_loop3A_1008 = arith.mulf %parallel_loop3A_992, %div3A_434 : vector<16xf32>
      %parallel_loop3A_1009 = arith.constant 0 : i32
      %parallel_loop3A_1010 = arith.addi %parallel_loop3A_991, %parallel_loop3A_1009 : i32
      %parallel_loop3A_1011 = arith.constant 16 : i32
      %parallel_loop3A_1012 = arith.muli %parallel_loop3A_1010, %parallel_loop3A_1011 : i32
      %parallel_loop3A_1013 = arith.index_cast %parallel_loop3A_1012 : i32 to index
      %parallel_loop3A_1014 = tpu.vector_load %arg5[%parallel_loop3A_1013] {strides = array<i32>} : memref<33024xf32, #tpu.memory_space<vmem>>, vector<16xf32>,
      %parallel_loop3A_1015 = vector.shape_cast %parallel_loop3A_1014 : vector<16xf32> to vector<16xf32>
      %parallel_loop3A_1016 = vector.shape_cast %parallel_loop3A_1008 : vector<16xf32> to vector<16xf32>
      tpu.vector_store %arg5[%parallel_loop3A_1013], %parallel_loop3A_1016 {strides = array<i32>} : memref<33024xf32, #tpu.memory_space<vmem>>, vector<16xf32>,
      %parallel_loop3A_1017 = arith.constant 16 : i32
      %parallel_loop3A_1018 = arith.addi %parallel_loop3A_991, %parallel_loop3A_1017 : i32
      %parallel_loop3A_1019 = arith.constant 0 : i32
      %parallel_loop3A_1020 = arith.addi %parallel_loop3A_1018, %parallel_loop3A_1019 : i32
      %parallel_loop3A_1021 = arith.constant 16 : i32
      %parallel_loop3A_1022 = arith.muli %parallel_loop3A_1020, %parallel_loop3A_1021 : i32
      %parallel_loop3A_1023 = arith.index_cast %parallel_loop3A_1022 : i32 to index
      %parallel_loop3A_1024 = tpu.vector_load %arg5[%parallel_loop3A_1023] {strides = array<i32>} : memref<33024xf32, #tpu.memory_space<vmem>>, vector<16xf32>,
      %parallel_loop3A_1025 = vector.shape_cast %parallel_loop3A_1024 : vector<16xf32> to vector<16xf32>
      %parallel_loop3A_1026 = arith.mulf %parallel_loop3A_993, %div3A_434 : vector<16xf32>
      %parallel_loop3A_1027 = arith.constant 1 : i32
      %parallel_loop3A_1028 = arith.addi %parallel_loop3A_991, %parallel_loop3A_1027 : i32
      %parallel_loop3A_1029 = arith.constant 16 : i32
      %parallel_loop3A_1030 = arith.muli %parallel_loop3A_1028, %parallel_loop3A_1029 : i32
      %parallel_loop3A_1031 = arith.index_cast %parallel_loop3A_1030 : i32 to index
      %parallel_loop3A_1032 = tpu.vector_load %arg5[%parallel_loop3A_1031] {strides = array<i32>} : memref<33024xf32, #tpu.memory_space<vmem>>, vector<16xf32>,
      %parallel_loop3A_1033 = vector.shape_cast %parallel_loop3A_1032 : vector<16xf32> to vector<16xf32>
      %parallel_loop3A_1034 = vector.shape_cast %parallel_loop3A_1026 : vector<16xf32> to vector<16xf32>
      tpu.vector_store %arg5[%parallel_loop3A_1031], %parallel_loop3A_1034 {strides = array<i32>} : memref<33024xf32, #tpu.memory_space<vmem>>, vector<16xf32>,
      %parallel_loop3A_1035 = arith.constant 16 : i32
      %parallel_loop3A_1036 = arith.addi %parallel_loop3A_991, %parallel_loop3A_1035 : i32
      %parallel_loop3A_1037 = arith.constant 1 : i32
      %parallel_loop3A_1038 = arith.addi %parallel_loop3A_1036, %parallel_loop3A_1037 : i32
      %parallel_loop3A_1039 = arith.constant 16 : i32
      %parallel_loop3A_1040 = arith.muli %parallel_loop3A_1038, %parallel_loop3A_1039 : i32
      %parallel_loop3A_1041 = arith.index_cast %parallel_loop3A_1040 : i32 to index
      %parallel_loop3A_1042 = tpu.vector_load %arg5[%parallel_loop3A_1041] {strides = array<i32>} : memref<33024xf32, #tpu.memory_space<vmem>>, vector<16xf32>,
      %parallel_loop3A_1043 = vector.shape_cast %parallel_loop3A_1042 : vector<16xf32> to vector<16xf32>
      %parallel_loop3A_1044 = arith.mulf %parallel_loop3A_994, %div3A_434 : vector<16xf32>
      %parallel_loop3A_1045 = arith.constant 2 : i32
      %parallel_loop3A_1046 = arith.addi %parallel_loop3A_991, %parallel_loop3A_1045 : i32
      %parallel_loop3A_1047 = arith.constant 16 : i32
      %parallel_loop3A_1048 = arith.muli %parallel_loop3A_1046, %parallel_loop3A_1047 : i32
      %parallel_loop3A_1049 = arith.index_cast %parallel_loop3A_1048 : i32 to index
      %parallel_loop3A_1050 = tpu.vector_load %arg5[%parallel_loop3A_1049] {strides = array<i32>} : memref<33024xf32, #tpu.memory_space<vmem>>, vector<16xf32>,
      %parallel_loop3A_1051 = vector.shape_cast %parallel_loop3A_1050 : vector<16xf32> to vector<16xf32>
      %parallel_loop3A_1052 = vector.shape_cast %parallel_loop3A_1044 : vector<16xf32> to vector<16xf32>
      tpu.vector_store %arg5[%parallel_loop3A_1049], %parallel_loop3A_1052 {strides = array<i32>} : memref<33024xf32, #tpu.memory_space<vmem>>, vector<16xf32>,
      %parallel_loop3A_1053 = arith.constant 16 : i32
      %parallel_loop3A_1054 = arith.addi %parallel_loop3A_991, %parallel_loop3A_1053 : i32
      %parallel_loop3A_1055 = arith.constant 2 : i32
      %parallel_loop3A_1056 = arith.addi %parallel_loop3A_1054, %parallel_loop3A_1055 : i32
      %parallel_loop3A_1057 = arith.constant 16 : i32
      %parallel_loop3A_1058 = arith.muli %parallel_loop3A_1056, %parallel_loop3A_1057 : i32
      %parallel_loop3A_1059 = arith.index_cast %parallel_loop3A_1058 : i32 to index
      %parallel_loop3A_1060 = tpu.vector_load %arg5[%parallel_loop3A_1059] {strides = array<i32>} : memref<33024xf32, #tpu.memory_space<vmem>>, vector<16xf32>,
      %parallel_loop3A_1061 = vector.shape_cast %parallel_loop3A_1060 : vector<16xf32> to vector<16xf32>
      %parallel_loop3A_1062 = arith.mulf %parallel_loop3A_995, %div3A_434 : vector<16xf32>
      %parallel_loop3A_1063 = arith.constant 3 : i32
      %parallel_loop3A_1064 = arith.addi %parallel_loop3A_991, %parallel_loop3A_1063 : i32
      %parallel_loop3A_1065 = arith.constant 16 : i32
      %parallel_loop3A_1066 = arith.muli %parallel_loop3A_1064, %parallel_loop3A_1065 : i32
      %parallel_loop3A_1067 = arith.index_cast %parallel_loop3A_1066 : i32 to index
      %parallel_loop3A_1068 = tpu.vector_load %arg5[%parallel_loop3A_1067] {strides = array<i32>} : memref<33024xf32, #tpu.memory_space<vmem>>, vector<16xf32>,
      %parallel_loop3A_1069 = vector.shape_cast %parallel_loop3A_1068 : vector<16xf32> to vector<16xf32>
      %parallel_loop3A_1070 = vector.shape_cast %parallel_loop3A_1062 : vector<16xf32> to vector<16xf32>
      tpu.vector_store %arg5[%parallel_loop3A_1067], %parallel_loop3A_1070 {strides = array<i32>} : memref<33024xf32, #tpu.memory_space<vmem>>, vector<16xf32>,
      %parallel_loop3A_1071 = arith.constant 16 : i32
      %parallel_loop3A_1072 = arith.addi %parallel_loop3A_991, %parallel_loop3A_1071 : i32
      %parallel_loop3A_1073 = arith.constant 3 : i32
      %parallel_loop3A_1074 = arith.addi %parallel_loop3A_1072, %parallel_loop3A_1073 : i32
      %parallel_loop3A_1075 = arith.constant 16 : i32
      %parallel_loop3A_1076 = arith.muli %parallel_loop3A_1074, %parallel_loop3A_1075 : i32
      %parallel_loop3A_1077 = arith.index_cast %parallel_loop3A_1076 : i32 to index
      %parallel_loop3A_1078 = tpu.vector_load %arg5[%parallel_loop3A_1077] {strides = array<i32>} : memref<33024xf32, #tpu.memory_space<vmem>>, vector<16xf32>,
      %parallel_loop3A_1079 = vector.shape_cast %parallel_loop3A_1078 : vector<16xf32> to vector<16xf32>
      %parallel_loop3A_1080 = arith.mulf %parallel_loop3A_996, %div3A_434 : vector<16xf32>
      %parallel_loop3A_1081 = arith.constant 4 : i32
      %parallel_loop3A_1082 = arith.addi %parallel_loop3A_991, %parallel_loop3A_1081 : i32
      %parallel_loop3A_1083 = arith.constant 16 : i32
      %parallel_loop3A_1084 = arith.muli %parallel_loop3A_1082, %parallel_loop3A_1083 : i32
      %parallel_loop3A_1085 = arith.index_cast %parallel_loop3A_1084 : i32 to index
      %parallel_loop3A_1086 = tpu.vector_load %arg5[%parallel_loop3A_1085] {strides = array<i32>} : memref<33024xf32, #tpu.memory_space<vmem>>, vector<16xf32>,
      %parallel_loop3A_1087 = vector.shape_cast %parallel_loop3A_1086 : vector<16xf32> to vector<16xf32>
      %parallel_loop3A_1088 = vector.shape_cast %parallel_loop3A_1080 : vector<16xf32> to vector<16xf32>
      tpu.vector_store %arg5[%parallel_loop3A_1085], %parallel_loop3A_1088 {strides = array<i32>} : memref<33024xf32, #tpu.memory_space<vmem>>, vector<16xf32>,
      %parallel_loop3A_1089 = arith.constant 16 : i32
      %parallel_loop3A_1090 = arith.addi %parallel_loop3A_991, %parallel_loop3A_1089 : i32
      %parallel_loop3A_1091 = arith.constant 4 : i32
      %parallel_loop3A_1092 = arith.addi %parallel_loop3A_1090, %parallel_loop3A_1091 : i32
      %parallel_loop3A_1093 = arith.constant 16 : i32
      %parallel_loop3A_1094 = arith.muli %parallel_loop3A_1092, %parallel_loop3A_1093 : i32
      %parallel_loop3A_1095 = arith.index_cast %parallel_loop3A_1094 : i32 to index
      %parallel_loop3A_1096 = tpu.vector_load %arg5[%parallel_loop3A_1095] {strides = array<i32>} : memref<33024xf32, #tpu.memory_space<vmem>>, vector<16xf32>,
      %parallel_loop3A_1097 = vector.shape_cast %parallel_loop3A_1096 : vector<16xf32> to vector<16xf32>
      %parallel_loop3A_1098 = arith.mulf %parallel_loop3A_997, %div3A_434 : vector<16xf32>
      %parallel_loop3A_1099 = arith.constant 5 : i32
      %parallel_loop3A_1100 = arith.addi %parallel_loop3A_991, %parallel_loop3A_1099 : i32
      %parallel_loop3A_1101 = arith.constant 16 : i32
      %parallel_loop3A_1102 = arith.muli %parallel_loop3A_1100, %parallel_loop3A_1101 : i32
      %parallel_loop3A_1103 = arith.index_cast %parallel_loop3A_1102 : i32 to index
      %parallel_loop3A_1104 = tpu.vector_load %arg5[%parallel_loop3A_1103] {strides = array<i32>} : memref<33024xf32, #tpu.memory_space<vmem>>, vector<16xf32>,
      %parallel_loop3A_1105 = vector.shape_cast %parallel_loop3A_1104 : vector<16xf32> to vector<16xf32>
      %parallel_loop3A_1106 = vector.shape_cast %parallel_loop3A_1098 : vector<16xf32> to vector<16xf32>
      tpu.vector_store %arg5[%parallel_loop3A_1103], %parallel_loop3A_1106 {strides = array<i32>} : memref<33024xf32, #tpu.memory_space<vmem>>, vector<16xf32>,
      %parallel_loop3A_1107 = arith.constant 16 : i32
      %parallel_loop3A_1108 = arith.addi %parallel_loop3A_991, %parallel_loop3A_1107 : i32
      %parallel_loop3A_1109 = arith.constant 5 : i32
      %parallel_loop3A_1110 = arith.addi %parallel_loop3A_1108, %parallel_loop3A_1109 : i32
      %parallel_loop3A_1111 = arith.constant 16 : i32
      %parallel_loop3A_1112 = arith.muli %parallel_loop3A_1110, %parallel_loop3A_1111 : i32
      %parallel_loop3A_1113 = arith.index_cast %parallel_loop3A_1112 : i32 to index
      %parallel_loop3A_1114 = tpu.vector_load %arg5[%parallel_loop3A_1113] {strides = array<i32>} : memref<33024xf32, #tpu.memory_space<vmem>>, vector<16xf32>,
      %parallel_loop3A_1115 = vector.shape_cast %parallel_loop3A_1114 : vector<16xf32> to vector<16xf32>
      %parallel_loop3A_1116 = arith.mulf %parallel_loop3A_998, %div3A_434 : vector<16xf32>
      %parallel_loop3A_1117 = arith.constant 6 : i32
      %parallel_loop3A_1118 = arith.addi %parallel_loop3A_991, %parallel_loop3A_1117 : i32
      %parallel_loop3A_1119 = arith.constant 16 : i32
      %parallel_loop3A_1120 = arith.muli %parallel_loop3A_1118, %parallel_loop3A_1119 : i32
      %parallel_loop3A_1121 = arith.index_cast %parallel_loop3A_1120 : i32 to index
      %parallel_loop3A_1122 = tpu.vector_load %arg5[%parallel_loop3A_1121] {strides = array<i32>} : memref<33024xf32, #tpu.memory_space<vmem>>, vector<16xf32>,
      %parallel_loop3A_1123 = vector.shape_cast %parallel_loop3A_1122 : vector<16xf32> to vector<16xf32>
      %parallel_loop3A_1124 = vector.shape_cast %parallel_loop3A_1116 : vector<16xf32> to vector<16xf32>
      tpu.vector_store %arg5[%parallel_loop3A_1121], %parallel_loop3A_1124 {strides = array<i32>} : memref<33024xf32, #tpu.memory_space<vmem>>, vector<16xf32>,
      %parallel_loop3A_1125 = arith.constant 16 : i32
      %parallel_loop3A_1126 = arith.addi %parallel_loop3A_991, %parallel_loop3A_1125 : i32
      %parallel_loop3A_1127 = arith.constant 6 : i32
      %parallel_loop3A_1128 = arith.addi %parallel_loop3A_1126, %parallel_loop3A_1127 : i32
      %parallel_loop3A_1129 = arith.constant 16 : i32
      %parallel_loop3A_1130 = arith.muli %parallel_loop3A_1128, %parallel_loop3A_1129 : i32
      %parallel_loop3A_1131 = arith.index_cast %parallel_loop3A_1130 : i32 to index
      %parallel_loop3A_1132 = tpu.vector_load %arg5[%parallel_loop3A_1131] {strides = array<i32>} : memref<33024xf32, #tpu.memory_space<vmem>>, vector<16xf32>,
      %parallel_loop3A_1133 = vector.shape_cast %parallel_loop3A_1132 : vector<16xf32> to vector<16xf32>
      %parallel_loop3A_1134 = arith.mulf %parallel_loop3A_999, %div3A_434 : vector<16xf32>
      %parallel_loop3A_1135 = arith.constant 7 : i32
      %parallel_loop3A_1136 = arith.addi %parallel_loop3A_991, %parallel_loop3A_1135 : i32
      %parallel_loop3A_1137 = arith.constant 16 : i32
      %parallel_loop3A_1138 = arith.muli %parallel_loop3A_1136, %parallel_loop3A_1137 : i32
      %parallel_loop3A_1139 = arith.index_cast %parallel_loop3A_1138 : i32 to index
      %parallel_loop3A_1140 = tpu.vector_load %arg5[%parallel_loop3A_1139] {strides = array<i32>} : memref<33024xf32, #tpu.memory_space<vmem>>, vector<16xf32>,
      %parallel_loop3A_1141 = vector.shape_cast %parallel_loop3A_1140 : vector<16xf32> to vector<16xf32>
      %parallel_loop3A_1142 = vector.shape_cast %parallel_loop3A_1134 : vector<16xf32> to vector<16xf32>
      tpu.vector_store %arg5[%parallel_loop3A_1139], %parallel_loop3A_1142 {strides = array<i32>} : memref<33024xf32, #tpu.memory_space<vmem>>, vector<16xf32>,
      %parallel_loop3A_1143 = arith.constant 16 : i32
      %parallel_loop3A_1144 = arith.addi %parallel_loop3A_991, %parallel_loop3A_1143 : i32
      %parallel_loop3A_1145 = arith.constant 7 : i32
      %parallel_loop3A_1146 = arith.addi %parallel_loop3A_1144, %parallel_loop3A_1145 : i32
      %parallel_loop3A_1147 = arith.constant 16 : i32
      %parallel_loop3A_1148 = arith.muli %parallel_loop3A_1146, %parallel_loop3A_1147 : i32
      %parallel_loop3A_1149 = arith.index_cast %parallel_loop3A_1148 : i32 to index
      %parallel_loop3A_1150 = tpu.vector_load %arg5[%parallel_loop3A_1149] {strides = array<i32>} : memref<33024xf32, #tpu.memory_space<vmem>>, vector<16xf32>,
      %parallel_loop3A_1151 = vector.shape_cast %parallel_loop3A_1150 : vector<16xf32> to vector<16xf32>
      %parallel_loop3A_1152 = arith.mulf %parallel_loop3A_1000, %div3A_434 : vector<16xf32>
      %parallel_loop3A_1153 = arith.constant 8 : i32
      %parallel_loop3A_1154 = arith.addi %parallel_loop3A_991, %parallel_loop3A_1153 : i32
      %parallel_loop3A_1155 = arith.constant 16 : i32
      %parallel_loop3A_1156 = arith.muli %parallel_loop3A_1154, %parallel_loop3A_1155 : i32
      %parallel_loop3A_1157 = arith.index_cast %parallel_loop3A_1156 : i32 to index
      %parallel_loop3A_1158 = tpu.vector_load %arg5[%parallel_loop3A_1157] {strides = array<i32>} : memref<33024xf32, #tpu.memory_space<vmem>>, vector<16xf32>,
      %parallel_loop3A_1159 = vector.shape_cast %parallel_loop3A_1158 : vector<16xf32> to vector<16xf32>
      %parallel_loop3A_1160 = vector.shape_cast %parallel_loop3A_1152 : vector<16xf32> to vector<16xf32>
      tpu.vector_store %arg5[%parallel_loop3A_1157], %parallel_loop3A_1160 {strides = array<i32>} : memref<33024xf32, #tpu.memory_space<vmem>>, vector<16xf32>,
      %parallel_loop3A_1161 = arith.constant 16 : i32
      %parallel_loop3A_1162 = arith.addi %parallel_loop3A_991, %parallel_loop3A_1161 : i32
      %parallel_loop3A_1163 = arith.constant 8 : i32
      %parallel_loop3A_1164 = arith.addi %parallel_loop3A_1162, %parallel_loop3A_1163 : i32
      %parallel_loop3A_1165 = arith.constant 16 : i32
      %parallel_loop3A_1166 = arith.muli %parallel_loop3A_1164, %parallel_loop3A_1165 : i32
      %parallel_loop3A_1167 = arith.index_cast %parallel_loop3A_1166 : i32 to index
      %parallel_loop3A_1168 = tpu.vector_load %arg5[%parallel_loop3A_1167] {strides = array<i32>} : memref<33024xf32, #tpu.memory_space<vmem>>, vector<16xf32>,
      %parallel_loop3A_1169 = vector.shape_cast %parallel_loop3A_1168 : vector<16xf32> to vector<16xf32>
      %parallel_loop3A_1170 = arith.mulf %parallel_loop3A_1001, %div3A_434 : vector<16xf32>
      %parallel_loop3A_1171 = arith.constant 9 : i32
      %parallel_loop3A_1172 = arith.addi %parallel_loop3A_991, %parallel_loop3A_1171 : i32
      %parallel_loop3A_1173 = arith.constant 16 : i32
      %parallel_loop3A_1174 = arith.muli %parallel_loop3A_1172, %parallel_loop3A_1173 : i32
      %parallel_loop3A_1175 = arith.index_cast %parallel_loop3A_1174 : i32 to index
      %parallel_loop3A_1176 = tpu.vector_load %arg5[%parallel_loop3A_1175] {strides = array<i32>} : memref<33024xf32, #tpu.memory_space<vmem>>, vector<16xf32>,
      %parallel_loop3A_1177 = vector.shape_cast %parallel_loop3A_1176 : vector<16xf32> to vector<16xf32>
      %parallel_loop3A_1178 = vector.shape_cast %parallel_loop3A_1170 : vector<16xf32> to vector<16xf32>
      tpu.vector_store %arg5[%parallel_loop3A_1175], %parallel_loop3A_1178 {strides = array<i32>} : memref<33024xf32, #tpu.memory_space<vmem>>, vector<16xf32>,
      %parallel_loop3A_1179 = arith.constant 16 : i32
      %parallel_loop3A_1180 = arith.addi %parallel_loop3A_991, %parallel_loop3A_1179 : i32
      %parallel_loop3A_1181 = arith.constant 9 : i32
      %parallel_loop3A_1182 = arith.addi %parallel_loop3A_1180, %parallel_loop3A_1181 : i32
      %parallel_loop3A_1183 = arith.constant 16 : i32
      %parallel_loop3A_1184 = arith.muli %parallel_loop3A_1182, %parallel_loop3A_1183 : i32
      %parallel_loop3A_1185 = arith.index_cast %parallel_loop3A_1184 : i32 to index
      %parallel_loop3A_1186 = tpu.vector_load %arg5[%parallel_loop3A_1185] {strides = array<i32>} : memref<33024xf32, #tpu.memory_space<vmem>>, vector<16xf32>,
      %parallel_loop3A_1187 = vector.shape_cast %parallel_loop3A_1186 : vector<16xf32> to vector<16xf32>
      %parallel_loop3A_1188 = arith.mulf %parallel_loop3A_1002, %div3A_434 : vector<16xf32>
      %parallel_loop3A_1189 = arith.constant 10 : i32
      %parallel_loop3A_1190 = arith.addi %parallel_loop3A_991, %parallel_loop3A_1189 : i32
      %parallel_loop3A_1191 = arith.constant 16 : i32
      %parallel_loop3A_1192 = arith.muli %parallel_loop3A_1190, %parallel_loop3A_1191 : i32
      %parallel_loop3A_1193 = arith.index_cast %parallel_loop3A_1192 : i32 to index
      %parallel_loop3A_1194 = tpu.vector_load %arg5[%parallel_loop3A_1193] {strides = array<i32>} : memref<33024xf32, #tpu.memory_space<vmem>>, vector<16xf32>,
      %parallel_loop3A_1195 = vector.shape_cast %parallel_loop3A_1194 : vector<16xf32> to vector<16xf32>
      %parallel_loop3A_1196 = vector.shape_cast %parallel_loop3A_1188 : vector<16xf32> to vector<16xf32>
      tpu.vector_store %arg5[%parallel_loop3A_1193], %parallel_loop3A_1196 {strides = array<i32>} : memref<33024xf32, #tpu.memory_space<vmem>>, vector<16xf32>,
      %parallel_loop3A_1197 = arith.constant 16 : i32
      %parallel_loop3A_1198 = arith.addi %parallel_loop3A_991, %parallel_loop3A_1197 : i32
      %parallel_loop3A_1199 = arith.constant 10 : i32
      %parallel_loop3A_1200 = arith.addi %parallel_loop3A_1198, %parallel_loop3A_1199 : i32
      %parallel_loop3A_1201 = arith.constant 16 : i32
      %parallel_loop3A_1202 = arith.muli %parallel_loop3A_1200, %parallel_loop3A_1201 : i32
      %parallel_loop3A_1203 = arith.index_cast %parallel_loop3A_1202 : i32 to index
      %parallel_loop3A_1204 = tpu.vector_load %arg5[%parallel_loop3A_1203] {strides = array<i32>} : memref<33024xf32, #tpu.memory_space<vmem>>, vector<16xf32>,
      %parallel_loop3A_1205 = vector.shape_cast %parallel_loop3A_1204 : vector<16xf32> to vector<16xf32>
      %parallel_loop3A_1206 = arith.mulf %parallel_loop3A_1003, %div3A_434 : vector<16xf32>
      %parallel_loop3A_1207 = arith.constant 11 : i32
      %parallel_loop3A_1208 = arith.addi %parallel_loop3A_991, %parallel_loop3A_1207 : i32
      %parallel_loop3A_1209 = arith.constant 16 : i32
      %parallel_loop3A_1210 = arith.muli %parallel_loop3A_1208, %parallel_loop3A_1209 : i32
      %parallel_loop3A_1211 = arith.index_cast %parallel_loop3A_1210 : i32 to index
      %parallel_loop3A_1212 = tpu.vector_load %arg5[%parallel_loop3A_1211] {strides = array<i32>} : memref<33024xf32, #tpu.memory_space<vmem>>, vector<16xf32>,
      %parallel_loop3A_1213 = vector.shape_cast %parallel_loop3A_1212 : vector<16xf32> to vector<16xf32>
      %parallel_loop3A_1214 = vector.shape_cast %parallel_loop3A_1206 : vector<16xf32> to vector<16xf32>
      tpu.vector_store %arg5[%parallel_loop3A_1211], %parallel_loop3A_1214 {strides = array<i32>} : memref<33024xf32, #tpu.memory_space<vmem>>, vector<16xf32>,
      %parallel_loop3A_1215 = arith.constant 16 : i32
      %parallel_loop3A_1216 = arith.addi %parallel_loop3A_991, %parallel_loop3A_1215 : i32
      %parallel_loop3A_1217 = arith.constant 11 : i32
      %parallel_loop3A_1218 = arith.addi %parallel_loop3A_1216, %parallel_loop3A_1217 : i32
      %parallel_loop3A_1219 = arith.constant 16 : i32
      %parallel_loop3A_1220 = arith.muli %parallel_loop3A_1218, %parallel_loop3A_1219 : i32
      %parallel_loop3A_1221 = arith.index_cast %parallel_loop3A_1220 : i32 to index
      %parallel_loop3A_1222 = tpu.vector_load %arg5[%parallel_loop3A_1221] {strides = array<i32>} : memref<33024xf32, #tpu.memory_space<vmem>>, vector<16xf32>,
      %parallel_loop3A_1223 = vector.shape_cast %parallel_loop3A_1222 : vector<16xf32> to vector<16xf32>
      %parallel_loop3A_1224 = arith.mulf %parallel_loop3A_1004, %div3A_434 : vector<16xf32>
      %parallel_loop3A_1225 = arith.constant 12 : i32
      %parallel_loop3A_1226 = arith.addi %parallel_loop3A_991, %parallel_loop3A_1225 : i32
      %parallel_loop3A_1227 = arith.constant 16 : i32
      %parallel_loop3A_1228 = arith.muli %parallel_loop3A_1226, %parallel_loop3A_1227 : i32
      %parallel_loop3A_1229 = arith.index_cast %parallel_loop3A_1228 : i32 to index
      %parallel_loop3A_1230 = tpu.vector_load %arg5[%parallel_loop3A_1229] {strides = array<i32>} : memref<33024xf32, #tpu.memory_space<vmem>>, vector<16xf32>,
      %parallel_loop3A_1231 = vector.shape_cast %parallel_loop3A_1230 : vector<16xf32> to vector<16xf32>
      %parallel_loop3A_1232 = vector.shape_cast %parallel_loop3A_1224 : vector<16xf32> to vector<16xf32>
      tpu.vector_store %arg5[%parallel_loop3A_1229], %parallel_loop3A_1232 {strides = array<i32>} : memref<33024xf32, #tpu.memory_space<vmem>>, vector<16xf32>,
      %parallel_loop3A_1233 = arith.constant 16 : i32
      %parallel_loop3A_1234 = arith.addi %parallel_loop3A_991, %parallel_loop3A_1233 : i32
      %parallel_loop3A_1235 = arith.constant 12 : i32
      %parallel_loop3A_1236 = arith.addi %parallel_loop3A_1234, %parallel_loop3A_1235 : i32
      %parallel_loop3A_1237 = arith.constant 16 : i32
      %parallel_loop3A_1238 = arith.muli %parallel_loop3A_1236, %parallel_loop3A_1237 : i32
      %parallel_loop3A_1239 = arith.index_cast %parallel_loop3A_1238 : i32 to index
      %parallel_loop3A_1240 = tpu.vector_load %arg5[%parallel_loop3A_1239] {strides = array<i32>} : memref<33024xf32, #tpu.memory_space<vmem>>, vector<16xf32>,
      %parallel_loop3A_1241 = vector.shape_cast %parallel_loop3A_1240 : vector<16xf32> to vector<16xf32>
      %parallel_loop3A_1242 = arith.mulf %parallel_loop3A_1005, %div3A_434 : vector<16xf32>
      %parallel_loop3A_1243 = arith.constant 13 : i32
      %parallel_loop3A_1244 = arith.addi %parallel_loop3A_991, %parallel_loop3A_1243 : i32
      %parallel_loop3A_1245 = arith.constant 16 : i32
      %parallel_loop3A_1246 = arith.muli %parallel_loop3A_1244, %parallel_loop3A_1245 : i32
      %parallel_loop3A_1247 = arith.index_cast %parallel_loop3A_1246 : i32 to index
      %parallel_loop3A_1248 = tpu.vector_load %arg5[%parallel_loop3A_1247] {strides = array<i32>} : memref<33024xf32, #tpu.memory_space<vmem>>, vector<16xf32>,
      %parallel_loop3A_1249 = vector.shape_cast %parallel_loop3A_1248 : vector<16xf32> to vector<16xf32>
      %parallel_loop3A_1250 = vector.shape_cast %parallel_loop3A_1242 : vector<16xf32> to vector<16xf32>
      tpu.vector_store %arg5[%parallel_loop3A_1247], %parallel_loop3A_1250 {strides = array<i32>} : memref<33024xf32, #tpu.memory_space<vmem>>, vector<16xf32>,
      %parallel_loop3A_1251 = arith.constant 16 : i32
      %parallel_loop3A_1252 = arith.addi %parallel_loop3A_991, %parallel_loop3A_1251 : i32
      %parallel_loop3A_1253 = arith.constant 13 : i32
      %parallel_loop3A_1254 = arith.addi %parallel_loop3A_1252, %parallel_loop3A_1253 : i32
      %parallel_loop3A_1255 = arith.constant 16 : i32
      %parallel_loop3A_1256 = arith.muli %parallel_loop3A_1254, %parallel_loop3A_1255 : i32
      %parallel_loop3A_1257 = arith.index_cast %parallel_loop3A_1256 : i32 to index
      %parallel_loop3A_1258 = tpu.vector_load %arg5[%parallel_loop3A_1257] {strides = array<i32>} : memref<33024xf32, #tpu.memory_space<vmem>>, vector<16xf32>,
      %parallel_loop3A_1259 = vector.shape_cast %parallel_loop3A_1258 : vector<16xf32> to vector<16xf32>
      %parallel_loop3A_1260 = arith.mulf %parallel_loop3A_1006, %div3A_434 : vector<16xf32>
      %parallel_loop3A_1261 = arith.constant 14 : i32
      %parallel_loop3A_1262 = arith.addi %parallel_loop3A_991, %parallel_loop3A_1261 : i32
      %parallel_loop3A_1263 = arith.constant 16 : i32
      %parallel_loop3A_1264 = arith.muli %parallel_loop3A_1262, %parallel_loop3A_1263 : i32
      %parallel_loop3A_1265 = arith.index_cast %parallel_loop3A_1264 : i32 to index
      %parallel_loop3A_1266 = tpu.vector_load %arg5[%parallel_loop3A_1265] {strides = array<i32>} : memref<33024xf32, #tpu.memory_space<vmem>>, vector<16xf32>,
      %parallel_loop3A_1267 = vector.shape_cast %parallel_loop3A_1266 : vector<16xf32> to vector<16xf32>
      %parallel_loop3A_1268 = vector.shape_cast %parallel_loop3A_1260 : vector<16xf32> to vector<16xf32>
      tpu.vector_store %arg5[%parallel_loop3A_1265], %parallel_loop3A_1268 {strides = array<i32>} : memref<33024xf32, #tpu.memory_space<vmem>>, vector<16xf32>,
      %parallel_loop3A_1269 = arith.constant 16 : i32
      %parallel_loop3A_1270 = arith.addi %parallel_loop3A_991, %parallel_loop3A_1269 : i32
      %parallel_loop3A_1271 = arith.constant 14 : i32
      %parallel_loop3A_1272 = arith.addi %parallel_loop3A_1270, %parallel_loop3A_1271 : i32
      %parallel_loop3A_1273 = arith.constant 16 : i32
      %parallel_loop3A_1274 = arith.muli %parallel_loop3A_1272, %parallel_loop3A_1273 : i32
      %parallel_loop3A_1275 = arith.index_cast %parallel_loop3A_1274 : i32 to index
      %parallel_loop3A_1276 = tpu.vector_load %arg5[%parallel_loop3A_1275] {strides = array<i32>} : memref<33024xf32, #tpu.memory_space<vmem>>, vector<16xf32>,
      %parallel_loop3A_1277 = vector.shape_cast %parallel_loop3A_1276 : vector<16xf32> to vector<16xf32>
      %parallel_loop3A_1278 = arith.mulf %parallel_loop3A_1007, %div3A_434 : vector<16xf32>
      %parallel_loop3A_1279 = arith.constant 15 : i32
      %parallel_loop3A_1280 = arith.addi %parallel_loop3A_991, %parallel_loop3A_1279 : i32
      %parallel_loop3A_1281 = arith.constant 16 : i32
      %parallel_loop3A_1282 = arith.muli %parallel_loop3A_1280, %parallel_loop3A_1281 : i32
      %parallel_loop3A_1283 = arith.index_cast %parallel_loop3A_1282 : i32 to index
      %parallel_loop3A_1284 = tpu.vector_load %arg5[%parallel_loop3A_1283] {strides = array<i32>} : memref<33024xf32, #tpu.memory_space<vmem>>, vector<16xf32>,
      %parallel_loop3A_1285 = vector.shape_cast %parallel_loop3A_1284 : vector<16xf32> to vector<16xf32>
      %parallel_loop3A_1286 = vector.shape_cast %parallel_loop3A_1278 : vector<16xf32> to vector<16xf32>
      tpu.vector_store %arg5[%parallel_loop3A_1283], %parallel_loop3A_1286 {strides = array<i32>} : memref<33024xf32, #tpu.memory_space<vmem>>, vector<16xf32>,
      %parallel_loop3A_1287 = arith.constant 16 : i32
      %parallel_loop3A_1288 = arith.addi %parallel_loop3A_991, %parallel_loop3A_1287 : i32
      %parallel_loop3A_1289 = arith.constant 15 : i32
      %parallel_loop3A_1290 = arith.addi %parallel_loop3A_1288, %parallel_loop3A_1289 : i32
      %parallel_loop3A_1291 = arith.constant 16 : i32
      %parallel_loop3A_1292 = arith.muli %parallel_loop3A_1290, %parallel_loop3A_1291 : i32
      %parallel_loop3A_1293 = arith.index_cast %parallel_loop3A_1292 : i32 to index
      %parallel_loop3A_1294 = tpu.vector_load %arg5[%parallel_loop3A_1293] {strides = array<i32>} : memref<33024xf32, #tpu.memory_space<vmem>>, vector<16xf32>,
      %parallel_loop3A_1295 = vector.shape_cast %parallel_loop3A_1294 : vector<16xf32> to vector<16xf32>
      scf.yield %parallel_loop3A_1025, %parallel_loop3A_1043, %parallel_loop3A_1061, %parallel_loop3A_1079, %parallel_loop3A_1097, %parallel_loop3A_1115, %parallel_loop3A_1133, %parallel_loop3A_1151, %parallel_loop3A_1169, %parallel_loop3A_1187, %parallel_loop3A_1205, %parallel_loop3A_1223, %parallel_loop3A_1241, %parallel_loop3A_1259, %parallel_loop3A_1277, %parallel_loop3A_1295 : vector<16xf32>, vector<16xf32>, vector<16xf32>, vector<16xf32>, vector<16xf32>, vector<16xf32>, vector<16xf32>, vector<16xf32>, vector<16xf32>, vector<16xf32>, vector<16xf32>, vector<16xf32>, vector<16xf32>, vector<16xf32>, vector<16xf32>, vector<16xf32>
    } {sc.loop_unroll_factor = 1 : i64, sc.parallel_access}
    %dma_start3A_487 = arith.constant 0 : i32
    %dma_start3A_488 = tpu.memref_slice %arg5[%dma_start3A_487] : memref<33024xf32, #tpu.memory_space<vmem>> -> memref<32768xf32, #tpu.memory_space<vmem>>
    %dma_start3A_489 = arith.constant 0 : i32
    %dma_start3A_490 = tpu.memref_slice %arg3[%add3A_8, %dma_start3A_489] : memref<128x32768xf32, #tpu.memory_space<hbm>> -> memref<1x32768xf32, #tpu.memory_space<hbm>>
    %dma_start3A_491 = tpu.memref_squeeze %dma_start3A_490 : memref<1x32768xf32, #tpu.memory_space<hbm>> -> memref<32768xf32, #tpu.memory_space<hbm>>
    %dma_start3A_492 = arith.constant 0 : i32
    %dma_start3A_493 = tpu.memref_slice %arg3[%add3A_8, %dma_start3A_492] : memref<128x32768xf32, #tpu.memory_space<hbm>> -> memref<1x32768xf32, #tpu.memory_space<hbm>>
    %dma_start3A_494 = tpu.memref_squeeze %dma_start3A_493 : memref<1x32768xf32, #tpu.memory_space<hbm>> -> memref<32768xf32, #tpu.memory_space<hbm>>
    %dma_start3A_495 = arith.constant 0 : i32
    %dma_start3A_496 = tpu.memref_slice %arg5[%dma_start3A_495] : memref<33024xf32, #tpu.memory_space<vmem>> -> memref<32768xf32, #tpu.memory_space<vmem>>
    tpu.enqueue_dma source(%dma_start3A_496 : memref<32768xf32, #tpu.memory_space<vmem>>) target(%dma_start3A_494 : memref<32768xf32, #tpu.memory_space<hbm>>) target_semaphore(%arg11 : memref<!tpu.dma_semaphore, #tpu.memory_space<semaphore_mem>>)
    %dma_wait3A_497 = arith.constant 0 : i32
    %dma_wait3A_498 = tpu.memref_slice %arg6[%dma_wait3A_497] : memref<33024xf32, #tpu.memory_space<vmem>> -> memref<32768xf32, #tpu.memory_space<vmem>>
    %dma_wait3A_499 = arith.constant 0 : i32
    %dma_wait3A_500 = tpu.memref_slice %arg2[%add3A_12, %dma_wait3A_499] : memref<128x32768xf32, #tpu.memory_space<hbm>> -> memref<1x32768xf32, #tpu.memory_space<hbm>>
    %dma_wait3A_501 = tpu.memref_squeeze %dma_wait3A_500 : memref<1x32768xf32, #tpu.memory_space<hbm>> -> memref<32768xf32, #tpu.memory_space<hbm>>
    %dma_wait3A_502 = arith.constant 0 : i32
    %dma_wait3A_503 = tpu.memref_slice %arg6[%dma_wait3A_502] : memref<33024xf32, #tpu.memory_space<vmem>> -> memref<32768xf32, #tpu.memory_space<vmem>>
    %dma_wait3A_504 = arith.constant 0 : i32
    %dma_wait3A_505 = tpu.memref_slice %arg2[%add3A_12, %dma_wait3A_504] : memref<128x32768xf32, #tpu.memory_space<hbm>> -> memref<1x32768xf32, #tpu.memory_space<hbm>>
    %dma_wait3A_506 = tpu.memref_squeeze %dma_wait3A_505 : memref<1x32768xf32, #tpu.memory_space<hbm>> -> memref<32768xf32, #tpu.memory_space<hbm>>
    tpu.wait_dma2 semaphore(%arg9 : memref<!tpu.dma_semaphore, #tpu.memory_space<semaphore_mem>>) src(%dma_wait3A_506 : memref<32768xf32, #tpu.memory_space<hbm>>) dst(%dma_wait3A_503 : memref<32768xf32, #tpu.memory_space<vmem>>)
    %dma_wait3A_507 = arith.constant 0 : i32
    %dma_wait3A_508 = tpu.memref_slice %arg4[%dma_wait3A_507] : memref<33024xf32, #tpu.memory_space<vmem>> -> memref<32768xf32, #tpu.memory_space<vmem>>
    %dma_wait3A_509 = arith.constant 0 : i32
    %dma_wait3A_510 = tpu.memref_slice %arg3[%add3A_4, %dma_wait3A_509] : memref<128x32768xf32, #tpu.memory_space<hbm>> -> memref<1x32768xf32, #tpu.memory_space<hbm>>
    %dma_wait3A_511 = tpu.memref_squeeze %dma_wait3A_510 : memref<1x32768xf32, #tpu.memory_space<hbm>> -> memref<32768xf32, #tpu.memory_space<hbm>>
    %dma_wait3A_512 = arith.constant 0 : i32
    %dma_wait3A_513 = tpu.memref_slice %arg3[%add3A_4, %dma_wait3A_512] : memref<128x32768xf32, #tpu.memory_space<hbm>> -> memref<1x32768xf32, #tpu.memory_space<hbm>>
    %dma_wait3A_514 = tpu.memref_squeeze %dma_wait3A_513 : memref<1x32768xf32, #tpu.memory_space<hbm>> -> memref<32768xf32, #tpu.memory_space<hbm>>
    %dma_wait3A_515 = arith.constant 0 : i32
    %dma_wait3A_516 = tpu.memref_slice %arg4[%dma_wait3A_515] : memref<33024xf32, #tpu.memory_space<vmem>> -> memref<32768xf32, #tpu.memory_space<vmem>>
    tpu.wait_dma2 semaphore(%arg10 : memref<!tpu.dma_semaphore, #tpu.memory_space<semaphore_mem>>) src(%dma_wait3A_516 : memref<32768xf32, #tpu.memory_space<vmem>>) dst(%dma_wait3A_514 : memref<32768xf32, #tpu.memory_space<hbm>>)
    %dma_start3A_517 = arith.constant 0 : i32
    %dma_start3A_518 = tpu.memref_slice %arg4[%dma_start3A_517] : memref<33024xf32, #tpu.memory_space<vmem>> -> memref<32768xf32, #tpu.memory_space<vmem>>
    %dma_start3A_519 = arith.constant 0 : i32
    %dma_start3A_520 = tpu.memref_slice %arg2[%add3A_16, %dma_start3A_519] : memref<128x32768xf32, #tpu.memory_space<hbm>> -> memref<1x32768xf32, #tpu.memory_space<hbm>>
    %dma_start3A_521 = tpu.memref_squeeze %dma_start3A_520 : memref<1x32768xf32, #tpu.memory_space<hbm>> -> memref<32768xf32, #tpu.memory_space<hbm>>
    %dma_start3A_522 = arith.constant 0 : i32
    %dma_start3A_523 = tpu.memref_slice %arg4[%dma_start3A_522] : memref<33024xf32, #tpu.memory_space<vmem>> -> memref<32768xf32, #tpu.memory_space<vmem>>
    %dma_start3A_524 = arith.constant 0 : i32
    %dma_start3A_525 = tpu.memref_slice %arg2[%add3A_16, %dma_start3A_524] : memref<128x32768xf32, #tpu.memory_space<hbm>> -> memref<1x32768xf32, #tpu.memory_space<hbm>>
    %dma_start3A_526 = tpu.memref_squeeze %dma_start3A_525 : memref<1x32768xf32, #tpu.memory_space<hbm>> -> memref<32768xf32, #tpu.memory_space<hbm>>
    tpu.enqueue_dma source(%dma_start3A_526 : memref<32768xf32, #tpu.memory_space<hbm>>) target(%dma_start3A_523 : memref<32768xf32, #tpu.memory_space<vmem>>) target_semaphore(%arg7 : memref<!tpu.dma_semaphore, #tpu.memory_space<semaphore_mem>>)
    %eq3A_527 = arith.constant 0 : i32
    %eq3A_528 = vector.broadcast %eq3A_527 : i32 to vector<16xi32>
    %eq3A_529 = arith.cmpi eq, %iota3A, %eq3A_528 : vector<16xi32>
    %get3A_530 = arith.constant 0 : index
    %get3A_531 = tpu.vector_load %arg6[%get3A_530] {strides = array<i32>} : memref<33024xf32, #tpu.memory_space<vmem>>, vector<16xf32>,
    %get3A_532 = vector.shape_cast %get3A_531 : vector<16xf32> to vector<16xf32>
    %jit3A_533 = arith.constant 0xFF800000 : f32
    %broadcast_in_dim3A_534 = vector.broadcast %jit3A_533 : f32 to vector<16xf32>
    %select_n3A_535 = arith.select %eq3A_529, %broadcast_in_dim3A_534, %get3A_532 : vector<16xi1>, vector<16xf32>
    %swap3A_536 = arith.constant 0 : index
    %swap3A_537 = tpu.vector_load %arg6[%swap3A_536] {strides = array<i32>} : memref<33024xf32, #tpu.memory_space<vmem>>, vector<16xf32>,
    %swap3A_538 = vector.shape_cast %swap3A_537 : vector<16xf32> to vector<16xf32>
    %swap3A_539 = vector.shape_cast %select_n3A_535 : vector<16xf32> to vector<16xf32>
    tpu.vector_store %arg6[%swap3A_536], %swap3A_539 {strides = array<i32>} : memref<33024xf32, #tpu.memory_space<vmem>>, vector<16xf32>,
    %broadcast_in_dim3A_540 = arith.constant 0.000000e+00 : f32
    %broadcast_in_dim3A_541 = vector.broadcast %broadcast_in_dim3A_540 : f32 to vector<16xf32>
    %get3A_542 = arith.constant 0 : index
    %get3A_543 = tpu.vector_load %arg6[%get3A_542] {strides = array<i32>} : memref<33024xf32, #tpu.memory_space<vmem>>, vector<16xf32>,
    %get3A_544 = vector.shape_cast %get3A_543 : vector<16xf32> to vector<16xf32>
    %get3A_545 = arith.constant 16 : index
    %get3A_546 = tpu.vector_load %arg6[%get3A_545] {strides = array<i32>} : memref<33024xf32, #tpu.memory_space<vmem>>, vector<16xf32>,
    %get3A_547 = vector.shape_cast %get3A_546 : vector<16xf32> to vector<16xf32>
    %get3A_548 = arith.constant 32 : index
    %get3A_549 = tpu.vector_load %arg6[%get3A_548] {strides = array<i32>} : memref<33024xf32, #tpu.memory_space<vmem>>, vector<16xf32>,
    %get3A_550 = vector.shape_cast %get3A_549 : vector<16xf32> to vector<16xf32>
    %get3A_551 = arith.constant 48 : index
    %get3A_552 = tpu.vector_load %arg6[%get3A_551] {strides = array<i32>} : memref<33024xf32, #tpu.memory_space<vmem>>, vector<16xf32>,
    %get3A_553 = vector.shape_cast %get3A_552 : vector<16xf32> to vector<16xf32>
    %get3A_554 = arith.constant 64 : index
    %get3A_555 = tpu.vector_load %arg6[%get3A_554] {strides = array<i32>} : memref<33024xf32, #tpu.memory_space<vmem>>, vector<16xf32>,
    %get3A_556 = vector.shape_cast %get3A_555 : vector<16xf32> to vector<16xf32>
    %get3A_557 = arith.constant 80 : index
    %get3A_558 = tpu.vector_load %arg6[%get3A_557] {strides = array<i32>} : memref<33024xf32, #tpu.memory_space<vmem>>, vector<16xf32>,
    %get3A_559 = vector.shape_cast %get3A_558 : vector<16xf32> to vector<16xf32>
    %get3A_560 = arith.constant 96 : index
    %get3A_561 = tpu.vector_load %arg6[%get3A_560] {strides = array<i32>} : memref<33024xf32, #tpu.memory_space<vmem>>, vector<16xf32>,
    %get3A_562 = vector.shape_cast %get3A_561 : vector<16xf32> to vector<16xf32>
    %get3A_563 = arith.constant 112 : index
    %get3A_564 = tpu.vector_load %arg6[%get3A_563] {strides = array<i32>} : memref<33024xf32, #tpu.memory_space<vmem>>, vector<16xf32>,
    %get3A_565 = vector.shape_cast %get3A_564 : vector<16xf32> to vector<16xf32>
    %get3A_566 = arith.constant 128 : index
    %get3A_567 = tpu.vector_load %arg6[%get3A_566] {strides = array<i32>} : memref<33024xf32, #tpu.memory_space<vmem>>, vector<16xf32>,
    %get3A_568 = vector.shape_cast %get3A_567 : vector<16xf32> to vector<16xf32>
    %get3A_569 = arith.constant 144 : index
    %get3A_570 = tpu.vector_load %arg6[%get3A_569] {strides = array<i32>} : memref<33024xf32, #tpu.memory_space<vmem>>, vector<16xf32>,
    %get3A_571 = vector.shape_cast %get3A_570 : vector<16xf32> to vector<16xf32>
    %get3A_572 = arith.constant 160 : index
    %get3A_573 = tpu.vector_load %arg6[%get3A_572] {strides = array<i32>} : memref<33024xf32, #tpu.memory_space<vmem>>, vector<16xf32>,
    %get3A_574 = vector.shape_cast %get3A_573 : vector<16xf32> to vector<16xf32>
    %get3A_575 = arith.constant 176 : index
    %get3A_576 = tpu.vector_load %arg6[%get3A_575] {strides = array<i32>} : memref<33024xf32, #tpu.memory_space<vmem>>, vector<16xf32>,
    %get3A_577 = vector.shape_cast %get3A_576 : vector<16xf32> to vector<16xf32>
    %get3A_578 = arith.constant 192 : index
    %get3A_579 = tpu.vector_load %arg6[%get3A_578] {strides = array<i32>} : memref<33024xf32, #tpu.memory_space<vmem>>, vector<16xf32>,
    %get3A_580 = vector.shape_cast %get3A_579 : vector<16xf32> to vector<16xf32>
    %get3A_581 = arith.constant 208 : index
    %get3A_582 = tpu.vector_load %arg6[%get3A_581] {strides = array<i32>} : memref<33024xf32, #tpu.memory_space<vmem>>, vector<16xf32>,
    %get3A_583 = vector.shape_cast %get3A_582 : vector<16xf32> to vector<16xf32>
    %get3A_584 = arith.constant 224 : index
    %get3A_585 = tpu.vector_load %arg6[%get3A_584] {strides = array<i32>} : memref<33024xf32, #tpu.memory_space<vmem>>, vector<16xf32>,
    %get3A_586 = vector.shape_cast %get3A_585 : vector<16xf32> to vector<16xf32>
    %get3A_587 = arith.constant 240 : index
    %get3A_588 = tpu.vector_load %arg6[%get3A_587] {strides = array<i32>} : memref<33024xf32, #tpu.memory_space<vmem>>, vector<16xf32>,
    %get3A_589 = vector.shape_cast %get3A_588 : vector<16xf32> to vector<16xf32>
    %parallel_loop3A_590 = arith.constant 0 : i32
    %parallel_loop3A_591 = arith.constant 2048 : i32
    %parallel_loop3A_592 = arith.constant 16 : i32
    %parallel_loop3A_593:32 = scf.for %parallel_loop3A_991 = %parallel_loop3A_590 to %parallel_loop3A_591 step %parallel_loop3A_592 iter_args(%parallel_loop3A_992 = %broadcast_in_dim3A_541, %parallel_loop3A_993 = %broadcast_in_dim3A_541, %parallel_loop3A_994 = %broadcast_in_dim3A_541, %parallel_loop3A_995 = %broadcast_in_dim3A_541, %parallel_loop3A_996 = %broadcast_in_dim3A_541, %parallel_loop3A_997 = %broadcast_in_dim3A_541, %parallel_loop3A_998 = %broadcast_in_dim3A_541, %parallel_loop3A_999 = %broadcast_in_dim3A_541, %parallel_loop3A_1000 = %broadcast_in_dim3A_541, %parallel_loop3A_1001 = %broadcast_in_dim3A_541, %parallel_loop3A_1002 = %broadcast_in_dim3A_541, %parallel_loop3A_1003 = %broadcast_in_dim3A_541, %parallel_loop3A_1004 = %broadcast_in_dim3A_541, %parallel_loop3A_1005 = %broadcast_in_dim3A_541, %parallel_loop3A_1006 = %broadcast_in_dim3A_541, %parallel_loop3A_1007 = %broadcast_in_dim3A_541, %parallel_loop3A_1008 = %get3A_544, %parallel_loop3A_1009 = %get3A_547, %parallel_loop3A_1010 = %get3A_550, %parallel_loop3A_1011 = %get3A_553, %parallel_loop3A_1012 = %get3A_556, %parallel_loop3A_1013 = %get3A_559, %parallel_loop3A_1014 = %get3A_562, %parallel_loop3A_1015 = %get3A_565, %parallel_loop3A_1016 = %get3A_568, %parallel_loop3A_1017 = %get3A_571, %parallel_loop3A_1018 = %get3A_574, %parallel_loop3A_1019 = %get3A_577, %parallel_loop3A_1020 = %get3A_580, %parallel_loop3A_1021 = %get3A_583, %parallel_loop3A_1022 = %get3A_586, %parallel_loop3A_1023 = %get3A_589) -> (vector<16xf32>, vector<16xf32>, vector<16xf32>, vector<16xf32>, vector<16xf32>, vector<16xf32>, vector<16xf32>, vector<16xf32>, vector<16xf32>, vector<16xf32>, vector<16xf32>, vector<16xf32>, vector<16xf32>, vector<16xf32>, vector<16xf32>, vector<16xf32>, vector<16xf32>, vector<16xf32>, vector<16xf32>, vector<16xf32>, vector<16xf32>, vector<16xf32>, vector<16xf32>, vector<16xf32>, vector<16xf32>, vector<16xf32>, vector<16xf32>, vector<16xf32>, vector<16xf32>, vector<16xf32>, vector<16xf32>, vector<16xf32>)  : i32 {
      %parallel_loop3A_1024 = math.exp %parallel_loop3A_1008 : vector<16xf32>
      %parallel_loop3A_1025 = math.exp %parallel_loop3A_1009 : vector<16xf32>
      %parallel_loop3A_1026 = math.exp %parallel_loop3A_1010 : vector<16xf32>
      %parallel_loop3A_1027 = math.exp %parallel_loop3A_1011 : vector<16xf32>
      %parallel_loop3A_1028 = math.exp %parallel_loop3A_1012 : vector<16xf32>
      %parallel_loop3A_1029 = math.exp %parallel_loop3A_1013 : vector<16xf32>
      %parallel_loop3A_1030 = math.exp %parallel_loop3A_1014 : vector<16xf32>
      %parallel_loop3A_1031 = math.exp %parallel_loop3A_1015 : vector<16xf32>
      %parallel_loop3A_1032 = math.exp %parallel_loop3A_1016 : vector<16xf32>
      %parallel_loop3A_1033 = math.exp %parallel_loop3A_1017 : vector<16xf32>
      %parallel_loop3A_1034 = math.exp %parallel_loop3A_1018 : vector<16xf32>
      %parallel_loop3A_1035 = math.exp %parallel_loop3A_1019 : vector<16xf32>
      %parallel_loop3A_1036 = math.exp %parallel_loop3A_1020 : vector<16xf32>
      %parallel_loop3A_1037 = math.exp %parallel_loop3A_1021 : vector<16xf32>
      %parallel_loop3A_1038 = math.exp %parallel_loop3A_1022 : vector<16xf32>
      %parallel_loop3A_1039 = math.exp %parallel_loop3A_1023 : vector<16xf32>
      %parallel_loop3A_1040 = arith.constant 0 : i32
      %parallel_loop3A_1041 = arith.addi %parallel_loop3A_991, %parallel_loop3A_1040 : i32
      %parallel_loop3A_1042 = arith.constant 16 : i32
      %parallel_loop3A_1043 = arith.muli %parallel_loop3A_1041, %parallel_loop3A_1042 : i32
      %parallel_loop3A_1044 = arith.index_cast %parallel_loop3A_1043 : i32 to index
      %parallel_loop3A_1045 = tpu.vector_load %arg6[%parallel_loop3A_1044] {strides = array<i32>} : memref<33024xf32, #tpu.memory_space<vmem>>, vector<16xf32>,
      %parallel_loop3A_1046 = vector.shape_cast %parallel_loop3A_1045 : vector<16xf32> to vector<16xf32>
      %parallel_loop3A_1047 = vector.shape_cast %parallel_loop3A_1024 : vector<16xf32> to vector<16xf32>
      tpu.vector_store %arg6[%parallel_loop3A_1044], %parallel_loop3A_1047 {strides = array<i32>} : memref<33024xf32, #tpu.memory_space<vmem>>, vector<16xf32>,
      %parallel_loop3A_1048 = arith.addf %parallel_loop3A_992, %parallel_loop3A_1024 : vector<16xf32>
      %parallel_loop3A_1049 = arith.constant 16 : i32
      %parallel_loop3A_1050 = arith.addi %parallel_loop3A_991, %parallel_loop3A_1049 : i32
      %parallel_loop3A_1051 = arith.constant 0 : i32
      %parallel_loop3A_1052 = arith.addi %parallel_loop3A_1050, %parallel_loop3A_1051 : i32
      %parallel_loop3A_1053 = arith.constant 16 : i32
      %parallel_loop3A_1054 = arith.muli %parallel_loop3A_1052, %parallel_loop3A_1053 : i32
      %parallel_loop3A_1055 = arith.index_cast %parallel_loop3A_1054 : i32 to index
      %parallel_loop3A_1056 = tpu.vector_load %arg6[%parallel_loop3A_1055] {strides = array<i32>} : memref<33024xf32, #tpu.memory_space<vmem>>, vector<16xf32>,
      %parallel_loop3A_1057 = vector.shape_cast %parallel_loop3A_1056 : vector<16xf32> to vector<16xf32>
      %parallel_loop3A_1058 = arith.constant 1 : i32
      %parallel_loop3A_1059 = arith.addi %parallel_loop3A_991, %parallel_loop3A_1058 : i32
      %parallel_loop3A_1060 = arith.constant 16 : i32
      %parallel_loop3A_1061 = arith.muli %parallel_loop3A_1059, %parallel_loop3A_1060 : i32
      %parallel_loop3A_1062 = arith.index_cast %parallel_loop3A_1061 : i32 to index
      %parallel_loop3A_1063 = tpu.vector_load %arg6[%parallel_loop3A_1062] {strides = array<i32>} : memref<33024xf32, #tpu.memory_space<vmem>>, vector<16xf32>,
      %parallel_loop3A_1064 = vector.shape_cast %parallel_loop3A_1063 : vector<16xf32> to vector<16xf32>
      %parallel_loop3A_1065 = vector.shape_cast %parallel_loop3A_1025 : vector<16xf32> to vector<16xf32>
      tpu.vector_store %arg6[%parallel_loop3A_1062], %parallel_loop3A_1065 {strides = array<i32>} : memref<33024xf32, #tpu.memory_space<vmem>>, vector<16xf32>,
      %parallel_loop3A_1066 = arith.addf %parallel_loop3A_993, %parallel_loop3A_1025 : vector<16xf32>
      %parallel_loop3A_1067 = arith.constant 16 : i32
      %parallel_loop3A_1068 = arith.addi %parallel_loop3A_991, %parallel_loop3A_1067 : i32
      %parallel_loop3A_1069 = arith.constant 1 : i32
      %parallel_loop3A_1070 = arith.addi %parallel_loop3A_1068, %parallel_loop3A_1069 : i32
      %parallel_loop3A_1071 = arith.constant 16 : i32
      %parallel_loop3A_1072 = arith.muli %parallel_loop3A_1070, %parallel_loop3A_1071 : i32
      %parallel_loop3A_1073 = arith.index_cast %parallel_loop3A_1072 : i32 to index
      %parallel_loop3A_1074 = tpu.vector_load %arg6[%parallel_loop3A_1073] {strides = array<i32>} : memref<33024xf32, #tpu.memory_space<vmem>>, vector<16xf32>,
      %parallel_loop3A_1075 = vector.shape_cast %parallel_loop3A_1074 : vector<16xf32> to vector<16xf32>
      %parallel_loop3A_1076 = arith.constant 2 : i32
      %parallel_loop3A_1077 = arith.addi %parallel_loop3A_991, %parallel_loop3A_1076 : i32
      %parallel_loop3A_1078 = arith.constant 16 : i32
      %parallel_loop3A_1079 = arith.muli %parallel_loop3A_1077, %parallel_loop3A_1078 : i32
      %parallel_loop3A_1080 = arith.index_cast %parallel_loop3A_1079 : i32 to index
      %parallel_loop3A_1081 = tpu.vector_load %arg6[%parallel_loop3A_1080] {strides = array<i32>} : memref<33024xf32, #tpu.memory_space<vmem>>, vector<16xf32>,
      %parallel_loop3A_1082 = vector.shape_cast %parallel_loop3A_1081 : vector<16xf32> to vector<16xf32>
      %parallel_loop3A_1083 = vector.shape_cast %parallel_loop3A_1026 : vector<16xf32> to vector<16xf32>
      tpu.vector_store %arg6[%parallel_loop3A_1080], %parallel_loop3A_1083 {strides = array<i32>} : memref<33024xf32, #tpu.memory_space<vmem>>, vector<16xf32>,
      %parallel_loop3A_1084 = arith.addf %parallel_loop3A_994, %parallel_loop3A_1026 : vector<16xf32>
      %parallel_loop3A_1085 = arith.constant 16 : i32
      %parallel_loop3A_1086 = arith.addi %parallel_loop3A_991, %parallel_loop3A_1085 : i32
      %parallel_loop3A_1087 = arith.constant 2 : i32
      %parallel_loop3A_1088 = arith.addi %parallel_loop3A_1086, %parallel_loop3A_1087 : i32
      %parallel_loop3A_1089 = arith.constant 16 : i32
      %parallel_loop3A_1090 = arith.muli %parallel_loop3A_1088, %parallel_loop3A_1089 : i32
      %parallel_loop3A_1091 = arith.index_cast %parallel_loop3A_1090 : i32 to index
      %parallel_loop3A_1092 = tpu.vector_load %arg6[%parallel_loop3A_1091] {strides = array<i32>} : memref<33024xf32, #tpu.memory_space<vmem>>, vector<16xf32>,
      %parallel_loop3A_1093 = vector.shape_cast %parallel_loop3A_1092 : vector<16xf32> to vector<16xf32>
      %parallel_loop3A_1094 = arith.constant 3 : i32
      %parallel_loop3A_1095 = arith.addi %parallel_loop3A_991, %parallel_loop3A_1094 : i32
      %parallel_loop3A_1096 = arith.constant 16 : i32
      %parallel_loop3A_1097 = arith.muli %parallel_loop3A_1095, %parallel_loop3A_1096 : i32
      %parallel_loop3A_1098 = arith.index_cast %parallel_loop3A_1097 : i32 to index
      %parallel_loop3A_1099 = tpu.vector_load %arg6[%parallel_loop3A_1098] {strides = array<i32>} : memref<33024xf32, #tpu.memory_space<vmem>>, vector<16xf32>,
      %parallel_loop3A_1100 = vector.shape_cast %parallel_loop3A_1099 : vector<16xf32> to vector<16xf32>
      %parallel_loop3A_1101 = vector.shape_cast %parallel_loop3A_1027 : vector<16xf32> to vector<16xf32>
      tpu.vector_store %arg6[%parallel_loop3A_1098], %parallel_loop3A_1101 {strides = array<i32>} : memref<33024xf32, #tpu.memory_space<vmem>>, vector<16xf32>,
      %parallel_loop3A_1102 = arith.addf %parallel_loop3A_995, %parallel_loop3A_1027 : vector<16xf32>
      %parallel_loop3A_1103 = arith.constant 16 : i32
      %parallel_loop3A_1104 = arith.addi %parallel_loop3A_991, %parallel_loop3A_1103 : i32
      %parallel_loop3A_1105 = arith.constant 3 : i32
      %parallel_loop3A_1106 = arith.addi %parallel_loop3A_1104, %parallel_loop3A_1105 : i32
      %parallel_loop3A_1107 = arith.constant 16 : i32
      %parallel_loop3A_1108 = arith.muli %parallel_loop3A_1106, %parallel_loop3A_1107 : i32
      %parallel_loop3A_1109 = arith.index_cast %parallel_loop3A_1108 : i32 to index
      %parallel_loop3A_1110 = tpu.vector_load %arg6[%parallel_loop3A_1109] {strides = array<i32>} : memref<33024xf32, #tpu.memory_space<vmem>>, vector<16xf32>,
      %parallel_loop3A_1111 = vector.shape_cast %parallel_loop3A_1110 : vector<16xf32> to vector<16xf32>
      %parallel_loop3A_1112 = arith.constant 4 : i32
      %parallel_loop3A_1113 = arith.addi %parallel_loop3A_991, %parallel_loop3A_1112 : i32
      %parallel_loop3A_1114 = arith.constant 16 : i32
      %parallel_loop3A_1115 = arith.muli %parallel_loop3A_1113, %parallel_loop3A_1114 : i32
      %parallel_loop3A_1116 = arith.index_cast %parallel_loop3A_1115 : i32 to index
      %parallel_loop3A_1117 = tpu.vector_load %arg6[%parallel_loop3A_1116] {strides = array<i32>} : memref<33024xf32, #tpu.memory_space<vmem>>, vector<16xf32>,
      %parallel_loop3A_1118 = vector.shape_cast %parallel_loop3A_1117 : vector<16xf32> to vector<16xf32>
      %parallel_loop3A_1119 = vector.shape_cast %parallel_loop3A_1028 : vector<16xf32> to vector<16xf32>
      tpu.vector_store %arg6[%parallel_loop3A_1116], %parallel_loop3A_1119 {strides = array<i32>} : memref<33024xf32, #tpu.memory_space<vmem>>, vector<16xf32>,
      %parallel_loop3A_1120 = arith.addf %parallel_loop3A_996, %parallel_loop3A_1028 : vector<16xf32>
      %parallel_loop3A_1121 = arith.constant 16 : i32
      %parallel_loop3A_1122 = arith.addi %parallel_loop3A_991, %parallel_loop3A_1121 : i32
      %parallel_loop3A_1123 = arith.constant 4 : i32
      %parallel_loop3A_1124 = arith.addi %parallel_loop3A_1122, %parallel_loop3A_1123 : i32
      %parallel_loop3A_1125 = arith.constant 16 : i32
      %parallel_loop3A_1126 = arith.muli %parallel_loop3A_1124, %parallel_loop3A_1125 : i32
      %parallel_loop3A_1127 = arith.index_cast %parallel_loop3A_1126 : i32 to index
      %parallel_loop3A_1128 = tpu.vector_load %arg6[%parallel_loop3A_1127] {strides = array<i32>} : memref<33024xf32, #tpu.memory_space<vmem>>, vector<16xf32>,
      %parallel_loop3A_1129 = vector.shape_cast %parallel_loop3A_1128 : vector<16xf32> to vector<16xf32>
      %parallel_loop3A_1130 = arith.constant 5 : i32
      %parallel_loop3A_1131 = arith.addi %parallel_loop3A_991, %parallel_loop3A_1130 : i32
      %parallel_loop3A_1132 = arith.constant 16 : i32
      %parallel_loop3A_1133 = arith.muli %parallel_loop3A_1131, %parallel_loop3A_1132 : i32
      %parallel_loop3A_1134 = arith.index_cast %parallel_loop3A_1133 : i32 to index
      %parallel_loop3A_1135 = tpu.vector_load %arg6[%parallel_loop3A_1134] {strides = array<i32>} : memref<33024xf32, #tpu.memory_space<vmem>>, vector<16xf32>,
      %parallel_loop3A_1136 = vector.shape_cast %parallel_loop3A_1135 : vector<16xf32> to vector<16xf32>
      %parallel_loop3A_1137 = vector.shape_cast %parallel_loop3A_1029 : vector<16xf32> to vector<16xf32>
      tpu.vector_store %arg6[%parallel_loop3A_1134], %parallel_loop3A_1137 {strides = array<i32>} : memref<33024xf32, #tpu.memory_space<vmem>>, vector<16xf32>,
      %parallel_loop3A_1138 = arith.addf %parallel_loop3A_997, %parallel_loop3A_1029 : vector<16xf32>
      %parallel_loop3A_1139 = arith.constant 16 : i32
      %parallel_loop3A_1140 = arith.addi %parallel_loop3A_991, %parallel_loop3A_1139 : i32
      %parallel_loop3A_1141 = arith.constant 5 : i32
      %parallel_loop3A_1142 = arith.addi %parallel_loop3A_1140, %parallel_loop3A_1141 : i32
      %parallel_loop3A_1143 = arith.constant 16 : i32
      %parallel_loop3A_1144 = arith.muli %parallel_loop3A_1142, %parallel_loop3A_1143 : i32
      %parallel_loop3A_1145 = arith.index_cast %parallel_loop3A_1144 : i32 to index
      %parallel_loop3A_1146 = tpu.vector_load %arg6[%parallel_loop3A_1145] {strides = array<i32>} : memref<33024xf32, #tpu.memory_space<vmem>>, vector<16xf32>,
      %parallel_loop3A_1147 = vector.shape_cast %parallel_loop3A_1146 : vector<16xf32> to vector<16xf32>
      %parallel_loop3A_1148 = arith.constant 6 : i32
      %parallel_loop3A_1149 = arith.addi %parallel_loop3A_991, %parallel_loop3A_1148 : i32
      %parallel_loop3A_1150 = arith.constant 16 : i32
      %parallel_loop3A_1151 = arith.muli %parallel_loop3A_1149, %parallel_loop3A_1150 : i32
      %parallel_loop3A_1152 = arith.index_cast %parallel_loop3A_1151 : i32 to index
      %parallel_loop3A_1153 = tpu.vector_load %arg6[%parallel_loop3A_1152] {strides = array<i32>} : memref<33024xf32, #tpu.memory_space<vmem>>, vector<16xf32>,
      %parallel_loop3A_1154 = vector.shape_cast %parallel_loop3A_1153 : vector<16xf32> to vector<16xf32>
      %parallel_loop3A_1155 = vector.shape_cast %parallel_loop3A_1030 : vector<16xf32> to vector<16xf32>
      tpu.vector_store %arg6[%parallel_loop3A_1152], %parallel_loop3A_1155 {strides = array<i32>} : memref<33024xf32, #tpu.memory_space<vmem>>, vector<16xf32>,
      %parallel_loop3A_1156 = arith.addf %parallel_loop3A_998, %parallel_loop3A_1030 : vector<16xf32>
      %parallel_loop3A_1157 = arith.constant 16 : i32
      %parallel_loop3A_1158 = arith.addi %parallel_loop3A_991, %parallel_loop3A_1157 : i32
      %parallel_loop3A_1159 = arith.constant 6 : i32
      %parallel_loop3A_1160 = arith.addi %parallel_loop3A_1158, %parallel_loop3A_1159 : i32
      %parallel_loop3A_1161 = arith.constant 16 : i32
      %parallel_loop3A_1162 = arith.muli %parallel_loop3A_1160, %parallel_loop3A_1161 : i32
      %parallel_loop3A_1163 = arith.index_cast %parallel_loop3A_1162 : i32 to index
      %parallel_loop3A_1164 = tpu.vector_load %arg6[%parallel_loop3A_1163] {strides = array<i32>} : memref<33024xf32, #tpu.memory_space<vmem>>, vector<16xf32>,
      %parallel_loop3A_1165 = vector.shape_cast %parallel_loop3A_1164 : vector<16xf32> to vector<16xf32>
      %parallel_loop3A_1166 = arith.constant 7 : i32
      %parallel_loop3A_1167 = arith.addi %parallel_loop3A_991, %parallel_loop3A_1166 : i32
      %parallel_loop3A_1168 = arith.constant 16 : i32
      %parallel_loop3A_1169 = arith.muli %parallel_loop3A_1167, %parallel_loop3A_1168 : i32
      %parallel_loop3A_1170 = arith.index_cast %parallel_loop3A_1169 : i32 to index
      %parallel_loop3A_1171 = tpu.vector_load %arg6[%parallel_loop3A_1170] {strides = array<i32>} : memref<33024xf32, #tpu.memory_space<vmem>>, vector<16xf32>,
      %parallel_loop3A_1172 = vector.shape_cast %parallel_loop3A_1171 : vector<16xf32> to vector<16xf32>
      %parallel_loop3A_1173 = vector.shape_cast %parallel_loop3A_1031 : vector<16xf32> to vector<16xf32>
      tpu.vector_store %arg6[%parallel_loop3A_1170], %parallel_loop3A_1173 {strides = array<i32>} : memref<33024xf32, #tpu.memory_space<vmem>>, vector<16xf32>,
      %parallel_loop3A_1174 = arith.addf %parallel_loop3A_999, %parallel_loop3A_1031 : vector<16xf32>
      %parallel_loop3A_1175 = arith.constant 16 : i32
      %parallel_loop3A_1176 = arith.addi %parallel_loop3A_991, %parallel_loop3A_1175 : i32
      %parallel_loop3A_1177 = arith.constant 7 : i32
      %parallel_loop3A_1178 = arith.addi %parallel_loop3A_1176, %parallel_loop3A_1177 : i32
      %parallel_loop3A_1179 = arith.constant 16 : i32
      %parallel_loop3A_1180 = arith.muli %parallel_loop3A_1178, %parallel_loop3A_1179 : i32
      %parallel_loop3A_1181 = arith.index_cast %parallel_loop3A_1180 : i32 to index
      %parallel_loop3A_1182 = tpu.vector_load %arg6[%parallel_loop3A_1181] {strides = array<i32>} : memref<33024xf32, #tpu.memory_space<vmem>>, vector<16xf32>,
      %parallel_loop3A_1183 = vector.shape_cast %parallel_loop3A_1182 : vector<16xf32> to vector<16xf32>
      %parallel_loop3A_1184 = arith.constant 8 : i32
      %parallel_loop3A_1185 = arith.addi %parallel_loop3A_991, %parallel_loop3A_1184 : i32
      %parallel_loop3A_1186 = arith.constant 16 : i32
      %parallel_loop3A_1187 = arith.muli %parallel_loop3A_1185, %parallel_loop3A_1186 : i32
      %parallel_loop3A_1188 = arith.index_cast %parallel_loop3A_1187 : i32 to index
      %parallel_loop3A_1189 = tpu.vector_load %arg6[%parallel_loop3A_1188] {strides = array<i32>} : memref<33024xf32, #tpu.memory_space<vmem>>, vector<16xf32>,
      %parallel_loop3A_1190 = vector.shape_cast %parallel_loop3A_1189 : vector<16xf32> to vector<16xf32>
      %parallel_loop3A_1191 = vector.shape_cast %parallel_loop3A_1032 : vector<16xf32> to vector<16xf32>
      tpu.vector_store %arg6[%parallel_loop3A_1188], %parallel_loop3A_1191 {strides = array<i32>} : memref<33024xf32, #tpu.memory_space<vmem>>, vector<16xf32>,
      %parallel_loop3A_1192 = arith.addf %parallel_loop3A_1000, %parallel_loop3A_1032 : vector<16xf32>
      %parallel_loop3A_1193 = arith.constant 16 : i32
      %parallel_loop3A_1194 = arith.addi %parallel_loop3A_991, %parallel_loop3A_1193 : i32
      %parallel_loop3A_1195 = arith.constant 8 : i32
      %parallel_loop3A_1196 = arith.addi %parallel_loop3A_1194, %parallel_loop3A_1195 : i32
      %parallel_loop3A_1197 = arith.constant 16 : i32
      %parallel_loop3A_1198 = arith.muli %parallel_loop3A_1196, %parallel_loop3A_1197 : i32
      %parallel_loop3A_1199 = arith.index_cast %parallel_loop3A_1198 : i32 to index
      %parallel_loop3A_1200 = tpu.vector_load %arg6[%parallel_loop3A_1199] {strides = array<i32>} : memref<33024xf32, #tpu.memory_space<vmem>>, vector<16xf32>,
      %parallel_loop3A_1201 = vector.shape_cast %parallel_loop3A_1200 : vector<16xf32> to vector<16xf32>
      %parallel_loop3A_1202 = arith.constant 9 : i32
      %parallel_loop3A_1203 = arith.addi %parallel_loop3A_991, %parallel_loop3A_1202 : i32
      %parallel_loop3A_1204 = arith.constant 16 : i32
      %parallel_loop3A_1205 = arith.muli %parallel_loop3A_1203, %parallel_loop3A_1204 : i32
      %parallel_loop3A_1206 = arith.index_cast %parallel_loop3A_1205 : i32 to index
      %parallel_loop3A_1207 = tpu.vector_load %arg6[%parallel_loop3A_1206] {strides = array<i32>} : memref<33024xf32, #tpu.memory_space<vmem>>, vector<16xf32>,
      %parallel_loop3A_1208 = vector.shape_cast %parallel_loop3A_1207 : vector<16xf32> to vector<16xf32>
      %parallel_loop3A_1209 = vector.shape_cast %parallel_loop3A_1033 : vector<16xf32> to vector<16xf32>
      tpu.vector_store %arg6[%parallel_loop3A_1206], %parallel_loop3A_1209 {strides = array<i32>} : memref<33024xf32, #tpu.memory_space<vmem>>, vector<16xf32>,
      %parallel_loop3A_1210 = arith.addf %parallel_loop3A_1001, %parallel_loop3A_1033 : vector<16xf32>
      %parallel_loop3A_1211 = arith.constant 16 : i32
      %parallel_loop3A_1212 = arith.addi %parallel_loop3A_991, %parallel_loop3A_1211 : i32
      %parallel_loop3A_1213 = arith.constant 9 : i32
      %parallel_loop3A_1214 = arith.addi %parallel_loop3A_1212, %parallel_loop3A_1213 : i32
      %parallel_loop3A_1215 = arith.constant 16 : i32
      %parallel_loop3A_1216 = arith.muli %parallel_loop3A_1214, %parallel_loop3A_1215 : i32
      %parallel_loop3A_1217 = arith.index_cast %parallel_loop3A_1216 : i32 to index
      %parallel_loop3A_1218 = tpu.vector_load %arg6[%parallel_loop3A_1217] {strides = array<i32>} : memref<33024xf32, #tpu.memory_space<vmem>>, vector<16xf32>,
      %parallel_loop3A_1219 = vector.shape_cast %parallel_loop3A_1218 : vector<16xf32> to vector<16xf32>
      %parallel_loop3A_1220 = arith.constant 10 : i32
      %parallel_loop3A_1221 = arith.addi %parallel_loop3A_991, %parallel_loop3A_1220 : i32
      %parallel_loop3A_1222 = arith.constant 16 : i32
      %parallel_loop3A_1223 = arith.muli %parallel_loop3A_1221, %parallel_loop3A_1222 : i32
      %parallel_loop3A_1224 = arith.index_cast %parallel_loop3A_1223 : i32 to index
      %parallel_loop3A_1225 = tpu.vector_load %arg6[%parallel_loop3A_1224] {strides = array<i32>} : memref<33024xf32, #tpu.memory_space<vmem>>, vector<16xf32>,
      %parallel_loop3A_1226 = vector.shape_cast %parallel_loop3A_1225 : vector<16xf32> to vector<16xf32>
      %parallel_loop3A_1227 = vector.shape_cast %parallel_loop3A_1034 : vector<16xf32> to vector<16xf32>
      tpu.vector_store %arg6[%parallel_loop3A_1224], %parallel_loop3A_1227 {strides = array<i32>} : memref<33024xf32, #tpu.memory_space<vmem>>, vector<16xf32>,
      %parallel_loop3A_1228 = arith.addf %parallel_loop3A_1002, %parallel_loop3A_1034 : vector<16xf32>
      %parallel_loop3A_1229 = arith.constant 16 : i32
      %parallel_loop3A_1230 = arith.addi %parallel_loop3A_991, %parallel_loop3A_1229 : i32
      %parallel_loop3A_1231 = arith.constant 10 : i32
      %parallel_loop3A_1232 = arith.addi %parallel_loop3A_1230, %parallel_loop3A_1231 : i32
      %parallel_loop3A_1233 = arith.constant 16 : i32
      %parallel_loop3A_1234 = arith.muli %parallel_loop3A_1232, %parallel_loop3A_1233 : i32
      %parallel_loop3A_1235 = arith.index_cast %parallel_loop3A_1234 : i32 to index
      %parallel_loop3A_1236 = tpu.vector_load %arg6[%parallel_loop3A_1235] {strides = array<i32>} : memref<33024xf32, #tpu.memory_space<vmem>>, vector<16xf32>,
      %parallel_loop3A_1237 = vector.shape_cast %parallel_loop3A_1236 : vector<16xf32> to vector<16xf32>
      %parallel_loop3A_1238 = arith.constant 11 : i32
      %parallel_loop3A_1239 = arith.addi %parallel_loop3A_991, %parallel_loop3A_1238 : i32
      %parallel_loop3A_1240 = arith.constant 16 : i32
      %parallel_loop3A_1241 = arith.muli %parallel_loop3A_1239, %parallel_loop3A_1240 : i32
      %parallel_loop3A_1242 = arith.index_cast %parallel_loop3A_1241 : i32 to index
      %parallel_loop3A_1243 = tpu.vector_load %arg6[%parallel_loop3A_1242] {strides = array<i32>} : memref<33024xf32, #tpu.memory_space<vmem>>, vector<16xf32>,
      %parallel_loop3A_1244 = vector.shape_cast %parallel_loop3A_1243 : vector<16xf32> to vector<16xf32>
      %parallel_loop3A_1245 = vector.shape_cast %parallel_loop3A_1035 : vector<16xf32> to vector<16xf32>
      tpu.vector_store %arg6[%parallel_loop3A_1242], %parallel_loop3A_1245 {strides = array<i32>} : memref<33024xf32, #tpu.memory_space<vmem>>, vector<16xf32>,
      %parallel_loop3A_1246 = arith.addf %parallel_loop3A_1003, %parallel_loop3A_1035 : vector<16xf32>
      %parallel_loop3A_1247 = arith.constant 16 : i32
      %parallel_loop3A_1248 = arith.addi %parallel_loop3A_991, %parallel_loop3A_1247 : i32
      %parallel_loop3A_1249 = arith.constant 11 : i32
      %parallel_loop3A_1250 = arith.addi %parallel_loop3A_1248, %parallel_loop3A_1249 : i32
      %parallel_loop3A_1251 = arith.constant 16 : i32
      %parallel_loop3A_1252 = arith.muli %parallel_loop3A_1250, %parallel_loop3A_1251 : i32
      %parallel_loop3A_1253 = arith.index_cast %parallel_loop3A_1252 : i32 to index
      %parallel_loop3A_1254 = tpu.vector_load %arg6[%parallel_loop3A_1253] {strides = array<i32>} : memref<33024xf32, #tpu.memory_space<vmem>>, vector<16xf32>,
      %parallel_loop3A_1255 = vector.shape_cast %parallel_loop3A_1254 : vector<16xf32> to vector<16xf32>
      %parallel_loop3A_1256 = arith.constant 12 : i32
      %parallel_loop3A_1257 = arith.addi %parallel_loop3A_991, %parallel_loop3A_1256 : i32
      %parallel_loop3A_1258 = arith.constant 16 : i32
      %parallel_loop3A_1259 = arith.muli %parallel_loop3A_1257, %parallel_loop3A_1258 : i32
      %parallel_loop3A_1260 = arith.index_cast %parallel_loop3A_1259 : i32 to index
      %parallel_loop3A_1261 = tpu.vector_load %arg6[%parallel_loop3A_1260] {strides = array<i32>} : memref<33024xf32, #tpu.memory_space<vmem>>, vector<16xf32>,
      %parallel_loop3A_1262 = vector.shape_cast %parallel_loop3A_1261 : vector<16xf32> to vector<16xf32>
      %parallel_loop3A_1263 = vector.shape_cast %parallel_loop3A_1036 : vector<16xf32> to vector<16xf32>
      tpu.vector_store %arg6[%parallel_loop3A_1260], %parallel_loop3A_1263 {strides = array<i32>} : memref<33024xf32, #tpu.memory_space<vmem>>, vector<16xf32>,
      %parallel_loop3A_1264 = arith.addf %parallel_loop3A_1004, %parallel_loop3A_1036 : vector<16xf32>
      %parallel_loop3A_1265 = arith.constant 16 : i32
      %parallel_loop3A_1266 = arith.addi %parallel_loop3A_991, %parallel_loop3A_1265 : i32
      %parallel_loop3A_1267 = arith.constant 12 : i32
      %parallel_loop3A_1268 = arith.addi %parallel_loop3A_1266, %parallel_loop3A_1267 : i32
      %parallel_loop3A_1269 = arith.constant 16 : i32
      %parallel_loop3A_1270 = arith.muli %parallel_loop3A_1268, %parallel_loop3A_1269 : i32
      %parallel_loop3A_1271 = arith.index_cast %parallel_loop3A_1270 : i32 to index
      %parallel_loop3A_1272 = tpu.vector_load %arg6[%parallel_loop3A_1271] {strides = array<i32>} : memref<33024xf32, #tpu.memory_space<vmem>>, vector<16xf32>,
      %parallel_loop3A_1273 = vector.shape_cast %parallel_loop3A_1272 : vector<16xf32> to vector<16xf32>
      %parallel_loop3A_1274 = arith.constant 13 : i32
      %parallel_loop3A_1275 = arith.addi %parallel_loop3A_991, %parallel_loop3A_1274 : i32
      %parallel_loop3A_1276 = arith.constant 16 : i32
      %parallel_loop3A_1277 = arith.muli %parallel_loop3A_1275, %parallel_loop3A_1276 : i32
      %parallel_loop3A_1278 = arith.index_cast %parallel_loop3A_1277 : i32 to index
      %parallel_loop3A_1279 = tpu.vector_load %arg6[%parallel_loop3A_1278] {strides = array<i32>} : memref<33024xf32, #tpu.memory_space<vmem>>, vector<16xf32>,
      %parallel_loop3A_1280 = vector.shape_cast %parallel_loop3A_1279 : vector<16xf32> to vector<16xf32>
      %parallel_loop3A_1281 = vector.shape_cast %parallel_loop3A_1037 : vector<16xf32> to vector<16xf32>
      tpu.vector_store %arg6[%parallel_loop3A_1278], %parallel_loop3A_1281 {strides = array<i32>} : memref<33024xf32, #tpu.memory_space<vmem>>, vector<16xf32>,
      %parallel_loop3A_1282 = arith.addf %parallel_loop3A_1005, %parallel_loop3A_1037 : vector<16xf32>
      %parallel_loop3A_1283 = arith.constant 16 : i32
      %parallel_loop3A_1284 = arith.addi %parallel_loop3A_991, %parallel_loop3A_1283 : i32
      %parallel_loop3A_1285 = arith.constant 13 : i32
      %parallel_loop3A_1286 = arith.addi %parallel_loop3A_1284, %parallel_loop3A_1285 : i32
      %parallel_loop3A_1287 = arith.constant 16 : i32
      %parallel_loop3A_1288 = arith.muli %parallel_loop3A_1286, %parallel_loop3A_1287 : i32
      %parallel_loop3A_1289 = arith.index_cast %parallel_loop3A_1288 : i32 to index
      %parallel_loop3A_1290 = tpu.vector_load %arg6[%parallel_loop3A_1289] {strides = array<i32>} : memref<33024xf32, #tpu.memory_space<vmem>>, vector<16xf32>,
      %parallel_loop3A_1291 = vector.shape_cast %parallel_loop3A_1290 : vector<16xf32> to vector<16xf32>
      %parallel_loop3A_1292 = arith.constant 14 : i32
      %parallel_loop3A_1293 = arith.addi %parallel_loop3A_991, %parallel_loop3A_1292 : i32
      %parallel_loop3A_1294 = arith.constant 16 : i32
      %parallel_loop3A_1295 = arith.muli %parallel_loop3A_1293, %parallel_loop3A_1294 : i32
      %parallel_loop3A_1296 = arith.index_cast %parallel_loop3A_1295 : i32 to index
      %parallel_loop3A_1297 = tpu.vector_load %arg6[%parallel_loop3A_1296] {strides = array<i32>} : memref<33024xf32, #tpu.memory_space<vmem>>, vector<16xf32>,
      %parallel_loop3A_1298 = vector.shape_cast %parallel_loop3A_1297 : vector<16xf32> to vector<16xf32>
      %parallel_loop3A_1299 = vector.shape_cast %parallel_loop3A_1038 : vector<16xf32> to vector<16xf32>
      tpu.vector_store %arg6[%parallel_loop3A_1296], %parallel_loop3A_1299 {strides = array<i32>} : memref<33024xf32, #tpu.memory_space<vmem>>, vector<16xf32>,
      %parallel_loop3A_1300 = arith.addf %parallel_loop3A_1006, %parallel_loop3A_1038 : vector<16xf32>
      %parallel_loop3A_1301 = arith.constant 16 : i32
      %parallel_loop3A_1302 = arith.addi %parallel_loop3A_991, %parallel_loop3A_1301 : i32
      %parallel_loop3A_1303 = arith.constant 14 : i32
      %parallel_loop3A_1304 = arith.addi %parallel_loop3A_1302, %parallel_loop3A_1303 : i32
      %parallel_loop3A_1305 = arith.constant 16 : i32
      %parallel_loop3A_1306 = arith.muli %parallel_loop3A_1304, %parallel_loop3A_1305 : i32
      %parallel_loop3A_1307 = arith.index_cast %parallel_loop3A_1306 : i32 to index
      %parallel_loop3A_1308 = tpu.vector_load %arg6[%parallel_loop3A_1307] {strides = array<i32>} : memref<33024xf32, #tpu.memory_space<vmem>>, vector<16xf32>,
      %parallel_loop3A_1309 = vector.shape_cast %parallel_loop3A_1308 : vector<16xf32> to vector<16xf32>
      %parallel_loop3A_1310 = arith.constant 15 : i32
      %parallel_loop3A_1311 = arith.addi %parallel_loop3A_991, %parallel_loop3A_1310 : i32
      %parallel_loop3A_1312 = arith.constant 16 : i32
      %parallel_loop3A_1313 = arith.muli %parallel_loop3A_1311, %parallel_loop3A_1312 : i32
      %parallel_loop3A_1314 = arith.index_cast %parallel_loop3A_1313 : i32 to index
      %parallel_loop3A_1315 = tpu.vector_load %arg6[%parallel_loop3A_1314] {strides = array<i32>} : memref<33024xf32, #tpu.memory_space<vmem>>, vector<16xf32>,
      %parallel_loop3A_1316 = vector.shape_cast %parallel_loop3A_1315 : vector<16xf32> to vector<16xf32>
      %parallel_loop3A_1317 = vector.shape_cast %parallel_loop3A_1039 : vector<16xf32> to vector<16xf32>
      tpu.vector_store %arg6[%parallel_loop3A_1314], %parallel_loop3A_1317 {strides = array<i32>} : memref<33024xf32, #tpu.memory_space<vmem>>, vector<16xf32>,
      %parallel_loop3A_1318 = arith.addf %parallel_loop3A_1007, %parallel_loop3A_1039 : vector<16xf32>
      %parallel_loop3A_1319 = arith.constant 16 : i32
      %parallel_loop3A_1320 = arith.addi %parallel_loop3A_991, %parallel_loop3A_1319 : i32
      %parallel_loop3A_1321 = arith.constant 15 : i32
      %parallel_loop3A_1322 = arith.addi %parallel_loop3A_1320, %parallel_loop3A_1321 : i32
      %parallel_loop3A_1323 = arith.constant 16 : i32
      %parallel_loop3A_1324 = arith.muli %parallel_loop3A_1322, %parallel_loop3A_1323 : i32
      %parallel_loop3A_1325 = arith.index_cast %parallel_loop3A_1324 : i32 to index
      %parallel_loop3A_1326 = tpu.vector_load %arg6[%parallel_loop3A_1325] {strides = array<i32>} : memref<33024xf32, #tpu.memory_space<vmem>>, vector<16xf32>,
      %parallel_loop3A_1327 = vector.shape_cast %parallel_loop3A_1326 : vector<16xf32> to vector<16xf32>
      scf.yield %parallel_loop3A_1048, %parallel_loop3A_1066, %parallel_loop3A_1084, %parallel_loop3A_1102, %parallel_loop3A_1120, %parallel_loop3A_1138, %parallel_loop3A_1156, %parallel_loop3A_1174, %parallel_loop3A_1192, %parallel_loop3A_1210, %parallel_loop3A_1228, %parallel_loop3A_1246, %parallel_loop3A_1264, %parallel_loop3A_1282, %parallel_loop3A_1300, %parallel_loop3A_1318, %parallel_loop3A_1057, %parallel_loop3A_1075, %parallel_loop3A_1093, %parallel_loop3A_1111, %parallel_loop3A_1129, %parallel_loop3A_1147, %parallel_loop3A_1165, %parallel_loop3A_1183, %parallel_loop3A_1201, %parallel_loop3A_1219, %parallel_loop3A_1237, %parallel_loop3A_1255, %parallel_loop3A_1273, %parallel_loop3A_1291, %parallel_loop3A_1309, %parallel_loop3A_1327 : vector<16xf32>, vector<16xf32>, vector<16xf32>, vector<16xf32>, vector<16xf32>, vector<16xf32>, vector<16xf32>, vector<16xf32>, vector<16xf32>, vector<16xf32>, vector<16xf32>, vector<16xf32>, vector<16xf32>, vector<16xf32>, vector<16xf32>, vector<16xf32>, vector<16xf32>, vector<16xf32>, vector<16xf32>, vector<16xf32>, vector<16xf32>, vector<16xf32>, vector<16xf32>, vector<16xf32>, vector<16xf32>, vector<16xf32>, vector<16xf32>, vector<16xf32>, vector<16xf32>, vector<16xf32>, vector<16xf32>, vector<16xf32>
    } {sc.loop_unroll_factor = 1 : i64, sc.parallel_access}
    %add3A_594 = arith.addf %parallel_loop3A_593#0, %parallel_loop3A_593#1 : vector<16xf32>
    %add3A_595 = arith.addf %add3A_594, %parallel_loop3A_593#2 : vector<16xf32>
    %add3A_596 = arith.addf %add3A_595, %parallel_loop3A_593#3 : vector<16xf32>
    %add3A_597 = arith.addf %add3A_596, %parallel_loop3A_593#4 : vector<16xf32>
    %add3A_598 = arith.addf %add3A_597, %parallel_loop3A_593#5 : vector<16xf32>
    %add3A_599 = arith.addf %add3A_598, %parallel_loop3A_593#6 : vector<16xf32>
    %add3A_600 = arith.addf %add3A_599, %parallel_loop3A_593#7 : vector<16xf32>
    %add3A_601 = arith.addf %add3A_600, %parallel_loop3A_593#8 : vector<16xf32>
    %add3A_602 = arith.addf %add3A_601, %parallel_loop3A_593#9 : vector<16xf32>
    %add3A_603 = arith.addf %add3A_602, %parallel_loop3A_593#10 : vector<16xf32>
    %add3A_604 = arith.addf %add3A_603, %parallel_loop3A_593#11 : vector<16xf32>
    %add3A_605 = arith.addf %add3A_604, %parallel_loop3A_593#12 : vector<16xf32>
    %add3A_606 = arith.addf %add3A_605, %parallel_loop3A_593#13 : vector<16xf32>
    %add3A_607 = arith.addf %add3A_606, %parallel_loop3A_593#14 : vector<16xf32>
    %add3A_608 = arith.addf %add3A_607, %parallel_loop3A_593#15 : vector<16xf32>
    %iota3A_609 = tpu.iota {dimensions = array<i32: 0>} : vector<16xi32>
    %xor3A_610 = arith.constant 1 : i32
    %xor3A_611 = vector.broadcast %xor3A_610 : i32 to vector<16xi32>
    %xor3A_612 = arith.xori %iota3A_609, %xor3A_611 : vector<16xi32>
    %broadcast_in_dim3A_613 = vector.shape_cast %xor3A_612 : vector<16xi32> to vector<16x1xi32>
    %gather3A_614 = vector.shape_cast %broadcast_in_dim3A_613 : vector<16x1xi32> to vector<16xi32>
    %gather3A_615 = tpu.dynamic_gather %add3A_608[%gather3A_614] in [0] : vector<16xf32>, vector<16xi32> -> vector<16xf32>
    %add3A_616 = arith.addf %add3A_608, %gather3A_615 : vector<16xf32>
    %xor3A_617 = arith.constant 2 : i32
    %xor3A_618 = vector.broadcast %xor3A_617 : i32 to vector<16xi32>
    %xor3A_619 = arith.xori %iota3A_609, %xor3A_618 : vector<16xi32>
    %broadcast_in_dim3A_620 = vector.shape_cast %xor3A_619 : vector<16xi32> to vector<16x1xi32>
    %gather3A_621 = vector.shape_cast %broadcast_in_dim3A_620 : vector<16x1xi32> to vector<16xi32>
    %gather3A_622 = tpu.dynamic_gather %add3A_616[%gather3A_621] in [0] : vector<16xf32>, vector<16xi32> -> vector<16xf32>
    %add3A_623 = arith.addf %add3A_616, %gather3A_622 : vector<16xf32>
    %xor3A_624 = arith.constant 4 : i32
    %xor3A_625 = vector.broadcast %xor3A_624 : i32 to vector<16xi32>
    %xor3A_626 = arith.xori %iota3A_609, %xor3A_625 : vector<16xi32>
    %broadcast_in_dim3A_627 = vector.shape_cast %xor3A_626 : vector<16xi32> to vector<16x1xi32>
    %gather3A_628 = vector.shape_cast %broadcast_in_dim3A_627 : vector<16x1xi32> to vector<16xi32>
    %gather3A_629 = tpu.dynamic_gather %add3A_623[%gather3A_628] in [0] : vector<16xf32>, vector<16xi32> -> vector<16xf32>
    %add3A_630 = arith.addf %add3A_623, %gather3A_629 : vector<16xf32>
    %xor3A_631 = arith.constant 8 : i32
    %xor3A_632 = vector.broadcast %xor3A_631 : i32 to vector<16xi32>
    %xor3A_633 = arith.xori %iota3A_609, %xor3A_632 : vector<16xi32>
    %broadcast_in_dim3A_634 = vector.shape_cast %xor3A_633 : vector<16xi32> to vector<16x1xi32>
    %gather3A_635 = vector.shape_cast %broadcast_in_dim3A_634 : vector<16x1xi32> to vector<16xi32>
    %gather3A_636 = tpu.dynamic_gather %add3A_630[%gather3A_635] in [0] : vector<16xf32>, vector<16xi32> -> vector<16xf32>
    %add3A_637 = arith.addf %add3A_630, %gather3A_636 : vector<16xf32>
    %div3A_638 = arith.constant 1.000000e+00 : f32
    %div3A_639 = vector.broadcast %div3A_638 : f32 to vector<16xf32>
    %div3A_640 = arith.divf %div3A_639, %add3A_637 : vector<16xf32>
    %get3A_641 = arith.constant 0 : index
    %get3A_642 = tpu.vector_load %arg6[%get3A_641] {strides = array<i32>} : memref<33024xf32, #tpu.memory_space<vmem>>, vector<16xf32>,
    %get3A_643 = vector.shape_cast %get3A_642 : vector<16xf32> to vector<16xf32>
    %get3A_644 = arith.constant 16 : index
    %get3A_645 = tpu.vector_load %arg6[%get3A_644] {strides = array<i32>} : memref<33024xf32, #tpu.memory_space<vmem>>, vector<16xf32>,
    %get3A_646 = vector.shape_cast %get3A_645 : vector<16xf32> to vector<16xf32>
    %get3A_647 = arith.constant 32 : index
    %get3A_648 = tpu.vector_load %arg6[%get3A_647] {strides = array<i32>} : memref<33024xf32, #tpu.memory_space<vmem>>, vector<16xf32>,
    %get3A_649 = vector.shape_cast %get3A_648 : vector<16xf32> to vector<16xf32>
    %get3A_650 = arith.constant 48 : index
    %get3A_651 = tpu.vector_load %arg6[%get3A_650] {strides = array<i32>} : memref<33024xf32, #tpu.memory_space<vmem>>, vector<16xf32>,
    %get3A_652 = vector.shape_cast %get3A_651 : vector<16xf32> to vector<16xf32>
    %get3A_653 = arith.constant 64 : index
    %get3A_654 = tpu.vector_load %arg6[%get3A_653] {strides = array<i32>} : memref<33024xf32, #tpu.memory_space<vmem>>, vector<16xf32>,
    %get3A_655 = vector.shape_cast %get3A_654 : vector<16xf32> to vector<16xf32>
    %get3A_656 = arith.constant 80 : index
    %get3A_657 = tpu.vector_load %arg6[%get3A_656] {strides = array<i32>} : memref<33024xf32, #tpu.memory_space<vmem>>, vector<16xf32>,
    %get3A_658 = vector.shape_cast %get3A_657 : vector<16xf32> to vector<16xf32>
    %get3A_659 = arith.constant 96 : index
    %get3A_660 = tpu.vector_load %arg6[%get3A_659] {strides = array<i32>} : memref<33024xf32, #tpu.memory_space<vmem>>, vector<16xf32>,
    %get3A_661 = vector.shape_cast %get3A_660 : vector<16xf32> to vector<16xf32>
    %get3A_662 = arith.constant 112 : index
    %get3A_663 = tpu.vector_load %arg6[%get3A_662] {strides = array<i32>} : memref<33024xf32, #tpu.memory_space<vmem>>, vector<16xf32>,
    %get3A_664 = vector.shape_cast %get3A_663 : vector<16xf32> to vector<16xf32>
    %get3A_665 = arith.constant 128 : index
    %get3A_666 = tpu.vector_load %arg6[%get3A_665] {strides = array<i32>} : memref<33024xf32, #tpu.memory_space<vmem>>, vector<16xf32>,
    %get3A_667 = vector.shape_cast %get3A_666 : vector<16xf32> to vector<16xf32>
    %get3A_668 = arith.constant 144 : index
    %get3A_669 = tpu.vector_load %arg6[%get3A_668] {strides = array<i32>} : memref<33024xf32, #tpu.memory_space<vmem>>, vector<16xf32>,
    %get3A_670 = vector.shape_cast %get3A_669 : vector<16xf32> to vector<16xf32>
    %get3A_671 = arith.constant 160 : index
    %get3A_672 = tpu.vector_load %arg6[%get3A_671] {strides = array<i32>} : memref<33024xf32, #tpu.memory_space<vmem>>, vector<16xf32>,
    %get3A_673 = vector.shape_cast %get3A_672 : vector<16xf32> to vector<16xf32>
    %get3A_674 = arith.constant 176 : index
    %get3A_675 = tpu.vector_load %arg6[%get3A_674] {strides = array<i32>} : memref<33024xf32, #tpu.memory_space<vmem>>, vector<16xf32>,
    %get3A_676 = vector.shape_cast %get3A_675 : vector<16xf32> to vector<16xf32>
    %get3A_677 = arith.constant 192 : index
    %get3A_678 = tpu.vector_load %arg6[%get3A_677] {strides = array<i32>} : memref<33024xf32, #tpu.memory_space<vmem>>, vector<16xf32>,
    %get3A_679 = vector.shape_cast %get3A_678 : vector<16xf32> to vector<16xf32>
    %get3A_680 = arith.constant 208 : index
    %get3A_681 = tpu.vector_load %arg6[%get3A_680] {strides = array<i32>} : memref<33024xf32, #tpu.memory_space<vmem>>, vector<16xf32>,
    %get3A_682 = vector.shape_cast %get3A_681 : vector<16xf32> to vector<16xf32>
    %get3A_683 = arith.constant 224 : index
    %get3A_684 = tpu.vector_load %arg6[%get3A_683] {strides = array<i32>} : memref<33024xf32, #tpu.memory_space<vmem>>, vector<16xf32>,
    %get3A_685 = vector.shape_cast %get3A_684 : vector<16xf32> to vector<16xf32>
    %get3A_686 = arith.constant 240 : index
    %get3A_687 = tpu.vector_load %arg6[%get3A_686] {strides = array<i32>} : memref<33024xf32, #tpu.memory_space<vmem>>, vector<16xf32>,
    %get3A_688 = vector.shape_cast %get3A_687 : vector<16xf32> to vector<16xf32>
    %parallel_loop3A_689 = arith.constant 0 : i32
    %parallel_loop3A_690 = arith.constant 2048 : i32
    %parallel_loop3A_691 = arith.constant 16 : i32
    %parallel_loop3A_692:16 = scf.for %parallel_loop3A_991 = %parallel_loop3A_689 to %parallel_loop3A_690 step %parallel_loop3A_691 iter_args(%parallel_loop3A_992 = %get3A_643, %parallel_loop3A_993 = %get3A_646, %parallel_loop3A_994 = %get3A_649, %parallel_loop3A_995 = %get3A_652, %parallel_loop3A_996 = %get3A_655, %parallel_loop3A_997 = %get3A_658, %parallel_loop3A_998 = %get3A_661, %parallel_loop3A_999 = %get3A_664, %parallel_loop3A_1000 = %get3A_667, %parallel_loop3A_1001 = %get3A_670, %parallel_loop3A_1002 = %get3A_673, %parallel_loop3A_1003 = %get3A_676, %parallel_loop3A_1004 = %get3A_679, %parallel_loop3A_1005 = %get3A_682, %parallel_loop3A_1006 = %get3A_685, %parallel_loop3A_1007 = %get3A_688) -> (vector<16xf32>, vector<16xf32>, vector<16xf32>, vector<16xf32>, vector<16xf32>, vector<16xf32>, vector<16xf32>, vector<16xf32>, vector<16xf32>, vector<16xf32>, vector<16xf32>, vector<16xf32>, vector<16xf32>, vector<16xf32>, vector<16xf32>, vector<16xf32>)  : i32 {
      %parallel_loop3A_1008 = arith.mulf %parallel_loop3A_992, %div3A_640 : vector<16xf32>
      %parallel_loop3A_1009 = arith.constant 0 : i32
      %parallel_loop3A_1010 = arith.addi %parallel_loop3A_991, %parallel_loop3A_1009 : i32
      %parallel_loop3A_1011 = arith.constant 16 : i32
      %parallel_loop3A_1012 = arith.muli %parallel_loop3A_1010, %parallel_loop3A_1011 : i32
      %parallel_loop3A_1013 = arith.index_cast %parallel_loop3A_1012 : i32 to index
      %parallel_loop3A_1014 = tpu.vector_load %arg6[%parallel_loop3A_1013] {strides = array<i32>} : memref<33024xf32, #tpu.memory_space<vmem>>, vector<16xf32>,
      %parallel_loop3A_1015 = vector.shape_cast %parallel_loop3A_1014 : vector<16xf32> to vector<16xf32>
      %parallel_loop3A_1016 = vector.shape_cast %parallel_loop3A_1008 : vector<16xf32> to vector<16xf32>
      tpu.vector_store %arg6[%parallel_loop3A_1013], %parallel_loop3A_1016 {strides = array<i32>} : memref<33024xf32, #tpu.memory_space<vmem>>, vector<16xf32>,
      %parallel_loop3A_1017 = arith.constant 16 : i32
      %parallel_loop3A_1018 = arith.addi %parallel_loop3A_991, %parallel_loop3A_1017 : i32
      %parallel_loop3A_1019 = arith.constant 0 : i32
      %parallel_loop3A_1020 = arith.addi %parallel_loop3A_1018, %parallel_loop3A_1019 : i32
      %parallel_loop3A_1021 = arith.constant 16 : i32
      %parallel_loop3A_1022 = arith.muli %parallel_loop3A_1020, %parallel_loop3A_1021 : i32
      %parallel_loop3A_1023 = arith.index_cast %parallel_loop3A_1022 : i32 to index
      %parallel_loop3A_1024 = tpu.vector_load %arg6[%parallel_loop3A_1023] {strides = array<i32>} : memref<33024xf32, #tpu.memory_space<vmem>>, vector<16xf32>,
      %parallel_loop3A_1025 = vector.shape_cast %parallel_loop3A_1024 : vector<16xf32> to vector<16xf32>
      %parallel_loop3A_1026 = arith.mulf %parallel_loop3A_993, %div3A_640 : vector<16xf32>
      %parallel_loop3A_1027 = arith.constant 1 : i32
      %parallel_loop3A_1028 = arith.addi %parallel_loop3A_991, %parallel_loop3A_1027 : i32
      %parallel_loop3A_1029 = arith.constant 16 : i32
      %parallel_loop3A_1030 = arith.muli %parallel_loop3A_1028, %parallel_loop3A_1029 : i32
      %parallel_loop3A_1031 = arith.index_cast %parallel_loop3A_1030 : i32 to index
      %parallel_loop3A_1032 = tpu.vector_load %arg6[%parallel_loop3A_1031] {strides = array<i32>} : memref<33024xf32, #tpu.memory_space<vmem>>, vector<16xf32>,
      %parallel_loop3A_1033 = vector.shape_cast %parallel_loop3A_1032 : vector<16xf32> to vector<16xf32>
      %parallel_loop3A_1034 = vector.shape_cast %parallel_loop3A_1026 : vector<16xf32> to vector<16xf32>
      tpu.vector_store %arg6[%parallel_loop3A_1031], %parallel_loop3A_1034 {strides = array<i32>} : memref<33024xf32, #tpu.memory_space<vmem>>, vector<16xf32>,
      %parallel_loop3A_1035 = arith.constant 16 : i32
      %parallel_loop3A_1036 = arith.addi %parallel_loop3A_991, %parallel_loop3A_1035 : i32
      %parallel_loop3A_1037 = arith.constant 1 : i32
      %parallel_loop3A_1038 = arith.addi %parallel_loop3A_1036, %parallel_loop3A_1037 : i32
      %parallel_loop3A_1039 = arith.constant 16 : i32
      %parallel_loop3A_1040 = arith.muli %parallel_loop3A_1038, %parallel_loop3A_1039 : i32
      %parallel_loop3A_1041 = arith.index_cast %parallel_loop3A_1040 : i32 to index
      %parallel_loop3A_1042 = tpu.vector_load %arg6[%parallel_loop3A_1041] {strides = array<i32>} : memref<33024xf32, #tpu.memory_space<vmem>>, vector<16xf32>,
      %parallel_loop3A_1043 = vector.shape_cast %parallel_loop3A_1042 : vector<16xf32> to vector<16xf32>
      %parallel_loop3A_1044 = arith.mulf %parallel_loop3A_994, %div3A_640 : vector<16xf32>
      %parallel_loop3A_1045 = arith.constant 2 : i32
      %parallel_loop3A_1046 = arith.addi %parallel_loop3A_991, %parallel_loop3A_1045 : i32
      %parallel_loop3A_1047 = arith.constant 16 : i32
      %parallel_loop3A_1048 = arith.muli %parallel_loop3A_1046, %parallel_loop3A_1047 : i32
      %parallel_loop3A_1049 = arith.index_cast %parallel_loop3A_1048 : i32 to index
      %parallel_loop3A_1050 = tpu.vector_load %arg6[%parallel_loop3A_1049] {strides = array<i32>} : memref<33024xf32, #tpu.memory_space<vmem>>, vector<16xf32>,
      %parallel_loop3A_1051 = vector.shape_cast %parallel_loop3A_1050 : vector<16xf32> to vector<16xf32>
      %parallel_loop3A_1052 = vector.shape_cast %parallel_loop3A_1044 : vector<16xf32> to vector<16xf32>
      tpu.vector_store %arg6[%parallel_loop3A_1049], %parallel_loop3A_1052 {strides = array<i32>} : memref<33024xf32, #tpu.memory_space<vmem>>, vector<16xf32>,
      %parallel_loop3A_1053 = arith.constant 16 : i32
      %parallel_loop3A_1054 = arith.addi %parallel_loop3A_991, %parallel_loop3A_1053 : i32
      %parallel_loop3A_1055 = arith.constant 2 : i32
      %parallel_loop3A_1056 = arith.addi %parallel_loop3A_1054, %parallel_loop3A_1055 : i32
      %parallel_loop3A_1057 = arith.constant 16 : i32
      %parallel_loop3A_1058 = arith.muli %parallel_loop3A_1056, %parallel_loop3A_1057 : i32
      %parallel_loop3A_1059 = arith.index_cast %parallel_loop3A_1058 : i32 to index
      %parallel_loop3A_1060 = tpu.vector_load %arg6[%parallel_loop3A_1059] {strides = array<i32>} : memref<33024xf32, #tpu.memory_space<vmem>>, vector<16xf32>,
      %parallel_loop3A_1061 = vector.shape_cast %parallel_loop3A_1060 : vector<16xf32> to vector<16xf32>
      %parallel_loop3A_1062 = arith.mulf %parallel_loop3A_995, %div3A_640 : vector<16xf32>
      %parallel_loop3A_1063 = arith.constant 3 : i32
      %parallel_loop3A_1064 = arith.addi %parallel_loop3A_991, %parallel_loop3A_1063 : i32
      %parallel_loop3A_1065 = arith.constant 16 : i32
      %parallel_loop3A_1066 = arith.muli %parallel_loop3A_1064, %parallel_loop3A_1065 : i32
      %parallel_loop3A_1067 = arith.index_cast %parallel_loop3A_1066 : i32 to index
      %parallel_loop3A_1068 = tpu.vector_load %arg6[%parallel_loop3A_1067] {strides = array<i32>} : memref<33024xf32, #tpu.memory_space<vmem>>, vector<16xf32>,
      %parallel_loop3A_1069 = vector.shape_cast %parallel_loop3A_1068 : vector<16xf32> to vector<16xf32>
      %parallel_loop3A_1070 = vector.shape_cast %parallel_loop3A_1062 : vector<16xf32> to vector<16xf32>
      tpu.vector_store %arg6[%parallel_loop3A_1067], %parallel_loop3A_1070 {strides = array<i32>} : memref<33024xf32, #tpu.memory_space<vmem>>, vector<16xf32>,
      %parallel_loop3A_1071 = arith.constant 16 : i32
      %parallel_loop3A_1072 = arith.addi %parallel_loop3A_991, %parallel_loop3A_1071 : i32
      %parallel_loop3A_1073 = arith.constant 3 : i32
      %parallel_loop3A_1074 = arith.addi %parallel_loop3A_1072, %parallel_loop3A_1073 : i32
      %parallel_loop3A_1075 = arith.constant 16 : i32
      %parallel_loop3A_1076 = arith.muli %parallel_loop3A_1074, %parallel_loop3A_1075 : i32
      %parallel_loop3A_1077 = arith.index_cast %parallel_loop3A_1076 : i32 to index
      %parallel_loop3A_1078 = tpu.vector_load %arg6[%parallel_loop3A_1077] {strides = array<i32>} : memref<33024xf32, #tpu.memory_space<vmem>>, vector<16xf32>,
      %parallel_loop3A_1079 = vector.shape_cast %parallel_loop3A_1078 : vector<16xf32> to vector<16xf32>
      %parallel_loop3A_1080 = arith.mulf %parallel_loop3A_996, %div3A_640 : vector<16xf32>
      %parallel_loop3A_1081 = arith.constant 4 : i32
      %parallel_loop3A_1082 = arith.addi %parallel_loop3A_991, %parallel_loop3A_1081 : i32
      %parallel_loop3A_1083 = arith.constant 16 : i32
      %parallel_loop3A_1084 = arith.muli %parallel_loop3A_1082, %parallel_loop3A_1083 : i32
      %parallel_loop3A_1085 = arith.index_cast %parallel_loop3A_1084 : i32 to index
      %parallel_loop3A_1086 = tpu.vector_load %arg6[%parallel_loop3A_1085] {strides = array<i32>} : memref<33024xf32, #tpu.memory_space<vmem>>, vector<16xf32>,
      %parallel_loop3A_1087 = vector.shape_cast %parallel_loop3A_1086 : vector<16xf32> to vector<16xf32>
      %parallel_loop3A_1088 = vector.shape_cast %parallel_loop3A_1080 : vector<16xf32> to vector<16xf32>
      tpu.vector_store %arg6[%parallel_loop3A_1085], %parallel_loop3A_1088 {strides = array<i32>} : memref<33024xf32, #tpu.memory_space<vmem>>, vector<16xf32>,
      %parallel_loop3A_1089 = arith.constant 16 : i32
      %parallel_loop3A_1090 = arith.addi %parallel_loop3A_991, %parallel_loop3A_1089 : i32
      %parallel_loop3A_1091 = arith.constant 4 : i32
      %parallel_loop3A_1092 = arith.addi %parallel_loop3A_1090, %parallel_loop3A_1091 : i32
      %parallel_loop3A_1093 = arith.constant 16 : i32
      %parallel_loop3A_1094 = arith.muli %parallel_loop3A_1092, %parallel_loop3A_1093 : i32
      %parallel_loop3A_1095 = arith.index_cast %parallel_loop3A_1094 : i32 to index
      %parallel_loop3A_1096 = tpu.vector_load %arg6[%parallel_loop3A_1095] {strides = array<i32>} : memref<33024xf32, #tpu.memory_space<vmem>>, vector<16xf32>,
      %parallel_loop3A_1097 = vector.shape_cast %parallel_loop3A_1096 : vector<16xf32> to vector<16xf32>
      %parallel_loop3A_1098 = arith.mulf %parallel_loop3A_997, %div3A_640 : vector<16xf32>
      %parallel_loop3A_1099 = arith.constant 5 : i32
      %parallel_loop3A_1100 = arith.addi %parallel_loop3A_991, %parallel_loop3A_1099 : i32
      %parallel_loop3A_1101 = arith.constant 16 : i32
      %parallel_loop3A_1102 = arith.muli %parallel_loop3A_1100, %parallel_loop3A_1101 : i32
      %parallel_loop3A_1103 = arith.index_cast %parallel_loop3A_1102 : i32 to index
      %parallel_loop3A_1104 = tpu.vector_load %arg6[%parallel_loop3A_1103] {strides = array<i32>} : memref<33024xf32, #tpu.memory_space<vmem>>, vector<16xf32>,
      %parallel_loop3A_1105 = vector.shape_cast %parallel_loop3A_1104 : vector<16xf32> to vector<16xf32>
      %parallel_loop3A_1106 = vector.shape_cast %parallel_loop3A_1098 : vector<16xf32> to vector<16xf32>
      tpu.vector_store %arg6[%parallel_loop3A_1103], %parallel_loop3A_1106 {strides = array<i32>} : memref<33024xf32, #tpu.memory_space<vmem>>, vector<16xf32>,
      %parallel_loop3A_1107 = arith.constant 16 : i32
      %parallel_loop3A_1108 = arith.addi %parallel_loop3A_991, %parallel_loop3A_1107 : i32
      %parallel_loop3A_1109 = arith.constant 5 : i32
      %parallel_loop3A_1110 = arith.addi %parallel_loop3A_1108, %parallel_loop3A_1109 : i32
      %parallel_loop3A_1111 = arith.constant 16 : i32
      %parallel_loop3A_1112 = arith.muli %parallel_loop3A_1110, %parallel_loop3A_1111 : i32
      %parallel_loop3A_1113 = arith.index_cast %parallel_loop3A_1112 : i32 to index
      %parallel_loop3A_1114 = tpu.vector_load %arg6[%parallel_loop3A_1113] {strides = array<i32>} : memref<33024xf32, #tpu.memory_space<vmem>>, vector<16xf32>,
      %parallel_loop3A_1115 = vector.shape_cast %parallel_loop3A_1114 : vector<16xf32> to vector<16xf32>
      %parallel_loop3A_1116 = arith.mulf %parallel_loop3A_998, %div3A_640 : vector<16xf32>
      %parallel_loop3A_1117 = arith.constant 6 : i32
      %parallel_loop3A_1118 = arith.addi %parallel_loop3A_991, %parallel_loop3A_1117 : i32
      %parallel_loop3A_1119 = arith.constant 16 : i32
      %parallel_loop3A_1120 = arith.muli %parallel_loop3A_1118, %parallel_loop3A_1119 : i32
      %parallel_loop3A_1121 = arith.index_cast %parallel_loop3A_1120 : i32 to index
      %parallel_loop3A_1122 = tpu.vector_load %arg6[%parallel_loop3A_1121] {strides = array<i32>} : memref<33024xf32, #tpu.memory_space<vmem>>, vector<16xf32>,
      %parallel_loop3A_1123 = vector.shape_cast %parallel_loop3A_1122 : vector<16xf32> to vector<16xf32>
      %parallel_loop3A_1124 = vector.shape_cast %parallel_loop3A_1116 : vector<16xf32> to vector<16xf32>
      tpu.vector_store %arg6[%parallel_loop3A_1121], %parallel_loop3A_1124 {strides = array<i32>} : memref<33024xf32, #tpu.memory_space<vmem>>, vector<16xf32>,
      %parallel_loop3A_1125 = arith.constant 16 : i32
      %parallel_loop3A_1126 = arith.addi %parallel_loop3A_991, %parallel_loop3A_1125 : i32
      %parallel_loop3A_1127 = arith.constant 6 : i32
      %parallel_loop3A_1128 = arith.addi %parallel_loop3A_1126, %parallel_loop3A_1127 : i32
      %parallel_loop3A_1129 = arith.constant 16 : i32
      %parallel_loop3A_1130 = arith.muli %parallel_loop3A_1128, %parallel_loop3A_1129 : i32
      %parallel_loop3A_1131 = arith.index_cast %parallel_loop3A_1130 : i32 to index
      %parallel_loop3A_1132 = tpu.vector_load %arg6[%parallel_loop3A_1131] {strides = array<i32>} : memref<33024xf32, #tpu.memory_space<vmem>>, vector<16xf32>,
      %parallel_loop3A_1133 = vector.shape_cast %parallel_loop3A_1132 : vector<16xf32> to vector<16xf32>
      %parallel_loop3A_1134 = arith.mulf %parallel_loop3A_999, %div3A_640 : vector<16xf32>
      %parallel_loop3A_1135 = arith.constant 7 : i32
      %parallel_loop3A_1136 = arith.addi %parallel_loop3A_991, %parallel_loop3A_1135 : i32
      %parallel_loop3A_1137 = arith.constant 16 : i32
      %parallel_loop3A_1138 = arith.muli %parallel_loop3A_1136, %parallel_loop3A_1137 : i32
      %parallel_loop3A_1139 = arith.index_cast %parallel_loop3A_1138 : i32 to index
      %parallel_loop3A_1140 = tpu.vector_load %arg6[%parallel_loop3A_1139] {strides = array<i32>} : memref<33024xf32, #tpu.memory_space<vmem>>, vector<16xf32>,
      %parallel_loop3A_1141 = vector.shape_cast %parallel_loop3A_1140 : vector<16xf32> to vector<16xf32>
      %parallel_loop3A_1142 = vector.shape_cast %parallel_loop3A_1134 : vector<16xf32> to vector<16xf32>
      tpu.vector_store %arg6[%parallel_loop3A_1139], %parallel_loop3A_1142 {strides = array<i32>} : memref<33024xf32, #tpu.memory_space<vmem>>, vector<16xf32>,
      %parallel_loop3A_1143 = arith.constant 16 : i32
      %parallel_loop3A_1144 = arith.addi %parallel_loop3A_991, %parallel_loop3A_1143 : i32
      %parallel_loop3A_1145 = arith.constant 7 : i32
      %parallel_loop3A_1146 = arith.addi %parallel_loop3A_1144, %parallel_loop3A_1145 : i32
      %parallel_loop3A_1147 = arith.constant 16 : i32
      %parallel_loop3A_1148 = arith.muli %parallel_loop3A_1146, %parallel_loop3A_1147 : i32
      %parallel_loop3A_1149 = arith.index_cast %parallel_loop3A_1148 : i32 to index
      %parallel_loop3A_1150 = tpu.vector_load %arg6[%parallel_loop3A_1149] {strides = array<i32>} : memref<33024xf32, #tpu.memory_space<vmem>>, vector<16xf32>,
      %parallel_loop3A_1151 = vector.shape_cast %parallel_loop3A_1150 : vector<16xf32> to vector<16xf32>
      %parallel_loop3A_1152 = arith.mulf %parallel_loop3A_1000, %div3A_640 : vector<16xf32>
      %parallel_loop3A_1153 = arith.constant 8 : i32
      %parallel_loop3A_1154 = arith.addi %parallel_loop3A_991, %parallel_loop3A_1153 : i32
      %parallel_loop3A_1155 = arith.constant 16 : i32
      %parallel_loop3A_1156 = arith.muli %parallel_loop3A_1154, %parallel_loop3A_1155 : i32
      %parallel_loop3A_1157 = arith.index_cast %parallel_loop3A_1156 : i32 to index
      %parallel_loop3A_1158 = tpu.vector_load %arg6[%parallel_loop3A_1157] {strides = array<i32>} : memref<33024xf32, #tpu.memory_space<vmem>>, vector<16xf32>,
      %parallel_loop3A_1159 = vector.shape_cast %parallel_loop3A_1158 : vector<16xf32> to vector<16xf32>
      %parallel_loop3A_1160 = vector.shape_cast %parallel_loop3A_1152 : vector<16xf32> to vector<16xf32>
      tpu.vector_store %arg6[%parallel_loop3A_1157], %parallel_loop3A_1160 {strides = array<i32>} : memref<33024xf32, #tpu.memory_space<vmem>>, vector<16xf32>,
      %parallel_loop3A_1161 = arith.constant 16 : i32
      %parallel_loop3A_1162 = arith.addi %parallel_loop3A_991, %parallel_loop3A_1161 : i32
      %parallel_loop3A_1163 = arith.constant 8 : i32
      %parallel_loop3A_1164 = arith.addi %parallel_loop3A_1162, %parallel_loop3A_1163 : i32
      %parallel_loop3A_1165 = arith.constant 16 : i32
      %parallel_loop3A_1166 = arith.muli %parallel_loop3A_1164, %parallel_loop3A_1165 : i32
      %parallel_loop3A_1167 = arith.index_cast %parallel_loop3A_1166 : i32 to index
      %parallel_loop3A_1168 = tpu.vector_load %arg6[%parallel_loop3A_1167] {strides = array<i32>} : memref<33024xf32, #tpu.memory_space<vmem>>, vector<16xf32>,
      %parallel_loop3A_1169 = vector.shape_cast %parallel_loop3A_1168 : vector<16xf32> to vector<16xf32>
      %parallel_loop3A_1170 = arith.mulf %parallel_loop3A_1001, %div3A_640 : vector<16xf32>
      %parallel_loop3A_1171 = arith.constant 9 : i32
      %parallel_loop3A_1172 = arith.addi %parallel_loop3A_991, %parallel_loop3A_1171 : i32
      %parallel_loop3A_1173 = arith.constant 16 : i32
      %parallel_loop3A_1174 = arith.muli %parallel_loop3A_1172, %parallel_loop3A_1173 : i32
      %parallel_loop3A_1175 = arith.index_cast %parallel_loop3A_1174 : i32 to index
      %parallel_loop3A_1176 = tpu.vector_load %arg6[%parallel_loop3A_1175] {strides = array<i32>} : memref<33024xf32, #tpu.memory_space<vmem>>, vector<16xf32>,
      %parallel_loop3A_1177 = vector.shape_cast %parallel_loop3A_1176 : vector<16xf32> to vector<16xf32>
      %parallel_loop3A_1178 = vector.shape_cast %parallel_loop3A_1170 : vector<16xf32> to vector<16xf32>
      tpu.vector_store %arg6[%parallel_loop3A_1175], %parallel_loop3A_1178 {strides = array<i32>} : memref<33024xf32, #tpu.memory_space<vmem>>, vector<16xf32>,
      %parallel_loop3A_1179 = arith.constant 16 : i32
      %parallel_loop3A_1180 = arith.addi %parallel_loop3A_991, %parallel_loop3A_1179 : i32
      %parallel_loop3A_1181 = arith.constant 9 : i32
      %parallel_loop3A_1182 = arith.addi %parallel_loop3A_1180, %parallel_loop3A_1181 : i32
      %parallel_loop3A_1183 = arith.constant 16 : i32
      %parallel_loop3A_1184 = arith.muli %parallel_loop3A_1182, %parallel_loop3A_1183 : i32
      %parallel_loop3A_1185 = arith.index_cast %parallel_loop3A_1184 : i32 to index
      %parallel_loop3A_1186 = tpu.vector_load %arg6[%parallel_loop3A_1185] {strides = array<i32>} : memref<33024xf32, #tpu.memory_space<vmem>>, vector<16xf32>,
      %parallel_loop3A_1187 = vector.shape_cast %parallel_loop3A_1186 : vector<16xf32> to vector<16xf32>
      %parallel_loop3A_1188 = arith.mulf %parallel_loop3A_1002, %div3A_640 : vector<16xf32>
      %parallel_loop3A_1189 = arith.constant 10 : i32
      %parallel_loop3A_1190 = arith.addi %parallel_loop3A_991, %parallel_loop3A_1189 : i32
      %parallel_loop3A_1191 = arith.constant 16 : i32
      %parallel_loop3A_1192 = arith.muli %parallel_loop3A_1190, %parallel_loop3A_1191 : i32
      %parallel_loop3A_1193 = arith.index_cast %parallel_loop3A_1192 : i32 to index
      %parallel_loop3A_1194 = tpu.vector_load %arg6[%parallel_loop3A_1193] {strides = array<i32>} : memref<33024xf32, #tpu.memory_space<vmem>>, vector<16xf32>,
      %parallel_loop3A_1195 = vector.shape_cast %parallel_loop3A_1194 : vector<16xf32> to vector<16xf32>
      %parallel_loop3A_1196 = vector.shape_cast %parallel_loop3A_1188 : vector<16xf32> to vector<16xf32>
      tpu.vector_store %arg6[%parallel_loop3A_1193], %parallel_loop3A_1196 {strides = array<i32>} : memref<33024xf32, #tpu.memory_space<vmem>>, vector<16xf32>,
      %parallel_loop3A_1197 = arith.constant 16 : i32
      %parallel_loop3A_1198 = arith.addi %parallel_loop3A_991, %parallel_loop3A_1197 : i32
      %parallel_loop3A_1199 = arith.constant 10 : i32
      %parallel_loop3A_1200 = arith.addi %parallel_loop3A_1198, %parallel_loop3A_1199 : i32
      %parallel_loop3A_1201 = arith.constant 16 : i32
      %parallel_loop3A_1202 = arith.muli %parallel_loop3A_1200, %parallel_loop3A_1201 : i32
      %parallel_loop3A_1203 = arith.index_cast %parallel_loop3A_1202 : i32 to index
      %parallel_loop3A_1204 = tpu.vector_load %arg6[%parallel_loop3A_1203] {strides = array<i32>} : memref<33024xf32, #tpu.memory_space<vmem>>, vector<16xf32>,
      %parallel_loop3A_1205 = vector.shape_cast %parallel_loop3A_1204 : vector<16xf32> to vector<16xf32>
      %parallel_loop3A_1206 = arith.mulf %parallel_loop3A_1003, %div3A_640 : vector<16xf32>
      %parallel_loop3A_1207 = arith.constant 11 : i32
      %parallel_loop3A_1208 = arith.addi %parallel_loop3A_991, %parallel_loop3A_1207 : i32
      %parallel_loop3A_1209 = arith.constant 16 : i32
      %parallel_loop3A_1210 = arith.muli %parallel_loop3A_1208, %parallel_loop3A_1209 : i32
      %parallel_loop3A_1211 = arith.index_cast %parallel_loop3A_1210 : i32 to index
      %parallel_loop3A_1212 = tpu.vector_load %arg6[%parallel_loop3A_1211] {strides = array<i32>} : memref<33024xf32, #tpu.memory_space<vmem>>, vector<16xf32>,
      %parallel_loop3A_1213 = vector.shape_cast %parallel_loop3A_1212 : vector<16xf32> to vector<16xf32>
      %parallel_loop3A_1214 = vector.shape_cast %parallel_loop3A_1206 : vector<16xf32> to vector<16xf32>
      tpu.vector_store %arg6[%parallel_loop3A_1211], %parallel_loop3A_1214 {strides = array<i32>} : memref<33024xf32, #tpu.memory_space<vmem>>, vector<16xf32>,
      %parallel_loop3A_1215 = arith.constant 16 : i32
      %parallel_loop3A_1216 = arith.addi %parallel_loop3A_991, %parallel_loop3A_1215 : i32
      %parallel_loop3A_1217 = arith.constant 11 : i32
      %parallel_loop3A_1218 = arith.addi %parallel_loop3A_1216, %parallel_loop3A_1217 : i32
      %parallel_loop3A_1219 = arith.constant 16 : i32
      %parallel_loop3A_1220 = arith.muli %parallel_loop3A_1218, %parallel_loop3A_1219 : i32
      %parallel_loop3A_1221 = arith.index_cast %parallel_loop3A_1220 : i32 to index
      %parallel_loop3A_1222 = tpu.vector_load %arg6[%parallel_loop3A_1221] {strides = array<i32>} : memref<33024xf32, #tpu.memory_space<vmem>>, vector<16xf32>,
      %parallel_loop3A_1223 = vector.shape_cast %parallel_loop3A_1222 : vector<16xf32> to vector<16xf32>
      %parallel_loop3A_1224 = arith.mulf %parallel_loop3A_1004, %div3A_640 : vector<16xf32>
      %parallel_loop3A_1225 = arith.constant 12 : i32
      %parallel_loop3A_1226 = arith.addi %parallel_loop3A_991, %parallel_loop3A_1225 : i32
      %parallel_loop3A_1227 = arith.constant 16 : i32
      %parallel_loop3A_1228 = arith.muli %parallel_loop3A_1226, %parallel_loop3A_1227 : i32
      %parallel_loop3A_1229 = arith.index_cast %parallel_loop3A_1228 : i32 to index
      %parallel_loop3A_1230 = tpu.vector_load %arg6[%parallel_loop3A_1229] {strides = array<i32>} : memref<33024xf32, #tpu.memory_space<vmem>>, vector<16xf32>,
      %parallel_loop3A_1231 = vector.shape_cast %parallel_loop3A_1230 : vector<16xf32> to vector<16xf32>
      %parallel_loop3A_1232 = vector.shape_cast %parallel_loop3A_1224 : vector<16xf32> to vector<16xf32>
      tpu.vector_store %arg6[%parallel_loop3A_1229], %parallel_loop3A_1232 {strides = array<i32>} : memref<33024xf32, #tpu.memory_space<vmem>>, vector<16xf32>,
      %parallel_loop3A_1233 = arith.constant 16 : i32
      %parallel_loop3A_1234 = arith.addi %parallel_loop3A_991, %parallel_loop3A_1233 : i32
      %parallel_loop3A_1235 = arith.constant 12 : i32
      %parallel_loop3A_1236 = arith.addi %parallel_loop3A_1234, %parallel_loop3A_1235 : i32
      %parallel_loop3A_1237 = arith.constant 16 : i32
      %parallel_loop3A_1238 = arith.muli %parallel_loop3A_1236, %parallel_loop3A_1237 : i32
      %parallel_loop3A_1239 = arith.index_cast %parallel_loop3A_1238 : i32 to index
      %parallel_loop3A_1240 = tpu.vector_load %arg6[%parallel_loop3A_1239] {strides = array<i32>} : memref<33024xf32, #tpu.memory_space<vmem>>, vector<16xf32>,
      %parallel_loop3A_1241 = vector.shape_cast %parallel_loop3A_1240 : vector<16xf32> to vector<16xf32>
      %parallel_loop3A_1242 = arith.mulf %parallel_loop3A_1005, %div3A_640 : vector<16xf32>
      %parallel_loop3A_1243 = arith.constant 13 : i32
      %parallel_loop3A_1244 = arith.addi %parallel_loop3A_991, %parallel_loop3A_1243 : i32
      %parallel_loop3A_1245 = arith.constant 16 : i32
      %parallel_loop3A_1246 = arith.muli %parallel_loop3A_1244, %parallel_loop3A_1245 : i32
      %parallel_loop3A_1247 = arith.index_cast %parallel_loop3A_1246 : i32 to index
      %parallel_loop3A_1248 = tpu.vector_load %arg6[%parallel_loop3A_1247] {strides = array<i32>} : memref<33024xf32, #tpu.memory_space<vmem>>, vector<16xf32>,
      %parallel_loop3A_1249 = vector.shape_cast %parallel_loop3A_1248 : vector<16xf32> to vector<16xf32>
      %parallel_loop3A_1250 = vector.shape_cast %parallel_loop3A_1242 : vector<16xf32> to vector<16xf32>
      tpu.vector_store %arg6[%parallel_loop3A_1247], %parallel_loop3A_1250 {strides = array<i32>} : memref<33024xf32, #tpu.memory_space<vmem>>, vector<16xf32>,
      %parallel_loop3A_1251 = arith.constant 16 : i32
      %parallel_loop3A_1252 = arith.addi %parallel_loop3A_991, %parallel_loop3A_1251 : i32
      %parallel_loop3A_1253 = arith.constant 13 : i32
      %parallel_loop3A_1254 = arith.addi %parallel_loop3A_1252, %parallel_loop3A_1253 : i32
      %parallel_loop3A_1255 = arith.constant 16 : i32
      %parallel_loop3A_1256 = arith.muli %parallel_loop3A_1254, %parallel_loop3A_1255 : i32
      %parallel_loop3A_1257 = arith.index_cast %parallel_loop3A_1256 : i32 to index
      %parallel_loop3A_1258 = tpu.vector_load %arg6[%parallel_loop3A_1257] {strides = array<i32>} : memref<33024xf32, #tpu.memory_space<vmem>>, vector<16xf32>,
      %parallel_loop3A_1259 = vector.shape_cast %parallel_loop3A_1258 : vector<16xf32> to vector<16xf32>
      %parallel_loop3A_1260 = arith.mulf %parallel_loop3A_1006, %div3A_640 : vector<16xf32>
      %parallel_loop3A_1261 = arith.constant 14 : i32
      %parallel_loop3A_1262 = arith.addi %parallel_loop3A_991, %parallel_loop3A_1261 : i32
      %parallel_loop3A_1263 = arith.constant 16 : i32
      %parallel_loop3A_1264 = arith.muli %parallel_loop3A_1262, %parallel_loop3A_1263 : i32
      %parallel_loop3A_1265 = arith.index_cast %parallel_loop3A_1264 : i32 to index
      %parallel_loop3A_1266 = tpu.vector_load %arg6[%parallel_loop3A_1265] {strides = array<i32>} : memref<33024xf32, #tpu.memory_space<vmem>>, vector<16xf32>,
      %parallel_loop3A_1267 = vector.shape_cast %parallel_loop3A_1266 : vector<16xf32> to vector<16xf32>
      %parallel_loop3A_1268 = vector.shape_cast %parallel_loop3A_1260 : vector<16xf32> to vector<16xf32>
      tpu.vector_store %arg6[%parallel_loop3A_1265], %parallel_loop3A_1268 {strides = array<i32>} : memref<33024xf32, #tpu.memory_space<vmem>>, vector<16xf32>,
      %parallel_loop3A_1269 = arith.constant 16 : i32
      %parallel_loop3A_1270 = arith.addi %parallel_loop3A_991, %parallel_loop3A_1269 : i32
      %parallel_loop3A_1271 = arith.constant 14 : i32
      %parallel_loop3A_1272 = arith.addi %parallel_loop3A_1270, %parallel_loop3A_1271 : i32
      %parallel_loop3A_1273 = arith.constant 16 : i32
      %parallel_loop3A_1274 = arith.muli %parallel_loop3A_1272, %parallel_loop3A_1273 : i32
      %parallel_loop3A_1275 = arith.index_cast %parallel_loop3A_1274 : i32 to index
      %parallel_loop3A_1276 = tpu.vector_load %arg6[%parallel_loop3A_1275] {strides = array<i32>} : memref<33024xf32, #tpu.memory_space<vmem>>, vector<16xf32>,
      %parallel_loop3A_1277 = vector.shape_cast %parallel_loop3A_1276 : vector<16xf32> to vector<16xf32>
      %parallel_loop3A_1278 = arith.mulf %parallel_loop3A_1007, %div3A_640 : vector<16xf32>
      %parallel_loop3A_1279 = arith.constant 15 : i32
      %parallel_loop3A_1280 = arith.addi %parallel_loop3A_991, %parallel_loop3A_1279 : i32
      %parallel_loop3A_1281 = arith.constant 16 : i32
      %parallel_loop3A_1282 = arith.muli %parallel_loop3A_1280, %parallel_loop3A_1281 : i32
      %parallel_loop3A_1283 = arith.index_cast %parallel_loop3A_1282 : i32 to index
      %parallel_loop3A_1284 = tpu.vector_load %arg6[%parallel_loop3A_1283] {strides = array<i32>} : memref<33024xf32, #tpu.memory_space<vmem>>, vector<16xf32>,
      %parallel_loop3A_1285 = vector.shape_cast %parallel_loop3A_1284 : vector<16xf32> to vector<16xf32>
      %parallel_loop3A_1286 = vector.shape_cast %parallel_loop3A_1278 : vector<16xf32> to vector<16xf32>
      tpu.vector_store %arg6[%parallel_loop3A_1283], %parallel_loop3A_1286 {strides = array<i32>} : memref<33024xf32, #tpu.memory_space<vmem>>, vector<16xf32>,
      %parallel_loop3A_1287 = arith.constant 16 : i32
      %parallel_loop3A_1288 = arith.addi %parallel_loop3A_991, %parallel_loop3A_1287 : i32
      %parallel_loop3A_1289 = arith.constant 15 : i32
      %parallel_loop3A_1290 = arith.addi %parallel_loop3A_1288, %parallel_loop3A_1289 : i32
      %parallel_loop3A_1291 = arith.constant 16 : i32
      %parallel_loop3A_1292 = arith.muli %parallel_loop3A_1290, %parallel_loop3A_1291 : i32
      %parallel_loop3A_1293 = arith.index_cast %parallel_loop3A_1292 : i32 to index
      %parallel_loop3A_1294 = tpu.vector_load %arg6[%parallel_loop3A_1293] {strides = array<i32>} : memref<33024xf32, #tpu.memory_space<vmem>>, vector<16xf32>,
      %parallel_loop3A_1295 = vector.shape_cast %parallel_loop3A_1294 : vector<16xf32> to vector<16xf32>
      scf.yield %parallel_loop3A_1025, %parallel_loop3A_1043, %parallel_loop3A_1061, %parallel_loop3A_1079, %parallel_loop3A_1097, %parallel_loop3A_1115, %parallel_loop3A_1133, %parallel_loop3A_1151, %parallel_loop3A_1169, %parallel_loop3A_1187, %parallel_loop3A_1205, %parallel_loop3A_1223, %parallel_loop3A_1241, %parallel_loop3A_1259, %parallel_loop3A_1277, %parallel_loop3A_1295 : vector<16xf32>, vector<16xf32>, vector<16xf32>, vector<16xf32>, vector<16xf32>, vector<16xf32>, vector<16xf32>, vector<16xf32>, vector<16xf32>, vector<16xf32>, vector<16xf32>, vector<16xf32>, vector<16xf32>, vector<16xf32>, vector<16xf32>, vector<16xf32>
    } {sc.loop_unroll_factor = 1 : i64, sc.parallel_access}
    %dma_start3A_693 = arith.constant 0 : i32
    %dma_start3A_694 = tpu.memref_slice %arg6[%dma_start3A_693] : memref<33024xf32, #tpu.memory_space<vmem>> -> memref<32768xf32, #tpu.memory_space<vmem>>
    %dma_start3A_695 = arith.constant 0 : i32
    %dma_start3A_696 = tpu.memref_slice %arg3[%add3A_12, %dma_start3A_695] : memref<128x32768xf32, #tpu.memory_space<hbm>> -> memref<1x32768xf32, #tpu.memory_space<hbm>>
    %dma_start3A_697 = tpu.memref_squeeze %dma_start3A_696 : memref<1x32768xf32, #tpu.memory_space<hbm>> -> memref<32768xf32, #tpu.memory_space<hbm>>
    %dma_start3A_698 = arith.constant 0 : i32
    %dma_start3A_699 = tpu.memref_slice %arg3[%add3A_12, %dma_start3A_698] : memref<128x32768xf32, #tpu.memory_space<hbm>> -> memref<1x32768xf32, #tpu.memory_space<hbm>>
    %dma_start3A_700 = tpu.memref_squeeze %dma_start3A_699 : memref<1x32768xf32, #tpu.memory_space<hbm>> -> memref<32768xf32, #tpu.memory_space<hbm>>
    %dma_start3A_701 = arith.constant 0 : i32
    %dma_start3A_702 = tpu.memref_slice %arg6[%dma_start3A_701] : memref<33024xf32, #tpu.memory_space<vmem>> -> memref<32768xf32, #tpu.memory_space<vmem>>
    tpu.enqueue_dma source(%dma_start3A_702 : memref<32768xf32, #tpu.memory_space<vmem>>) target(%dma_start3A_700 : memref<32768xf32, #tpu.memory_space<hbm>>) target_semaphore(%arg12 : memref<!tpu.dma_semaphore, #tpu.memory_space<semaphore_mem>>)
    %dma_wait3A_703 = arith.constant 0 : i32
    %dma_wait3A_704 = tpu.memref_slice %arg4[%dma_wait3A_703] : memref<33024xf32, #tpu.memory_space<vmem>> -> memref<32768xf32, #tpu.memory_space<vmem>>
    %dma_wait3A_705 = arith.constant 0 : i32
    %dma_wait3A_706 = tpu.memref_slice %arg2[%add3A_16, %dma_wait3A_705] : memref<128x32768xf32, #tpu.memory_space<hbm>> -> memref<1x32768xf32, #tpu.memory_space<hbm>>
    %dma_wait3A_707 = tpu.memref_squeeze %dma_wait3A_706 : memref<1x32768xf32, #tpu.memory_space<hbm>> -> memref<32768xf32, #tpu.memory_space<hbm>>
    %dma_wait3A_708 = arith.constant 0 : i32
    %dma_wait3A_709 = tpu.memref_slice %arg4[%dma_wait3A_708] : memref<33024xf32, #tpu.memory_space<vmem>> -> memref<32768xf32, #tpu.memory_space<vmem>>
    %dma_wait3A_710 = arith.constant 0 : i32
    %dma_wait3A_711 = tpu.memref_slice %arg2[%add3A_16, %dma_wait3A_710] : memref<128x32768xf32, #tpu.memory_space<hbm>> -> memref<1x32768xf32, #tpu.memory_space<hbm>>
    %dma_wait3A_712 = tpu.memref_squeeze %dma_wait3A_711 : memref<1x32768xf32, #tpu.memory_space<hbm>> -> memref<32768xf32, #tpu.memory_space<hbm>>
    tpu.wait_dma2 semaphore(%arg7 : memref<!tpu.dma_semaphore, #tpu.memory_space<semaphore_mem>>) src(%dma_wait3A_712 : memref<32768xf32, #tpu.memory_space<hbm>>) dst(%dma_wait3A_709 : memref<32768xf32, #tpu.memory_space<vmem>>)
    %eq3A_713 = arith.constant 0 : i32
    %eq3A_714 = vector.broadcast %eq3A_713 : i32 to vector<16xi32>
    %eq3A_715 = arith.cmpi eq, %iota3A, %eq3A_714 : vector<16xi32>
    %get3A_716 = arith.constant 0 : index
    %get3A_717 = tpu.vector_load %arg4[%get3A_716] {strides = array<i32>} : memref<33024xf32, #tpu.memory_space<vmem>>, vector<16xf32>,
    %get3A_718 = vector.shape_cast %get3A_717 : vector<16xf32> to vector<16xf32>
    %jit3A_719 = arith.constant 0xFF800000 : f32
    %broadcast_in_dim3A_720 = vector.broadcast %jit3A_719 : f32 to vector<16xf32>
    %select_n3A_721 = arith.select %eq3A_715, %broadcast_in_dim3A_720, %get3A_718 : vector<16xi1>, vector<16xf32>
    %swap3A_722 = arith.constant 0 : index
    %swap3A_723 = tpu.vector_load %arg4[%swap3A_722] {strides = array<i32>} : memref<33024xf32, #tpu.memory_space<vmem>>, vector<16xf32>,
    %swap3A_724 = vector.shape_cast %swap3A_723 : vector<16xf32> to vector<16xf32>
    %swap3A_725 = vector.shape_cast %select_n3A_721 : vector<16xf32> to vector<16xf32>
    tpu.vector_store %arg4[%swap3A_722], %swap3A_725 {strides = array<i32>} : memref<33024xf32, #tpu.memory_space<vmem>>, vector<16xf32>,
    %broadcast_in_dim3A_726 = arith.constant 0.000000e+00 : f32
    %broadcast_in_dim3A_727 = vector.broadcast %broadcast_in_dim3A_726 : f32 to vector<16xf32>
    %get3A_728 = arith.constant 0 : index
    %get3A_729 = tpu.vector_load %arg4[%get3A_728] {strides = array<i32>} : memref<33024xf32, #tpu.memory_space<vmem>>, vector<16xf32>,
    %get3A_730 = vector.shape_cast %get3A_729 : vector<16xf32> to vector<16xf32>
    %get3A_731 = arith.constant 16 : index
    %get3A_732 = tpu.vector_load %arg4[%get3A_731] {strides = array<i32>} : memref<33024xf32, #tpu.memory_space<vmem>>, vector<16xf32>,
    %get3A_733 = vector.shape_cast %get3A_732 : vector<16xf32> to vector<16xf32>
    %get3A_734 = arith.constant 32 : index
    %get3A_735 = tpu.vector_load %arg4[%get3A_734] {strides = array<i32>} : memref<33024xf32, #tpu.memory_space<vmem>>, vector<16xf32>,
    %get3A_736 = vector.shape_cast %get3A_735 : vector<16xf32> to vector<16xf32>
    %get3A_737 = arith.constant 48 : index
    %get3A_738 = tpu.vector_load %arg4[%get3A_737] {strides = array<i32>} : memref<33024xf32, #tpu.memory_space<vmem>>, vector<16xf32>,
    %get3A_739 = vector.shape_cast %get3A_738 : vector<16xf32> to vector<16xf32>
    %get3A_740 = arith.constant 64 : index
    %get3A_741 = tpu.vector_load %arg4[%get3A_740] {strides = array<i32>} : memref<33024xf32, #tpu.memory_space<vmem>>, vector<16xf32>,
    %get3A_742 = vector.shape_cast %get3A_741 : vector<16xf32> to vector<16xf32>
    %get3A_743 = arith.constant 80 : index
    %get3A_744 = tpu.vector_load %arg4[%get3A_743] {strides = array<i32>} : memref<33024xf32, #tpu.memory_space<vmem>>, vector<16xf32>,
    %get3A_745 = vector.shape_cast %get3A_744 : vector<16xf32> to vector<16xf32>
    %get3A_746 = arith.constant 96 : index
    %get3A_747 = tpu.vector_load %arg4[%get3A_746] {strides = array<i32>} : memref<33024xf32, #tpu.memory_space<vmem>>, vector<16xf32>,
    %get3A_748 = vector.shape_cast %get3A_747 : vector<16xf32> to vector<16xf32>
    %get3A_749 = arith.constant 112 : index
    %get3A_750 = tpu.vector_load %arg4[%get3A_749] {strides = array<i32>} : memref<33024xf32, #tpu.memory_space<vmem>>, vector<16xf32>,
    %get3A_751 = vector.shape_cast %get3A_750 : vector<16xf32> to vector<16xf32>
    %get3A_752 = arith.constant 128 : index
    %get3A_753 = tpu.vector_load %arg4[%get3A_752] {strides = array<i32>} : memref<33024xf32, #tpu.memory_space<vmem>>, vector<16xf32>,
    %get3A_754 = vector.shape_cast %get3A_753 : vector<16xf32> to vector<16xf32>
    %get3A_755 = arith.constant 144 : index
    %get3A_756 = tpu.vector_load %arg4[%get3A_755] {strides = array<i32>} : memref<33024xf32, #tpu.memory_space<vmem>>, vector<16xf32>,
    %get3A_757 = vector.shape_cast %get3A_756 : vector<16xf32> to vector<16xf32>
    %get3A_758 = arith.constant 160 : index
    %get3A_759 = tpu.vector_load %arg4[%get3A_758] {strides = array<i32>} : memref<33024xf32, #tpu.memory_space<vmem>>, vector<16xf32>,
    %get3A_760 = vector.shape_cast %get3A_759 : vector<16xf32> to vector<16xf32>
    %get3A_761 = arith.constant 176 : index
    %get3A_762 = tpu.vector_load %arg4[%get3A_761] {strides = array<i32>} : memref<33024xf32, #tpu.memory_space<vmem>>, vector<16xf32>,
    %get3A_763 = vector.shape_cast %get3A_762 : vector<16xf32> to vector<16xf32>
    %get3A_764 = arith.constant 192 : index
    %get3A_765 = tpu.vector_load %arg4[%get3A_764] {strides = array<i32>} : memref<33024xf32, #tpu.memory_space<vmem>>, vector<16xf32>,
    %get3A_766 = vector.shape_cast %get3A_765 : vector<16xf32> to vector<16xf32>
    %get3A_767 = arith.constant 208 : index
    %get3A_768 = tpu.vector_load %arg4[%get3A_767] {strides = array<i32>} : memref<33024xf32, #tpu.memory_space<vmem>>, vector<16xf32>,
    %get3A_769 = vector.shape_cast %get3A_768 : vector<16xf32> to vector<16xf32>
    %get3A_770 = arith.constant 224 : index
    %get3A_771 = tpu.vector_load %arg4[%get3A_770] {strides = array<i32>} : memref<33024xf32, #tpu.memory_space<vmem>>, vector<16xf32>,
    %get3A_772 = vector.shape_cast %get3A_771 : vector<16xf32> to vector<16xf32>
    %get3A_773 = arith.constant 240 : index
    %get3A_774 = tpu.vector_load %arg4[%get3A_773] {strides = array<i32>} : memref<33024xf32, #tpu.memory_space<vmem>>, vector<16xf32>,
    %get3A_775 = vector.shape_cast %get3A_774 : vector<16xf32> to vector<16xf32>
    %parallel_loop3A_776 = arith.constant 0 : i32
    %parallel_loop3A_777 = arith.constant 2048 : i32
    %parallel_loop3A_778 = arith.constant 16 : i32
    %parallel_loop3A_779:32 = scf.for %parallel_loop3A_991 = %parallel_loop3A_776 to %parallel_loop3A_777 step %parallel_loop3A_778 iter_args(%parallel_loop3A_992 = %broadcast_in_dim3A_727, %parallel_loop3A_993 = %broadcast_in_dim3A_727, %parallel_loop3A_994 = %broadcast_in_dim3A_727, %parallel_loop3A_995 = %broadcast_in_dim3A_727, %parallel_loop3A_996 = %broadcast_in_dim3A_727, %parallel_loop3A_997 = %broadcast_in_dim3A_727, %parallel_loop3A_998 = %broadcast_in_dim3A_727, %parallel_loop3A_999 = %broadcast_in_dim3A_727, %parallel_loop3A_1000 = %broadcast_in_dim3A_727, %parallel_loop3A_1001 = %broadcast_in_dim3A_727, %parallel_loop3A_1002 = %broadcast_in_dim3A_727, %parallel_loop3A_1003 = %broadcast_in_dim3A_727, %parallel_loop3A_1004 = %broadcast_in_dim3A_727, %parallel_loop3A_1005 = %broadcast_in_dim3A_727, %parallel_loop3A_1006 = %broadcast_in_dim3A_727, %parallel_loop3A_1007 = %broadcast_in_dim3A_727, %parallel_loop3A_1008 = %get3A_730, %parallel_loop3A_1009 = %get3A_733, %parallel_loop3A_1010 = %get3A_736, %parallel_loop3A_1011 = %get3A_739, %parallel_loop3A_1012 = %get3A_742, %parallel_loop3A_1013 = %get3A_745, %parallel_loop3A_1014 = %get3A_748, %parallel_loop3A_1015 = %get3A_751, %parallel_loop3A_1016 = %get3A_754, %parallel_loop3A_1017 = %get3A_757, %parallel_loop3A_1018 = %get3A_760, %parallel_loop3A_1019 = %get3A_763, %parallel_loop3A_1020 = %get3A_766, %parallel_loop3A_1021 = %get3A_769, %parallel_loop3A_1022 = %get3A_772, %parallel_loop3A_1023 = %get3A_775) -> (vector<16xf32>, vector<16xf32>, vector<16xf32>, vector<16xf32>, vector<16xf32>, vector<16xf32>, vector<16xf32>, vector<16xf32>, vector<16xf32>, vector<16xf32>, vector<16xf32>, vector<16xf32>, vector<16xf32>, vector<16xf32>, vector<16xf32>, vector<16xf32>, vector<16xf32>, vector<16xf32>, vector<16xf32>, vector<16xf32>, vector<16xf32>, vector<16xf32>, vector<16xf32>, vector<16xf32>, vector<16xf32>, vector<16xf32>, vector<16xf32>, vector<16xf32>, vector<16xf32>, vector<16xf32>, vector<16xf32>, vector<16xf32>)  : i32 {
      %parallel_loop3A_1024 = math.exp %parallel_loop3A_1008 : vector<16xf32>
      %parallel_loop3A_1025 = math.exp %parallel_loop3A_1009 : vector<16xf32>
      %parallel_loop3A_1026 = math.exp %parallel_loop3A_1010 : vector<16xf32>
      %parallel_loop3A_1027 = math.exp %parallel_loop3A_1011 : vector<16xf32>
      %parallel_loop3A_1028 = math.exp %parallel_loop3A_1012 : vector<16xf32>
      %parallel_loop3A_1029 = math.exp %parallel_loop3A_1013 : vector<16xf32>
      %parallel_loop3A_1030 = math.exp %parallel_loop3A_1014 : vector<16xf32>
      %parallel_loop3A_1031 = math.exp %parallel_loop3A_1015 : vector<16xf32>
      %parallel_loop3A_1032 = math.exp %parallel_loop3A_1016 : vector<16xf32>
      %parallel_loop3A_1033 = math.exp %parallel_loop3A_1017 : vector<16xf32>
      %parallel_loop3A_1034 = math.exp %parallel_loop3A_1018 : vector<16xf32>
      %parallel_loop3A_1035 = math.exp %parallel_loop3A_1019 : vector<16xf32>
      %parallel_loop3A_1036 = math.exp %parallel_loop3A_1020 : vector<16xf32>
      %parallel_loop3A_1037 = math.exp %parallel_loop3A_1021 : vector<16xf32>
      %parallel_loop3A_1038 = math.exp %parallel_loop3A_1022 : vector<16xf32>
      %parallel_loop3A_1039 = math.exp %parallel_loop3A_1023 : vector<16xf32>
      %parallel_loop3A_1040 = arith.constant 0 : i32
      %parallel_loop3A_1041 = arith.addi %parallel_loop3A_991, %parallel_loop3A_1040 : i32
      %parallel_loop3A_1042 = arith.constant 16 : i32
      %parallel_loop3A_1043 = arith.muli %parallel_loop3A_1041, %parallel_loop3A_1042 : i32
      %parallel_loop3A_1044 = arith.index_cast %parallel_loop3A_1043 : i32 to index
      %parallel_loop3A_1045 = tpu.vector_load %arg4[%parallel_loop3A_1044] {strides = array<i32>} : memref<33024xf32, #tpu.memory_space<vmem>>, vector<16xf32>,
      %parallel_loop3A_1046 = vector.shape_cast %parallel_loop3A_1045 : vector<16xf32> to vector<16xf32>
      %parallel_loop3A_1047 = vector.shape_cast %parallel_loop3A_1024 : vector<16xf32> to vector<16xf32>
      tpu.vector_store %arg4[%parallel_loop3A_1044], %parallel_loop3A_1047 {strides = array<i32>} : memref<33024xf32, #tpu.memory_space<vmem>>, vector<16xf32>,
      %parallel_loop3A_1048 = arith.addf %parallel_loop3A_992, %parallel_loop3A_1024 : vector<16xf32>
      %parallel_loop3A_1049 = arith.constant 16 : i32
      %parallel_loop3A_1050 = arith.addi %parallel_loop3A_991, %parallel_loop3A_1049 : i32
      %parallel_loop3A_1051 = arith.constant 0 : i32
      %parallel_loop3A_1052 = arith.addi %parallel_loop3A_1050, %parallel_loop3A_1051 : i32
      %parallel_loop3A_1053 = arith.constant 16 : i32
      %parallel_loop3A_1054 = arith.muli %parallel_loop3A_1052, %parallel_loop3A_1053 : i32
      %parallel_loop3A_1055 = arith.index_cast %parallel_loop3A_1054 : i32 to index
      %parallel_loop3A_1056 = tpu.vector_load %arg4[%parallel_loop3A_1055] {strides = array<i32>} : memref<33024xf32, #tpu.memory_space<vmem>>, vector<16xf32>,
      %parallel_loop3A_1057 = vector.shape_cast %parallel_loop3A_1056 : vector<16xf32> to vector<16xf32>
      %parallel_loop3A_1058 = arith.constant 1 : i32
      %parallel_loop3A_1059 = arith.addi %parallel_loop3A_991, %parallel_loop3A_1058 : i32
      %parallel_loop3A_1060 = arith.constant 16 : i32
      %parallel_loop3A_1061 = arith.muli %parallel_loop3A_1059, %parallel_loop3A_1060 : i32
      %parallel_loop3A_1062 = arith.index_cast %parallel_loop3A_1061 : i32 to index
      %parallel_loop3A_1063 = tpu.vector_load %arg4[%parallel_loop3A_1062] {strides = array<i32>} : memref<33024xf32, #tpu.memory_space<vmem>>, vector<16xf32>,
      %parallel_loop3A_1064 = vector.shape_cast %parallel_loop3A_1063 : vector<16xf32> to vector<16xf32>
      %parallel_loop3A_1065 = vector.shape_cast %parallel_loop3A_1025 : vector<16xf32> to vector<16xf32>
      tpu.vector_store %arg4[%parallel_loop3A_1062], %parallel_loop3A_1065 {strides = array<i32>} : memref<33024xf32, #tpu.memory_space<vmem>>, vector<16xf32>,
      %parallel_loop3A_1066 = arith.addf %parallel_loop3A_993, %parallel_loop3A_1025 : vector<16xf32>
      %parallel_loop3A_1067 = arith.constant 16 : i32
      %parallel_loop3A_1068 = arith.addi %parallel_loop3A_991, %parallel_loop3A_1067 : i32
      %parallel_loop3A_1069 = arith.constant 1 : i32
      %parallel_loop3A_1070 = arith.addi %parallel_loop3A_1068, %parallel_loop3A_1069 : i32
      %parallel_loop3A_1071 = arith.constant 16 : i32
      %parallel_loop3A_1072 = arith.muli %parallel_loop3A_1070, %parallel_loop3A_1071 : i32
      %parallel_loop3A_1073 = arith.index_cast %parallel_loop3A_1072 : i32 to index
      %parallel_loop3A_1074 = tpu.vector_load %arg4[%parallel_loop3A_1073] {strides = array<i32>} : memref<33024xf32, #tpu.memory_space<vmem>>, vector<16xf32>,
      %parallel_loop3A_1075 = vector.shape_cast %parallel_loop3A_1074 : vector<16xf32> to vector<16xf32>
      %parallel_loop3A_1076 = arith.constant 2 : i32
      %parallel_loop3A_1077 = arith.addi %parallel_loop3A_991, %parallel_loop3A_1076 : i32
      %parallel_loop3A_1078 = arith.constant 16 : i32
      %parallel_loop3A_1079 = arith.muli %parallel_loop3A_1077, %parallel_loop3A_1078 : i32
      %parallel_loop3A_1080 = arith.index_cast %parallel_loop3A_1079 : i32 to index
      %parallel_loop3A_1081 = tpu.vector_load %arg4[%parallel_loop3A_1080] {strides = array<i32>} : memref<33024xf32, #tpu.memory_space<vmem>>, vector<16xf32>,
      %parallel_loop3A_1082 = vector.shape_cast %parallel_loop3A_1081 : vector<16xf32> to vector<16xf32>
      %parallel_loop3A_1083 = vector.shape_cast %parallel_loop3A_1026 : vector<16xf32> to vector<16xf32>
      tpu.vector_store %arg4[%parallel_loop3A_1080], %parallel_loop3A_1083 {strides = array<i32>} : memref<33024xf32, #tpu.memory_space<vmem>>, vector<16xf32>,
      %parallel_loop3A_1084 = arith.addf %parallel_loop3A_994, %parallel_loop3A_1026 : vector<16xf32>
      %parallel_loop3A_1085 = arith.constant 16 : i32
      %parallel_loop3A_1086 = arith.addi %parallel_loop3A_991, %parallel_loop3A_1085 : i32
      %parallel_loop3A_1087 = arith.constant 2 : i32
      %parallel_loop3A_1088 = arith.addi %parallel_loop3A_1086, %parallel_loop3A_1087 : i32
      %parallel_loop3A_1089 = arith.constant 16 : i32
      %parallel_loop3A_1090 = arith.muli %parallel_loop3A_1088, %parallel_loop3A_1089 : i32
      %parallel_loop3A_1091 = arith.index_cast %parallel_loop3A_1090 : i32 to index
      %parallel_loop3A_1092 = tpu.vector_load %arg4[%parallel_loop3A_1091] {strides = array<i32>} : memref<33024xf32, #tpu.memory_space<vmem>>, vector<16xf32>,
      %parallel_loop3A_1093 = vector.shape_cast %parallel_loop3A_1092 : vector<16xf32> to vector<16xf32>
      %parallel_loop3A_1094 = arith.constant 3 : i32
      %parallel_loop3A_1095 = arith.addi %parallel_loop3A_991, %parallel_loop3A_1094 : i32
      %parallel_loop3A_1096 = arith.constant 16 : i32
      %parallel_loop3A_1097 = arith.muli %parallel_loop3A_1095, %parallel_loop3A_1096 : i32
      %parallel_loop3A_1098 = arith.index_cast %parallel_loop3A_1097 : i32 to index
      %parallel_loop3A_1099 = tpu.vector_load %arg4[%parallel_loop3A_1098] {strides = array<i32>} : memref<33024xf32, #tpu.memory_space<vmem>>, vector<16xf32>,
      %parallel_loop3A_1100 = vector.shape_cast %parallel_loop3A_1099 : vector<16xf32> to vector<16xf32>
      %parallel_loop3A_1101 = vector.shape_cast %parallel_loop3A_1027 : vector<16xf32> to vector<16xf32>
      tpu.vector_store %arg4[%parallel_loop3A_1098], %parallel_loop3A_1101 {strides = array<i32>} : memref<33024xf32, #tpu.memory_space<vmem>>, vector<16xf32>,
      %parallel_loop3A_1102 = arith.addf %parallel_loop3A_995, %parallel_loop3A_1027 : vector<16xf32>
      %parallel_loop3A_1103 = arith.constant 16 : i32
      %parallel_loop3A_1104 = arith.addi %parallel_loop3A_991, %parallel_loop3A_1103 : i32
      %parallel_loop3A_1105 = arith.constant 3 : i32
      %parallel_loop3A_1106 = arith.addi %parallel_loop3A_1104, %parallel_loop3A_1105 : i32
      %parallel_loop3A_1107 = arith.constant 16 : i32
      %parallel_loop3A_1108 = arith.muli %parallel_loop3A_1106, %parallel_loop3A_1107 : i32
      %parallel_loop3A_1109 = arith.index_cast %parallel_loop3A_1108 : i32 to index
      %parallel_loop3A_1110 = tpu.vector_load %arg4[%parallel_loop3A_1109] {strides = array<i32>} : memref<33024xf32, #tpu.memory_space<vmem>>, vector<16xf32>,
      %parallel_loop3A_1111 = vector.shape_cast %parallel_loop3A_1110 : vector<16xf32> to vector<16xf32>
      %parallel_loop3A_1112 = arith.constant 4 : i32
      %parallel_loop3A_1113 = arith.addi %parallel_loop3A_991, %parallel_loop3A_1112 : i32
      %parallel_loop3A_1114 = arith.constant 16 : i32
      %parallel_loop3A_1115 = arith.muli %parallel_loop3A_1113, %parallel_loop3A_1114 : i32
      %parallel_loop3A_1116 = arith.index_cast %parallel_loop3A_1115 : i32 to index
      %parallel_loop3A_1117 = tpu.vector_load %arg4[%parallel_loop3A_1116] {strides = array<i32>} : memref<33024xf32, #tpu.memory_space<vmem>>, vector<16xf32>,
      %parallel_loop3A_1118 = vector.shape_cast %parallel_loop3A_1117 : vector<16xf32> to vector<16xf32>
      %parallel_loop3A_1119 = vector.shape_cast %parallel_loop3A_1028 : vector<16xf32> to vector<16xf32>
      tpu.vector_store %arg4[%parallel_loop3A_1116], %parallel_loop3A_1119 {strides = array<i32>} : memref<33024xf32, #tpu.memory_space<vmem>>, vector<16xf32>,
      %parallel_loop3A_1120 = arith.addf %parallel_loop3A_996, %parallel_loop3A_1028 : vector<16xf32>
      %parallel_loop3A_1121 = arith.constant 16 : i32
      %parallel_loop3A_1122 = arith.addi %parallel_loop3A_991, %parallel_loop3A_1121 : i32
      %parallel_loop3A_1123 = arith.constant 4 : i32
      %parallel_loop3A_1124 = arith.addi %parallel_loop3A_1122, %parallel_loop3A_1123 : i32
      %parallel_loop3A_1125 = arith.constant 16 : i32
      %parallel_loop3A_1126 = arith.muli %parallel_loop3A_1124, %parallel_loop3A_1125 : i32
      %parallel_loop3A_1127 = arith.index_cast %parallel_loop3A_1126 : i32 to index
      %parallel_loop3A_1128 = tpu.vector_load %arg4[%parallel_loop3A_1127] {strides = array<i32>} : memref<33024xf32, #tpu.memory_space<vmem>>, vector<16xf32>,
      %parallel_loop3A_1129 = vector.shape_cast %parallel_loop3A_1128 : vector<16xf32> to vector<16xf32>
      %parallel_loop3A_1130 = arith.constant 5 : i32
      %parallel_loop3A_1131 = arith.addi %parallel_loop3A_991, %parallel_loop3A_1130 : i32
      %parallel_loop3A_1132 = arith.constant 16 : i32
      %parallel_loop3A_1133 = arith.muli %parallel_loop3A_1131, %parallel_loop3A_1132 : i32
      %parallel_loop3A_1134 = arith.index_cast %parallel_loop3A_1133 : i32 to index
      %parallel_loop3A_1135 = tpu.vector_load %arg4[%parallel_loop3A_1134] {strides = array<i32>} : memref<33024xf32, #tpu.memory_space<vmem>>, vector<16xf32>,
      %parallel_loop3A_1136 = vector.shape_cast %parallel_loop3A_1135 : vector<16xf32> to vector<16xf32>
      %parallel_loop3A_1137 = vector.shape_cast %parallel_loop3A_1029 : vector<16xf32> to vector<16xf32>
      tpu.vector_store %arg4[%parallel_loop3A_1134], %parallel_loop3A_1137 {strides = array<i32>} : memref<33024xf32, #tpu.memory_space<vmem>>, vector<16xf32>,
      %parallel_loop3A_1138 = arith.addf %parallel_loop3A_997, %parallel_loop3A_1029 : vector<16xf32>
      %parallel_loop3A_1139 = arith.constant 16 : i32
      %parallel_loop3A_1140 = arith.addi %parallel_loop3A_991, %parallel_loop3A_1139 : i32
      %parallel_loop3A_1141 = arith.constant 5 : i32
      %parallel_loop3A_1142 = arith.addi %parallel_loop3A_1140, %parallel_loop3A_1141 : i32
      %parallel_loop3A_1143 = arith.constant 16 : i32
      %parallel_loop3A_1144 = arith.muli %parallel_loop3A_1142, %parallel_loop3A_1143 : i32
      %parallel_loop3A_1145 = arith.index_cast %parallel_loop3A_1144 : i32 to index
      %parallel_loop3A_1146 = tpu.vector_load %arg4[%parallel_loop3A_1145] {strides = array<i32>} : memref<33024xf32, #tpu.memory_space<vmem>>, vector<16xf32>,
      %parallel_loop3A_1147 = vector.shape_cast %parallel_loop3A_1146 : vector<16xf32> to vector<16xf32>
      %parallel_loop3A_1148 = arith.constant 6 : i32
      %parallel_loop3A_1149 = arith.addi %parallel_loop3A_991, %parallel_loop3A_1148 : i32
      %parallel_loop3A_1150 = arith.constant 16 : i32
      %parallel_loop3A_1151 = arith.muli %parallel_loop3A_1149, %parallel_loop3A_1150 : i32
      %parallel_loop3A_1152 = arith.index_cast %parallel_loop3A_1151 : i32 to index
      %parallel_loop3A_1153 = tpu.vector_load %arg4[%parallel_loop3A_1152] {strides = array<i32>} : memref<33024xf32, #tpu.memory_space<vmem>>, vector<16xf32>,
      %parallel_loop3A_1154 = vector.shape_cast %parallel_loop3A_1153 : vector<16xf32> to vector<16xf32>
      %parallel_loop3A_1155 = vector.shape_cast %parallel_loop3A_1030 : vector<16xf32> to vector<16xf32>
      tpu.vector_store %arg4[%parallel_loop3A_1152], %parallel_loop3A_1155 {strides = array<i32>} : memref<33024xf32, #tpu.memory_space<vmem>>, vector<16xf32>,
      %parallel_loop3A_1156 = arith.addf %parallel_loop3A_998, %parallel_loop3A_1030 : vector<16xf32>
      %parallel_loop3A_1157 = arith.constant 16 : i32
      %parallel_loop3A_1158 = arith.addi %parallel_loop3A_991, %parallel_loop3A_1157 : i32
      %parallel_loop3A_1159 = arith.constant 6 : i32
      %parallel_loop3A_1160 = arith.addi %parallel_loop3A_1158, %parallel_loop3A_1159 : i32
      %parallel_loop3A_1161 = arith.constant 16 : i32
      %parallel_loop3A_1162 = arith.muli %parallel_loop3A_1160, %parallel_loop3A_1161 : i32
      %parallel_loop3A_1163 = arith.index_cast %parallel_loop3A_1162 : i32 to index
      %parallel_loop3A_1164 = tpu.vector_load %arg4[%parallel_loop3A_1163] {strides = array<i32>} : memref<33024xf32, #tpu.memory_space<vmem>>, vector<16xf32>,
      %parallel_loop3A_1165 = vector.shape_cast %parallel_loop3A_1164 : vector<16xf32> to vector<16xf32>
      %parallel_loop3A_1166 = arith.constant 7 : i32
      %parallel_loop3A_1167 = arith.addi %parallel_loop3A_991, %parallel_loop3A_1166 : i32
      %parallel_loop3A_1168 = arith.constant 16 : i32
      %parallel_loop3A_1169 = arith.muli %parallel_loop3A_1167, %parallel_loop3A_1168 : i32
      %parallel_loop3A_1170 = arith.index_cast %parallel_loop3A_1169 : i32 to index
      %parallel_loop3A_1171 = tpu.vector_load %arg4[%parallel_loop3A_1170] {strides = array<i32>} : memref<33024xf32, #tpu.memory_space<vmem>>, vector<16xf32>,
      %parallel_loop3A_1172 = vector.shape_cast %parallel_loop3A_1171 : vector<16xf32> to vector<16xf32>
      %parallel_loop3A_1173 = vector.shape_cast %parallel_loop3A_1031 : vector<16xf32> to vector<16xf32>
      tpu.vector_store %arg4[%parallel_loop3A_1170], %parallel_loop3A_1173 {strides = array<i32>} : memref<33024xf32, #tpu.memory_space<vmem>>, vector<16xf32>,
      %parallel_loop3A_1174 = arith.addf %parallel_loop3A_999, %parallel_loop3A_1031 : vector<16xf32>
      %parallel_loop3A_1175 = arith.constant 16 : i32
      %parallel_loop3A_1176 = arith.addi %parallel_loop3A_991, %parallel_loop3A_1175 : i32
      %parallel_loop3A_1177 = arith.constant 7 : i32
      %parallel_loop3A_1178 = arith.addi %parallel_loop3A_1176, %parallel_loop3A_1177 : i32
      %parallel_loop3A_1179 = arith.constant 16 : i32
      %parallel_loop3A_1180 = arith.muli %parallel_loop3A_1178, %parallel_loop3A_1179 : i32
      %parallel_loop3A_1181 = arith.index_cast %parallel_loop3A_1180 : i32 to index
      %parallel_loop3A_1182 = tpu.vector_load %arg4[%parallel_loop3A_1181] {strides = array<i32>} : memref<33024xf32, #tpu.memory_space<vmem>>, vector<16xf32>,
      %parallel_loop3A_1183 = vector.shape_cast %parallel_loop3A_1182 : vector<16xf32> to vector<16xf32>
      %parallel_loop3A_1184 = arith.constant 8 : i32
      %parallel_loop3A_1185 = arith.addi %parallel_loop3A_991, %parallel_loop3A_1184 : i32
      %parallel_loop3A_1186 = arith.constant 16 : i32
      %parallel_loop3A_1187 = arith.muli %parallel_loop3A_1185, %parallel_loop3A_1186 : i32
      %parallel_loop3A_1188 = arith.index_cast %parallel_loop3A_1187 : i32 to index
      %parallel_loop3A_1189 = tpu.vector_load %arg4[%parallel_loop3A_1188] {strides = array<i32>} : memref<33024xf32, #tpu.memory_space<vmem>>, vector<16xf32>,
      %parallel_loop3A_1190 = vector.shape_cast %parallel_loop3A_1189 : vector<16xf32> to vector<16xf32>
      %parallel_loop3A_1191 = vector.shape_cast %parallel_loop3A_1032 : vector<16xf32> to vector<16xf32>
      tpu.vector_store %arg4[%parallel_loop3A_1188], %parallel_loop3A_1191 {strides = array<i32>} : memref<33024xf32, #tpu.memory_space<vmem>>, vector<16xf32>,
      %parallel_loop3A_1192 = arith.addf %parallel_loop3A_1000, %parallel_loop3A_1032 : vector<16xf32>
      %parallel_loop3A_1193 = arith.constant 16 : i32
      %parallel_loop3A_1194 = arith.addi %parallel_loop3A_991, %parallel_loop3A_1193 : i32
      %parallel_loop3A_1195 = arith.constant 8 : i32
      %parallel_loop3A_1196 = arith.addi %parallel_loop3A_1194, %parallel_loop3A_1195 : i32
      %parallel_loop3A_1197 = arith.constant 16 : i32
      %parallel_loop3A_1198 = arith.muli %parallel_loop3A_1196, %parallel_loop3A_1197 : i32
      %parallel_loop3A_1199 = arith.index_cast %parallel_loop3A_1198 : i32 to index
      %parallel_loop3A_1200 = tpu.vector_load %arg4[%parallel_loop3A_1199] {strides = array<i32>} : memref<33024xf32, #tpu.memory_space<vmem>>, vector<16xf32>,
      %parallel_loop3A_1201 = vector.shape_cast %parallel_loop3A_1200 : vector<16xf32> to vector<16xf32>
      %parallel_loop3A_1202 = arith.constant 9 : i32
      %parallel_loop3A_1203 = arith.addi %parallel_loop3A_991, %parallel_loop3A_1202 : i32
      %parallel_loop3A_1204 = arith.constant 16 : i32
      %parallel_loop3A_1205 = arith.muli %parallel_loop3A_1203, %parallel_loop3A_1204 : i32
      %parallel_loop3A_1206 = arith.index_cast %parallel_loop3A_1205 : i32 to index
      %parallel_loop3A_1207 = tpu.vector_load %arg4[%parallel_loop3A_1206] {strides = array<i32>} : memref<33024xf32, #tpu.memory_space<vmem>>, vector<16xf32>,
      %parallel_loop3A_1208 = vector.shape_cast %parallel_loop3A_1207 : vector<16xf32> to vector<16xf32>
      %parallel_loop3A_1209 = vector.shape_cast %parallel_loop3A_1033 : vector<16xf32> to vector<16xf32>
      tpu.vector_store %arg4[%parallel_loop3A_1206], %parallel_loop3A_1209 {strides = array<i32>} : memref<33024xf32, #tpu.memory_space<vmem>>, vector<16xf32>,
      %parallel_loop3A_1210 = arith.addf %parallel_loop3A_1001, %parallel_loop3A_1033 : vector<16xf32>
      %parallel_loop3A_1211 = arith.constant 16 : i32
      %parallel_loop3A_1212 = arith.addi %parallel_loop3A_991, %parallel_loop3A_1211 : i32
      %parallel_loop3A_1213 = arith.constant 9 : i32
      %parallel_loop3A_1214 = arith.addi %parallel_loop3A_1212, %parallel_loop3A_1213 : i32
      %parallel_loop3A_1215 = arith.constant 16 : i32
      %parallel_loop3A_1216 = arith.muli %parallel_loop3A_1214, %parallel_loop3A_1215 : i32
      %parallel_loop3A_1217 = arith.index_cast %parallel_loop3A_1216 : i32 to index
      %parallel_loop3A_1218 = tpu.vector_load %arg4[%parallel_loop3A_1217] {strides = array<i32>} : memref<33024xf32, #tpu.memory_space<vmem>>, vector<16xf32>,
      %parallel_loop3A_1219 = vector.shape_cast %parallel_loop3A_1218 : vector<16xf32> to vector<16xf32>
      %parallel_loop3A_1220 = arith.constant 10 : i32
      %parallel_loop3A_1221 = arith.addi %parallel_loop3A_991, %parallel_loop3A_1220 : i32
      %parallel_loop3A_1222 = arith.constant 16 : i32
      %parallel_loop3A_1223 = arith.muli %parallel_loop3A_1221, %parallel_loop3A_1222 : i32
      %parallel_loop3A_1224 = arith.index_cast %parallel_loop3A_1223 : i32 to index
      %parallel_loop3A_1225 = tpu.vector_load %arg4[%parallel_loop3A_1224] {strides = array<i32>} : memref<33024xf32, #tpu.memory_space<vmem>>, vector<16xf32>,
      %parallel_loop3A_1226 = vector.shape_cast %parallel_loop3A_1225 : vector<16xf32> to vector<16xf32>
      %parallel_loop3A_1227 = vector.shape_cast %parallel_loop3A_1034 : vector<16xf32> to vector<16xf32>
      tpu.vector_store %arg4[%parallel_loop3A_1224], %parallel_loop3A_1227 {strides = array<i32>} : memref<33024xf32, #tpu.memory_space<vmem>>, vector<16xf32>,
      %parallel_loop3A_1228 = arith.addf %parallel_loop3A_1002, %parallel_loop3A_1034 : vector<16xf32>
      %parallel_loop3A_1229 = arith.constant 16 : i32
      %parallel_loop3A_1230 = arith.addi %parallel_loop3A_991, %parallel_loop3A_1229 : i32
      %parallel_loop3A_1231 = arith.constant 10 : i32
      %parallel_loop3A_1232 = arith.addi %parallel_loop3A_1230, %parallel_loop3A_1231 : i32
      %parallel_loop3A_1233 = arith.constant 16 : i32
      %parallel_loop3A_1234 = arith.muli %parallel_loop3A_1232, %parallel_loop3A_1233 : i32
      %parallel_loop3A_1235 = arith.index_cast %parallel_loop3A_1234 : i32 to index
      %parallel_loop3A_1236 = tpu.vector_load %arg4[%parallel_loop3A_1235] {strides = array<i32>} : memref<33024xf32, #tpu.memory_space<vmem>>, vector<16xf32>,
      %parallel_loop3A_1237 = vector.shape_cast %parallel_loop3A_1236 : vector<16xf32> to vector<16xf32>
      %parallel_loop3A_1238 = arith.constant 11 : i32
      %parallel_loop3A_1239 = arith.addi %parallel_loop3A_991, %parallel_loop3A_1238 : i32
      %parallel_loop3A_1240 = arith.constant 16 : i32
      %parallel_loop3A_1241 = arith.muli %parallel_loop3A_1239, %parallel_loop3A_1240 : i32
      %parallel_loop3A_1242 = arith.index_cast %parallel_loop3A_1241 : i32 to index
      %parallel_loop3A_1243 = tpu.vector_load %arg4[%parallel_loop3A_1242] {strides = array<i32>} : memref<33024xf32, #tpu.memory_space<vmem>>, vector<16xf32>,
      %parallel_loop3A_1244 = vector.shape_cast %parallel_loop3A_1243 : vector<16xf32> to vector<16xf32>
      %parallel_loop3A_1245 = vector.shape_cast %parallel_loop3A_1035 : vector<16xf32> to vector<16xf32>
      tpu.vector_store %arg4[%parallel_loop3A_1242], %parallel_loop3A_1245 {strides = array<i32>} : memref<33024xf32, #tpu.memory_space<vmem>>, vector<16xf32>,
      %parallel_loop3A_1246 = arith.addf %parallel_loop3A_1003, %parallel_loop3A_1035 : vector<16xf32>
      %parallel_loop3A_1247 = arith.constant 16 : i32
      %parallel_loop3A_1248 = arith.addi %parallel_loop3A_991, %parallel_loop3A_1247 : i32
      %parallel_loop3A_1249 = arith.constant 11 : i32
      %parallel_loop3A_1250 = arith.addi %parallel_loop3A_1248, %parallel_loop3A_1249 : i32
      %parallel_loop3A_1251 = arith.constant 16 : i32
      %parallel_loop3A_1252 = arith.muli %parallel_loop3A_1250, %parallel_loop3A_1251 : i32
      %parallel_loop3A_1253 = arith.index_cast %parallel_loop3A_1252 : i32 to index
      %parallel_loop3A_1254 = tpu.vector_load %arg4[%parallel_loop3A_1253] {strides = array<i32>} : memref<33024xf32, #tpu.memory_space<vmem>>, vector<16xf32>,
      %parallel_loop3A_1255 = vector.shape_cast %parallel_loop3A_1254 : vector<16xf32> to vector<16xf32>
      %parallel_loop3A_1256 = arith.constant 12 : i32
      %parallel_loop3A_1257 = arith.addi %parallel_loop3A_991, %parallel_loop3A_1256 : i32
      %parallel_loop3A_1258 = arith.constant 16 : i32
      %parallel_loop3A_1259 = arith.muli %parallel_loop3A_1257, %parallel_loop3A_1258 : i32
      %parallel_loop3A_1260 = arith.index_cast %parallel_loop3A_1259 : i32 to index
      %parallel_loop3A_1261 = tpu.vector_load %arg4[%parallel_loop3A_1260] {strides = array<i32>} : memref<33024xf32, #tpu.memory_space<vmem>>, vector<16xf32>,
      %parallel_loop3A_1262 = vector.shape_cast %parallel_loop3A_1261 : vector<16xf32> to vector<16xf32>
      %parallel_loop3A_1263 = vector.shape_cast %parallel_loop3A_1036 : vector<16xf32> to vector<16xf32>
      tpu.vector_store %arg4[%parallel_loop3A_1260], %parallel_loop3A_1263 {strides = array<i32>} : memref<33024xf32, #tpu.memory_space<vmem>>, vector<16xf32>,
      %parallel_loop3A_1264 = arith.addf %parallel_loop3A_1004, %parallel_loop3A_1036 : vector<16xf32>
      %parallel_loop3A_1265 = arith.constant 16 : i32
      %parallel_loop3A_1266 = arith.addi %parallel_loop3A_991, %parallel_loop3A_1265 : i32
      %parallel_loop3A_1267 = arith.constant 12 : i32
      %parallel_loop3A_1268 = arith.addi %parallel_loop3A_1266, %parallel_loop3A_1267 : i32
      %parallel_loop3A_1269 = arith.constant 16 : i32
      %parallel_loop3A_1270 = arith.muli %parallel_loop3A_1268, %parallel_loop3A_1269 : i32
      %parallel_loop3A_1271 = arith.index_cast %parallel_loop3A_1270 : i32 to index
      %parallel_loop3A_1272 = tpu.vector_load %arg4[%parallel_loop3A_1271] {strides = array<i32>} : memref<33024xf32, #tpu.memory_space<vmem>>, vector<16xf32>,
      %parallel_loop3A_1273 = vector.shape_cast %parallel_loop3A_1272 : vector<16xf32> to vector<16xf32>
      %parallel_loop3A_1274 = arith.constant 13 : i32
      %parallel_loop3A_1275 = arith.addi %parallel_loop3A_991, %parallel_loop3A_1274 : i32
      %parallel_loop3A_1276 = arith.constant 16 : i32
      %parallel_loop3A_1277 = arith.muli %parallel_loop3A_1275, %parallel_loop3A_1276 : i32
      %parallel_loop3A_1278 = arith.index_cast %parallel_loop3A_1277 : i32 to index
      %parallel_loop3A_1279 = tpu.vector_load %arg4[%parallel_loop3A_1278] {strides = array<i32>} : memref<33024xf32, #tpu.memory_space<vmem>>, vector<16xf32>,
      %parallel_loop3A_1280 = vector.shape_cast %parallel_loop3A_1279 : vector<16xf32> to vector<16xf32>
      %parallel_loop3A_1281 = vector.shape_cast %parallel_loop3A_1037 : vector<16xf32> to vector<16xf32>
      tpu.vector_store %arg4[%parallel_loop3A_1278], %parallel_loop3A_1281 {strides = array<i32>} : memref<33024xf32, #tpu.memory_space<vmem>>, vector<16xf32>,
      %parallel_loop3A_1282 = arith.addf %parallel_loop3A_1005, %parallel_loop3A_1037 : vector<16xf32>
      %parallel_loop3A_1283 = arith.constant 16 : i32
      %parallel_loop3A_1284 = arith.addi %parallel_loop3A_991, %parallel_loop3A_1283 : i32
      %parallel_loop3A_1285 = arith.constant 13 : i32
      %parallel_loop3A_1286 = arith.addi %parallel_loop3A_1284, %parallel_loop3A_1285 : i32
      %parallel_loop3A_1287 = arith.constant 16 : i32
      %parallel_loop3A_1288 = arith.muli %parallel_loop3A_1286, %parallel_loop3A_1287 : i32
      %parallel_loop3A_1289 = arith.index_cast %parallel_loop3A_1288 : i32 to index
      %parallel_loop3A_1290 = tpu.vector_load %arg4[%parallel_loop3A_1289] {strides = array<i32>} : memref<33024xf32, #tpu.memory_space<vmem>>, vector<16xf32>,
      %parallel_loop3A_1291 = vector.shape_cast %parallel_loop3A_1290 : vector<16xf32> to vector<16xf32>
      %parallel_loop3A_1292 = arith.constant 14 : i32
      %parallel_loop3A_1293 = arith.addi %parallel_loop3A_991, %parallel_loop3A_1292 : i32
      %parallel_loop3A_1294 = arith.constant 16 : i32
      %parallel_loop3A_1295 = arith.muli %parallel_loop3A_1293, %parallel_loop3A_1294 : i32
      %parallel_loop3A_1296 = arith.index_cast %parallel_loop3A_1295 : i32 to index
      %parallel_loop3A_1297 = tpu.vector_load %arg4[%parallel_loop3A_1296] {strides = array<i32>} : memref<33024xf32, #tpu.memory_space<vmem>>, vector<16xf32>,
      %parallel_loop3A_1298 = vector.shape_cast %parallel_loop3A_1297 : vector<16xf32> to vector<16xf32>
      %parallel_loop3A_1299 = vector.shape_cast %parallel_loop3A_1038 : vector<16xf32> to vector<16xf32>
      tpu.vector_store %arg4[%parallel_loop3A_1296], %parallel_loop3A_1299 {strides = array<i32>} : memref<33024xf32, #tpu.memory_space<vmem>>, vector<16xf32>,
      %parallel_loop3A_1300 = arith.addf %parallel_loop3A_1006, %parallel_loop3A_1038 : vector<16xf32>
      %parallel_loop3A_1301 = arith.constant 16 : i32
      %parallel_loop3A_1302 = arith.addi %parallel_loop3A_991, %parallel_loop3A_1301 : i32
      %parallel_loop3A_1303 = arith.constant 14 : i32
      %parallel_loop3A_1304 = arith.addi %parallel_loop3A_1302, %parallel_loop3A_1303 : i32
      %parallel_loop3A_1305 = arith.constant 16 : i32
      %parallel_loop3A_1306 = arith.muli %parallel_loop3A_1304, %parallel_loop3A_1305 : i32
      %parallel_loop3A_1307 = arith.index_cast %parallel_loop3A_1306 : i32 to index
      %parallel_loop3A_1308 = tpu.vector_load %arg4[%parallel_loop3A_1307] {strides = array<i32>} : memref<33024xf32, #tpu.memory_space<vmem>>, vector<16xf32>,
      %parallel_loop3A_1309 = vector.shape_cast %parallel_loop3A_1308 : vector<16xf32> to vector<16xf32>
      %parallel_loop3A_1310 = arith.constant 15 : i32
      %parallel_loop3A_1311 = arith.addi %parallel_loop3A_991, %parallel_loop3A_1310 : i32
      %parallel_loop3A_1312 = arith.constant 16 : i32
      %parallel_loop3A_1313 = arith.muli %parallel_loop3A_1311, %parallel_loop3A_1312 : i32
      %parallel_loop3A_1314 = arith.index_cast %parallel_loop3A_1313 : i32 to index
      %parallel_loop3A_1315 = tpu.vector_load %arg4[%parallel_loop3A_1314] {strides = array<i32>} : memref<33024xf32, #tpu.memory_space<vmem>>, vector<16xf32>,
      %parallel_loop3A_1316 = vector.shape_cast %parallel_loop3A_1315 : vector<16xf32> to vector<16xf32>
      %parallel_loop3A_1317 = vector.shape_cast %parallel_loop3A_1039 : vector<16xf32> to vector<16xf32>
      tpu.vector_store %arg4[%parallel_loop3A_1314], %parallel_loop3A_1317 {strides = array<i32>} : memref<33024xf32, #tpu.memory_space<vmem>>, vector<16xf32>,
      %parallel_loop3A_1318 = arith.addf %parallel_loop3A_1007, %parallel_loop3A_1039 : vector<16xf32>
      %parallel_loop3A_1319 = arith.constant 16 : i32
      %parallel_loop3A_1320 = arith.addi %parallel_loop3A_991, %parallel_loop3A_1319 : i32
      %parallel_loop3A_1321 = arith.constant 15 : i32
      %parallel_loop3A_1322 = arith.addi %parallel_loop3A_1320, %parallel_loop3A_1321 : i32
      %parallel_loop3A_1323 = arith.constant 16 : i32
      %parallel_loop3A_1324 = arith.muli %parallel_loop3A_1322, %parallel_loop3A_1323 : i32
      %parallel_loop3A_1325 = arith.index_cast %parallel_loop3A_1324 : i32 to index
      %parallel_loop3A_1326 = tpu.vector_load %arg4[%parallel_loop3A_1325] {strides = array<i32>} : memref<33024xf32, #tpu.memory_space<vmem>>, vector<16xf32>,
      %parallel_loop3A_1327 = vector.shape_cast %parallel_loop3A_1326 : vector<16xf32> to vector<16xf32>
      scf.yield %parallel_loop3A_1048, %parallel_loop3A_1066, %parallel_loop3A_1084, %parallel_loop3A_1102, %parallel_loop3A_1120, %parallel_loop3A_1138, %parallel_loop3A_1156, %parallel_loop3A_1174, %parallel_loop3A_1192, %parallel_loop3A_1210, %parallel_loop3A_1228, %parallel_loop3A_1246, %parallel_loop3A_1264, %parallel_loop3A_1282, %parallel_loop3A_1300, %parallel_loop3A_1318, %parallel_loop3A_1057, %parallel_loop3A_1075, %parallel_loop3A_1093, %parallel_loop3A_1111, %parallel_loop3A_1129, %parallel_loop3A_1147, %parallel_loop3A_1165, %parallel_loop3A_1183, %parallel_loop3A_1201, %parallel_loop3A_1219, %parallel_loop3A_1237, %parallel_loop3A_1255, %parallel_loop3A_1273, %parallel_loop3A_1291, %parallel_loop3A_1309, %parallel_loop3A_1327 : vector<16xf32>, vector<16xf32>, vector<16xf32>, vector<16xf32>, vector<16xf32>, vector<16xf32>, vector<16xf32>, vector<16xf32>, vector<16xf32>, vector<16xf32>, vector<16xf32>, vector<16xf32>, vector<16xf32>, vector<16xf32>, vector<16xf32>, vector<16xf32>, vector<16xf32>, vector<16xf32>, vector<16xf32>, vector<16xf32>, vector<16xf32>, vector<16xf32>, vector<16xf32>, vector<16xf32>, vector<16xf32>, vector<16xf32>, vector<16xf32>, vector<16xf32>, vector<16xf32>, vector<16xf32>, vector<16xf32>, vector<16xf32>
    } {sc.loop_unroll_factor = 1 : i64, sc.parallel_access}
    %add3A_780 = arith.addf %parallel_loop3A_779#0, %parallel_loop3A_779#1 : vector<16xf32>
    %add3A_781 = arith.addf %add3A_780, %parallel_loop3A_779#2 : vector<16xf32>
    %add3A_782 = arith.addf %add3A_781, %parallel_loop3A_779#3 : vector<16xf32>
    %add3A_783 = arith.addf %add3A_782, %parallel_loop3A_779#4 : vector<16xf32>
    %add3A_784 = arith.addf %add3A_783, %parallel_loop3A_779#5 : vector<16xf32>
    %add3A_785 = arith.addf %add3A_784, %parallel_loop3A_779#6 : vector<16xf32>
    %add3A_786 = arith.addf %add3A_785, %parallel_loop3A_779#7 : vector<16xf32>
    %add3A_787 = arith.addf %add3A_786, %parallel_loop3A_779#8 : vector<16xf32>
    %add3A_788 = arith.addf %add3A_787, %parallel_loop3A_779#9 : vector<16xf32>
    %add3A_789 = arith.addf %add3A_788, %parallel_loop3A_779#10 : vector<16xf32>
    %add3A_790 = arith.addf %add3A_789, %parallel_loop3A_779#11 : vector<16xf32>
    %add3A_791 = arith.addf %add3A_790, %parallel_loop3A_779#12 : vector<16xf32>
    %add3A_792 = arith.addf %add3A_791, %parallel_loop3A_779#13 : vector<16xf32>
    %add3A_793 = arith.addf %add3A_792, %parallel_loop3A_779#14 : vector<16xf32>
    %add3A_794 = arith.addf %add3A_793, %parallel_loop3A_779#15 : vector<16xf32>
    %iota3A_795 = tpu.iota {dimensions = array<i32: 0>} : vector<16xi32>
    %xor3A_796 = arith.constant 1 : i32
    %xor3A_797 = vector.broadcast %xor3A_796 : i32 to vector<16xi32>
    %xor3A_798 = arith.xori %iota3A_795, %xor3A_797 : vector<16xi32>
    %broadcast_in_dim3A_799 = vector.shape_cast %xor3A_798 : vector<16xi32> to vector<16x1xi32>
    %gather3A_800 = vector.shape_cast %broadcast_in_dim3A_799 : vector<16x1xi32> to vector<16xi32>
    %gather3A_801 = tpu.dynamic_gather %add3A_794[%gather3A_800] in [0] : vector<16xf32>, vector<16xi32> -> vector<16xf32>
    %add3A_802 = arith.addf %add3A_794, %gather3A_801 : vector<16xf32>
    %xor3A_803 = arith.constant 2 : i32
    %xor3A_804 = vector.broadcast %xor3A_803 : i32 to vector<16xi32>
    %xor3A_805 = arith.xori %iota3A_795, %xor3A_804 : vector<16xi32>
    %broadcast_in_dim3A_806 = vector.shape_cast %xor3A_805 : vector<16xi32> to vector<16x1xi32>
    %gather3A_807 = vector.shape_cast %broadcast_in_dim3A_806 : vector<16x1xi32> to vector<16xi32>
    %gather3A_808 = tpu.dynamic_gather %add3A_802[%gather3A_807] in [0] : vector<16xf32>, vector<16xi32> -> vector<16xf32>
    %add3A_809 = arith.addf %add3A_802, %gather3A_808 : vector<16xf32>
    %xor3A_810 = arith.constant 4 : i32
    %xor3A_811 = vector.broadcast %xor3A_810 : i32 to vector<16xi32>
    %xor3A_812 = arith.xori %iota3A_795, %xor3A_811 : vector<16xi32>
    %broadcast_in_dim3A_813 = vector.shape_cast %xor3A_812 : vector<16xi32> to vector<16x1xi32>
    %gather3A_814 = vector.shape_cast %broadcast_in_dim3A_813 : vector<16x1xi32> to vector<16xi32>
    %gather3A_815 = tpu.dynamic_gather %add3A_809[%gather3A_814] in [0] : vector<16xf32>, vector<16xi32> -> vector<16xf32>
    %add3A_816 = arith.addf %add3A_809, %gather3A_815 : vector<16xf32>
    %xor3A_817 = arith.constant 8 : i32
    %xor3A_818 = vector.broadcast %xor3A_817 : i32 to vector<16xi32>
    %xor3A_819 = arith.xori %iota3A_795, %xor3A_818 : vector<16xi32>
    %broadcast_in_dim3A_820 = vector.shape_cast %xor3A_819 : vector<16xi32> to vector<16x1xi32>
    %gather3A_821 = vector.shape_cast %broadcast_in_dim3A_820 : vector<16x1xi32> to vector<16xi32>
    %gather3A_822 = tpu.dynamic_gather %add3A_816[%gather3A_821] in [0] : vector<16xf32>, vector<16xi32> -> vector<16xf32>
    %add3A_823 = arith.addf %add3A_816, %gather3A_822 : vector<16xf32>
    %div3A_824 = arith.constant 1.000000e+00 : f32
    %div3A_825 = vector.broadcast %div3A_824 : f32 to vector<16xf32>
    %div3A_826 = arith.divf %div3A_825, %add3A_823 : vector<16xf32>
    %get3A_827 = arith.constant 0 : index
    %get3A_828 = tpu.vector_load %arg4[%get3A_827] {strides = array<i32>} : memref<33024xf32, #tpu.memory_space<vmem>>, vector<16xf32>,
    %get3A_829 = vector.shape_cast %get3A_828 : vector<16xf32> to vector<16xf32>
    %get3A_830 = arith.constant 16 : index
    %get3A_831 = tpu.vector_load %arg4[%get3A_830] {strides = array<i32>} : memref<33024xf32, #tpu.memory_space<vmem>>, vector<16xf32>,
    %get3A_832 = vector.shape_cast %get3A_831 : vector<16xf32> to vector<16xf32>
    %get3A_833 = arith.constant 32 : index
    %get3A_834 = tpu.vector_load %arg4[%get3A_833] {strides = array<i32>} : memref<33024xf32, #tpu.memory_space<vmem>>, vector<16xf32>,
    %get3A_835 = vector.shape_cast %get3A_834 : vector<16xf32> to vector<16xf32>
    %get3A_836 = arith.constant 48 : index
    %get3A_837 = tpu.vector_load %arg4[%get3A_836] {strides = array<i32>} : memref<33024xf32, #tpu.memory_space<vmem>>, vector<16xf32>,
    %get3A_838 = vector.shape_cast %get3A_837 : vector<16xf32> to vector<16xf32>
    %get3A_839 = arith.constant 64 : index
    %get3A_840 = tpu.vector_load %arg4[%get3A_839] {strides = array<i32>} : memref<33024xf32, #tpu.memory_space<vmem>>, vector<16xf32>,
    %get3A_841 = vector.shape_cast %get3A_840 : vector<16xf32> to vector<16xf32>
    %get3A_842 = arith.constant 80 : index
    %get3A_843 = tpu.vector_load %arg4[%get3A_842] {strides = array<i32>} : memref<33024xf32, #tpu.memory_space<vmem>>, vector<16xf32>,
    %get3A_844 = vector.shape_cast %get3A_843 : vector<16xf32> to vector<16xf32>
    %get3A_845 = arith.constant 96 : index
    %get3A_846 = tpu.vector_load %arg4[%get3A_845] {strides = array<i32>} : memref<33024xf32, #tpu.memory_space<vmem>>, vector<16xf32>,
    %get3A_847 = vector.shape_cast %get3A_846 : vector<16xf32> to vector<16xf32>
    %get3A_848 = arith.constant 112 : index
    %get3A_849 = tpu.vector_load %arg4[%get3A_848] {strides = array<i32>} : memref<33024xf32, #tpu.memory_space<vmem>>, vector<16xf32>,
    %get3A_850 = vector.shape_cast %get3A_849 : vector<16xf32> to vector<16xf32>
    %get3A_851 = arith.constant 128 : index
    %get3A_852 = tpu.vector_load %arg4[%get3A_851] {strides = array<i32>} : memref<33024xf32, #tpu.memory_space<vmem>>, vector<16xf32>,
    %get3A_853 = vector.shape_cast %get3A_852 : vector<16xf32> to vector<16xf32>
    %get3A_854 = arith.constant 144 : index
    %get3A_855 = tpu.vector_load %arg4[%get3A_854] {strides = array<i32>} : memref<33024xf32, #tpu.memory_space<vmem>>, vector<16xf32>,
    %get3A_856 = vector.shape_cast %get3A_855 : vector<16xf32> to vector<16xf32>
    %get3A_857 = arith.constant 160 : index
    %get3A_858 = tpu.vector_load %arg4[%get3A_857] {strides = array<i32>} : memref<33024xf32, #tpu.memory_space<vmem>>, vector<16xf32>,
    %get3A_859 = vector.shape_cast %get3A_858 : vector<16xf32> to vector<16xf32>
    %get3A_860 = arith.constant 176 : index
    %get3A_861 = tpu.vector_load %arg4[%get3A_860] {strides = array<i32>} : memref<33024xf32, #tpu.memory_space<vmem>>, vector<16xf32>,
    %get3A_862 = vector.shape_cast %get3A_861 : vector<16xf32> to vector<16xf32>
    %get3A_863 = arith.constant 192 : index
    %get3A_864 = tpu.vector_load %arg4[%get3A_863] {strides = array<i32>} : memref<33024xf32, #tpu.memory_space<vmem>>, vector<16xf32>,
    %get3A_865 = vector.shape_cast %get3A_864 : vector<16xf32> to vector<16xf32>
    %get3A_866 = arith.constant 208 : index
    %get3A_867 = tpu.vector_load %arg4[%get3A_866] {strides = array<i32>} : memref<33024xf32, #tpu.memory_space<vmem>>, vector<16xf32>,
    %get3A_868 = vector.shape_cast %get3A_867 : vector<16xf32> to vector<16xf32>
    %get3A_869 = arith.constant 224 : index
    %get3A_870 = tpu.vector_load %arg4[%get3A_869] {strides = array<i32>} : memref<33024xf32, #tpu.memory_space<vmem>>, vector<16xf32>,
    %get3A_871 = vector.shape_cast %get3A_870 : vector<16xf32> to vector<16xf32>
    %get3A_872 = arith.constant 240 : index
    %get3A_873 = tpu.vector_load %arg4[%get3A_872] {strides = array<i32>} : memref<33024xf32, #tpu.memory_space<vmem>>, vector<16xf32>,
    %get3A_874 = vector.shape_cast %get3A_873 : vector<16xf32> to vector<16xf32>
    %parallel_loop3A_875 = arith.constant 0 : i32
    %parallel_loop3A_876 = arith.constant 1024 : i32
    %parallel_loop3A_877 = arith.constant 16 : i32
    %parallel_loop3A_878:16 = scf.for %parallel_loop3A_991 = %parallel_loop3A_875 to %parallel_loop3A_876 step %parallel_loop3A_877 iter_args(%parallel_loop3A_992 = %get3A_829, %parallel_loop3A_993 = %get3A_832, %parallel_loop3A_994 = %get3A_835, %parallel_loop3A_995 = %get3A_838, %parallel_loop3A_996 = %get3A_841, %parallel_loop3A_997 = %get3A_844, %parallel_loop3A_998 = %get3A_847, %parallel_loop3A_999 = %get3A_850, %parallel_loop3A_1000 = %get3A_853, %parallel_loop3A_1001 = %get3A_856, %parallel_loop3A_1002 = %get3A_859, %parallel_loop3A_1003 = %get3A_862, %parallel_loop3A_1004 = %get3A_865, %parallel_loop3A_1005 = %get3A_868, %parallel_loop3A_1006 = %get3A_871, %parallel_loop3A_1007 = %get3A_874) -> (vector<16xf32>, vector<16xf32>, vector<16xf32>, vector<16xf32>, vector<16xf32>, vector<16xf32>, vector<16xf32>, vector<16xf32>, vector<16xf32>, vector<16xf32>, vector<16xf32>, vector<16xf32>, vector<16xf32>, vector<16xf32>, vector<16xf32>, vector<16xf32>)  : i32 {
      %parallel_loop3A_1008 = arith.mulf %parallel_loop3A_992, %div3A_826 : vector<16xf32>
      %parallel_loop3A_1009 = arith.constant 0 : i32
      %parallel_loop3A_1010 = arith.addi %parallel_loop3A_991, %parallel_loop3A_1009 : i32
      %parallel_loop3A_1011 = arith.constant 16 : i32
      %parallel_loop3A_1012 = arith.muli %parallel_loop3A_1010, %parallel_loop3A_1011 : i32
      %parallel_loop3A_1013 = arith.index_cast %parallel_loop3A_1012 : i32 to index
      %parallel_loop3A_1014 = tpu.vector_load %arg4[%parallel_loop3A_1013] {strides = array<i32>} : memref<33024xf32, #tpu.memory_space<vmem>>, vector<16xf32>,
      %parallel_loop3A_1015 = vector.shape_cast %parallel_loop3A_1014 : vector<16xf32> to vector<16xf32>
      %parallel_loop3A_1016 = vector.shape_cast %parallel_loop3A_1008 : vector<16xf32> to vector<16xf32>
      tpu.vector_store %arg4[%parallel_loop3A_1013], %parallel_loop3A_1016 {strides = array<i32>} : memref<33024xf32, #tpu.memory_space<vmem>>, vector<16xf32>,
      %parallel_loop3A_1017 = arith.constant 16 : i32
      %parallel_loop3A_1018 = arith.addi %parallel_loop3A_991, %parallel_loop3A_1017 : i32
      %parallel_loop3A_1019 = arith.constant 0 : i32
      %parallel_loop3A_1020 = arith.addi %parallel_loop3A_1018, %parallel_loop3A_1019 : i32
      %parallel_loop3A_1021 = arith.constant 16 : i32
      %parallel_loop3A_1022 = arith.muli %parallel_loop3A_1020, %parallel_loop3A_1021 : i32
      %parallel_loop3A_1023 = arith.index_cast %parallel_loop3A_1022 : i32 to index
      %parallel_loop3A_1024 = tpu.vector_load %arg4[%parallel_loop3A_1023] {strides = array<i32>} : memref<33024xf32, #tpu.memory_space<vmem>>, vector<16xf32>,
      %parallel_loop3A_1025 = vector.shape_cast %parallel_loop3A_1024 : vector<16xf32> to vector<16xf32>
      %parallel_loop3A_1026 = arith.mulf %parallel_loop3A_993, %div3A_826 : vector<16xf32>
      %parallel_loop3A_1027 = arith.constant 1 : i32
      %parallel_loop3A_1028 = arith.addi %parallel_loop3A_991, %parallel_loop3A_1027 : i32
      %parallel_loop3A_1029 = arith.constant 16 : i32
      %parallel_loop3A_1030 = arith.muli %parallel_loop3A_1028, %parallel_loop3A_1029 : i32
      %parallel_loop3A_1031 = arith.index_cast %parallel_loop3A_1030 : i32 to index
      %parallel_loop3A_1032 = tpu.vector_load %arg4[%parallel_loop3A_1031] {strides = array<i32>} : memref<33024xf32, #tpu.memory_space<vmem>>, vector<16xf32>,
      %parallel_loop3A_1033 = vector.shape_cast %parallel_loop3A_1032 : vector<16xf32> to vector<16xf32>
      %parallel_loop3A_1034 = vector.shape_cast %parallel_loop3A_1026 : vector<16xf32> to vector<16xf32>
      tpu.vector_store %arg4[%parallel_loop3A_1031], %parallel_loop3A_1034 {strides = array<i32>} : memref<33024xf32, #tpu.memory_space<vmem>>, vector<16xf32>,
      %parallel_loop3A_1035 = arith.constant 16 : i32
      %parallel_loop3A_1036 = arith.addi %parallel_loop3A_991, %parallel_loop3A_1035 : i32
      %parallel_loop3A_1037 = arith.constant 1 : i32
      %parallel_loop3A_1038 = arith.addi %parallel_loop3A_1036, %parallel_loop3A_1037 : i32
      %parallel_loop3A_1039 = arith.constant 16 : i32
      %parallel_loop3A_1040 = arith.muli %parallel_loop3A_1038, %parallel_loop3A_1039 : i32
      %parallel_loop3A_1041 = arith.index_cast %parallel_loop3A_1040 : i32 to index
      %parallel_loop3A_1042 = tpu.vector_load %arg4[%parallel_loop3A_1041] {strides = array<i32>} : memref<33024xf32, #tpu.memory_space<vmem>>, vector<16xf32>,
      %parallel_loop3A_1043 = vector.shape_cast %parallel_loop3A_1042 : vector<16xf32> to vector<16xf32>
      %parallel_loop3A_1044 = arith.mulf %parallel_loop3A_994, %div3A_826 : vector<16xf32>
      %parallel_loop3A_1045 = arith.constant 2 : i32
      %parallel_loop3A_1046 = arith.addi %parallel_loop3A_991, %parallel_loop3A_1045 : i32
      %parallel_loop3A_1047 = arith.constant 16 : i32
      %parallel_loop3A_1048 = arith.muli %parallel_loop3A_1046, %parallel_loop3A_1047 : i32
      %parallel_loop3A_1049 = arith.index_cast %parallel_loop3A_1048 : i32 to index
      %parallel_loop3A_1050 = tpu.vector_load %arg4[%parallel_loop3A_1049] {strides = array<i32>} : memref<33024xf32, #tpu.memory_space<vmem>>, vector<16xf32>,
      %parallel_loop3A_1051 = vector.shape_cast %parallel_loop3A_1050 : vector<16xf32> to vector<16xf32>
      %parallel_loop3A_1052 = vector.shape_cast %parallel_loop3A_1044 : vector<16xf32> to vector<16xf32>
      tpu.vector_store %arg4[%parallel_loop3A_1049], %parallel_loop3A_1052 {strides = array<i32>} : memref<33024xf32, #tpu.memory_space<vmem>>, vector<16xf32>,
      %parallel_loop3A_1053 = arith.constant 16 : i32
      %parallel_loop3A_1054 = arith.addi %parallel_loop3A_991, %parallel_loop3A_1053 : i32
      %parallel_loop3A_1055 = arith.constant 2 : i32
      %parallel_loop3A_1056 = arith.addi %parallel_loop3A_1054, %parallel_loop3A_1055 : i32
      %parallel_loop3A_1057 = arith.constant 16 : i32
      %parallel_loop3A_1058 = arith.muli %parallel_loop3A_1056, %parallel_loop3A_1057 : i32
      %parallel_loop3A_1059 = arith.index_cast %parallel_loop3A_1058 : i32 to index
      %parallel_loop3A_1060 = tpu.vector_load %arg4[%parallel_loop3A_1059] {strides = array<i32>} : memref<33024xf32, #tpu.memory_space<vmem>>, vector<16xf32>,
      %parallel_loop3A_1061 = vector.shape_cast %parallel_loop3A_1060 : vector<16xf32> to vector<16xf32>
      %parallel_loop3A_1062 = arith.mulf %parallel_loop3A_995, %div3A_826 : vector<16xf32>
      %parallel_loop3A_1063 = arith.constant 3 : i32
      %parallel_loop3A_1064 = arith.addi %parallel_loop3A_991, %parallel_loop3A_1063 : i32
      %parallel_loop3A_1065 = arith.constant 16 : i32
      %parallel_loop3A_1066 = arith.muli %parallel_loop3A_1064, %parallel_loop3A_1065 : i32
      %parallel_loop3A_1067 = arith.index_cast %parallel_loop3A_1066 : i32 to index
      %parallel_loop3A_1068 = tpu.vector_load %arg4[%parallel_loop3A_1067] {strides = array<i32>} : memref<33024xf32, #tpu.memory_space<vmem>>, vector<16xf32>,
      %parallel_loop3A_1069 = vector.shape_cast %parallel_loop3A_1068 : vector<16xf32> to vector<16xf32>
      %parallel_loop3A_1070 = vector.shape_cast %parallel_loop3A_1062 : vector<16xf32> to vector<16xf32>
      tpu.vector_store %arg4[%parallel_loop3A_1067], %parallel_loop3A_1070 {strides = array<i32>} : memref<33024xf32, #tpu.memory_space<vmem>>, vector<16xf32>,
      %parallel_loop3A_1071 = arith.constant 16 : i32
      %parallel_loop3A_1072 = arith.addi %parallel_loop3A_991, %parallel_loop3A_1071 : i32
      %parallel_loop3A_1073 = arith.constant 3 : i32
      %parallel_loop3A_1074 = arith.addi %parallel_loop3A_1072, %parallel_loop3A_1073 : i32
      %parallel_loop3A_1075 = arith.constant 16 : i32
      %parallel_loop3A_1076 = arith.muli %parallel_loop3A_1074, %parallel_loop3A_1075 : i32
      %parallel_loop3A_1077 = arith.index_cast %parallel_loop3A_1076 : i32 to index
      %parallel_loop3A_1078 = tpu.vector_load %arg4[%parallel_loop3A_1077] {strides = array<i32>} : memref<33024xf32, #tpu.memory_space<vmem>>, vector<16xf32>,
      %parallel_loop3A_1079 = vector.shape_cast %parallel_loop3A_1078 : vector<16xf32> to vector<16xf32>
      %parallel_loop3A_1080 = arith.mulf %parallel_loop3A_996, %div3A_826 : vector<16xf32>
      %parallel_loop3A_1081 = arith.constant 4 : i32
      %parallel_loop3A_1082 = arith.addi %parallel_loop3A_991, %parallel_loop3A_1081 : i32
      %parallel_loop3A_1083 = arith.constant 16 : i32
      %parallel_loop3A_1084 = arith.muli %parallel_loop3A_1082, %parallel_loop3A_1083 : i32
      %parallel_loop3A_1085 = arith.index_cast %parallel_loop3A_1084 : i32 to index
      %parallel_loop3A_1086 = tpu.vector_load %arg4[%parallel_loop3A_1085] {strides = array<i32>} : memref<33024xf32, #tpu.memory_space<vmem>>, vector<16xf32>,
      %parallel_loop3A_1087 = vector.shape_cast %parallel_loop3A_1086 : vector<16xf32> to vector<16xf32>
      %parallel_loop3A_1088 = vector.shape_cast %parallel_loop3A_1080 : vector<16xf32> to vector<16xf32>
      tpu.vector_store %arg4[%parallel_loop3A_1085], %parallel_loop3A_1088 {strides = array<i32>} : memref<33024xf32, #tpu.memory_space<vmem>>, vector<16xf32>,
      %parallel_loop3A_1089 = arith.constant 16 : i32
      %parallel_loop3A_1090 = arith.addi %parallel_loop3A_991, %parallel_loop3A_1089 : i32
      %parallel_loop3A_1091 = arith.constant 4 : i32
      %parallel_loop3A_1092 = arith.addi %parallel_loop3A_1090, %parallel_loop3A_1091 : i32
      %parallel_loop3A_1093 = arith.constant 16 : i32
      %parallel_loop3A_1094 = arith.muli %parallel_loop3A_1092, %parallel_loop3A_1093 : i32
      %parallel_loop3A_1095 = arith.index_cast %parallel_loop3A_1094 : i32 to index
      %parallel_loop3A_1096 = tpu.vector_load %arg4[%parallel_loop3A_1095] {strides = array<i32>} : memref<33024xf32, #tpu.memory_space<vmem>>, vector<16xf32>,
      %parallel_loop3A_1097 = vector.shape_cast %parallel_loop3A_1096 : vector<16xf32> to vector<16xf32>
      %parallel_loop3A_1098 = arith.mulf %parallel_loop3A_997, %div3A_826 : vector<16xf32>
      %parallel_loop3A_1099 = arith.constant 5 : i32
      %parallel_loop3A_1100 = arith.addi %parallel_loop3A_991, %parallel_loop3A_1099 : i32
      %parallel_loop3A_1101 = arith.constant 16 : i32
      %parallel_loop3A_1102 = arith.muli %parallel_loop3A_1100, %parallel_loop3A_1101 : i32
      %parallel_loop3A_1103 = arith.index_cast %parallel_loop3A_1102 : i32 to index
      %parallel_loop3A_1104 = tpu.vector_load %arg4[%parallel_loop3A_1103] {strides = array<i32>} : memref<33024xf32, #tpu.memory_space<vmem>>, vector<16xf32>,
      %parallel_loop3A_1105 = vector.shape_cast %parallel_loop3A_1104 : vector<16xf32> to vector<16xf32>
      %parallel_loop3A_1106 = vector.shape_cast %parallel_loop3A_1098 : vector<16xf32> to vector<16xf32>
      tpu.vector_store %arg4[%parallel_loop3A_1103], %parallel_loop3A_1106 {strides = array<i32>} : memref<33024xf32, #tpu.memory_space<vmem>>, vector<16xf32>,
      %parallel_loop3A_1107 = arith.constant 16 : i32
      %parallel_loop3A_1108 = arith.addi %parallel_loop3A_991, %parallel_loop3A_1107 : i32
      %parallel_loop3A_1109 = arith.constant 5 : i32
      %parallel_loop3A_1110 = arith.addi %parallel_loop3A_1108, %parallel_loop3A_1109 : i32
      %parallel_loop3A_1111 = arith.constant 16 : i32
      %parallel_loop3A_1112 = arith.muli %parallel_loop3A_1110, %parallel_loop3A_1111 : i32
      %parallel_loop3A_1113 = arith.index_cast %parallel_loop3A_1112 : i32 to index
      %parallel_loop3A_1114 = tpu.vector_load %arg4[%parallel_loop3A_1113] {strides = array<i32>} : memref<33024xf32, #tpu.memory_space<vmem>>, vector<16xf32>,
      %parallel_loop3A_1115 = vector.shape_cast %parallel_loop3A_1114 : vector<16xf32> to vector<16xf32>
      %parallel_loop3A_1116 = arith.mulf %parallel_loop3A_998, %div3A_826 : vector<16xf32>
      %parallel_loop3A_1117 = arith.constant 6 : i32
      %parallel_loop3A_1118 = arith.addi %parallel_loop3A_991, %parallel_loop3A_1117 : i32
      %parallel_loop3A_1119 = arith.constant 16 : i32
      %parallel_loop3A_1120 = arith.muli %parallel_loop3A_1118, %parallel_loop3A_1119 : i32
      %parallel_loop3A_1121 = arith.index_cast %parallel_loop3A_1120 : i32 to index
      %parallel_loop3A_1122 = tpu.vector_load %arg4[%parallel_loop3A_1121] {strides = array<i32>} : memref<33024xf32, #tpu.memory_space<vmem>>, vector<16xf32>,
      %parallel_loop3A_1123 = vector.shape_cast %parallel_loop3A_1122 : vector<16xf32> to vector<16xf32>
      %parallel_loop3A_1124 = vector.shape_cast %parallel_loop3A_1116 : vector<16xf32> to vector<16xf32>
      tpu.vector_store %arg4[%parallel_loop3A_1121], %parallel_loop3A_1124 {strides = array<i32>} : memref<33024xf32, #tpu.memory_space<vmem>>, vector<16xf32>,
      %parallel_loop3A_1125 = arith.constant 16 : i32
      %parallel_loop3A_1126 = arith.addi %parallel_loop3A_991, %parallel_loop3A_1125 : i32
      %parallel_loop3A_1127 = arith.constant 6 : i32
      %parallel_loop3A_1128 = arith.addi %parallel_loop3A_1126, %parallel_loop3A_1127 : i32
      %parallel_loop3A_1129 = arith.constant 16 : i32
      %parallel_loop3A_1130 = arith.muli %parallel_loop3A_1128, %parallel_loop3A_1129 : i32
      %parallel_loop3A_1131 = arith.index_cast %parallel_loop3A_1130 : i32 to index
      %parallel_loop3A_1132 = tpu.vector_load %arg4[%parallel_loop3A_1131] {strides = array<i32>} : memref<33024xf32, #tpu.memory_space<vmem>>, vector<16xf32>,
      %parallel_loop3A_1133 = vector.shape_cast %parallel_loop3A_1132 : vector<16xf32> to vector<16xf32>
      %parallel_loop3A_1134 = arith.mulf %parallel_loop3A_999, %div3A_826 : vector<16xf32>
      %parallel_loop3A_1135 = arith.constant 7 : i32
      %parallel_loop3A_1136 = arith.addi %parallel_loop3A_991, %parallel_loop3A_1135 : i32
      %parallel_loop3A_1137 = arith.constant 16 : i32
      %parallel_loop3A_1138 = arith.muli %parallel_loop3A_1136, %parallel_loop3A_1137 : i32
      %parallel_loop3A_1139 = arith.index_cast %parallel_loop3A_1138 : i32 to index
      %parallel_loop3A_1140 = tpu.vector_load %arg4[%parallel_loop3A_1139] {strides = array<i32>} : memref<33024xf32, #tpu.memory_space<vmem>>, vector<16xf32>,
      %parallel_loop3A_1141 = vector.shape_cast %parallel_loop3A_1140 : vector<16xf32> to vector<16xf32>
      %parallel_loop3A_1142 = vector.shape_cast %parallel_loop3A_1134 : vector<16xf32> to vector<16xf32>
      tpu.vector_store %arg4[%parallel_loop3A_1139], %parallel_loop3A_1142 {strides = array<i32>} : memref<33024xf32, #tpu.memory_space<vmem>>, vector<16xf32>,
      %parallel_loop3A_1143 = arith.constant 16 : i32
      %parallel_loop3A_1144 = arith.addi %parallel_loop3A_991, %parallel_loop3A_1143 : i32
      %parallel_loop3A_1145 = arith.constant 7 : i32
      %parallel_loop3A_1146 = arith.addi %parallel_loop3A_1144, %parallel_loop3A_1145 : i32
      %parallel_loop3A_1147 = arith.constant 16 : i32
      %parallel_loop3A_1148 = arith.muli %parallel_loop3A_1146, %parallel_loop3A_1147 : i32
      %parallel_loop3A_1149 = arith.index_cast %parallel_loop3A_1148 : i32 to index
      %parallel_loop3A_1150 = tpu.vector_load %arg4[%parallel_loop3A_1149] {strides = array<i32>} : memref<33024xf32, #tpu.memory_space<vmem>>, vector<16xf32>,
      %parallel_loop3A_1151 = vector.shape_cast %parallel_loop3A_1150 : vector<16xf32> to vector<16xf32>
      %parallel_loop3A_1152 = arith.mulf %parallel_loop3A_1000, %div3A_826 : vector<16xf32>
      %parallel_loop3A_1153 = arith.constant 8 : i32
      %parallel_loop3A_1154 = arith.addi %parallel_loop3A_991, %parallel_loop3A_1153 : i32
      %parallel_loop3A_1155 = arith.constant 16 : i32
      %parallel_loop3A_1156 = arith.muli %parallel_loop3A_1154, %parallel_loop3A_1155 : i32
      %parallel_loop3A_1157 = arith.index_cast %parallel_loop3A_1156 : i32 to index
      %parallel_loop3A_1158 = tpu.vector_load %arg4[%parallel_loop3A_1157] {strides = array<i32>} : memref<33024xf32, #tpu.memory_space<vmem>>, vector<16xf32>,
      %parallel_loop3A_1159 = vector.shape_cast %parallel_loop3A_1158 : vector<16xf32> to vector<16xf32>
      %parallel_loop3A_1160 = vector.shape_cast %parallel_loop3A_1152 : vector<16xf32> to vector<16xf32>
      tpu.vector_store %arg4[%parallel_loop3A_1157], %parallel_loop3A_1160 {strides = array<i32>} : memref<33024xf32, #tpu.memory_space<vmem>>, vector<16xf32>,
      %parallel_loop3A_1161 = arith.constant 16 : i32
      %parallel_loop3A_1162 = arith.addi %parallel_loop3A_991, %parallel_loop3A_1161 : i32
      %parallel_loop3A_1163 = arith.constant 8 : i32
      %parallel_loop3A_1164 = arith.addi %parallel_loop3A_1162, %parallel_loop3A_1163 : i32
      %parallel_loop3A_1165 = arith.constant 16 : i32
      %parallel_loop3A_1166 = arith.muli %parallel_loop3A_1164, %parallel_loop3A_1165 : i32
      %parallel_loop3A_1167 = arith.index_cast %parallel_loop3A_1166 : i32 to index
      %parallel_loop3A_1168 = tpu.vector_load %arg4[%parallel_loop3A_1167] {strides = array<i32>} : memref<33024xf32, #tpu.memory_space<vmem>>, vector<16xf32>,
      %parallel_loop3A_1169 = vector.shape_cast %parallel_loop3A_1168 : vector<16xf32> to vector<16xf32>
      %parallel_loop3A_1170 = arith.mulf %parallel_loop3A_1001, %div3A_826 : vector<16xf32>
      %parallel_loop3A_1171 = arith.constant 9 : i32
      %parallel_loop3A_1172 = arith.addi %parallel_loop3A_991, %parallel_loop3A_1171 : i32
      %parallel_loop3A_1173 = arith.constant 16 : i32
      %parallel_loop3A_1174 = arith.muli %parallel_loop3A_1172, %parallel_loop3A_1173 : i32
      %parallel_loop3A_1175 = arith.index_cast %parallel_loop3A_1174 : i32 to index
      %parallel_loop3A_1176 = tpu.vector_load %arg4[%parallel_loop3A_1175] {strides = array<i32>} : memref<33024xf32, #tpu.memory_space<vmem>>, vector<16xf32>,
      %parallel_loop3A_1177 = vector.shape_cast %parallel_loop3A_1176 : vector<16xf32> to vector<16xf32>
      %parallel_loop3A_1178 = vector.shape_cast %parallel_loop3A_1170 : vector<16xf32> to vector<16xf32>
      tpu.vector_store %arg4[%parallel_loop3A_1175], %parallel_loop3A_1178 {strides = array<i32>} : memref<33024xf32, #tpu.memory_space<vmem>>, vector<16xf32>,
      %parallel_loop3A_1179 = arith.constant 16 : i32
      %parallel_loop3A_1180 = arith.addi %parallel_loop3A_991, %parallel_loop3A_1179 : i32
      %parallel_loop3A_1181 = arith.constant 9 : i32
      %parallel_loop3A_1182 = arith.addi %parallel_loop3A_1180, %parallel_loop3A_1181 : i32
      %parallel_loop3A_1183 = arith.constant 16 : i32
      %parallel_loop3A_1184 = arith.muli %parallel_loop3A_1182, %parallel_loop3A_1183 : i32
      %parallel_loop3A_1185 = arith.index_cast %parallel_loop3A_1184 : i32 to index
      %parallel_loop3A_1186 = tpu.vector_load %arg4[%parallel_loop3A_1185] {strides = array<i32>} : memref<33024xf32, #tpu.memory_space<vmem>>, vector<16xf32>,
      %parallel_loop3A_1187 = vector.shape_cast %parallel_loop3A_1186 : vector<16xf32> to vector<16xf32>
      %parallel_loop3A_1188 = arith.mulf %parallel_loop3A_1002, %div3A_826 : vector<16xf32>
      %parallel_loop3A_1189 = arith.constant 10 : i32
      %parallel_loop3A_1190 = arith.addi %parallel_loop3A_991, %parallel_loop3A_1189 : i32
      %parallel_loop3A_1191 = arith.constant 16 : i32
      %parallel_loop3A_1192 = arith.muli %parallel_loop3A_1190, %parallel_loop3A_1191 : i32
      %parallel_loop3A_1193 = arith.index_cast %parallel_loop3A_1192 : i32 to index
      %parallel_loop3A_1194 = tpu.vector_load %arg4[%parallel_loop3A_1193] {strides = array<i32>} : memref<33024xf32, #tpu.memory_space<vmem>>, vector<16xf32>,
      %parallel_loop3A_1195 = vector.shape_cast %parallel_loop3A_1194 : vector<16xf32> to vector<16xf32>
      %parallel_loop3A_1196 = vector.shape_cast %parallel_loop3A_1188 : vector<16xf32> to vector<16xf32>
      tpu.vector_store %arg4[%parallel_loop3A_1193], %parallel_loop3A_1196 {strides = array<i32>} : memref<33024xf32, #tpu.memory_space<vmem>>, vector<16xf32>,
      %parallel_loop3A_1197 = arith.constant 16 : i32
      %parallel_loop3A_1198 = arith.addi %parallel_loop3A_991, %parallel_loop3A_1197 : i32
      %parallel_loop3A_1199 = arith.constant 10 : i32
      %parallel_loop3A_1200 = arith.addi %parallel_loop3A_1198, %parallel_loop3A_1199 : i32
      %parallel_loop3A_1201 = arith.constant 16 : i32
      %parallel_loop3A_1202 = arith.muli %parallel_loop3A_1200, %parallel_loop3A_1201 : i32
      %parallel_loop3A_1203 = arith.index_cast %parallel_loop3A_1202 : i32 to index
      %parallel_loop3A_1204 = tpu.vector_load %arg4[%parallel_loop3A_1203] {strides = array<i32>} : memref<33024xf32, #tpu.memory_space<vmem>>, vector<16xf32>,
      %parallel_loop3A_1205 = vector.shape_cast %parallel_loop3A_1204 : vector<16xf32> to vector<16xf32>
      %parallel_loop3A_1206 = arith.mulf %parallel_loop3A_1003, %div3A_826 : vector<16xf32>
      %parallel_loop3A_1207 = arith.constant 11 : i32
      %parallel_loop3A_1208 = arith.addi %parallel_loop3A_991, %parallel_loop3A_1207 : i32
      %parallel_loop3A_1209 = arith.constant 16 : i32
      %parallel_loop3A_1210 = arith.muli %parallel_loop3A_1208, %parallel_loop3A_1209 : i32
      %parallel_loop3A_1211 = arith.index_cast %parallel_loop3A_1210 : i32 to index
      %parallel_loop3A_1212 = tpu.vector_load %arg4[%parallel_loop3A_1211] {strides = array<i32>} : memref<33024xf32, #tpu.memory_space<vmem>>, vector<16xf32>,
      %parallel_loop3A_1213 = vector.shape_cast %parallel_loop3A_1212 : vector<16xf32> to vector<16xf32>
      %parallel_loop3A_1214 = vector.shape_cast %parallel_loop3A_1206 : vector<16xf32> to vector<16xf32>
      tpu.vector_store %arg4[%parallel_loop3A_1211], %parallel_loop3A_1214 {strides = array<i32>} : memref<33024xf32, #tpu.memory_space<vmem>>, vector<16xf32>,
      %parallel_loop3A_1215 = arith.constant 16 : i32
      %parallel_loop3A_1216 = arith.addi %parallel_loop3A_991, %parallel_loop3A_1215 : i32
      %parallel_loop3A_1217 = arith.constant 11 : i32
      %parallel_loop3A_1218 = arith.addi %parallel_loop3A_1216, %parallel_loop3A_1217 : i32
      %parallel_loop3A_1219 = arith.constant 16 : i32
      %parallel_loop3A_1220 = arith.muli %parallel_loop3A_1218, %parallel_loop3A_1219 : i32
      %parallel_loop3A_1221 = arith.index_cast %parallel_loop3A_1220 : i32 to index
      %parallel_loop3A_1222 = tpu.vector_load %arg4[%parallel_loop3A_1221] {strides = array<i32>} : memref<33024xf32, #tpu.memory_space<vmem>>, vector<16xf32>,
      %parallel_loop3A_1223 = vector.shape_cast %parallel_loop3A_1222 : vector<16xf32> to vector<16xf32>
      %parallel_loop3A_1224 = arith.mulf %parallel_loop3A_1004, %div3A_826 : vector<16xf32>
      %parallel_loop3A_1225 = arith.constant 12 : i32
      %parallel_loop3A_1226 = arith.addi %parallel_loop3A_991, %parallel_loop3A_1225 : i32
      %parallel_loop3A_1227 = arith.constant 16 : i32
      %parallel_loop3A_1228 = arith.muli %parallel_loop3A_1226, %parallel_loop3A_1227 : i32
      %parallel_loop3A_1229 = arith.index_cast %parallel_loop3A_1228 : i32 to index
      %parallel_loop3A_1230 = tpu.vector_load %arg4[%parallel_loop3A_1229] {strides = array<i32>} : memref<33024xf32, #tpu.memory_space<vmem>>, vector<16xf32>,
      %parallel_loop3A_1231 = vector.shape_cast %parallel_loop3A_1230 : vector<16xf32> to vector<16xf32>
      %parallel_loop3A_1232 = vector.shape_cast %parallel_loop3A_1224 : vector<16xf32> to vector<16xf32>
      tpu.vector_store %arg4[%parallel_loop3A_1229], %parallel_loop3A_1232 {strides = array<i32>} : memref<33024xf32, #tpu.memory_space<vmem>>, vector<16xf32>,
      %parallel_loop3A_1233 = arith.constant 16 : i32
      %parallel_loop3A_1234 = arith.addi %parallel_loop3A_991, %parallel_loop3A_1233 : i32
      %parallel_loop3A_1235 = arith.constant 12 : i32
      %parallel_loop3A_1236 = arith.addi %parallel_loop3A_1234, %parallel_loop3A_1235 : i32
      %parallel_loop3A_1237 = arith.constant 16 : i32
      %parallel_loop3A_1238 = arith.muli %parallel_loop3A_1236, %parallel_loop3A_1237 : i32
      %parallel_loop3A_1239 = arith.index_cast %parallel_loop3A_1238 : i32 to index
      %parallel_loop3A_1240 = tpu.vector_load %arg4[%parallel_loop3A_1239] {strides = array<i32>} : memref<33024xf32, #tpu.memory_space<vmem>>, vector<16xf32>,
      %parallel_loop3A_1241 = vector.shape_cast %parallel_loop3A_1240 : vector<16xf32> to vector<16xf32>
      %parallel_loop3A_1242 = arith.mulf %parallel_loop3A_1005, %div3A_826 : vector<16xf32>
      %parallel_loop3A_1243 = arith.constant 13 : i32
      %parallel_loop3A_1244 = arith.addi %parallel_loop3A_991, %parallel_loop3A_1243 : i32
      %parallel_loop3A_1245 = arith.constant 16 : i32
      %parallel_loop3A_1246 = arith.muli %parallel_loop3A_1244, %parallel_loop3A_1245 : i32
      %parallel_loop3A_1247 = arith.index_cast %parallel_loop3A_1246 : i32 to index
      %parallel_loop3A_1248 = tpu.vector_load %arg4[%parallel_loop3A_1247] {strides = array<i32>} : memref<33024xf32, #tpu.memory_space<vmem>>, vector<16xf32>,
      %parallel_loop3A_1249 = vector.shape_cast %parallel_loop3A_1248 : vector<16xf32> to vector<16xf32>
      %parallel_loop3A_1250 = vector.shape_cast %parallel_loop3A_1242 : vector<16xf32> to vector<16xf32>
      tpu.vector_store %arg4[%parallel_loop3A_1247], %parallel_loop3A_1250 {strides = array<i32>} : memref<33024xf32, #tpu.memory_space<vmem>>, vector<16xf32>,
      %parallel_loop3A_1251 = arith.constant 16 : i32
      %parallel_loop3A_1252 = arith.addi %parallel_loop3A_991, %parallel_loop3A_1251 : i32
      %parallel_loop3A_1253 = arith.constant 13 : i32
      %parallel_loop3A_1254 = arith.addi %parallel_loop3A_1252, %parallel_loop3A_1253 : i32
      %parallel_loop3A_1255 = arith.constant 16 : i32
      %parallel_loop3A_1256 = arith.muli %parallel_loop3A_1254, %parallel_loop3A_1255 : i32
      %parallel_loop3A_1257 = arith.index_cast %parallel_loop3A_1256 : i32 to index
      %parallel_loop3A_1258 = tpu.vector_load %arg4[%parallel_loop3A_1257] {strides = array<i32>} : memref<33024xf32, #tpu.memory_space<vmem>>, vector<16xf32>,
      %parallel_loop3A_1259 = vector.shape_cast %parallel_loop3A_1258 : vector<16xf32> to vector<16xf32>
      %parallel_loop3A_1260 = arith.mulf %parallel_loop3A_1006, %div3A_826 : vector<16xf32>
      %parallel_loop3A_1261 = arith.constant 14 : i32
      %parallel_loop3A_1262 = arith.addi %parallel_loop3A_991, %parallel_loop3A_1261 : i32
      %parallel_loop3A_1263 = arith.constant 16 : i32
      %parallel_loop3A_1264 = arith.muli %parallel_loop3A_1262, %parallel_loop3A_1263 : i32
      %parallel_loop3A_1265 = arith.index_cast %parallel_loop3A_1264 : i32 to index
      %parallel_loop3A_1266 = tpu.vector_load %arg4[%parallel_loop3A_1265] {strides = array<i32>} : memref<33024xf32, #tpu.memory_space<vmem>>, vector<16xf32>,
      %parallel_loop3A_1267 = vector.shape_cast %parallel_loop3A_1266 : vector<16xf32> to vector<16xf32>
      %parallel_loop3A_1268 = vector.shape_cast %parallel_loop3A_1260 : vector<16xf32> to vector<16xf32>
      tpu.vector_store %arg4[%parallel_loop3A_1265], %parallel_loop3A_1268 {strides = array<i32>} : memref<33024xf32, #tpu.memory_space<vmem>>, vector<16xf32>,
      %parallel_loop3A_1269 = arith.constant 16 : i32
      %parallel_loop3A_1270 = arith.addi %parallel_loop3A_991, %parallel_loop3A_1269 : i32
      %parallel_loop3A_1271 = arith.constant 14 : i32
      %parallel_loop3A_1272 = arith.addi %parallel_loop3A_1270, %parallel_loop3A_1271 : i32
      %parallel_loop3A_1273 = arith.constant 16 : i32
      %parallel_loop3A_1274 = arith.muli %parallel_loop3A_1272, %parallel_loop3A_1273 : i32
      %parallel_loop3A_1275 = arith.index_cast %parallel_loop3A_1274 : i32 to index
      %parallel_loop3A_1276 = tpu.vector_load %arg4[%parallel_loop3A_1275] {strides = array<i32>} : memref<33024xf32, #tpu.memory_space<vmem>>, vector<16xf32>,
      %parallel_loop3A_1277 = vector.shape_cast %parallel_loop3A_1276 : vector<16xf32> to vector<16xf32>
      %parallel_loop3A_1278 = arith.mulf %parallel_loop3A_1007, %div3A_826 : vector<16xf32>
      %parallel_loop3A_1279 = arith.constant 15 : i32
      %parallel_loop3A_1280 = arith.addi %parallel_loop3A_991, %parallel_loop3A_1279 : i32
      %parallel_loop3A_1281 = arith.constant 16 : i32
      %parallel_loop3A_1282 = arith.muli %parallel_loop3A_1280, %parallel_loop3A_1281 : i32
      %parallel_loop3A_1283 = arith.index_cast %parallel_loop3A_1282 : i32 to index
      %parallel_loop3A_1284 = tpu.vector_load %arg4[%parallel_loop3A_1283] {strides = array<i32>} : memref<33024xf32, #tpu.memory_space<vmem>>, vector<16xf32>,
      %parallel_loop3A_1285 = vector.shape_cast %parallel_loop3A_1284 : vector<16xf32> to vector<16xf32>
      %parallel_loop3A_1286 = vector.shape_cast %parallel_loop3A_1278 : vector<16xf32> to vector<16xf32>
      tpu.vector_store %arg4[%parallel_loop3A_1283], %parallel_loop3A_1286 {strides = array<i32>} : memref<33024xf32, #tpu.memory_space<vmem>>, vector<16xf32>,
      %parallel_loop3A_1287 = arith.constant 16 : i32
      %parallel_loop3A_1288 = arith.addi %parallel_loop3A_991, %parallel_loop3A_1287 : i32
      %parallel_loop3A_1289 = arith.constant 15 : i32
      %parallel_loop3A_1290 = arith.addi %parallel_loop3A_1288, %parallel_loop3A_1289 : i32
      %parallel_loop3A_1291 = arith.constant 16 : i32
      %parallel_loop3A_1292 = arith.muli %parallel_loop3A_1290, %parallel_loop3A_1291 : i32
      %parallel_loop3A_1293 = arith.index_cast %parallel_loop3A_1292 : i32 to index
      %parallel_loop3A_1294 = tpu.vector_load %arg4[%parallel_loop3A_1293] {strides = array<i32>} : memref<33024xf32, #tpu.memory_space<vmem>>, vector<16xf32>,
      %parallel_loop3A_1295 = vector.shape_cast %parallel_loop3A_1294 : vector<16xf32> to vector<16xf32>
      scf.yield %parallel_loop3A_1025, %parallel_loop3A_1043, %parallel_loop3A_1061, %parallel_loop3A_1079, %parallel_loop3A_1097, %parallel_loop3A_1115, %parallel_loop3A_1133, %parallel_loop3A_1151, %parallel_loop3A_1169, %parallel_loop3A_1187, %parallel_loop3A_1205, %parallel_loop3A_1223, %parallel_loop3A_1241, %parallel_loop3A_1259, %parallel_loop3A_1277, %parallel_loop3A_1295 : vector<16xf32>, vector<16xf32>, vector<16xf32>, vector<16xf32>, vector<16xf32>, vector<16xf32>, vector<16xf32>, vector<16xf32>, vector<16xf32>, vector<16xf32>, vector<16xf32>, vector<16xf32>, vector<16xf32>, vector<16xf32>, vector<16xf32>, vector<16xf32>
    } {sc.loop_unroll_factor = 1 : i64, sc.parallel_access}
    %dma_start3A_879 = arith.constant 0 : i32
    %dma_start3A_880 = tpu.memref_slice %arg4[%dma_start3A_879] : memref<33024xf32, #tpu.memory_space<vmem>> -> memref<16384xf32, #tpu.memory_space<vmem>>
    %dma_start3A_881 = arith.constant 0 : i32
    %dma_start3A_882 = tpu.memref_slice %arg3[%add3A_16, %dma_start3A_881] : memref<128x32768xf32, #tpu.memory_space<hbm>> -> memref<1x16384xf32, #tpu.memory_space<hbm>>
    %dma_start3A_883 = tpu.memref_squeeze %dma_start3A_882 : memref<1x16384xf32, #tpu.memory_space<hbm>> -> memref<16384xf32, #tpu.memory_space<hbm>>
    %dma_start3A_884 = arith.constant 0 : i32
    %dma_start3A_885 = tpu.memref_slice %arg3[%add3A_16, %dma_start3A_884] : memref<128x32768xf32, #tpu.memory_space<hbm>> -> memref<1x16384xf32, #tpu.memory_space<hbm>>
    %dma_start3A_886 = tpu.memref_squeeze %dma_start3A_885 : memref<1x16384xf32, #tpu.memory_space<hbm>> -> memref<16384xf32, #tpu.memory_space<hbm>>
    %dma_start3A_887 = arith.constant 0 : i32
    %dma_start3A_888 = tpu.memref_slice %arg4[%dma_start3A_887] : memref<33024xf32, #tpu.memory_space<vmem>> -> memref<16384xf32, #tpu.memory_space<vmem>>
    tpu.enqueue_dma source(%dma_start3A_888 : memref<16384xf32, #tpu.memory_space<vmem>>) target(%dma_start3A_886 : memref<16384xf32, #tpu.memory_space<hbm>>) target_semaphore(%arg10 : memref<!tpu.dma_semaphore, #tpu.memory_space<semaphore_mem>>)
    %get3A_889 = arith.constant 16384 : index
    %get3A_890 = tpu.vector_load %arg4[%get3A_889] {strides = array<i32>} : memref<33024xf32, #tpu.memory_space<vmem>>, vector<16xf32>,
    %get3A_891 = vector.shape_cast %get3A_890 : vector<16xf32> to vector<16xf32>
    %get3A_892 = arith.constant 16400 : index
    %get3A_893 = tpu.vector_load %arg4[%get3A_892] {strides = array<i32>} : memref<33024xf32, #tpu.memory_space<vmem>>, vector<16xf32>,
    %get3A_894 = vector.shape_cast %get3A_893 : vector<16xf32> to vector<16xf32>
    %get3A_895 = arith.constant 16416 : index
    %get3A_896 = tpu.vector_load %arg4[%get3A_895] {strides = array<i32>} : memref<33024xf32, #tpu.memory_space<vmem>>, vector<16xf32>,
    %get3A_897 = vector.shape_cast %get3A_896 : vector<16xf32> to vector<16xf32>
    %get3A_898 = arith.constant 16432 : index
    %get3A_899 = tpu.vector_load %arg4[%get3A_898] {strides = array<i32>} : memref<33024xf32, #tpu.memory_space<vmem>>, vector<16xf32>,
    %get3A_900 = vector.shape_cast %get3A_899 : vector<16xf32> to vector<16xf32>
    %get3A_901 = arith.constant 16448 : index
    %get3A_902 = tpu.vector_load %arg4[%get3A_901] {strides = array<i32>} : memref<33024xf32, #tpu.memory_space<vmem>>, vector<16xf32>,
    %get3A_903 = vector.shape_cast %get3A_902 : vector<16xf32> to vector<16xf32>
    %get3A_904 = arith.constant 16464 : index
    %get3A_905 = tpu.vector_load %arg4[%get3A_904] {strides = array<i32>} : memref<33024xf32, #tpu.memory_space<vmem>>, vector<16xf32>,
    %get3A_906 = vector.shape_cast %get3A_905 : vector<16xf32> to vector<16xf32>
    %get3A_907 = arith.constant 16480 : index
    %get3A_908 = tpu.vector_load %arg4[%get3A_907] {strides = array<i32>} : memref<33024xf32, #tpu.memory_space<vmem>>, vector<16xf32>,
    %get3A_909 = vector.shape_cast %get3A_908 : vector<16xf32> to vector<16xf32>
    %get3A_910 = arith.constant 16496 : index
    %get3A_911 = tpu.vector_load %arg4[%get3A_910] {strides = array<i32>} : memref<33024xf32, #tpu.memory_space<vmem>>, vector<16xf32>,
    %get3A_912 = vector.shape_cast %get3A_911 : vector<16xf32> to vector<16xf32>
    %get3A_913 = arith.constant 16512 : index
    %get3A_914 = tpu.vector_load %arg4[%get3A_913] {strides = array<i32>} : memref<33024xf32, #tpu.memory_space<vmem>>, vector<16xf32>,
    %get3A_915 = vector.shape_cast %get3A_914 : vector<16xf32> to vector<16xf32>
    %get3A_916 = arith.constant 16528 : index
    %get3A_917 = tpu.vector_load %arg4[%get3A_916] {strides = array<i32>} : memref<33024xf32, #tpu.memory_space<vmem>>, vector<16xf32>,
    %get3A_918 = vector.shape_cast %get3A_917 : vector<16xf32> to vector<16xf32>
    %get3A_919 = arith.constant 16544 : index
    %get3A_920 = tpu.vector_load %arg4[%get3A_919] {strides = array<i32>} : memref<33024xf32, #tpu.memory_space<vmem>>, vector<16xf32>,
    %get3A_921 = vector.shape_cast %get3A_920 : vector<16xf32> to vector<16xf32>
    %get3A_922 = arith.constant 16560 : index
    %get3A_923 = tpu.vector_load %arg4[%get3A_922] {strides = array<i32>} : memref<33024xf32, #tpu.memory_space<vmem>>, vector<16xf32>,
    %get3A_924 = vector.shape_cast %get3A_923 : vector<16xf32> to vector<16xf32>
    %get3A_925 = arith.constant 16576 : index
    %get3A_926 = tpu.vector_load %arg4[%get3A_925] {strides = array<i32>} : memref<33024xf32, #tpu.memory_space<vmem>>, vector<16xf32>,
    %get3A_927 = vector.shape_cast %get3A_926 : vector<16xf32> to vector<16xf32>
    %get3A_928 = arith.constant 16592 : index
    %get3A_929 = tpu.vector_load %arg4[%get3A_928] {strides = array<i32>} : memref<33024xf32, #tpu.memory_space<vmem>>, vector<16xf32>,
    %get3A_930 = vector.shape_cast %get3A_929 : vector<16xf32> to vector<16xf32>
    %get3A_931 = arith.constant 16608 : index
    %get3A_932 = tpu.vector_load %arg4[%get3A_931] {strides = array<i32>} : memref<33024xf32, #tpu.memory_space<vmem>>, vector<16xf32>,
    %get3A_933 = vector.shape_cast %get3A_932 : vector<16xf32> to vector<16xf32>
    %get3A_934 = arith.constant 16624 : index
    %get3A_935 = tpu.vector_load %arg4[%get3A_934] {strides = array<i32>} : memref<33024xf32, #tpu.memory_space<vmem>>, vector<16xf32>,
    %get3A_936 = vector.shape_cast %get3A_935 : vector<16xf32> to vector<16xf32>
    %parallel_loop3A_937 = arith.constant 1024 : i32
    %parallel_loop3A_938 = arith.constant 2048 : i32
    %parallel_loop3A_939 = arith.constant 16 : i32
    %parallel_loop3A_940:16 = scf.for %parallel_loop3A_991 = %parallel_loop3A_937 to %parallel_loop3A_938 step %parallel_loop3A_939 iter_args(%parallel_loop3A_992 = %get3A_891, %parallel_loop3A_993 = %get3A_894, %parallel_loop3A_994 = %get3A_897, %parallel_loop3A_995 = %get3A_900, %parallel_loop3A_996 = %get3A_903, %parallel_loop3A_997 = %get3A_906, %parallel_loop3A_998 = %get3A_909, %parallel_loop3A_999 = %get3A_912, %parallel_loop3A_1000 = %get3A_915, %parallel_loop3A_1001 = %get3A_918, %parallel_loop3A_1002 = %get3A_921, %parallel_loop3A_1003 = %get3A_924, %parallel_loop3A_1004 = %get3A_927, %parallel_loop3A_1005 = %get3A_930, %parallel_loop3A_1006 = %get3A_933, %parallel_loop3A_1007 = %get3A_936) -> (vector<16xf32>, vector<16xf32>, vector<16xf32>, vector<16xf32>, vector<16xf32>, vector<16xf32>, vector<16xf32>, vector<16xf32>, vector<16xf32>, vector<16xf32>, vector<16xf32>, vector<16xf32>, vector<16xf32>, vector<16xf32>, vector<16xf32>, vector<16xf32>)  : i32 {
      %parallel_loop3A_1008 = arith.mulf %parallel_loop3A_992, %div3A_826 : vector<16xf32>
      %parallel_loop3A_1009 = arith.constant 0 : i32
      %parallel_loop3A_1010 = arith.addi %parallel_loop3A_991, %parallel_loop3A_1009 : i32
      %parallel_loop3A_1011 = arith.constant 16 : i32
      %parallel_loop3A_1012 = arith.muli %parallel_loop3A_1010, %parallel_loop3A_1011 : i32
      %parallel_loop3A_1013 = arith.index_cast %parallel_loop3A_1012 : i32 to index
      %parallel_loop3A_1014 = tpu.vector_load %arg4[%parallel_loop3A_1013] {strides = array<i32>} : memref<33024xf32, #tpu.memory_space<vmem>>, vector<16xf32>,
      %parallel_loop3A_1015 = vector.shape_cast %parallel_loop3A_1014 : vector<16xf32> to vector<16xf32>
      %parallel_loop3A_1016 = vector.shape_cast %parallel_loop3A_1008 : vector<16xf32> to vector<16xf32>
      tpu.vector_store %arg4[%parallel_loop3A_1013], %parallel_loop3A_1016 {strides = array<i32>} : memref<33024xf32, #tpu.memory_space<vmem>>, vector<16xf32>,
      %parallel_loop3A_1017 = arith.constant 16 : i32
      %parallel_loop3A_1018 = arith.addi %parallel_loop3A_991, %parallel_loop3A_1017 : i32
      %parallel_loop3A_1019 = arith.constant 0 : i32
      %parallel_loop3A_1020 = arith.addi %parallel_loop3A_1018, %parallel_loop3A_1019 : i32
      %parallel_loop3A_1021 = arith.constant 16 : i32
      %parallel_loop3A_1022 = arith.muli %parallel_loop3A_1020, %parallel_loop3A_1021 : i32
      %parallel_loop3A_1023 = arith.index_cast %parallel_loop3A_1022 : i32 to index
      %parallel_loop3A_1024 = tpu.vector_load %arg4[%parallel_loop3A_1023] {strides = array<i32>} : memref<33024xf32, #tpu.memory_space<vmem>>, vector<16xf32>,
      %parallel_loop3A_1025 = vector.shape_cast %parallel_loop3A_1024 : vector<16xf32> to vector<16xf32>
      %parallel_loop3A_1026 = arith.mulf %parallel_loop3A_993, %div3A_826 : vector<16xf32>
      %parallel_loop3A_1027 = arith.constant 1 : i32
      %parallel_loop3A_1028 = arith.addi %parallel_loop3A_991, %parallel_loop3A_1027 : i32
      %parallel_loop3A_1029 = arith.constant 16 : i32
      %parallel_loop3A_1030 = arith.muli %parallel_loop3A_1028, %parallel_loop3A_1029 : i32
      %parallel_loop3A_1031 = arith.index_cast %parallel_loop3A_1030 : i32 to index
      %parallel_loop3A_1032 = tpu.vector_load %arg4[%parallel_loop3A_1031] {strides = array<i32>} : memref<33024xf32, #tpu.memory_space<vmem>>, vector<16xf32>,
      %parallel_loop3A_1033 = vector.shape_cast %parallel_loop3A_1032 : vector<16xf32> to vector<16xf32>
      %parallel_loop3A_1034 = vector.shape_cast %parallel_loop3A_1026 : vector<16xf32> to vector<16xf32>
      tpu.vector_store %arg4[%parallel_loop3A_1031], %parallel_loop3A_1034 {strides = array<i32>} : memref<33024xf32, #tpu.memory_space<vmem>>, vector<16xf32>,
      %parallel_loop3A_1035 = arith.constant 16 : i32
      %parallel_loop3A_1036 = arith.addi %parallel_loop3A_991, %parallel_loop3A_1035 : i32
      %parallel_loop3A_1037 = arith.constant 1 : i32
      %parallel_loop3A_1038 = arith.addi %parallel_loop3A_1036, %parallel_loop3A_1037 : i32
      %parallel_loop3A_1039 = arith.constant 16 : i32
      %parallel_loop3A_1040 = arith.muli %parallel_loop3A_1038, %parallel_loop3A_1039 : i32
      %parallel_loop3A_1041 = arith.index_cast %parallel_loop3A_1040 : i32 to index
      %parallel_loop3A_1042 = tpu.vector_load %arg4[%parallel_loop3A_1041] {strides = array<i32>} : memref<33024xf32, #tpu.memory_space<vmem>>, vector<16xf32>,
      %parallel_loop3A_1043 = vector.shape_cast %parallel_loop3A_1042 : vector<16xf32> to vector<16xf32>
      %parallel_loop3A_1044 = arith.mulf %parallel_loop3A_994, %div3A_826 : vector<16xf32>
      %parallel_loop3A_1045 = arith.constant 2 : i32
      %parallel_loop3A_1046 = arith.addi %parallel_loop3A_991, %parallel_loop3A_1045 : i32
      %parallel_loop3A_1047 = arith.constant 16 : i32
      %parallel_loop3A_1048 = arith.muli %parallel_loop3A_1046, %parallel_loop3A_1047 : i32
      %parallel_loop3A_1049 = arith.index_cast %parallel_loop3A_1048 : i32 to index
      %parallel_loop3A_1050 = tpu.vector_load %arg4[%parallel_loop3A_1049] {strides = array<i32>} : memref<33024xf32, #tpu.memory_space<vmem>>, vector<16xf32>,
      %parallel_loop3A_1051 = vector.shape_cast %parallel_loop3A_1050 : vector<16xf32> to vector<16xf32>
      %parallel_loop3A_1052 = vector.shape_cast %parallel_loop3A_1044 : vector<16xf32> to vector<16xf32>
      tpu.vector_store %arg4[%parallel_loop3A_1049], %parallel_loop3A_1052 {strides = array<i32>} : memref<33024xf32, #tpu.memory_space<vmem>>, vector<16xf32>,
      %parallel_loop3A_1053 = arith.constant 16 : i32
      %parallel_loop3A_1054 = arith.addi %parallel_loop3A_991, %parallel_loop3A_1053 : i32
      %parallel_loop3A_1055 = arith.constant 2 : i32
      %parallel_loop3A_1056 = arith.addi %parallel_loop3A_1054, %parallel_loop3A_1055 : i32
      %parallel_loop3A_1057 = arith.constant 16 : i32
      %parallel_loop3A_1058 = arith.muli %parallel_loop3A_1056, %parallel_loop3A_1057 : i32
      %parallel_loop3A_1059 = arith.index_cast %parallel_loop3A_1058 : i32 to index
      %parallel_loop3A_1060 = tpu.vector_load %arg4[%parallel_loop3A_1059] {strides = array<i32>} : memref<33024xf32, #tpu.memory_space<vmem>>, vector<16xf32>,
      %parallel_loop3A_1061 = vector.shape_cast %parallel_loop3A_1060 : vector<16xf32> to vector<16xf32>
      %parallel_loop3A_1062 = arith.mulf %parallel_loop3A_995, %div3A_826 : vector<16xf32>
      %parallel_loop3A_1063 = arith.constant 3 : i32
      %parallel_loop3A_1064 = arith.addi %parallel_loop3A_991, %parallel_loop3A_1063 : i32
      %parallel_loop3A_1065 = arith.constant 16 : i32
      %parallel_loop3A_1066 = arith.muli %parallel_loop3A_1064, %parallel_loop3A_1065 : i32
      %parallel_loop3A_1067 = arith.index_cast %parallel_loop3A_1066 : i32 to index
      %parallel_loop3A_1068 = tpu.vector_load %arg4[%parallel_loop3A_1067] {strides = array<i32>} : memref<33024xf32, #tpu.memory_space<vmem>>, vector<16xf32>,
      %parallel_loop3A_1069 = vector.shape_cast %parallel_loop3A_1068 : vector<16xf32> to vector<16xf32>
      %parallel_loop3A_1070 = vector.shape_cast %parallel_loop3A_1062 : vector<16xf32> to vector<16xf32>
      tpu.vector_store %arg4[%parallel_loop3A_1067], %parallel_loop3A_1070 {strides = array<i32>} : memref<33024xf32, #tpu.memory_space<vmem>>, vector<16xf32>,
      %parallel_loop3A_1071 = arith.constant 16 : i32
      %parallel_loop3A_1072 = arith.addi %parallel_loop3A_991, %parallel_loop3A_1071 : i32
      %parallel_loop3A_1073 = arith.constant 3 : i32
      %parallel_loop3A_1074 = arith.addi %parallel_loop3A_1072, %parallel_loop3A_1073 : i32
      %parallel_loop3A_1075 = arith.constant 16 : i32
      %parallel_loop3A_1076 = arith.muli %parallel_loop3A_1074, %parallel_loop3A_1075 : i32
      %parallel_loop3A_1077 = arith.index_cast %parallel_loop3A_1076 : i32 to index
      %parallel_loop3A_1078 = tpu.vector_load %arg4[%parallel_loop3A_1077] {strides = array<i32>} : memref<33024xf32, #tpu.memory_space<vmem>>, vector<16xf32>,
      %parallel_loop3A_1079 = vector.shape_cast %parallel_loop3A_1078 : vector<16xf32> to vector<16xf32>
      %parallel_loop3A_1080 = arith.mulf %parallel_loop3A_996, %div3A_826 : vector<16xf32>
      %parallel_loop3A_1081 = arith.constant 4 : i32
      %parallel_loop3A_1082 = arith.addi %parallel_loop3A_991, %parallel_loop3A_1081 : i32
      %parallel_loop3A_1083 = arith.constant 16 : i32
      %parallel_loop3A_1084 = arith.muli %parallel_loop3A_1082, %parallel_loop3A_1083 : i32
      %parallel_loop3A_1085 = arith.index_cast %parallel_loop3A_1084 : i32 to index
      %parallel_loop3A_1086 = tpu.vector_load %arg4[%parallel_loop3A_1085] {strides = array<i32>} : memref<33024xf32, #tpu.memory_space<vmem>>, vector<16xf32>,
      %parallel_loop3A_1087 = vector.shape_cast %parallel_loop3A_1086 : vector<16xf32> to vector<16xf32>
      %parallel_loop3A_1088 = vector.shape_cast %parallel_loop3A_1080 : vector<16xf32> to vector<16xf32>
      tpu.vector_store %arg4[%parallel_loop3A_1085], %parallel_loop3A_1088 {strides = array<i32>} : memref<33024xf32, #tpu.memory_space<vmem>>, vector<16xf32>,
      %parallel_loop3A_1089 = arith.constant 16 : i32
      %parallel_loop3A_1090 = arith.addi %parallel_loop3A_991, %parallel_loop3A_1089 : i32
      %parallel_loop3A_1091 = arith.constant 4 : i32
      %parallel_loop3A_1092 = arith.addi %parallel_loop3A_1090, %parallel_loop3A_1091 : i32
      %parallel_loop3A_1093 = arith.constant 16 : i32
      %parallel_loop3A_1094 = arith.muli %parallel_loop3A_1092, %parallel_loop3A_1093 : i32
      %parallel_loop3A_1095 = arith.index_cast %parallel_loop3A_1094 : i32 to index
      %parallel_loop3A_1096 = tpu.vector_load %arg4[%parallel_loop3A_1095] {strides = array<i32>} : memref<33024xf32, #tpu.memory_space<vmem>>, vector<16xf32>,
      %parallel_loop3A_1097 = vector.shape_cast %parallel_loop3A_1096 : vector<16xf32> to vector<16xf32>
      %parallel_loop3A_1098 = arith.mulf %parallel_loop3A_997, %div3A_826 : vector<16xf32>
      %parallel_loop3A_1099 = arith.constant 5 : i32
      %parallel_loop3A_1100 = arith.addi %parallel_loop3A_991, %parallel_loop3A_1099 : i32
      %parallel_loop3A_1101 = arith.constant 16 : i32
      %parallel_loop3A_1102 = arith.muli %parallel_loop3A_1100, %parallel_loop3A_1101 : i32
      %parallel_loop3A_1103 = arith.index_cast %parallel_loop3A_1102 : i32 to index
      %parallel_loop3A_1104 = tpu.vector_load %arg4[%parallel_loop3A_1103] {strides = array<i32>} : memref<33024xf32, #tpu.memory_space<vmem>>, vector<16xf32>,
      %parallel_loop3A_1105 = vector.shape_cast %parallel_loop3A_1104 : vector<16xf32> to vector<16xf32>
      %parallel_loop3A_1106 = vector.shape_cast %parallel_loop3A_1098 : vector<16xf32> to vector<16xf32>
      tpu.vector_store %arg4[%parallel_loop3A_1103], %parallel_loop3A_1106 {strides = array<i32>} : memref<33024xf32, #tpu.memory_space<vmem>>, vector<16xf32>,
      %parallel_loop3A_1107 = arith.constant 16 : i32
      %parallel_loop3A_1108 = arith.addi %parallel_loop3A_991, %parallel_loop3A_1107 : i32
      %parallel_loop3A_1109 = arith.constant 5 : i32
      %parallel_loop3A_1110 = arith.addi %parallel_loop3A_1108, %parallel_loop3A_1109 : i32
      %parallel_loop3A_1111 = arith.constant 16 : i32
      %parallel_loop3A_1112 = arith.muli %parallel_loop3A_1110, %parallel_loop3A_1111 : i32
      %parallel_loop3A_1113 = arith.index_cast %parallel_loop3A_1112 : i32 to index
      %parallel_loop3A_1114 = tpu.vector_load %arg4[%parallel_loop3A_1113] {strides = array<i32>} : memref<33024xf32, #tpu.memory_space<vmem>>, vector<16xf32>,
      %parallel_loop3A_1115 = vector.shape_cast %parallel_loop3A_1114 : vector<16xf32> to vector<16xf32>
      %parallel_loop3A_1116 = arith.mulf %parallel_loop3A_998, %div3A_826 : vector<16xf32>
      %parallel_loop3A_1117 = arith.constant 6 : i32
      %parallel_loop3A_1118 = arith.addi %parallel_loop3A_991, %parallel_loop3A_1117 : i32
      %parallel_loop3A_1119 = arith.constant 16 : i32
      %parallel_loop3A_1120 = arith.muli %parallel_loop3A_1118, %parallel_loop3A_1119 : i32
      %parallel_loop3A_1121 = arith.index_cast %parallel_loop3A_1120 : i32 to index
      %parallel_loop3A_1122 = tpu.vector_load %arg4[%parallel_loop3A_1121] {strides = array<i32>} : memref<33024xf32, #tpu.memory_space<vmem>>, vector<16xf32>,
      %parallel_loop3A_1123 = vector.shape_cast %parallel_loop3A_1122 : vector<16xf32> to vector<16xf32>
      %parallel_loop3A_1124 = vector.shape_cast %parallel_loop3A_1116 : vector<16xf32> to vector<16xf32>
      tpu.vector_store %arg4[%parallel_loop3A_1121], %parallel_loop3A_1124 {strides = array<i32>} : memref<33024xf32, #tpu.memory_space<vmem>>, vector<16xf32>,
      %parallel_loop3A_1125 = arith.constant 16 : i32
      %parallel_loop3A_1126 = arith.addi %parallel_loop3A_991, %parallel_loop3A_1125 : i32
      %parallel_loop3A_1127 = arith.constant 6 : i32
      %parallel_loop3A_1128 = arith.addi %parallel_loop3A_1126, %parallel_loop3A_1127 : i32
      %parallel_loop3A_1129 = arith.constant 16 : i32
      %parallel_loop3A_1130 = arith.muli %parallel_loop3A_1128, %parallel_loop3A_1129 : i32
      %parallel_loop3A_1131 = arith.index_cast %parallel_loop3A_1130 : i32 to index
      %parallel_loop3A_1132 = tpu.vector_load %arg4[%parallel_loop3A_1131] {strides = array<i32>} : memref<33024xf32, #tpu.memory_space<vmem>>, vector<16xf32>,
      %parallel_loop3A_1133 = vector.shape_cast %parallel_loop3A_1132 : vector<16xf32> to vector<16xf32>
      %parallel_loop3A_1134 = arith.mulf %parallel_loop3A_999, %div3A_826 : vector<16xf32>
      %parallel_loop3A_1135 = arith.constant 7 : i32
      %parallel_loop3A_1136 = arith.addi %parallel_loop3A_991, %parallel_loop3A_1135 : i32
      %parallel_loop3A_1137 = arith.constant 16 : i32
      %parallel_loop3A_1138 = arith.muli %parallel_loop3A_1136, %parallel_loop3A_1137 : i32
      %parallel_loop3A_1139 = arith.index_cast %parallel_loop3A_1138 : i32 to index
      %parallel_loop3A_1140 = tpu.vector_load %arg4[%parallel_loop3A_1139] {strides = array<i32>} : memref<33024xf32, #tpu.memory_space<vmem>>, vector<16xf32>,
      %parallel_loop3A_1141 = vector.shape_cast %parallel_loop3A_1140 : vector<16xf32> to vector<16xf32>
      %parallel_loop3A_1142 = vector.shape_cast %parallel_loop3A_1134 : vector<16xf32> to vector<16xf32>
      tpu.vector_store %arg4[%parallel_loop3A_1139], %parallel_loop3A_1142 {strides = array<i32>} : memref<33024xf32, #tpu.memory_space<vmem>>, vector<16xf32>,
      %parallel_loop3A_1143 = arith.constant 16 : i32
      %parallel_loop3A_1144 = arith.addi %parallel_loop3A_991, %parallel_loop3A_1143 : i32
      %parallel_loop3A_1145 = arith.constant 7 : i32
      %parallel_loop3A_1146 = arith.addi %parallel_loop3A_1144, %parallel_loop3A_1145 : i32
      %parallel_loop3A_1147 = arith.constant 16 : i32
      %parallel_loop3A_1148 = arith.muli %parallel_loop3A_1146, %parallel_loop3A_1147 : i32
      %parallel_loop3A_1149 = arith.index_cast %parallel_loop3A_1148 : i32 to index
      %parallel_loop3A_1150 = tpu.vector_load %arg4[%parallel_loop3A_1149] {strides = array<i32>} : memref<33024xf32, #tpu.memory_space<vmem>>, vector<16xf32>,
      %parallel_loop3A_1151 = vector.shape_cast %parallel_loop3A_1150 : vector<16xf32> to vector<16xf32>
      %parallel_loop3A_1152 = arith.mulf %parallel_loop3A_1000, %div3A_826 : vector<16xf32>
      %parallel_loop3A_1153 = arith.constant 8 : i32
      %parallel_loop3A_1154 = arith.addi %parallel_loop3A_991, %parallel_loop3A_1153 : i32
      %parallel_loop3A_1155 = arith.constant 16 : i32
      %parallel_loop3A_1156 = arith.muli %parallel_loop3A_1154, %parallel_loop3A_1155 : i32
      %parallel_loop3A_1157 = arith.index_cast %parallel_loop3A_1156 : i32 to index
      %parallel_loop3A_1158 = tpu.vector_load %arg4[%parallel_loop3A_1157] {strides = array<i32>} : memref<33024xf32, #tpu.memory_space<vmem>>, vector<16xf32>,
      %parallel_loop3A_1159 = vector.shape_cast %parallel_loop3A_1158 : vector<16xf32> to vector<16xf32>
      %parallel_loop3A_1160 = vector.shape_cast %parallel_loop3A_1152 : vector<16xf32> to vector<16xf32>
      tpu.vector_store %arg4[%parallel_loop3A_1157], %parallel_loop3A_1160 {strides = array<i32>} : memref<33024xf32, #tpu.memory_space<vmem>>, vector<16xf32>,
      %parallel_loop3A_1161 = arith.constant 16 : i32
      %parallel_loop3A_1162 = arith.addi %parallel_loop3A_991, %parallel_loop3A_1161 : i32
      %parallel_loop3A_1163 = arith.constant 8 : i32
      %parallel_loop3A_1164 = arith.addi %parallel_loop3A_1162, %parallel_loop3A_1163 : i32
      %parallel_loop3A_1165 = arith.constant 16 : i32
      %parallel_loop3A_1166 = arith.muli %parallel_loop3A_1164, %parallel_loop3A_1165 : i32
      %parallel_loop3A_1167 = arith.index_cast %parallel_loop3A_1166 : i32 to index
      %parallel_loop3A_1168 = tpu.vector_load %arg4[%parallel_loop3A_1167] {strides = array<i32>} : memref<33024xf32, #tpu.memory_space<vmem>>, vector<16xf32>,
      %parallel_loop3A_1169 = vector.shape_cast %parallel_loop3A_1168 : vector<16xf32> to vector<16xf32>
      %parallel_loop3A_1170 = arith.mulf %parallel_loop3A_1001, %div3A_826 : vector<16xf32>
      %parallel_loop3A_1171 = arith.constant 9 : i32
      %parallel_loop3A_1172 = arith.addi %parallel_loop3A_991, %parallel_loop3A_1171 : i32
      %parallel_loop3A_1173 = arith.constant 16 : i32
      %parallel_loop3A_1174 = arith.muli %parallel_loop3A_1172, %parallel_loop3A_1173 : i32
      %parallel_loop3A_1175 = arith.index_cast %parallel_loop3A_1174 : i32 to index
      %parallel_loop3A_1176 = tpu.vector_load %arg4[%parallel_loop3A_1175] {strides = array<i32>} : memref<33024xf32, #tpu.memory_space<vmem>>, vector<16xf32>,
      %parallel_loop3A_1177 = vector.shape_cast %parallel_loop3A_1176 : vector<16xf32> to vector<16xf32>
      %parallel_loop3A_1178 = vector.shape_cast %parallel_loop3A_1170 : vector<16xf32> to vector<16xf32>
      tpu.vector_store %arg4[%parallel_loop3A_1175], %parallel_loop3A_1178 {strides = array<i32>} : memref<33024xf32, #tpu.memory_space<vmem>>, vector<16xf32>,
      %parallel_loop3A_1179 = arith.constant 16 : i32
      %parallel_loop3A_1180 = arith.addi %parallel_loop3A_991, %parallel_loop3A_1179 : i32
      %parallel_loop3A_1181 = arith.constant 9 : i32
      %parallel_loop3A_1182 = arith.addi %parallel_loop3A_1180, %parallel_loop3A_1181 : i32
      %parallel_loop3A_1183 = arith.constant 16 : i32
      %parallel_loop3A_1184 = arith.muli %parallel_loop3A_1182, %parallel_loop3A_1183 : i32
      %parallel_loop3A_1185 = arith.index_cast %parallel_loop3A_1184 : i32 to index
      %parallel_loop3A_1186 = tpu.vector_load %arg4[%parallel_loop3A_1185] {strides = array<i32>} : memref<33024xf32, #tpu.memory_space<vmem>>, vector<16xf32>,
      %parallel_loop3A_1187 = vector.shape_cast %parallel_loop3A_1186 : vector<16xf32> to vector<16xf32>
      %parallel_loop3A_1188 = arith.mulf %parallel_loop3A_1002, %div3A_826 : vector<16xf32>
      %parallel_loop3A_1189 = arith.constant 10 : i32
      %parallel_loop3A_1190 = arith.addi %parallel_loop3A_991, %parallel_loop3A_1189 : i32
      %parallel_loop3A_1191 = arith.constant 16 : i32
      %parallel_loop3A_1192 = arith.muli %parallel_loop3A_1190, %parallel_loop3A_1191 : i32
      %parallel_loop3A_1193 = arith.index_cast %parallel_loop3A_1192 : i32 to index
      %parallel_loop3A_1194 = tpu.vector_load %arg4[%parallel_loop3A_1193] {strides = array<i32>} : memref<33024xf32, #tpu.memory_space<vmem>>, vector<16xf32>,
      %parallel_loop3A_1195 = vector.shape_cast %parallel_loop3A_1194 : vector<16xf32> to vector<16xf32>
      %parallel_loop3A_1196 = vector.shape_cast %parallel_loop3A_1188 : vector<16xf32> to vector<16xf32>
      tpu.vector_store %arg4[%parallel_loop3A_1193], %parallel_loop3A_1196 {strides = array<i32>} : memref<33024xf32, #tpu.memory_space<vmem>>, vector<16xf32>,
      %parallel_loop3A_1197 = arith.constant 16 : i32
      %parallel_loop3A_1198 = arith.addi %parallel_loop3A_991, %parallel_loop3A_1197 : i32
      %parallel_loop3A_1199 = arith.constant 10 : i32
      %parallel_loop3A_1200 = arith.addi %parallel_loop3A_1198, %parallel_loop3A_1199 : i32
      %parallel_loop3A_1201 = arith.constant 16 : i32
      %parallel_loop3A_1202 = arith.muli %parallel_loop3A_1200, %parallel_loop3A_1201 : i32
      %parallel_loop3A_1203 = arith.index_cast %parallel_loop3A_1202 : i32 to index
      %parallel_loop3A_1204 = tpu.vector_load %arg4[%parallel_loop3A_1203] {strides = array<i32>} : memref<33024xf32, #tpu.memory_space<vmem>>, vector<16xf32>,
      %parallel_loop3A_1205 = vector.shape_cast %parallel_loop3A_1204 : vector<16xf32> to vector<16xf32>
      %parallel_loop3A_1206 = arith.mulf %parallel_loop3A_1003, %div3A_826 : vector<16xf32>
      %parallel_loop3A_1207 = arith.constant 11 : i32
      %parallel_loop3A_1208 = arith.addi %parallel_loop3A_991, %parallel_loop3A_1207 : i32
      %parallel_loop3A_1209 = arith.constant 16 : i32
      %parallel_loop3A_1210 = arith.muli %parallel_loop3A_1208, %parallel_loop3A_1209 : i32
      %parallel_loop3A_1211 = arith.index_cast %parallel_loop3A_1210 : i32 to index
      %parallel_loop3A_1212 = tpu.vector_load %arg4[%parallel_loop3A_1211] {strides = array<i32>} : memref<33024xf32, #tpu.memory_space<vmem>>, vector<16xf32>,
      %parallel_loop3A_1213 = vector.shape_cast %parallel_loop3A_1212 : vector<16xf32> to vector<16xf32>
      %parallel_loop3A_1214 = vector.shape_cast %parallel_loop3A_1206 : vector<16xf32> to vector<16xf32>
      tpu.vector_store %arg4[%parallel_loop3A_1211], %parallel_loop3A_1214 {strides = array<i32>} : memref<33024xf32, #tpu.memory_space<vmem>>, vector<16xf32>,
      %parallel_loop3A_1215 = arith.constant 16 : i32
      %parallel_loop3A_1216 = arith.addi %parallel_loop3A_991, %parallel_loop3A_1215 : i32
      %parallel_loop3A_1217 = arith.constant 11 : i32
      %parallel_loop3A_1218 = arith.addi %parallel_loop3A_1216, %parallel_loop3A_1217 : i32
      %parallel_loop3A_1219 = arith.constant 16 : i32
      %parallel_loop3A_1220 = arith.muli %parallel_loop3A_1218, %parallel_loop3A_1219 : i32
      %parallel_loop3A_1221 = arith.index_cast %parallel_loop3A_1220 : i32 to index
      %parallel_loop3A_1222 = tpu.vector_load %arg4[%parallel_loop3A_1221] {strides = array<i32>} : memref<33024xf32, #tpu.memory_space<vmem>>, vector<16xf32>,
      %parallel_loop3A_1223 = vector.shape_cast %parallel_loop3A_1222 : vector<16xf32> to vector<16xf32>
      %parallel_loop3A_1224 = arith.mulf %parallel_loop3A_1004, %div3A_826 : vector<16xf32>
      %parallel_loop3A_1225 = arith.constant 12 : i32
      %parallel_loop3A_1226 = arith.addi %parallel_loop3A_991, %parallel_loop3A_1225 : i32
      %parallel_loop3A_1227 = arith.constant 16 : i32
      %parallel_loop3A_1228 = arith.muli %parallel_loop3A_1226, %parallel_loop3A_1227 : i32
      %parallel_loop3A_1229 = arith.index_cast %parallel_loop3A_1228 : i32 to index
      %parallel_loop3A_1230 = tpu.vector_load %arg4[%parallel_loop3A_1229] {strides = array<i32>} : memref<33024xf32, #tpu.memory_space<vmem>>, vector<16xf32>,
      %parallel_loop3A_1231 = vector.shape_cast %parallel_loop3A_1230 : vector<16xf32> to vector<16xf32>
      %parallel_loop3A_1232 = vector.shape_cast %parallel_loop3A_1224 : vector<16xf32> to vector<16xf32>
      tpu.vector_store %arg4[%parallel_loop3A_1229], %parallel_loop3A_1232 {strides = array<i32>} : memref<33024xf32, #tpu.memory_space<vmem>>, vector<16xf32>,
      %parallel_loop3A_1233 = arith.constant 16 : i32
      %parallel_loop3A_1234 = arith.addi %parallel_loop3A_991, %parallel_loop3A_1233 : i32
      %parallel_loop3A_1235 = arith.constant 12 : i32
      %parallel_loop3A_1236 = arith.addi %parallel_loop3A_1234, %parallel_loop3A_1235 : i32
      %parallel_loop3A_1237 = arith.constant 16 : i32
      %parallel_loop3A_1238 = arith.muli %parallel_loop3A_1236, %parallel_loop3A_1237 : i32
      %parallel_loop3A_1239 = arith.index_cast %parallel_loop3A_1238 : i32 to index
      %parallel_loop3A_1240 = tpu.vector_load %arg4[%parallel_loop3A_1239] {strides = array<i32>} : memref<33024xf32, #tpu.memory_space<vmem>>, vector<16xf32>,
      %parallel_loop3A_1241 = vector.shape_cast %parallel_loop3A_1240 : vector<16xf32> to vector<16xf32>
      %parallel_loop3A_1242 = arith.mulf %parallel_loop3A_1005, %div3A_826 : vector<16xf32>
      %parallel_loop3A_1243 = arith.constant 13 : i32
      %parallel_loop3A_1244 = arith.addi %parallel_loop3A_991, %parallel_loop3A_1243 : i32
      %parallel_loop3A_1245 = arith.constant 16 : i32
      %parallel_loop3A_1246 = arith.muli %parallel_loop3A_1244, %parallel_loop3A_1245 : i32
      %parallel_loop3A_1247 = arith.index_cast %parallel_loop3A_1246 : i32 to index
      %parallel_loop3A_1248 = tpu.vector_load %arg4[%parallel_loop3A_1247] {strides = array<i32>} : memref<33024xf32, #tpu.memory_space<vmem>>, vector<16xf32>,
      %parallel_loop3A_1249 = vector.shape_cast %parallel_loop3A_1248 : vector<16xf32> to vector<16xf32>
      %parallel_loop3A_1250 = vector.shape_cast %parallel_loop3A_1242 : vector<16xf32> to vector<16xf32>
      tpu.vector_store %arg4[%parallel_loop3A_1247], %parallel_loop3A_1250 {strides = array<i32>} : memref<33024xf32, #tpu.memory_space<vmem>>, vector<16xf32>,
      %parallel_loop3A_1251 = arith.constant 16 : i32
      %parallel_loop3A_1252 = arith.addi %parallel_loop3A_991, %parallel_loop3A_1251 : i32
      %parallel_loop3A_1253 = arith.constant 13 : i32
      %parallel_loop3A_1254 = arith.addi %parallel_loop3A_1252, %parallel_loop3A_1253 : i32
      %parallel_loop3A_1255 = arith.constant 16 : i32
      %parallel_loop3A_1256 = arith.muli %parallel_loop3A_1254, %parallel_loop3A_1255 : i32
      %parallel_loop3A_1257 = arith.index_cast %parallel_loop3A_1256 : i32 to index
      %parallel_loop3A_1258 = tpu.vector_load %arg4[%parallel_loop3A_1257] {strides = array<i32>} : memref<33024xf32, #tpu.memory_space<vmem>>, vector<16xf32>,
      %parallel_loop3A_1259 = vector.shape_cast %parallel_loop3A_1258 : vector<16xf32> to vector<16xf32>
      %parallel_loop3A_1260 = arith.mulf %parallel_loop3A_1006, %div3A_826 : vector<16xf32>
      %parallel_loop3A_1261 = arith.constant 14 : i32
      %parallel_loop3A_1262 = arith.addi %parallel_loop3A_991, %parallel_loop3A_1261 : i32
      %parallel_loop3A_1263 = arith.constant 16 : i32
      %parallel_loop3A_1264 = arith.muli %parallel_loop3A_1262, %parallel_loop3A_1263 : i32
      %parallel_loop3A_1265 = arith.index_cast %parallel_loop3A_1264 : i32 to index
      %parallel_loop3A_1266 = tpu.vector_load %arg4[%parallel_loop3A_1265] {strides = array<i32>} : memref<33024xf32, #tpu.memory_space<vmem>>, vector<16xf32>,
      %parallel_loop3A_1267 = vector.shape_cast %parallel_loop3A_1266 : vector<16xf32> to vector<16xf32>
      %parallel_loop3A_1268 = vector.shape_cast %parallel_loop3A_1260 : vector<16xf32> to vector<16xf32>
      tpu.vector_store %arg4[%parallel_loop3A_1265], %parallel_loop3A_1268 {strides = array<i32>} : memref<33024xf32, #tpu.memory_space<vmem>>, vector<16xf32>,
      %parallel_loop3A_1269 = arith.constant 16 : i32
      %parallel_loop3A_1270 = arith.addi %parallel_loop3A_991, %parallel_loop3A_1269 : i32
      %parallel_loop3A_1271 = arith.constant 14 : i32
      %parallel_loop3A_1272 = arith.addi %parallel_loop3A_1270, %parallel_loop3A_1271 : i32
      %parallel_loop3A_1273 = arith.constant 16 : i32
      %parallel_loop3A_1274 = arith.muli %parallel_loop3A_1272, %parallel_loop3A_1273 : i32
      %parallel_loop3A_1275 = arith.index_cast %parallel_loop3A_1274 : i32 to index
      %parallel_loop3A_1276 = tpu.vector_load %arg4[%parallel_loop3A_1275] {strides = array<i32>} : memref<33024xf32, #tpu.memory_space<vmem>>, vector<16xf32>,
      %parallel_loop3A_1277 = vector.shape_cast %parallel_loop3A_1276 : vector<16xf32> to vector<16xf32>
      %parallel_loop3A_1278 = arith.mulf %parallel_loop3A_1007, %div3A_826 : vector<16xf32>
      %parallel_loop3A_1279 = arith.constant 15 : i32
      %parallel_loop3A_1280 = arith.addi %parallel_loop3A_991, %parallel_loop3A_1279 : i32
      %parallel_loop3A_1281 = arith.constant 16 : i32
      %parallel_loop3A_1282 = arith.muli %parallel_loop3A_1280, %parallel_loop3A_1281 : i32
      %parallel_loop3A_1283 = arith.index_cast %parallel_loop3A_1282 : i32 to index
      %parallel_loop3A_1284 = tpu.vector_load %arg4[%parallel_loop3A_1283] {strides = array<i32>} : memref<33024xf32, #tpu.memory_space<vmem>>, vector<16xf32>,
      %parallel_loop3A_1285 = vector.shape_cast %parallel_loop3A_1284 : vector<16xf32> to vector<16xf32>
      %parallel_loop3A_1286 = vector.shape_cast %parallel_loop3A_1278 : vector<16xf32> to vector<16xf32>
      tpu.vector_store %arg4[%parallel_loop3A_1283], %parallel_loop3A_1286 {strides = array<i32>} : memref<33024xf32, #tpu.memory_space<vmem>>, vector<16xf32>,
      %parallel_loop3A_1287 = arith.constant 16 : i32
      %parallel_loop3A_1288 = arith.addi %parallel_loop3A_991, %parallel_loop3A_1287 : i32
      %parallel_loop3A_1289 = arith.constant 15 : i32
      %parallel_loop3A_1290 = arith.addi %parallel_loop3A_1288, %parallel_loop3A_1289 : i32
      %parallel_loop3A_1291 = arith.constant 16 : i32
      %parallel_loop3A_1292 = arith.muli %parallel_loop3A_1290, %parallel_loop3A_1291 : i32
      %parallel_loop3A_1293 = arith.index_cast %parallel_loop3A_1292 : i32 to index
      %parallel_loop3A_1294 = tpu.vector_load %arg4[%parallel_loop3A_1293] {strides = array<i32>} : memref<33024xf32, #tpu.memory_space<vmem>>, vector<16xf32>,
      %parallel_loop3A_1295 = vector.shape_cast %parallel_loop3A_1294 : vector<16xf32> to vector<16xf32>
      scf.yield %parallel_loop3A_1025, %parallel_loop3A_1043, %parallel_loop3A_1061, %parallel_loop3A_1079, %parallel_loop3A_1097, %parallel_loop3A_1115, %parallel_loop3A_1133, %parallel_loop3A_1151, %parallel_loop3A_1169, %parallel_loop3A_1187, %parallel_loop3A_1205, %parallel_loop3A_1223, %parallel_loop3A_1241, %parallel_loop3A_1259, %parallel_loop3A_1277, %parallel_loop3A_1295 : vector<16xf32>, vector<16xf32>, vector<16xf32>, vector<16xf32>, vector<16xf32>, vector<16xf32>, vector<16xf32>, vector<16xf32>, vector<16xf32>, vector<16xf32>, vector<16xf32>, vector<16xf32>, vector<16xf32>, vector<16xf32>, vector<16xf32>, vector<16xf32>
    } {sc.loop_unroll_factor = 1 : i64, sc.parallel_access}
    %dma_start3A_941 = arith.constant 16384 : i32
    %dma_start3A_942 = tpu.memref_slice %arg4[%dma_start3A_941] : memref<33024xf32, #tpu.memory_space<vmem>> -> memref<16384xf32, #tpu.memory_space<vmem>>
    %dma_start3A_943 = arith.constant 16384 : i32
    %dma_start3A_944 = tpu.memref_slice %arg3[%add3A_16, %dma_start3A_943] : memref<128x32768xf32, #tpu.memory_space<hbm>> -> memref<1x16384xf32, #tpu.memory_space<hbm>>
    %dma_start3A_945 = tpu.memref_squeeze %dma_start3A_944 : memref<1x16384xf32, #tpu.memory_space<hbm>> -> memref<16384xf32, #tpu.memory_space<hbm>>
    %dma_start3A_946 = arith.constant 16384 : i32
    %dma_start3A_947 = tpu.memref_slice %arg3[%add3A_16, %dma_start3A_946] : memref<128x32768xf32, #tpu.memory_space<hbm>> -> memref<1x16384xf32, #tpu.memory_space<hbm>>
    %dma_start3A_948 = tpu.memref_squeeze %dma_start3A_947 : memref<1x16384xf32, #tpu.memory_space<hbm>> -> memref<16384xf32, #tpu.memory_space<hbm>>
    %dma_start3A_949 = arith.constant 16384 : i32
    %dma_start3A_950 = tpu.memref_slice %arg4[%dma_start3A_949] : memref<33024xf32, #tpu.memory_space<vmem>> -> memref<16384xf32, #tpu.memory_space<vmem>>
    tpu.enqueue_dma source(%dma_start3A_950 : memref<16384xf32, #tpu.memory_space<vmem>>) target(%dma_start3A_948 : memref<16384xf32, #tpu.memory_space<hbm>>) target_semaphore(%arg14 : memref<!tpu.dma_semaphore, #tpu.memory_space<semaphore_mem>>)
    %dma_wait3A_951 = arith.constant 0 : i32
    %dma_wait3A_952 = tpu.memref_slice %arg6[%dma_wait3A_951] : memref<33024xf32, #tpu.memory_space<vmem>> -> memref<32768xf32, #tpu.memory_space<vmem>>
    %dma_wait3A_953 = arith.constant 0 : i32
    %dma_wait3A_954 = tpu.memref_slice %arg3[%add3A_12, %dma_wait3A_953] : memref<128x32768xf32, #tpu.memory_space<hbm>> -> memref<1x32768xf32, #tpu.memory_space<hbm>>
    %dma_wait3A_955 = tpu.memref_squeeze %dma_wait3A_954 : memref<1x32768xf32, #tpu.memory_space<hbm>> -> memref<32768xf32, #tpu.memory_space<hbm>>
    %dma_wait3A_956 = arith.constant 0 : i32
    %dma_wait3A_957 = tpu.memref_slice %arg3[%add3A_12, %dma_wait3A_956] : memref<128x32768xf32, #tpu.memory_space<hbm>> -> memref<1x32768xf32, #tpu.memory_space<hbm>>
    %dma_wait3A_958 = tpu.memref_squeeze %dma_wait3A_957 : memref<1x32768xf32, #tpu.memory_space<hbm>> -> memref<32768xf32, #tpu.memory_space<hbm>>
    %dma_wait3A_959 = arith.constant 0 : i32
    %dma_wait3A_960 = tpu.memref_slice %arg6[%dma_wait3A_959] : memref<33024xf32, #tpu.memory_space<vmem>> -> memref<32768xf32, #tpu.memory_space<vmem>>
    tpu.wait_dma2 semaphore(%arg12 : memref<!tpu.dma_semaphore, #tpu.memory_space<semaphore_mem>>) src(%dma_wait3A_960 : memref<32768xf32, #tpu.memory_space<vmem>>) dst(%dma_wait3A_958 : memref<32768xf32, #tpu.memory_space<hbm>>)
    %dma_wait3A_961 = arith.constant 0 : i32
    %dma_wait3A_962 = tpu.memref_slice %arg5[%dma_wait3A_961] : memref<33024xf32, #tpu.memory_space<vmem>> -> memref<32768xf32, #tpu.memory_space<vmem>>
    %dma_wait3A_963 = arith.constant 0 : i32
    %dma_wait3A_964 = tpu.memref_slice %arg3[%add3A_8, %dma_wait3A_963] : memref<128x32768xf32, #tpu.memory_space<hbm>> -> memref<1x32768xf32, #tpu.memory_space<hbm>>
    %dma_wait3A_965 = tpu.memref_squeeze %dma_wait3A_964 : memref<1x32768xf32, #tpu.memory_space<hbm>> -> memref<32768xf32, #tpu.memory_space<hbm>>
    %dma_wait3A_966 = arith.constant 0 : i32
    %dma_wait3A_967 = tpu.memref_slice %arg3[%add3A_8, %dma_wait3A_966] : memref<128x32768xf32, #tpu.memory_space<hbm>> -> memref<1x32768xf32, #tpu.memory_space<hbm>>
    %dma_wait3A_968 = tpu.memref_squeeze %dma_wait3A_967 : memref<1x32768xf32, #tpu.memory_space<hbm>> -> memref<32768xf32, #tpu.memory_space<hbm>>
    %dma_wait3A_969 = arith.constant 0 : i32
    %dma_wait3A_970 = tpu.memref_slice %arg5[%dma_wait3A_969] : memref<33024xf32, #tpu.memory_space<vmem>> -> memref<32768xf32, #tpu.memory_space<vmem>>
    tpu.wait_dma2 semaphore(%arg11 : memref<!tpu.dma_semaphore, #tpu.memory_space<semaphore_mem>>) src(%dma_wait3A_970 : memref<32768xf32, #tpu.memory_space<vmem>>) dst(%dma_wait3A_968 : memref<32768xf32, #tpu.memory_space<hbm>>)
    %dma_wait3A_971 = arith.constant 0 : i32
    %dma_wait3A_972 = tpu.memref_slice %arg4[%dma_wait3A_971] : memref<33024xf32, #tpu.memory_space<vmem>> -> memref<16384xf32, #tpu.memory_space<vmem>>
    %dma_wait3A_973 = arith.constant 0 : i32
    %dma_wait3A_974 = tpu.memref_slice %arg3[%add3A_16, %dma_wait3A_973] : memref<128x32768xf32, #tpu.memory_space<hbm>> -> memref<1x16384xf32, #tpu.memory_space<hbm>>
    %dma_wait3A_975 = tpu.memref_squeeze %dma_wait3A_974 : memref<1x16384xf32, #tpu.memory_space<hbm>> -> memref<16384xf32, #tpu.memory_space<hbm>>
    %dma_wait3A_976 = arith.constant 0 : i32
    %dma_wait3A_977 = tpu.memref_slice %arg3[%add3A_16, %dma_wait3A_976] : memref<128x32768xf32, #tpu.memory_space<hbm>> -> memref<1x16384xf32, #tpu.memory_space<hbm>>
    %dma_wait3A_978 = tpu.memref_squeeze %dma_wait3A_977 : memref<1x16384xf32, #tpu.memory_space<hbm>> -> memref<16384xf32, #tpu.memory_space<hbm>>
    %dma_wait3A_979 = arith.constant 0 : i32
    %dma_wait3A_980 = tpu.memref_slice %arg4[%dma_wait3A_979] : memref<33024xf32, #tpu.memory_space<vmem>> -> memref<16384xf32, #tpu.memory_space<vmem>>
    tpu.wait_dma2 semaphore(%arg10 : memref<!tpu.dma_semaphore, #tpu.memory_space<semaphore_mem>>) src(%dma_wait3A_980 : memref<16384xf32, #tpu.memory_space<vmem>>) dst(%dma_wait3A_978 : memref<16384xf32, #tpu.memory_space<hbm>>)
    %dma_wait3A_981 = arith.constant 16384 : i32
    %dma_wait3A_982 = tpu.memref_slice %arg4[%dma_wait3A_981] : memref<33024xf32, #tpu.memory_space<vmem>> -> memref<16384xf32, #tpu.memory_space<vmem>>
    %dma_wait3A_983 = arith.constant 16384 : i32
    %dma_wait3A_984 = tpu.memref_slice %arg3[%add3A_16, %dma_wait3A_983] : memref<128x32768xf32, #tpu.memory_space<hbm>> -> memref<1x16384xf32, #tpu.memory_space<hbm>>
    %dma_wait3A_985 = tpu.memref_squeeze %dma_wait3A_984 : memref<1x16384xf32, #tpu.memory_space<hbm>> -> memref<16384xf32, #tpu.memory_space<hbm>>
    %dma_wait3A_986 = arith.constant 16384 : i32
    %dma_wait3A_987 = tpu.memref_slice %arg3[%add3A_16, %dma_wait3A_986] : memref<128x32768xf32, #tpu.memory_space<hbm>> -> memref<1x16384xf32, #tpu.memory_space<hbm>>
    %dma_wait3A_988 = tpu.memref_squeeze %dma_wait3A_987 : memref<1x16384xf32, #tpu.memory_space<hbm>> -> memref<16384xf32, #tpu.memory_space<hbm>>
    %dma_wait3A_989 = arith.constant 16384 : i32
    %dma_wait3A_990 = tpu.memref_slice %arg4[%dma_wait3A_989] : memref<33024xf32, #tpu.memory_space<vmem>> -> memref<16384xf32, #tpu.memory_space<vmem>>
    tpu.wait_dma2 semaphore(%arg14 : memref<!tpu.dma_semaphore, #tpu.memory_space<semaphore_mem>>) src(%dma_wait3A_990 : memref<16384xf32, #tpu.memory_space<vmem>>) dst(%dma_wait3A_988 : memref<16384xf32, #tpu.memory_space<hbm>>)
    return
  }
}

</mosaic_0001>

<sc_bundles>
// kernel: kernel.3.cloned.1.call-start
scs
__scs_entry_jumppad:
0x0: {  	(pc) =	sbr.rel $0x88, $3  }
0x1: {  	(tag) =	ssettag $0x0;
	lr =	simm.s32 $0x1  }
0x2: {  	[smem:$0x3FA0] =	sst lr;
	_ =	strace $0xD0000000  }
0x3: {  	_ = 	snop  }
0x4: {  	_ = 	snop  }
0x5: {  	_ = 	snop  }
0x6: {  	_ = 	snop  }
0x7: {  	_ = 	snop  }
__scs_overlays_trampoline_lowered:
0x8: {  	[smem:$0x3FAF] =	sst s0  }
0x9: {  	[smem:$0x3FB0] =	sst s1  }
0xa: {  	[smem:$0x3FB1] =	sst s2  }
0xb: {  	[smem:$0x3FB2] =	sst s3  }
0xc: {  	[smem:$0x3FB3] =	sst s4  }
0xd: {  	[smem:$0x3FB4] =	sst s5  }
0xe: {  	[smem:$0x3FB5] =	sst s6  }
0xf: {  	[smem:$0x3FB6] =	sst s7  }
0x10: {  	[smem:$0x3FB7] =	sst s8  }
0x11: {  	[smem:$0x3FB8] =	sst s9;
	s0 =	simm.s32 @!p0 $0x0  }
0x12: {  	s1 =	sld [smem:$0x3F9E];
	s0 =	simm.s32 @p0 $0x1  }
0x13: {  	[smem:$0x3FB9] =	sst s0;
	s0 =	simm.s32 @!p1 $0x0  }
0x14: {  	s2 =	sld [smem:$0x3F9D];
	s0 =	simm.s32 @p1 $0x1  }
0x15: {  	[smem:$0x3FBA] =	sst s0;
	s0 =	simm.s32 @!p2 $0x0  }
0x16: {  	s3 =	sld [smem:$0x3FDB];
	s0 =	simm.s32 @p2 $0x1  }
0x17: {  	s4 =	simm.s32 $0x1BF5;
	[smem:$0x3FBC] =	sst s0  }
0x18: {  	s0 =	sld [smem:$0x3F9F];
	_ =	swait.ge [sflag:s4], $0x0  }
0x19: {  	s7 =	sld [smem:$0x3FA0]  }
0x1a: {  	s8 =	sadd.s32 $0xFFFFE003, lr  }
0x1b: {  	s9 =	sadd.s32 $0xFFFFFEF7, lr;
	s5 =	simm.s32 $0xFFFFFFFF;
	p2 =	slt.u32 s8, $0xFFFFF086  }
0x1c: {  	p1 =	slt.u32 s9, $0xF7A;
	s5 =	simm.s32 @!p2 $0x0  }
0x1d: {  	s5 =	simm.s32 @p1 $0x1;
	p0 =	seq.s32 s7, s2  }
0x1e: {  	s7 =	smul.u32 @!p0 $0xF7A, s2;
	p2 =	seq.s32 @!p0 s5, $0x0  }
0x1f: {  	s9 =	smul.u32 $0xF7A, s1;
	s8 =	simm.s32 @!p0 $0x1BF5;
	p2 =	por !p2, p0  }
0x20: {  	[sflag:s8] =	ssyncset.s32 @!p0 $0xFFFFF086;
	s6 =	sadd.s32 @!p0 s3, s7;
	s7 =	simm.s32 @!p0 $0x108  }
0x21: {  	s3 =	sadd.s32 s3, s9;
	s6 =	sadd.s32 @!p0 $0x88, s6;
	s7 =	simm.s32 @p2 $0x1082  }
0x22: {  	[simem:s7], [sflag:s8] =	dma.local @!p0 [hbm:s6], $0xF7A  }
0x23: {  	s9 =	sor.u32 $0xD0000000, s2;
	s6 =	simm.s32 $0x108;
	_ =	swait.ge @!p0 [sflag:s8], $0x0  }
0x24: {  	s3 =	sadd.s32 $0x88, s3;
	s6 =	simm.s32 @!p1 $0x1082;
	[sflag:s4] =	ssyncset.s32 $0xFFFFF086  }
0x25: {  	[simem:s6], [sflag:s4] =	dma.local [hbm:s3], $0xF7A  }
0x26: {  	[smem:$0x3FA0] =	sst s1;
	(tag) =	ssettag s2;
	_ =	strace s9  }
0x27: {  	s1 =	sld [smem:$0x3FB0]  }
0x28: {  	s2 =	sld [smem:$0x3FB1]  }
0x29: {  	s4 =	sld [smem:$0x3FB3]  }
0x2a: {  	p0 =	seq.s32 s5, $0x0;
	s5 =	sld [smem:$0x3FB4]  }
0x2b: {  	s6 =	sld [smem:$0x3FB5]  }
0x2c: {  	s7 =	sld [smem:$0x3FB6]  }
0x2d: {  	s3 =	simm.s32 $0x108;
	s8 =	sld [smem:$0x3FB7]  }
0x2e: {  	s3 =	simm.s32 @!p0 $0x1082;
	s9 =	sld [smem:$0x3FB8]  }
0x2f: {  	lr =	sadd.s32 s0, s3;
	s0 =	sld [smem:$0x3FAF]  }
0x30: {  	s3 =	sld [smem:$0x3FB2]  }
0x31: {  	[smem:$0x3FBB] =	sst s10  }
0x32: {  	s10 =	sld [smem:$0x3FB9];
	_ =	sdelay $0x3  }
0x33: {  	p0 =	seq.s32 s10, $0x1;
	s10 =	sld [smem:$0x3FBB];
	_ =	sdelay $0x3  }
0x34: {  	[smem:$0x3FBB] =	sst s10  }
0x35: {  	s10 =	sld [smem:$0x3FBA];
	_ =	sdelay $0x3  }
0x36: {  	p1 =	seq.s32 s10, $0x1;
	s10 =	sld [smem:$0x3FBB];
	_ =	sdelay $0x3  }
0x37: {  	[smem:$0x3FBB] =	sst s10  }
0x38: {  	s10 =	sld [smem:$0x3FBC]  }
0x39: {  	_ = 	snop;
	(pc) =	sbr.ind lr, $3  }
0x3a: {  	_ = 	snop  }
0x3b: {  	_ = 	snop  }
0x3c: {  	p2 =	seq.s32 s10, $0x1;
	s10 =	sld [smem:$0x3FBB]  }
0x3d: {  	_ =	shalt  }
0x3e: {  	_ =	shalt  }
0x3f: {  	_ =	shalt  }
0x40: {  	_ =	shalt  }
0x41: {  	_ =	shalt  }
0x42: {  	_ =	shalt  }
0x43: {  	_ =	shalt  }
0x44: {  	_ =	shalt  }
0x45: {  	_ =	shalt  }
0x46: {  	_ =	shalt  }
0x47: {  	_ =	shalt  }
0x48: {  	_ =	shalt  }
0x49: {  	_ =	shalt  }
0x4a: {  	_ =	shalt  }
0x4b: {  	_ =	shalt  }
0x4c: {  	_ =	shalt  }
0x4d: {  	_ =	shalt  }
0x4e: {  	_ =	shalt  }
0x4f: {  	_ =	shalt  }
0x50: {  	_ =	shalt  }
0x51: {  	_ =	shalt  }
0x52: {  	_ =	shalt  }
0x53: {  	_ =	shalt  }
0x54: {  	_ =	shalt  }
0x55: {  	_ =	shalt  }
0x56: {  	_ =	shalt  }
0x57: {  	_ =	shalt  }
0x58: {  	_ =	shalt  }
0x59: {  	_ =	shalt  }
0x5a: {  	_ =	shalt  }
0x5b: {  	_ =	shalt  }
0x5c: {  	_ =	shalt  }
0x5d: {  	_ =	shalt  }
0x5e: {  	_ =	shalt  }
0x5f: {  	_ =	shalt  }
0x60: {  	_ =	shalt  }
0x61: {  	_ =	shalt  }
0x62: {  	_ =	shalt  }
0x63: {  	_ =	shalt  }
0x64: {  	_ =	shalt  }
0x65: {  	_ =	shalt  }
0x66: {  	_ =	shalt  }
0x67: {  	_ =	shalt  }
0x68: {  	_ =	shalt  }
0x69: {  	_ =	shalt  }
0x6a: {  	_ =	shalt  }
0x6b: {  	_ =	shalt  }
0x6c: {  	_ =	shalt  }
0x6d: {  	_ =	shalt  }
0x6e: {  	_ =	shalt  }
0x6f: {  	_ =	shalt  }
0x70: {  	_ =	shalt  }
0x71: {  	_ =	shalt  }
0x72: {  	_ =	shalt  }
0x73: {  	_ =	shalt  }
0x74: {  	_ =	shalt  }
0x75: {  	_ =	shalt  }
0x76: {  	_ =	shalt  }
0x77: {  	_ =	shalt  }
0x78: {  	_ =	shalt  }
0x79: {  	_ =	shalt  }
0x7a: {  	_ =	shalt  }
0x7b: {  	_ =	shalt  }
0x7c: {  	_ =	shalt  }
0x7d: {  	_ =	shalt  }
0x7e: {  	_ =	shalt  }
0x7f: {  	_ =	shalt  }
0x80: {  	_ =	shalt  }
0x81: {  	_ =	shalt  }
0x82: {  	_ =	shalt  }
0x83: {  	_ =	shalt  }
0x84: {  	_ =	shalt  }
0x85: {  	_ =	shalt  }
0x86: {  	_ =	shalt  }
0x87: {  	_ =	shalt  }
.Lfunc_end0:
.L_simem_size_0:
called_computation_lowered:
.L_overlay_start_0:
0x88: {  	s2 =	sld [smem:$0x3FD9]  }
0x89: {  	s3 =	sld [smem:$0x3FFE];
	_ =	sdelay $0x1  }
0x8a: {  	s1 =	srdreg.scid  }
0x8b: {  	s0 =	sand.u32 $0x1, s1  }
0x8c: {  	s18 =	sshll.u32 s0, $0xA;
	s2 =	sadd.s32 s3, s2  }
0x8d: {  	s2 =	sadd.s32 s2, s18  }
0x8e: {  	[smem:$0x3FC7] =	sst s2  }
0x8f: {  	_ = 	snop  }
0x90: {  	s2 =	sld [smem:$0x3FC9]  }
0x91: {  	s19 =	sld [smem:$0x3FD0];
	(tm) =	ssettm $0x1  }
0x92: {  	s4 =	sld [smem:$0x3FFB];
	_ =	sdelay $0x3  }
0x93: {  	_ =	strace s4  }
0x94: {  	s4 =	sld [smem:$0x3FFC];
	_ =	sdelay $0x3  }
0x95: {  	_ =	strace s4  }
0x96: {  	s4 =	sld [smem:$0x3FFD];
	_ =	sdelay $0x3  }
0x97: {  	_ =	strace s4  }
0x98: {  	_ =	strace $0x8FFFFFFF  }
0x99: {  	s20 =	sld [smem:$0x3FDB];
	_ =	sdelay $0x1  }
0x9a: {  	s5 =	simm.s32 $_scs_section_size  }
0x9b: {  	s6 =	simm.s32 $_size__tile_overlayer_lowered;
	s7 =	simm.s32 $_tile_overlayer_lowered  }
0x9c: {  	s23 =	simm.s32 $0x1BFF;
	s22 =	sshll.u32 s7, $0x1;
	s4 =	sadd.s32 s5, s20  }
0x9d: {  	s8 =	simm.s32 $0x0;
	s21 =	sshll.u32 s6, $0x1;
	s6 =	sadd.s32 s22, s4  }
0x9e: {  	[timem:s8], [sflag:s23] =	dma.local [hbm:s6], s21  }
0x9f: {  	_ =	swait.ge [sflag:s23], s21  }
0xa0: {  	s5 =	ssub.s32 $0x0, s21;
	[sflag:s23] =	ssyncset.done $0x0  }
0xa1: {  	[sflag:s23] =	ssyncadd.s32 s5;
	_ =	sdelay $0x1  }
0xa2: {  	s24 =	simm.s32 $0x1B8B  }
0xa3: {  	_ =	swait.ge [sflag:s24], $0x1  }
0xa4: {  	[sflag:s24] =	ssyncset.done $0x0  }
0xa5: {  	s25 =	simm.s32 $0x1B8E;
	[sflag:s24] =	ssyncadd.s32 $0xFFFFFFFF  }
0xa6: {  	s26 =	simm.s32 $execute0_lowered;
	[smem:$0x3FD2] =	sst s25  }
0xa7: {  	s5 =	sshll.u32 s26, $0x1;
	_ =	strace $0x80000046;
	[dreg:$0x1] =	wrdreg $0xFFFFFFFF  }
0xa8: {  	s28 =	simm.s32 $_size_execute0_lowered;
	s4 =	sadd.s32 s4, s5;
	[dreg:$0x0] =	wrdreg $0x0  }
0xa9: {  	s5 =	sshll.u32 s28, $0x1;
	[dreg:$0x2] =	wrdreg s4  }
0xaa: {  	[dreg:$0x3] =	wrdreg s5  }
0xab: {  	[dreg:$0x4] =	wrdreg $0xC0  }
0xac: {  	_ =	task [dreg:s8], $0x5FFFF  }
0xad: {  	[dreg:$0x1] =	wrdreg $0xFFFFFFFF  }
0xae: {  	[dreg:$0x0] =	wrdreg $0x60  }
0xaf: {  	[dreg:$0x2] =	wrdreg s2  }
0xb0: {  	[dreg:$0x3] =	wrdreg s19  }
0xb1: {  	[dreg:$0x4] =	wrdreg $0x9  }
0xb2: {  	_ =	task.clear_ibuf [dreg:s8], $0x5FFFF;
	_ =	strace $0x90000046  }
0xb3: {  	s29 =	simm.s32 $0x9;
	_ =	strace $0x80000048  }
0xb4: {  	_ =	swait.ge [sflag:s29], $0x1  }
0xb5: {  	[sflag:s29] =	ssyncadd.s32 $0xFFFFFFFF  }
0xb6: {  	_ =	strace $0x90000048  }
0xb7: {  	_ =	sfence  }
0xb8: {  	s30 =	sld [smem:$0x0];
	_ =	sdelay $0x2  }
0xb9: {  	s31 =	sshll.u32 s1, $0xD;
	s1 =	sshrl.u32 s1, $0x2  }
0xba: {  	s3 =	sand.u32 $0x4000, s31;
	s1 =	sadd.s32 s1, s30  }
0xbb: {  	s0 =	sor.u32 s3, s0;
	s1 =	sshll.u32 s1, $0x11  }
0xbc: {  	s0 =	sor.u32 s1, s0  }
0xbd: {  	s0 =	sadd.s32 $0x8F2B, s0  }
0xbe: {  	[sflag:s0] =	ssyncadd.remote.s32 $0x1  }
0xbf: {  	_ =	sfence.sel $0xFFFF  }
0xc0: {  	[dreg:$0x0] =	wrdreg $0xFFFFFFFF;
	(pc) =	sbr.abs _section_cstart, $3  }
0xc1: {  	[dreg:$0x1] =	wrdreg $0xFFFFFFFF  }
0xc2: {  	_ =	task.clear_ibuf [dreg:s8], $0x2FFFF;
	_ =	strace $0x9FFFFFFF  }
0xc3: {  	(tm) =	ssettm $0x7FFFFFFF  }
tec
execute0_lowered:
.L_overlay_start_1:
0x0: {  	(tag) =	ssettag $0x1  }
0x1: {  	s10 =	rddreg [dreg:$0x0]  }
0x2: {  	s11 =	rddreg [dreg:$0x1]  }
0x3: {  	s0 =	rddreg [dreg:$0x2];
	s3 =	srdreg.scid  }
0x4: {  	s2 =	simm.s32 $0x0;
	s1 =	stileid.u32;
	s15 =	simm.s32 $0x400  }
0x5: {  	s16 =	simm.s32 $0x4000;
	s17 =	simm.s32 $0x1;
	s18 =	simm.s32 $0x8100  }
0x6: {  	s19 =	simm.s32 $0x7;
	s20 =	simm.s32 $0x2;
	s21 =	simm.s32 $0x10200  }
0x7: {  	v0 =	vimm.s32 $0xEFCDAB89;
	v1 =	vimm.s32 $0x67452301;
	v2 =	vimm.s32 $0xDCFE98BA;
	s22 =	simm.s32 $0x3;
	s23 =	simm.s32 $0x4;
	s24 =	simm.s32 $0x6  }
0x8: {  	v3 =	vimm.s32 $0x54761032;
	v4 =	vimm.s32 $0xBA98FEDC;
	v5 =	vimm.s32 $0xFEDCBA98;
	s25 =	simm.s32 $0x5;
	s26 =	simm.s32 $0x8;
	s3 =	sand.u32 $0x1, s3  }
0x9: {  	v6 =	vimm.s32 $0x32107654;
	v7 =	vimm.s32 $0x76543210;
	s28 =	simm.s32 $0x0;
	s4 =	sshll.u32 s1, $0xF;
	v0 =	vunpack.c.l.s4.s8 v0;
	s5 =	sshll.u32 s3, $0x6  }
0xa: {  	[smem:$0x7FF] =	sst s2;
	v1 =	vunpack.c.l.s4.s8 v1;
	v2 =	vunpack.c.l.s4.s8 v2;
	v3 =	vunpack.c.l.s4.s8 v3;
	s6 =	ssub.s32 $0x2, s3;
	s7 =	sor.u32 s5, s4  }
0xb: {  	v5 =	vunpack.c.l.s4.s8 v5;
	v4 =	vunpack.c.l.s4.s8 v4;
	v6 =	vunpack.c.l.s4.s8 v6;
	_ =	strace $0x80000047;
	s31 =	sshrl.u32 s6, $0x1;
	s3 =	sadd.s32 s10, s7  }
0xc: {  	v7 =	vunpack.c.l.s4.s8 v7;
	v0 =	vunpack.c.0.s8.s32 v0;
	v1 =	vunpack.c.0.s8.s32 v1;
	s8 =	sor.u32 $0x10, s7;
	s13 =	ssub.s32 s6, s31;
	s6 =	sadd.s32 s11, s7  }
0xd: {  	v2 =	vunpack.c.0.s8.s32 v2;
	v3 =	vunpack.c.0.s8.s32 v3;
	v5 =	vunpack.c.0.s8.s32 v5;
	s12 =	sor.u32 $0x20, s7;
	s14 =	sor.u32 $0x30, s7;
	s4 =	sadd.s32 $0x4000, s3  }
0xe: {  	v4 =	vunpack.c.0.s8.s32 v4;
	v6 =	vunpack.c.0.s8.s32 v6;
	v7 =	vunpack.c.0.s8.s32 v7;
	s5 =	sadd.s32 s10, s8;
	s7 =	sadd.s32 s10, s12;
	s8 =	sadd.s32 s11, s8  }
0xf: {  	s9 =	sadd.s32 s11, s14;
	s10 =	sadd.s32 s10, s14;
	s11 =	sadd.s32 s11, s12;
	v0 =	vcombine.low v1, v0;
	v1 =	vcombine.low v3, v2;
	v5 =	vand.u32 $0xF, v5  }
0x10: {  	s13 =	smax.u32 s13, $0x1;
	s14 =	simm.s32 $0x80;
	v2 =	vcombine.low v6, v4;
	v3 =	vlaneseq.u32;
	s12 =	sadd.s32 $0x4000, s9;
	v4 =	vcombine.low v5, v7  }
.LBB2_1:
0x11: {  	[tilespmem:s2], [sflag:$0x1] =	stream.strided.gather [hbm4b:s3+s14], $0x4000, s15, s14, $0x38;
	[tilespmem:$0x18300] =	vst v63  }
0x12: {  	_ = 	snop  }
0x13: {  	[tilespmem:s16], [sflag:$0x7] =	stream.strided.gather [hbm4b:s4+s14], $0x4000, s15, s14, $0x38;
	[tilespmem:$0x18300] =	vst v63  }
0x14: {  	_ =	swait.ge [sflag:s17], $0x4000  }
0x15: {  	[sflag:s17] =	ssyncset.done $0x0  }
0x16: {  	[sflag:s17] =	ssyncadd.s32 $0xFFFFC000  }
0x17: {  	[tilespmem:s18], [sflag:$0x2] =	stream.strided.gather [hbm4b:s5+s14], $0x8000, s15, s14, $0x38;
	[tilespmem:$0x18300] =	vst v63  }
0x18: {  	v5 =	vld [tilespmem:$0x0]  }
0x19: {  	v6 =	vld [tilespmem:$0x10]  }
0x1a: {  	v7 =	vld [tilespmem:$0x20]  }
0x1b: {  	v8 =	vld [tilespmem:$0x30]  }
0x1c: {  	v9 =	vld [tilespmem:$0x40]  }
0x1d: {  	vm0 =	veq.s32 v3, $0x0;
	v10 =	vld [tilespmem:$0x50]  }
0x1e: {  	v12 =	vld [tilespmem:$0x60];
	v5 =	vsel vm0, $0xFF800000, v5  }
0x1f: {  	s29 =	simm.s32 $0xF0;
	v13 =	vld [tilespmem:$0xD0];
	v6 =	vmul.f32 $1.442695020e+00, v6;
	v11 =	vmul.f32 $1.442695020e+00, v5;
	[tilespmem:$0x0] =	vst v5  }
0x20: {  	v7 =	vmul.f32 $1.442695020e+00, v7;
	v8 =	vmul.f32 $1.442695020e+00, v8;
	v15 =	vld [tilespmem:s29+$0x0]  }
0x21: {  	v9 =	vmul.f32 $1.442695020e+00, v9;
	(erf) = vpow2.f32 v11;
	v11 =	vld [tilespmem:$0x70]  }
0x22: {  	v10 =	vmul.f32 $1.442695020e+00, v10;
	(erf) = vpow2.f32 v6;
	v6 =	vld [tilespmem:$0x80]  }
0x23: {  	v12 =	vmul.f32 $1.442695020e+00, v12;
	(erf) = vpow2.f32 v7;
	v7 =	vld [tilespmem:$0x90]  }
0x24: {  	v13 =	vmul.f32 $1.442695020e+00, v13;
	(erf) = vpow2.f32 v8;
	v8 =	vld [tilespmem:$0xA0]  }
0x25: {  	(erf) = vpow2.f32 v9;
	v9 =	vld [tilespmem:$0xB0];
	v27 =	vmul.f32 $1.442695020e+00, v15  }
0x26: {  	(erf) = vpow2.f32 v10;
	v10 =	vld [tilespmem:$0xC0];
	v11 =	vmul.f32 $1.442695020e+00, v11  }
0x27: {  	v6 =	vmul.f32 $1.442695020e+00, v6;
	(erf) = vpow2.f32 v12  }
0x28: {  	v12 =	vld [tilespmem:$0xE0];
	v7 =	vmul.f32 $1.442695020e+00, v7;
	(erf) = vpow2.f32 v11  }
0x29: {  	v15 =	vimm.f32 $0.0e+00;
	v8 =	vmul.f32 $1.442695020e+00, v8;
	(erf) = vpow2.f32 v6  }
0x2a: {  	v11 =	vimm.f32 $0.0e+00;
	v14 =	vpop (erf);
	v9 =	vmul.f32 $1.442695020e+00, v9;
	(erf) = vpow2.f32 v7  }
0x2b: {  	v16 =	vpop (erf);
	v10 =	vmul.f32 $1.442695020e+00, v10;
	v5 =	vadd.f32 v14, v11;
	(erf) = vpow2.f32 v8  }
0x2c: {  	[tilespmem:s29+$0xFFFFFF10] =	vst v14;
	v14 =	vimm.f32 $0.0e+00;
	v17 =	vpop (erf);
	v6 =	vadd.f32 v16, v11;
	(erf) = vpow2.f32 v9  }
0x2d: {  	v21 =	vld [tilespmem:s29+$0x10];
	v12 =	vmul.f32 $1.442695020e+00, v12;
	[tilespmem:s29+$0xFFFFFF20] =	vst v16;
	v16 =	vimm.f32 $0.0e+00;
	v18 =	vpop (erf);
	v7 =	vadd.f32 v17, v11  }
0x2e: {  	v22 =	vld [tilespmem:s29+$0x20];
	(erf) = vpow2.f32 v10;
	[tilespmem:s29+$0xFFFFFF30] =	vst v17;
	v17 =	vimm.f32 $0.0e+00;
	v8 =	vadd.f32 v18, v11  }
0x2f: {  	v23 =	vld [tilespmem:s29+$0x30];
	v19 =	vpop (erf);
	(erf) = vpow2.f32 v13;
	[tilespmem:s29+$0xFFFFFF40] =	vst v18;
	v13 =	vimm.f32 $0.0e+00;
	v18 =	vimm.f32 $0.0e+00  }
0x30: {  	v25 =	vld [tilespmem:s29+$0x40];
	v9 =	vadd.f32 v19, v11;
	v20 =	vpop (erf);
	(erf) = vpow2.f32 v12;
	v12 =	vimm.f32 $0.0e+00;
	[tilespmem:s29+$0xFFFFFF50] =	vst v19  }
0x31: {  	s30 =	simm.s32 $0x0;
	v26 =	vld [tilespmem:s29+$0x50];
	v19 =	vimm.f32 $0.0e+00;
	v10 =	vadd.f32 v20, v11;
	[tilespmem:s29+$0xFFFFFF60] =	vst v20;
	v24 =	vpop (erf);
	v20 =	vimm.f32 $0.0e+00  }
.LBB2_2:
0x32: {  	v21 =	vmul.f32 $1.442695020e+00, v21;
	v28 =	vld [tilespmem:s29+$0x60];
	[tilespmem:s29+$0xFFFFFF70] =	vst v24;
	v11 =	vadd.f32 v24, v11;
	v24 =	vpop (erf)  }
0x33: {  	v22 =	vmul.f32 $1.442695020e+00, v22;
	v29 =	vld [tilespmem:s29+$0x70];
	[tilespmem:s29+$0xFFFFFF80] =	vst v24;
	v12 =	vadd.f32 v24, v12;
	v24 =	vpop (erf);
	(erf) = vpow2.f32 v27  }
0x34: {  	v23 =	vmul.f32 $1.442695020e+00, v23;
	(erf) = vpow2.f32 v21;
	v21 =	vld [tilespmem:s29+$0x80];
	[tilespmem:s29+$0xFFFFFF90] =	vst v24;
	v13 =	vadd.f32 v24, v13;
	v24 =	vpop (erf)  }
0x35: {  	v25 =	vmul.f32 $1.442695020e+00, v25;
	(erf) = vpow2.f32 v22;
	v22 =	vld [tilespmem:s29+$0x90];
	[tilespmem:s29+$0xFFFFFFA0] =	vst v24;
	v14 =	vadd.f32 v24, v14;
	v24 =	vpop (erf)  }
0x36: {  	v26 =	vmul.f32 $1.442695020e+00, v26;
	(erf) = vpow2.f32 v23;
	v23 =	vld [tilespmem:s29+$0xA0];
	[tilespmem:s29+$0xFFFFFFB0] =	vst v24;
	v15 =	vadd.f32 v24, v15;
	v24 =	vpop (erf)  }
0x37: {  	v27 =	vmul.f32 $1.442695020e+00, v28;
	(erf) = vpow2.f32 v25;
	v25 =	vld [tilespmem:s29+$0xB0];
	[tilespmem:s29+$0xFFFFFFC0] =	vst v24;
	v16 =	vadd.f32 v24, v16;
	v24 =	vpop (erf)  }
0x38: {  	v28 =	vmul.f32 $1.442695020e+00, v29;
	(erf) = vpow2.f32 v26;
	v26 =	vld [tilespmem:s29+$0xC0];
	[tilespmem:s29+$0xFFFFFFD0] =	vst v24;
	v17 =	vadd.f32 v24, v17;
	v24 =	vpop (erf)  }
0x39: {  	v21 =	vmul.f32 $1.442695020e+00, v21;
	(erf) = vpow2.f32 v27;
	v27 =	vld [tilespmem:s29+$0xD0];
	[tilespmem:s29+$0xFFFFFFE0] =	vst v24;
	v18 =	vadd.f32 v24, v18;
	v24 =	vpop (erf)  }
0x3a: {  	v29 =	vmul.f32 $1.442695020e+00, v22;
	(erf) = vpow2.f32 v28;
	v28 =	vld [tilespmem:s29+$0xE0];
	[tilespmem:s29+$0xFFFFFFF0] =	vst v24;
	v19 =	vadd.f32 v24, v19  }
0x3b: {  	v23 =	vmul.f32 $1.442695020e+00, v23;
	(erf) = vpow2.f32 v21;
	v24 =	vld [tilespmem:s29+$0xF0]  }
0x3c: {  	v21 =	vmul.f32 $1.442695020e+00, v25;
	(erf) = vpow2.f32 v29;
	v22 =	vpop (erf)  }
0x3d: {  	s30 =	sadd.s32 $0x10, s30;
	v30 =	vmul.f32 $1.442695020e+00, v26;
	v26 =	vpop (erf);
	(erf) = vpow2.f32 v23;
	[tilespmem:s29+$0x0] =	vst v22;
	v20 =	vadd.f32 v22, v20;
	s29 =	sadd.s32 $0x100, s29  }
0x3e: {  	p0 =	slt.u32 s30, $0x3F0;
	v29 =	vld [tilespmem:s29+$0x0];
	v23 =	vmul.f32 $1.442695020e+00, v27;
	[tilespmem:s29+$0xFFFFFF10] =	vst v26;
	v5 =	vadd.f32 v26, v5;
	v22 =	vpop (erf);
	(erf) = vpow2.f32 v21  }
.Ltmp0:
0x3f: {  	v26 =	vmul.f32 $1.442695020e+00, v28;
	v21 =	vld [tilespmem:s29+$0x10];
	[tilespmem:s29+$0xFFFFFF20] =	vst v22;
	v6 =	vadd.f32 v22, v6;
	v27 =	vpop (erf);
	(erf) = vpow2.f32 v30;
	(pc) =	sbr.rel @p0 .LBB2_2-.Ltmp0, $4  }
0x40: {  	v30 =	vmul.f32 $1.442695020e+00, v24;
	v22 =	vld [tilespmem:s29+$0x20];
	[tilespmem:s29+$0xFFFFFF30] =	vst v27;
	v7 =	vadd.f32 v27, v7;
	v25 =	vpop (erf);
	(erf) = vpow2.f32 v23  }
0x41: {  	v23 =	vld [tilespmem:s29+$0x30];
	[tilespmem:s29+$0xFFFFFF40] =	vst v25;
	v8 =	vadd.f32 v25, v8;
	v27 =	vpop (erf);
	(erf) = vpow2.f32 v26  }
0x42: {  	v25 =	vld [tilespmem:s29+$0x40];
	[tilespmem:s29+$0xFFFFFF50] =	vst v27;
	v9 =	vadd.f32 v27, v9;
	v28 =	vpop (erf);
	(erf) = vpow2.f32 v30  }
0x43: {  	v27 =	vmul.f32 $1.442695020e+00, v29;
	v26 =	vld [tilespmem:s29+$0x50];
	[tilespmem:s29+$0xFFFFFF60] =	vst v28;
	v10 =	vadd.f32 v28, v10;
	v24 =	vpop (erf)  }
0x44: {  	_ = 	snop  }
0x45: {  	(erf) = vpow2.f32 v27  }
0x46: {  	[tilespmem:s29+$0xFFFFFF70] =	vst v24;
	v21 =	vpop (erf)  }
0x47: {  	[tilespmem:s29+$0xFFFFFF80] =	vst v21;
	v22 =	vpop (erf)  }
0x48: {  	[tilespmem:s29+$0xFFFFFF90] =	vst v22;
	v23 =	vpop (erf)  }
0x49: {  	[tilespmem:s29+$0xFFFFFFA0] =	vst v23;
	v25 =	vpop (erf)  }
0x4a: {  	[tilespmem:s29+$0xFFFFFFB0] =	vst v25;
	v26 =	vpop (erf)  }
0x4b: {  	[tilespmem:s29+$0xFFFFFFC0] =	vst v26;
	v27 =	vpop (erf)  }
0x4c: {  	[tilespmem:s29+$0xFFFFFFD0] =	vst v27;
	v28 =	vpop (erf)  }
0x4d: {  	[tilespmem:s29+$0xFFFFFFE0] =	vst v28;
	v29 =	vpop (erf)  }
0x4e: {  	[tilespmem:s29+$0xFFFFFFF0] =	vst v29;
	v30 =	vpop (erf)  }
0x4f: {  	[tilespmem:s29+$0x0] =	vst v30  }
0x50: {  	_ =	swait.ge [sflag:s19], $0x4000  }
0x51: {  	[sflag:s19] =	ssyncset.done $0x0  }
0x52: {  	[sflag:s19] =	ssyncadd.s32 $0xFFFFC000  }
0x53: {  	v31 =	vld [tilespmem:$0x4000]  }
0x54: {  	v32 =	vld [tilespmem:$0x4010]  }
0x55: {  	v33 =	vld [tilespmem:$0x4020]  }
0x56: {  	v34 =	vld [tilespmem:$0x4030]  }
0x57: {  	v35 =	vld [tilespmem:$0x4040]  }
0x58: {  	v36 =	vld [tilespmem:$0x4050]  }
0x59: {  	v11 =	vadd.f32 v24, v11;
	v37 =	vld [tilespmem:$0x4060]  }
0x5a: {  	v12 =	vadd.f32 v21, v12;
	v24 =	vld [tilespmem:$0x4080];
	v31 =	vmul.f32 $1.442695020e+00, v31;
	v32 =	vmul.f32 $1.442695020e+00, v32  }
0x5b: {  	v13 =	vadd.f32 v22, v13;
	v21 =	vld [tilespmem:$0x4090];
	v33 =	vmul.f32 $1.442695020e+00, v33;
	v34 =	vmul.f32 $1.442695020e+00, v34  }
0x5c: {  	v14 =	vadd.f32 v23, v14;
	v61 =	vmul.f32 $1.442695020e+00, v35;
	(erf) = vpow2.f32 v31;
	v31 =	vld [tilespmem:$0x4070]  }
0x5d: {  	v15 =	vadd.f32 v25, v15;
	v23 =	vld [tilespmem:$0x40B0];
	v62 =	vmul.f32 $1.442695020e+00, v36;
	(erf) = vpow2.f32 v32  }
0x5e: {  	v16 =	vadd.f32 v26, v16;
	v22 =	vld [tilespmem:$0x40A0];
	v25 =	vmul.f32 $1.442695020e+00, v37;
	(erf) = vpow2.f32 v33  }
0x5f: {  	v18 =	vadd.f32 v28, v18;
	v26 =	vld [tilespmem:$0x40C0];
	v24 =	vmul.f32 $1.442695020e+00, v24;
	(erf) = vpow2.f32 v34  }
0x60: {  	v19 =	vadd.f32 v29, v19;
	v28 =	vld [tilespmem:$0x40D0];
	v29 =	vmul.f32 $1.442695020e+00, v21;
	(erf) = vpow2.f32 v61  }
0x61: {  	v17 =	vadd.f32 v27, v17;
	(erf) = vpow2.f32 v62;
	v27 =	vmul.f32 $1.442695020e+00, v31  }
0x62: {  	v21 =	vadd.f32 v30, v20;
	v30 =	vmul.f32 $1.442695020e+00, v23;
	(erf) = vpow2.f32 v25  }
0x63: {  	v25 =	vld [tilespmem:$0x40E0];
	(erf) = vpow2.f32 v27;
	v27 =	vmul.f32 $1.442695020e+00, v22  }
0x64: {  	v20 =	vimm.f32 $0.0e+00;
	v26 =	vmul.f32 $1.442695020e+00, v26;
	(erf) = vpow2.f32 v24  }
0x65: {  	s29 =	simm.s32 $0x40F0;
	v28 =	vmul.f32 $1.442695020e+00, v28;
	v36 =	vimm.f32 $0.0e+00;
	v24 =	vpop (erf);
	(erf) = vpow2.f32 v29  }
0x66: {  	v33 =	vimm.f32 $0.0e+00;
	v34 =	vimm.f32 $0.0e+00;
	v29 =	vld [tilespmem:s29+$0x0];
	v31 =	vpop (erf);
	(erf) = vpow2.f32 v27  }
0x67: {  	v22 =	vadd.f32 v24, v20;
	[tilespmem:s29+$0xFFFFFF10] =	vst v24;
	v27 =	vpop (erf);
	v23 =	vadd.f32 v31, v20;
	(erf) = vpow2.f32 v30  }
0x68: {  	v39 =	vld [tilespmem:s29+$0x10];
	v24 =	vmul.f32 $1.442695020e+00, v25;
	[tilespmem:s29+$0xFFFFFF20] =	vst v31;
	v31 =	vimm.f32 $0.0e+00;
	v63 =	vpop (erf);
	v25 =	vadd.f32 v27, v20  }
0x69: {  	v40 =	vld [tilespmem:s29+$0x20];
	(erf) = vpow2.f32 v26;
	[tilespmem:s29+$0xFFFFFF30] =	vst v27;
	v27 =	vimm.f32 $0.0e+00;
	v26 =	vpop (erf);
	v30 =	vadd.f32 v63, v20  }
0x6a: {  	v41 =	vld [tilespmem:s29+$0x30];
	(erf) = vpow2.f32 v28;
	[tilespmem:s29+$0xFFFFFF40] =	vst v63;
	v28 =	vimm.f32 $0.0e+00;
	v32 =	vadd.f32 v26, v20  }
0x6b: {  	v42 =	vld [tilespmem:s29+$0x40];
	v38 =	vpop (erf);
	(erf) = vpow2.f32 v24;
	v37 =	vmul.f32 $1.442695020e+00, v29;
	[tilespmem:s29+$0xFFFFFF50] =	vst v26;
	v26 =	vimm.f32 $0.0e+00  }
0x6c: {  	s30 =	simm.s32 $0x400;
	v43 =	vld [tilespmem:s29+$0x50];
	v29 =	vimm.f32 $0.0e+00;
	v24 =	vimm.f32 $0.0e+00;
	v35 =	vadd.f32 v38, v20;
	[tilespmem:s29+$0xFFFFFF60] =	vst v38;
	v38 =	vpop (erf)  }
.LBB2_4:
0x6d: {  	v39 =	vmul.f32 $1.442695020e+00, v39;
	v44 =	vld [tilespmem:s29+$0x60];
	[tilespmem:s29+$0xFFFFFF70] =	vst v38;
	v20 =	vadd.f32 v38, v20;
	v38 =	vpop (erf)  }
0x6e: {  	v40 =	vmul.f32 $1.442695020e+00, v40;
	v45 =	vld [tilespmem:s29+$0x70];
	[tilespmem:s29+$0xFFFFFF80] =	vst v38;
	v36 =	vadd.f32 v38, v36;
	v38 =	vpop (erf);
	(erf) = vpow2.f32 v37  }
0x6f: {  	v37 =	vmul.f32 $1.442695020e+00, v41;
	(erf) = vpow2.f32 v39;
	v39 =	vld [tilespmem:s29+$0x80];
	[tilespmem:s29+$0xFFFFFF90] =	vst v38;
	v34 =	vadd.f32 v38, v34;
	v38 =	vpop (erf)  }
0x70: {  	v41 =	vmul.f32 $1.442695020e+00, v42;
	(erf) = vpow2.f32 v40;
	v40 =	vld [tilespmem:s29+$0x90];
	[tilespmem:s29+$0xFFFFFFA0] =	vst v38;
	v33 =	vadd.f32 v38, v33;
	v38 =	vpop (erf)  }
0x71: {  	v42 =	vmul.f32 $1.442695020e+00, v43;
	(erf) = vpow2.f32 v37;
	v37 =	vld [tilespmem:s29+$0xA0];
	[tilespmem:s29+$0xFFFFFFB0] =	vst v38;
	v31 =	vadd.f32 v38, v31;
	v38 =	vpop (erf)  }
0x72: {  	v43 =	vmul.f32 $1.442695020e+00, v44;
	(erf) = vpow2.f32 v41;
	v41 =	vld [tilespmem:s29+$0xB0];
	[tilespmem:s29+$0xFFFFFFC0] =	vst v38;
	v28 =	vadd.f32 v38, v28;
	v38 =	vpop (erf)  }
0x73: {  	v44 =	vmul.f32 $1.442695020e+00, v45;
	(erf) = vpow2.f32 v42;
	v42 =	vld [tilespmem:s29+$0xC0];
	[tilespmem:s29+$0xFFFFFFD0] =	vst v38;
	v26 =	vadd.f32 v38, v26;
	v38 =	vpop (erf)  }
0x74: {  	v39 =	vmul.f32 $1.442695020e+00, v39;
	(erf) = vpow2.f32 v43;
	v43 =	vld [tilespmem:s29+$0xD0];
	[tilespmem:s29+$0xFFFFFFE0] =	vst v38;
	v29 =	vadd.f32 v38, v29;
	v38 =	vpop (erf)  }
0x75: {  	v45 =	vmul.f32 $1.442695020e+00, v40;
	(erf) = vpow2.f32 v44;
	v44 =	vld [tilespmem:s29+$0xE0];
	[tilespmem:s29+$0xFFFFFFF0] =	vst v38;
	v27 =	vadd.f32 v38, v27  }
0x76: {  	v37 =	vmul.f32 $1.442695020e+00, v37;
	(erf) = vpow2.f32 v39;
	v38 =	vld [tilespmem:s29+$0xF0]  }
0x77: {  	v39 =	vmul.f32 $1.442695020e+00, v41;
	(erf) = vpow2.f32 v45;
	v40 =	vpop (erf)  }
0x78: {  	s30 =	sadd.s32 $0x10, s30;
	v41 =	vmul.f32 $1.442695020e+00, v42;
	v42 =	vpop (erf);
	(erf) = vpow2.f32 v37;
	[tilespmem:s29+$0x0] =	vst v40;
	v24 =	vadd.f32 v40, v24;
	s29 =	sadd.s32 $0x100, s29  }
0x79: {  	p0 =	slt.u32 s30, $0x7F0;
	v37 =	vld [tilespmem:s29+$0x0];
	v45 =	vmul.f32 $1.442695020e+00, v43;
	[tilespmem:s29+$0xFFFFFF10] =	vst v42;
	v22 =	vadd.f32 v42, v22;
	v40 =	vpop (erf);
	(erf) = vpow2.f32 v39  }
.Ltmp1:
0x7a: {  	v42 =	vmul.f32 $1.442695020e+00, v44;
	v39 =	vld [tilespmem:s29+$0x10];
	[tilespmem:s29+$0xFFFFFF20] =	vst v40;
	v23 =	vadd.f32 v40, v23;
	v44 =	vpop (erf);
	(erf) = vpow2.f32 v41;
	(pc) =	sbr.rel @p0 .LBB2_4-.Ltmp1, $4  }
0x7b: {  	v46 =	vmul.f32 $1.442695020e+00, v38;
	v40 =	vld [tilespmem:s29+$0x20];
	[tilespmem:s29+$0xFFFFFF30] =	vst v44;
	v25 =	vadd.f32 v44, v25;
	v44 =	vpop (erf);
	(erf) = vpow2.f32 v45  }
0x7c: {  	v41 =	vld [tilespmem:s29+$0x30];
	[tilespmem:s29+$0xFFFFFF40] =	vst v44;
	v30 =	vadd.f32 v44, v30;
	v43 =	vpop (erf);
	(erf) = vpow2.f32 v42  }
0x7d: {  	v42 =	vld [tilespmem:s29+$0x40];
	[tilespmem:s29+$0xFFFFFF50] =	vst v43;
	v32 =	vadd.f32 v43, v32;
	v44 =	vpop (erf);
	(erf) = vpow2.f32 v46  }
0x7e: {  	v37 =	vmul.f32 $1.442695020e+00, v37;
	v43 =	vld [tilespmem:s29+$0x50];
	[tilespmem:s29+$0xFFFFFF60] =	vst v44;
	v35 =	vadd.f32 v44, v35;
	v38 =	vpop (erf)  }
0x7f: {  	v5 =	vadd.f32 v6, v5;
	_ =	sdelay $0x1  }
0x80: {  	v5 =	vadd.f32 v7, v5;
	_ =	sdelay $0x1  }
0x81: {  	v5 =	vadd.f32 v8, v5;
	_ =	sdelay $0x1  }
0x82: {  	v5 =	vadd.f32 v9, v5;
	_ =	sdelay $0x1  }
0x83: {  	v5 =	vadd.f32 v10, v5;
	_ =	sdelay $0x1  }
0x84: {  	v5 =	vadd.f32 v11, v5;
	_ =	sdelay $0x1  }
0x85: {  	v5 =	vadd.f32 v12, v5;
	_ =	sdelay $0x1  }
0x86: {  	v5 =	vadd.f32 v13, v5;
	_ =	sdelay $0x1  }
0x87: {  	v5 =	vadd.f32 v14, v5;
	_ =	sdelay $0x1  }
0x88: {  	v5 =	vadd.f32 v15, v5;
	_ =	sdelay $0x1  }
0x89: {  	v5 =	vadd.f32 v16, v5;
	_ =	sdelay $0x1  }
0x8a: {  	v5 =	vadd.f32 v17, v5;
	_ =	sdelay $0x1  }
0x8b: {  	v5 =	vadd.f32 v18, v5;
	_ =	sdelay $0x1  }
0x8c: {  	v5 =	vadd.f32 v19, v5;
	_ =	sdelay $0x1  }
0x8d: {  	v5 =	vadd.f32 v21, v5;
	_ =	sdelay $0x1  }
0x8e: {  	v5 =	vadd.f32 v22, v5;
	_ =	sdelay $0x1  }
0x8f: {  	v5 =	vadd.f32 v23, v5;
	_ =	sdelay $0x1  }
0x90: {  	v5 =	vadd.f32 v25, v5;
	_ =	sdelay $0x1  }
0x91: {  	v5 =	vadd.f32 v30, v5;
	_ =	sdelay $0x1  }
0x92: {  	v6 =	vadd.f32 v38, v20;
	v5 =	vadd.f32 v32, v5  }
0x93: {  	v7 =	vpop (erf)  }
0x94: {  	v8 =	vadd.f32 v7, v36;
	v5 =	vadd.f32 v35, v5;
	_ =	sdelay $0x1  }
0x95: {  	v5 =	vadd.f32 v6, v5;
	v6 =	vpop (erf)  }
0x96: {  	v9 =	vadd.f32 v6, v34  }
0x97: {  	v5 =	vadd.f32 v8, v5;
	v8 =	vpop (erf)  }
0x98: {  	v10 =	vadd.f32 v8, v33;
	_ =	sdelay $0x1  }
0x99: {  	v5 =	vadd.f32 v9, v5;
	v9 =	vpop (erf)  }
0x9a: {  	v11 =	vadd.f32 v9, v31  }
0x9b: {  	v5 =	vadd.f32 v10, v5;
	v10 =	vpop (erf)  }
0x9c: {  	(erf) = vpow2.f32 v37;
	v12 =	vadd.f32 v10, v28;
	_ =	sdelay $0x1  }
0x9d: {  	v5 =	vadd.f32 v11, v5;
	v11 =	vpop (erf)  }
0x9e: {  	v13 =	vadd.f32 v11, v26  }
0x9f: {  	v5 =	vadd.f32 v12, v5;
	v12 =	vpop (erf)  }
0xa0: {  	v14 =	vadd.f32 v12, v29  }
0xa1: {  	v5 =	vadd.f32 v13, v5  }
0xa2: {  	v13 =	vpop (erf)  }
0xa3: {  	v5 =	vadd.f32 v14, v5;
	v15 =	vadd.f32 v13, v27  }
0xa4: {  	v14 =	vpop (erf)  }
0xa5: {  	v16 =	vadd.f32 v14, v24;
	v5 =	vadd.f32 v15, v5;
	_ =	sdelay $0x1  }
0xa6: {  	v5 =	vadd.f32 v16, v5;
	_ =	sdelay $0x1  }
0xa7: {  	v15 =	vperm.xlane v5, v0;
	_ =	sdelay $0x1  }
0xa8: {  	v5 =	vadd.f32 v15, v5  }
0xa9: {  	[tilespmem:s29+$0xFFFFFF70] =	vst v38  }
0xaa: {  	[tilespmem:s29+$0xFFFFFF80] =	vst v7;
	v7 =	vperm.xlane v5, v1  }
0xab: {  	[tilespmem:s29+$0xFFFFFF90] =	vst v6  }
0xac: {  	[tilespmem:s29+$0xFFFFFFA0] =	vst v8;
	v5 =	vadd.f32 v7, v5  }
0xad: {  	[tilespmem:s29+$0xFFFFFFB0] =	vst v9  }
0xae: {  	[tilespmem:s29+$0xFFFFFFC0] =	vst v10;
	v6 =	vperm.xlane v5, v2  }
0xaf: {  	[tilespmem:s29+$0xFFFFFFD0] =	vst v11  }
0xb0: {  	[tilespmem:s29+$0xFFFFFFE0] =	vst v12;
	v5 =	vadd.f32 v6, v5  }
0xb1: {  	[tilespmem:s29+$0xFFFFFFF0] =	vst v13  }
0xb2: {  	[tilespmem:s29+$0x0] =	vst v14;
	v6 =	vperm.xlane v5, v4  }
0xb3: {  	v8 =	vld [tilespmem:$0x20]  }
0xb4: {  	v9 =	vld [tilespmem:$0x30];
	v5 =	vadd.f32 v6, v5  }
0xb5: {  	v10 =	vld [tilespmem:$0x40]  }
0xb6: {  	v11 =	vld [tilespmem:$0x50];
	(erf) = vrcp.f32 v5  }
0xb7: {  	v12 =	vld [tilespmem:$0x60]  }
0xb8: {  	v13 =	vld [tilespmem:$0x70]  }
0xb9: {  	v14 =	vld [tilespmem:$0x80]  }
0xba: {  	v7 =	vld [tilespmem:$0x0]  }
0xbb: {  	v6 =	vld [tilespmem:$0x10]  }
0xbc: {  	v17 =	vld [tilespmem:$0xA0]  }
0xbd: {  	v18 =	vld [tilespmem:$0xB0]  }
0xbe: {  	v19 =	vld [tilespmem:$0xC0]  }
0xbf: {  	v16 =	vld [tilespmem:$0x90];
	v5 =	vpop (erf)  }
0xc0: {  	s29 =	simm.s32 $0xF0;
	v20 =	vld [tilespmem:$0xD0];
	v7 =	vmul.f32 v7, v5;
	v21 =	vmul.f32 v6, v5  }
0xc1: {  	v63 =	vld [tilespmem:s29+$0x0];
	v23 =	vmul.f32 v8, v5;
	v60 =	vmul.f32 v9, v5  }
0xc2: {  	v22 =	vld [tilespmem:$0xE0];
	v61 =	vmul.f32 v10, v5;
	v62 =	vmul.f32 v11, v5;
	[tilespmem:s29+$0xFFFFFF10] =	vst v7  }
0xc3: {  	v15 =	vld [tilespmem:s29+$0x10];
	v9 =	vmul.f32 v12, v5;
	v6 =	vmul.f32 v13, v5;
	[tilespmem:s29+$0xFFFFFF20] =	vst v21  }
0xc4: {  	v8 =	vmul.f32 v16, v5;
	v16 =	vld [tilespmem:s29+$0x20];
	v10 =	vmul.f32 v17, v5;
	[tilespmem:s29+$0xFFFFFF30] =	vst v23  }
0xc5: {  	v11 =	vmul.f32 v18, v5;
	v17 =	vld [tilespmem:s29+$0x30];
	v12 =	vmul.f32 v19, v5;
	[tilespmem:s29+$0xFFFFFF40] =	vst v60  }
0xc6: {  	v13 =	vmul.f32 v20, v5;
	v18 =	vld [tilespmem:s29+$0x40];
	v20 =	vmul.f32 v63, v5;
	[tilespmem:s29+$0xFFFFFF50] =	vst v61  }
0xc7: {  	s30 =	simm.s32 $0x0;
	v19 =	vld [tilespmem:s29+$0x50];
	v7 =	vmul.f32 v14, v5;
	v14 =	vmul.f32 v22, v5;
	[tilespmem:s29+$0xFFFFFF60] =	vst v62  }
.LBB2_6:
0xc8: {  	v15 =	vmul.f32 v15, v5;
	v21 =	vld [tilespmem:s29+$0x60];
	[tilespmem:s29+$0xFFFFFF70] =	vst v9  }
0xc9: {  	v16 =	vmul.f32 v16, v5;
	v9 =	vld [tilespmem:s29+$0x70];
	[tilespmem:s29+$0x0] =	vst v20  }
0xca: {  	v17 =	vmul.f32 v17, v5;
	[tilespmem:s29+$0xFFFFFF80] =	vst v6;
	v6 =	vld [tilespmem:s29+$0x80]  }
0xcb: {  	v18 =	vmul.f32 v18, v5;
	[tilespmem:s29+$0xFFFFFF90] =	vst v7;
	v7 =	vld [tilespmem:s29+$0x90]  }
0xcc: {  	v19 =	vmul.f32 v19, v5;
	[tilespmem:s29+$0xFFFFFFA0] =	vst v8;
	v8 =	vld [tilespmem:s29+$0xA0]  }
0xcd: {  	v20 =	vmul.f32 v21, v5;
	[tilespmem:s29+$0xFFFFFFB0] =	vst v10;
	v10 =	vld [tilespmem:s29+$0xB0]  }
0xce: {  	v9 =	vmul.f32 v9, v5;
	[tilespmem:s29+$0xFFFFFFC0] =	vst v11;
	v11 =	vld [tilespmem:s29+$0xC0]  }
0xcf: {  	v6 =	vmul.f32 v6, v5;
	[tilespmem:s29+$0xFFFFFFD0] =	vst v12;
	v12 =	vld [tilespmem:s29+$0xD0]  }
0xd0: {  	v7 =	vmul.f32 v7, v5;
	[tilespmem:s29+$0xFFFFFFE0] =	vst v13;
	v13 =	vld [tilespmem:s29+$0xE0]  }
0xd1: {  	s30 =	sadd.s32 $0x10, s30;
	v8 =	vmul.f32 v8, v5;
	[tilespmem:s29+$0xFFFFFFF0] =	vst v14;
	v14 =	vld [tilespmem:s29+$0xF0];
	s29 =	sadd.s32 $0x100, s29  }
0xd2: {  	p0 =	slt.u32 s30, $0x7F0;
	v21 =	vld [tilespmem:s29+$0x0];
	[tilespmem:s29+$0xFFFFFF10] =	vst v15;
	v10 =	vmul.f32 v10, v5  }
.Ltmp2:
0xd3: {  	v15 =	vld [tilespmem:s29+$0x10];
	[tilespmem:s29+$0xFFFFFF20] =	vst v16;
	v11 =	vmul.f32 v11, v5;
	(pc) =	sbr.rel @p0 .LBB2_6-.Ltmp2, $4  }
0xd4: {  	v16 =	vld [tilespmem:s29+$0x20];
	[tilespmem:s29+$0xFFFFFF30] =	vst v17;
	v12 =	vmul.f32 v12, v5  }
0xd5: {  	v17 =	vld [tilespmem:s29+$0x30];
	[tilespmem:s29+$0xFFFFFF40] =	vst v18;
	v13 =	vmul.f32 v13, v5  }
0xd6: {  	v18 =	vld [tilespmem:s29+$0x40];
	[tilespmem:s29+$0xFFFFFF50] =	vst v19;
	v14 =	vmul.f32 v14, v5  }
0xd7: {  	v19 =	vld [tilespmem:s29+$0x50];
	[tilespmem:s29+$0xFFFFFF60] =	vst v20;
	v20 =	vmul.f32 v21, v5  }
0xd8: {  	[tilespmem:s29+$0xFFFFFF70] =	vst v9  }
0xd9: {  	[tilespmem:s29+$0xFFFFFF80] =	vst v6  }
0xda: {  	[tilespmem:s29+$0xFFFFFF90] =	vst v7  }
0xdb: {  	[tilespmem:s29+$0xFFFFFFA0] =	vst v8  }
0xdc: {  	[tilespmem:s29+$0xFFFFFFB0] =	vst v10  }
0xdd: {  	[tilespmem:s29+$0xFFFFFFC0] =	vst v11  }
0xde: {  	[tilespmem:s29+$0xFFFFFFD0] =	vst v12  }
0xdf: {  	[tilespmem:s29+$0xFFFFFFE0] =	vst v13  }
0xe0: {  	[tilespmem:s29+$0xFFFFFFF0] =	vst v14  }
0xe1: {  	[tilespmem:s29+$0x0] =	vst v20  }
0xe2: {  	[hbm4b:s6+s14] =	stream.strided.scatter [tilespmem:s2], [sflag:$0x4], $0x8000, s15, s14, $0x38;
	[tilespmem:$0x18300] =	vst v63  }
0xe3: {  	_ =	swait.ge [sflag:s20], $0x8000  }
0xe4: {  	[sflag:s20] =	ssyncset.done $0x0  }
0xe5: {  	[sflag:s20] =	ssyncadd.s32 $0xFFFF8000  }
0xe6: {  	[tilespmem:s21], [sflag:$0x3] =	stream.strided.gather [hbm4b:s7+s14], $0x8000, s15, s14, $0x38;
	[tilespmem:$0x18300] =	vst v63  }
0xe7: {  	v5 =	vld [tilespmem:$0x8100]  }
0xe8: {  	v6 =	vld [tilespmem:$0x8110]  }
0xe9: {  	v7 =	vld [tilespmem:$0x8120]  }
0xea: {  	v8 =	vld [tilespmem:$0x8130]  }
0xeb: {  	v9 =	vld [tilespmem:$0x8140]  }
0xec: {  	vm0 =	veq.s32 v3, $0x0;
	v10 =	vld [tilespmem:$0x8150]  }
0xed: {  	v12 =	vld [tilespmem:$0x8160];
	v5 =	vsel vm0, $0xFF800000, v5  }
0xee: {  	s29 =	simm.s32 $0x81F0;
	v13 =	vld [tilespmem:$0x81D0];
	v11 =	vmul.f32 $1.442695020e+00, v5;
	[tilespmem:$0x8100] =	vst v5  }
0xef: {  	v6 =	vmul.f32 $1.442695020e+00, v6;
	v7 =	vmul.f32 $1.442695020e+00, v7;
	v15 =	vld [tilespmem:s29+$0x0]  }
0xf0: {  	v8 =	vmul.f32 $1.442695020e+00, v8;
	(erf) = vpow2.f32 v11;
	v11 =	vld [tilespmem:$0x8170]  }
0xf1: {  	v9 =	vmul.f32 $1.442695020e+00, v9;
	(erf) = vpow2.f32 v6;
	v6 =	vld [tilespmem:$0x8180]  }
0xf2: {  	v10 =	vmul.f32 $1.442695020e+00, v10;
	(erf) = vpow2.f32 v7;
	v7 =	vld [tilespmem:$0x8190]  }
0xf3: {  	v12 =	vmul.f32 $1.442695020e+00, v12;
	(erf) = vpow2.f32 v8;
	v8 =	vld [tilespmem:$0x81A0]  }
0xf4: {  	v13 =	vmul.f32 $1.442695020e+00, v13;
	(erf) = vpow2.f32 v9;
	v9 =	vld [tilespmem:$0x81B0]  }
0xf5: {  	(erf) = vpow2.f32 v10;
	v10 =	vld [tilespmem:$0x81C0];
	v11 =	vmul.f32 $1.442695020e+00, v11  }
0xf6: {  	v22 =	vmul.f32 $1.442695020e+00, v15;
	v6 =	vmul.f32 $1.442695020e+00, v6  }
0xf7: {  	v18 =	vimm.f32 $0.0e+00;
	(erf) = vpow2.f32 v12;
	v12 =	vld [tilespmem:$0x81E0];
	v7 =	vmul.f32 $1.442695020e+00, v7  }
0xf8: {  	v20 =	vimm.f32 $0.0e+00;
	(erf) = vpow2.f32 v11;
	v8 =	vmul.f32 $1.442695020e+00, v8  }
0xf9: {  	v5 =	vimm.f32 $0.0e+00;
	(erf) = vpow2.f32 v6;
	v11 =	vpop (erf);
	v9 =	vmul.f32 $1.442695020e+00, v9  }
0xfa: {  	v15 =	vimm.f32 $0.0e+00;
	(erf) = vpow2.f32 v7;
	v14 =	vpop (erf);
	v10 =	vmul.f32 $1.442695020e+00, v10  }
0xfb: {  	v6 =	vadd.f32 v11, v5;
	(erf) = vpow2.f32 v8;
	[tilespmem:s29+$0xFFFFFF10] =	vst v11;
	v7 =	vadd.f32 v14, v5  }
0xfc: {  	v21 =	vld [tilespmem:s29+$0x10];
	v11 =	vmul.f32 $1.442695020e+00, v12;
	[tilespmem:s29+$0xFFFFFF20] =	vst v14;
	v12 =	vimm.f32 $0.0e+00;
	v8 =	vpop (erf);
	(erf) = vpow2.f32 v9  }
0xfd: {  	v23 =	vld [tilespmem:s29+$0x20];
	v17 =	vpop (erf);
	v9 =	vadd.f32 v8, v5;
	(erf) = vpow2.f32 v10;
	[tilespmem:s29+$0xFFFFFF30] =	vst v8;
	v8 =	vimm.f32 $0.0e+00  }
0xfe: {  	v24 =	vld [tilespmem:s29+$0x30];
	v10 =	vpop (erf);
	v14 =	vadd.f32 v17, v5;
	(erf) = vpow2.f32 v13;
	[tilespmem:s29+$0xFFFFFF40] =	vst v17;
	v17 =	vimm.f32 $0.0e+00  }
0xff: {  	v26 =	vld [tilespmem:s29+$0x40];
	v16 =	vadd.f32 v10, v5;
	v13 =	vpop (erf);
	(erf) = vpow2.f32 v11;
	[tilespmem:s29+$0xFFFFFF50] =	vst v10;
	v10 =	vimm.f32 $0.0e+00  }
0x100: {  	s30 =	simm.s32 $0x0;
	v27 =	vld [tilespmem:s29+$0x50];
	v11 =	vimm.f32 $0.0e+00;
	v19 =	vadd.f32 v13, v5;
	[tilespmem:s29+$0xFFFFFF60] =	vst v13;
	v25 =	vpop (erf);
	v13 =	vimm.f32 $0.0e+00  }
.LBB2_8:
0x101: {  	v21 =	vmul.f32 $1.442695020e+00, v21;
	v28 =	vld [tilespmem:s29+$0x60];
	[tilespmem:s29+$0xFFFFFF70] =	vst v25;
	v5 =	vadd.f32 v25, v5;
	v25 =	vpop (erf)  }
0x102: {  	v23 =	vmul.f32 $1.442695020e+00, v23;
	v29 =	vld [tilespmem:s29+$0x70];
	[tilespmem:s29+$0xFFFFFF80] =	vst v25;
	v20 =	vadd.f32 v25, v20;
	v25 =	vpop (erf);
	(erf) = vpow2.f32 v22  }
0x103: {  	v22 =	vmul.f32 $1.442695020e+00, v24;
	(erf) = vpow2.f32 v21;
	v21 =	vld [tilespmem:s29+$0x80];
	[tilespmem:s29+$0xFFFFFF90] =	vst v25;
	v18 =	vadd.f32 v25, v18;
	v24 =	vpop (erf)  }
0x104: {  	v25 =	vmul.f32 $1.442695020e+00, v26;
	(erf) = vpow2.f32 v23;
	v23 =	vld [tilespmem:s29+$0x90];
	[tilespmem:s29+$0xFFFFFFA0] =	vst v24;
	v17 =	vadd.f32 v24, v17;
	v24 =	vpop (erf)  }
0x105: {  	v26 =	vmul.f32 $1.442695020e+00, v27;
	(erf) = vpow2.f32 v22;
	v22 =	vld [tilespmem:s29+$0xA0];
	[tilespmem:s29+$0xFFFFFFB0] =	vst v24;
	v15 =	vadd.f32 v24, v15;
	v24 =	vpop (erf)  }
0x106: {  	v27 =	vmul.f32 $1.442695020e+00, v28;
	(erf) = vpow2.f32 v25;
	v25 =	vld [tilespmem:s29+$0xB0];
	[tilespmem:s29+$0xFFFFFFC0] =	vst v24;
	v12 =	vadd.f32 v24, v12;
	v24 =	vpop (erf)  }
0x107: {  	v28 =	vmul.f32 $1.442695020e+00, v29;
	(erf) = vpow2.f32 v26;
	v26 =	vld [tilespmem:s29+$0xC0];
	[tilespmem:s29+$0xFFFFFFD0] =	vst v24;
	v10 =	vadd.f32 v24, v10;
	v24 =	vpop (erf)  }
0x108: {  	v21 =	vmul.f32 $1.442695020e+00, v21;
	(erf) = vpow2.f32 v27;
	v27 =	vld [tilespmem:s29+$0xD0];
	[tilespmem:s29+$0xFFFFFFE0] =	vst v24;
	v13 =	vadd.f32 v24, v13;
	v24 =	vpop (erf)  }
0x109: {  	v29 =	vmul.f32 $1.442695020e+00, v23;
	(erf) = vpow2.f32 v28;
	v28 =	vld [tilespmem:s29+$0xE0];
	[tilespmem:s29+$0xFFFFFFF0] =	vst v24;
	v11 =	vadd.f32 v24, v11  }
0x10a: {  	v22 =	vmul.f32 $1.442695020e+00, v22;
	(erf) = vpow2.f32 v21;
	v24 =	vld [tilespmem:s29+$0xF0]  }
0x10b: {  	v21 =	vmul.f32 $1.442695020e+00, v25;
	(erf) = vpow2.f32 v29;
	v23 =	vpop (erf)  }
0x10c: {  	s30 =	sadd.s32 $0x10, s30;
	v25 =	vmul.f32 $1.442695020e+00, v26;
	v26 =	vpop (erf);
	(erf) = vpow2.f32 v22;
	[tilespmem:s29+$0x0] =	vst v23;
	v8 =	vadd.f32 v23, v8;
	s29 =	sadd.s32 $0x100, s29  }
0x10d: {  	p0 =	slt.u32 s30, $0x7F0;
	v22 =	vld [tilespmem:s29+$0x0];
	v29 =	vmul.f32 $1.442695020e+00, v27;
	[tilespmem:s29+$0xFFFFFF10] =	vst v26;
	v6 =	vadd.f32 v26, v6;
	v23 =	vpop (erf);
	(erf) = vpow2.f32 v21  }
.Ltmp3:
0x10e: {  	v26 =	vmul.f32 $1.442695020e+00, v28;
	v21 =	vld [tilespmem:s29+$0x10];
	[tilespmem:s29+$0xFFFFFF20] =	vst v23;
	v7 =	vadd.f32 v23, v7;
	v28 =	vpop (erf);
	(erf) = vpow2.f32 v25;
	(pc) =	sbr.rel @p0 .LBB2_8-.Ltmp3, $4  }
0x10f: {  	v30 =	vmul.f32 $1.442695020e+00, v24;
	v23 =	vld [tilespmem:s29+$0x20];
	[tilespmem:s29+$0xFFFFFF30] =	vst v28;
	v9 =	vadd.f32 v28, v9;
	v28 =	vpop (erf);
	(erf) = vpow2.f32 v29  }
0x110: {  	v24 =	vld [tilespmem:s29+$0x30];
	[tilespmem:s29+$0xFFFFFF40] =	vst v28;
	v14 =	vadd.f32 v28, v14;
	v27 =	vpop (erf);
	(erf) = vpow2.f32 v26  }
0x111: {  	v26 =	vld [tilespmem:s29+$0x40];
	[tilespmem:s29+$0xFFFFFF50] =	vst v27;
	v16 =	vadd.f32 v27, v16;
	v28 =	vpop (erf);
	(erf) = vpow2.f32 v30  }
0x112: {  	v22 =	vmul.f32 $1.442695020e+00, v22;
	v27 =	vld [tilespmem:s29+$0x50];
	[tilespmem:s29+$0xFFFFFF60] =	vst v28;
	v19 =	vadd.f32 v28, v19;
	v25 =	vpop (erf)  }
0x113: {  	v6 =	vadd.f32 v7, v6;
	_ =	sdelay $0x1  }
0x114: {  	v6 =	vadd.f32 v9, v6;
	_ =	sdelay $0x1  }
0x115: {  	v6 =	vadd.f32 v14, v6;
	_ =	sdelay $0x1  }
0x116: {  	v6 =	vadd.f32 v16, v6;
	_ =	sdelay $0x1  }
0x117: {  	v6 =	vadd.f32 v19, v6  }
0x118: {  	v7 =	vpop (erf)  }
0x119: {  	v5 =	vadd.f32 v25, v5;
	v9 =	vadd.f32 v7, v20;
	_ =	sdelay $0x1  }
0x11a: {  	v5 =	vadd.f32 v5, v6;
	v6 =	vpop (erf)  }
0x11b: {  	v14 =	vadd.f32 v6, v18  }
0x11c: {  	v5 =	vadd.f32 v9, v5;
	v9 =	vpop (erf)  }
0x11d: {  	v16 =	vadd.f32 v9, v17;
	_ =	sdelay $0x1  }
0x11e: {  	v5 =	vadd.f32 v14, v5;
	v14 =	vpop (erf)  }
0x11f: {  	v15 =	vadd.f32 v14, v15  }
0x120: {  	v5 =	vadd.f32 v16, v5;
	v16 =	vpop (erf)  }
0x121: {  	(erf) = vpow2.f32 v22;
	v12 =	vadd.f32 v16, v12;
	_ =	sdelay $0x1  }
0x122: {  	v5 =	vadd.f32 v15, v5;
	v15 =	vpop (erf)  }
0x123: {  	v10 =	vadd.f32 v15, v10  }
0x124: {  	v5 =	vadd.f32 v12, v5;
	v12 =	vpop (erf)  }
0x125: {  	v13 =	vadd.f32 v12, v13  }
0x126: {  	v5 =	vadd.f32 v10, v5  }
0x127: {  	v10 =	vpop (erf)  }
0x128: {  	v5 =	vadd.f32 v13, v5;
	v11 =	vadd.f32 v10, v11  }
0x129: {  	v13 =	vpop (erf)  }
0x12a: {  	v8 =	vadd.f32 v13, v8;
	v5 =	vadd.f32 v11, v5;
	_ =	sdelay $0x1  }
0x12b: {  	v5 =	vadd.f32 v8, v5;
	_ =	sdelay $0x1  }
0x12c: {  	v8 =	vperm.xlane v5, v0;
	_ =	sdelay $0x1  }
0x12d: {  	v5 =	vadd.f32 v8, v5  }
0x12e: {  	[tilespmem:s29+$0xFFFFFF70] =	vst v25  }
0x12f: {  	[tilespmem:s29+$0xFFFFFF80] =	vst v7;
	v7 =	vperm.xlane v5, v1  }
0x130: {  	[tilespmem:s29+$0xFFFFFF90] =	vst v6  }
0x131: {  	[tilespmem:s29+$0xFFFFFFA0] =	vst v9;
	v5 =	vadd.f32 v7, v5  }
0x132: {  	[tilespmem:s29+$0xFFFFFFB0] =	vst v14  }
0x133: {  	[tilespmem:s29+$0xFFFFFFC0] =	vst v16;
	v6 =	vperm.xlane v5, v2  }
0x134: {  	[tilespmem:s29+$0xFFFFFFD0] =	vst v15  }
0x135: {  	[tilespmem:s29+$0xFFFFFFE0] =	vst v12;
	v5 =	vadd.f32 v6, v5  }
0x136: {  	[tilespmem:s29+$0xFFFFFFF0] =	vst v10  }
0x137: {  	[tilespmem:s29+$0x0] =	vst v13;
	v6 =	vperm.xlane v5, v4  }
0x138: {  	v9 =	vld [tilespmem:$0x8130]  }
0x139: {  	v10 =	vld [tilespmem:$0x8140];
	v5 =	vadd.f32 v6, v5  }
0x13a: {  	v11 =	vld [tilespmem:$0x8150]  }
0x13b: {  	v12 =	vld [tilespmem:$0x8160];
	(erf) = vrcp.f32 v5  }
0x13c: {  	v13 =	vld [tilespmem:$0x8170]  }
0x13d: {  	v14 =	vld [tilespmem:$0x8180]  }
0x13e: {  	v16 =	vld [tilespmem:$0x8190]  }
0x13f: {  	v7 =	vld [tilespmem:$0x8100]  }
0x140: {  	v6 =	vld [tilespmem:$0x8110]  }
0x141: {  	v8 =	vld [tilespmem:$0x8120]  }
0x142: {  	v17 =	vld [tilespmem:$0x81A0]  }
0x143: {  	v18 =	vld [tilespmem:$0x81B0]  }
0x144: {  	v19 =	vld [tilespmem:$0x81C0];
	v5 =	vpop (erf)  }
0x145: {  	s29 =	simm.s32 $0x81F0;
	v20 =	vld [tilespmem:$0x81D0];
	v7 =	vmul.f32 v7, v5;
	v21 =	vmul.f32 v6, v5  }
0x146: {  	v27 =	vld [tilespmem:s29+$0x0];
	v23 =	vmul.f32 v8, v5;
	v24 =	vmul.f32 v9, v5  }
0x147: {  	v22 =	vld [tilespmem:$0x81E0];
	v63 =	vmul.f32 v10, v5;
	v26 =	vmul.f32 v11, v5;
	[tilespmem:s29+$0xFFFFFF10] =	vst v7  }
0x148: {  	v15 =	vld [tilespmem:s29+$0x10];
	v9 =	vmul.f32 v12, v5;
	v6 =	vmul.f32 v13, v5;
	[tilespmem:s29+$0xFFFFFF20] =	vst v21  }
0x149: {  	v8 =	vmul.f32 v16, v5;
	v16 =	vld [tilespmem:s29+$0x20];
	v10 =	vmul.f32 v17, v5;
	[tilespmem:s29+$0xFFFFFF30] =	vst v23  }
0x14a: {  	v11 =	vmul.f32 v18, v5;
	v17 =	vld [tilespmem:s29+$0x30];
	v12 =	vmul.f32 v19, v5;
	[tilespmem:s29+$0xFFFFFF40] =	vst v24  }
0x14b: {  	v13 =	vmul.f32 v20, v5;
	v18 =	vld [tilespmem:s29+$0x40];
	v20 =	vmul.f32 v27, v5;
	[tilespmem:s29+$0xFFFFFF50] =	vst v63  }
0x14c: {  	s30 =	simm.s32 $0x0;
	v19 =	vld [tilespmem:s29+$0x50];
	v7 =	vmul.f32 v14, v5;
	v14 =	vmul.f32 v22, v5;
	[tilespmem:s29+$0xFFFFFF60] =	vst v26  }
.LBB2_10:
0x14d: {  	v15 =	vmul.f32 v15, v5;
	v21 =	vld [tilespmem:s29+$0x60];
	[tilespmem:s29+$0xFFFFFF70] =	vst v9  }
0x14e: {  	v16 =	vmul.f32 v16, v5;
	v9 =	vld [tilespmem:s29+$0x70];
	[tilespmem:s29+$0x0] =	vst v20  }
0x14f: {  	v17 =	vmul.f32 v17, v5;
	[tilespmem:s29+$0xFFFFFF80] =	vst v6;
	v6 =	vld [tilespmem:s29+$0x80]  }
0x150: {  	v18 =	vmul.f32 v18, v5;
	[tilespmem:s29+$0xFFFFFF90] =	vst v7;
	v7 =	vld [tilespmem:s29+$0x90]  }
0x151: {  	v19 =	vmul.f32 v19, v5;
	[tilespmem:s29+$0xFFFFFFA0] =	vst v8;
	v8 =	vld [tilespmem:s29+$0xA0]  }
0x152: {  	v20 =	vmul.f32 v21, v5;
	[tilespmem:s29+$0xFFFFFFB0] =	vst v10;
	v10 =	vld [tilespmem:s29+$0xB0]  }
0x153: {  	v9 =	vmul.f32 v9, v5;
	[tilespmem:s29+$0xFFFFFFC0] =	vst v11;
	v11 =	vld [tilespmem:s29+$0xC0]  }
0x154: {  	v6 =	vmul.f32 v6, v5;
	[tilespmem:s29+$0xFFFFFFD0] =	vst v12;
	v12 =	vld [tilespmem:s29+$0xD0]  }
0x155: {  	v7 =	vmul.f32 v7, v5;
	[tilespmem:s29+$0xFFFFFFE0] =	vst v13;
	v13 =	vld [tilespmem:s29+$0xE0]  }
0x156: {  	s30 =	sadd.s32 $0x10, s30;
	v8 =	vmul.f32 v8, v5;
	[tilespmem:s29+$0xFFFFFFF0] =	vst v14;
	v14 =	vld [tilespmem:s29+$0xF0];
	s29 =	sadd.s32 $0x100, s29  }
0x157: {  	p0 =	slt.u32 s30, $0x7F0;
	v21 =	vld [tilespmem:s29+$0x0];
	[tilespmem:s29+$0xFFFFFF10] =	vst v15;
	v10 =	vmul.f32 v10, v5  }
.Ltmp4:
0x158: {  	v15 =	vld [tilespmem:s29+$0x10];
	[tilespmem:s29+$0xFFFFFF20] =	vst v16;
	v11 =	vmul.f32 v11, v5;
	(pc) =	sbr.rel @p0 .LBB2_10-.Ltmp4, $4  }
0x159: {  	v16 =	vld [tilespmem:s29+$0x20];
	[tilespmem:s29+$0xFFFFFF30] =	vst v17;
	v12 =	vmul.f32 v12, v5  }
0x15a: {  	v17 =	vld [tilespmem:s29+$0x30];
	[tilespmem:s29+$0xFFFFFF40] =	vst v18;
	v13 =	vmul.f32 v13, v5  }
0x15b: {  	v18 =	vld [tilespmem:s29+$0x40];
	[tilespmem:s29+$0xFFFFFF50] =	vst v19;
	v14 =	vmul.f32 v14, v5  }
0x15c: {  	v19 =	vld [tilespmem:s29+$0x50];
	[tilespmem:s29+$0xFFFFFF60] =	vst v20;
	v20 =	vmul.f32 v21, v5  }
0x15d: {  	[tilespmem:s29+$0xFFFFFF70] =	vst v9  }
0x15e: {  	[tilespmem:s29+$0xFFFFFF80] =	vst v6  }
0x15f: {  	[tilespmem:s29+$0xFFFFFF90] =	vst v7  }
0x160: {  	[tilespmem:s29+$0xFFFFFFA0] =	vst v8  }
0x161: {  	[tilespmem:s29+$0xFFFFFFB0] =	vst v10  }
0x162: {  	[tilespmem:s29+$0xFFFFFFC0] =	vst v11  }
0x163: {  	[tilespmem:s29+$0xFFFFFFD0] =	vst v12  }
0x164: {  	[tilespmem:s29+$0xFFFFFFE0] =	vst v13  }
0x165: {  	[tilespmem:s29+$0xFFFFFFF0] =	vst v14  }
0x166: {  	[tilespmem:s29+$0x0] =	vst v20  }
0x167: {  	[hbm4b:s8+s14] =	stream.strided.scatter [tilespmem:s18], [sflag:$0x5], $0x8000, s15, s14, $0x38;
	[tilespmem:$0x18300] =	vst v63  }
0x168: {  	_ =	swait.ge [sflag:s22], $0x8000  }
0x169: {  	[sflag:s22] =	ssyncset.done $0x0  }
0x16a: {  	[sflag:s22] =	ssyncadd.s32 $0xFFFF8000  }
0x16b: {  	_ =	swait.ge [sflag:s23], $0x8000  }
0x16c: {  	[sflag:s23] =	ssyncset.done $0x0  }
0x16d: {  	[sflag:s23] =	ssyncadd.s32 $0xFFFF8000  }
0x16e: {  	[tilespmem:s2], [sflag:$0x1] =	stream.strided.gather [hbm4b:s10+s14], $0x8000, s15, s14, $0x38;
	[tilespmem:$0x18300] =	vst v63  }
0x16f: {  	v5 =	vld [tilespmem:$0x10200]  }
0x170: {  	v6 =	vld [tilespmem:$0x10210]  }
0x171: {  	v7 =	vld [tilespmem:$0x10220]  }
0x172: {  	v8 =	vld [tilespmem:$0x10230]  }
0x173: {  	v9 =	vld [tilespmem:$0x10240]  }
0x174: {  	vm0 =	veq.s32 v3, $0x0;
	v10 =	vld [tilespmem:$0x10250]  }
0x175: {  	v12 =	vld [tilespmem:$0x10260];
	v5 =	vsel vm0, $0xFF800000, v5  }
0x176: {  	s29 =	simm.s32 $0x102F0;
	v13 =	vld [tilespmem:$0x102D0];
	v11 =	vmul.f32 $1.442695020e+00, v5;
	[tilespmem:$0x10200] =	vst v5  }
0x177: {  	v6 =	vmul.f32 $1.442695020e+00, v6;
	v7 =	vmul.f32 $1.442695020e+00, v7;
	v15 =	vld [tilespmem:s29+$0x0]  }
0x178: {  	v8 =	vmul.f32 $1.442695020e+00, v8;
	(erf) = vpow2.f32 v11;
	v11 =	vld [tilespmem:$0x10270]  }
0x179: {  	v9 =	vmul.f32 $1.442695020e+00, v9;
	(erf) = vpow2.f32 v6;
	v6 =	vld [tilespmem:$0x10280]  }
0x17a: {  	v10 =	vmul.f32 $1.442695020e+00, v10;
	(erf) = vpow2.f32 v7;
	v7 =	vld [tilespmem:$0x10290]  }
0x17b: {  	v12 =	vmul.f32 $1.442695020e+00, v12;
	(erf) = vpow2.f32 v8;
	v8 =	vld [tilespmem:$0x102A0]  }
0x17c: {  	v13 =	vmul.f32 $1.442695020e+00, v13;
	(erf) = vpow2.f32 v9;
	v9 =	vld [tilespmem:$0x102B0]  }
0x17d: {  	(erf) = vpow2.f32 v10;
	v10 =	vld [tilespmem:$0x102C0];
	v11 =	vmul.f32 $1.442695020e+00, v11  }
0x17e: {  	v22 =	vmul.f32 $1.442695020e+00, v15;
	v6 =	vmul.f32 $1.442695020e+00, v6  }
0x17f: {  	v18 =	vimm.f32 $0.0e+00;
	(erf) = vpow2.f32 v12;
	v12 =	vld [tilespmem:$0x102E0];
	v7 =	vmul.f32 $1.442695020e+00, v7  }
0x180: {  	v20 =	vimm.f32 $0.0e+00;
	(erf) = vpow2.f32 v11;
	v8 =	vmul.f32 $1.442695020e+00, v8  }
0x181: {  	v5 =	vimm.f32 $0.0e+00;
	(erf) = vpow2.f32 v6;
	v11 =	vpop (erf);
	v9 =	vmul.f32 $1.442695020e+00, v9  }
0x182: {  	v15 =	vimm.f32 $0.0e+00;
	(erf) = vpow2.f32 v7;
	v14 =	vpop (erf);
	v10 =	vmul.f32 $1.442695020e+00, v10  }
0x183: {  	v6 =	vadd.f32 v11, v5;
	(erf) = vpow2.f32 v8;
	[tilespmem:s29+$0xFFFFFF10] =	vst v11;
	v7 =	vadd.f32 v14, v5  }
0x184: {  	v21 =	vld [tilespmem:s29+$0x10];
	v11 =	vmul.f32 $1.442695020e+00, v12;
	[tilespmem:s29+$0xFFFFFF20] =	vst v14;
	v12 =	vimm.f32 $0.0e+00;
	v8 =	vpop (erf);
	(erf) = vpow2.f32 v9  }
0x185: {  	v23 =	vld [tilespmem:s29+$0x20];
	v17 =	vpop (erf);
	v9 =	vadd.f32 v8, v5;
	(erf) = vpow2.f32 v10;
	[tilespmem:s29+$0xFFFFFF30] =	vst v8;
	v8 =	vimm.f32 $0.0e+00  }
0x186: {  	v24 =	vld [tilespmem:s29+$0x30];
	v10 =	vpop (erf);
	v14 =	vadd.f32 v17, v5;
	(erf) = vpow2.f32 v13;
	[tilespmem:s29+$0xFFFFFF40] =	vst v17;
	v17 =	vimm.f32 $0.0e+00  }
0x187: {  	v26 =	vld [tilespmem:s29+$0x40];
	v16 =	vadd.f32 v10, v5;
	v13 =	vpop (erf);
	(erf) = vpow2.f32 v11;
	[tilespmem:s29+$0xFFFFFF50] =	vst v10;
	v10 =	vimm.f32 $0.0e+00  }
0x188: {  	s30 =	simm.s32 $0x0;
	v27 =	vld [tilespmem:s29+$0x50];
	v11 =	vimm.f32 $0.0e+00;
	v19 =	vadd.f32 v13, v5;
	[tilespmem:s29+$0xFFFFFF60] =	vst v13;
	v25 =	vpop (erf);
	v13 =	vimm.f32 $0.0e+00  }
.LBB2_12:
0x189: {  	v21 =	vmul.f32 $1.442695020e+00, v21;
	v28 =	vld [tilespmem:s29+$0x60];
	[tilespmem:s29+$0xFFFFFF70] =	vst v25;
	v5 =	vadd.f32 v25, v5;
	v25 =	vpop (erf)  }
0x18a: {  	v23 =	vmul.f32 $1.442695020e+00, v23;
	v29 =	vld [tilespmem:s29+$0x70];
	[tilespmem:s29+$0xFFFFFF80] =	vst v25;
	v20 =	vadd.f32 v25, v20;
	v25 =	vpop (erf);
	(erf) = vpow2.f32 v22  }
0x18b: {  	v22 =	vmul.f32 $1.442695020e+00, v24;
	(erf) = vpow2.f32 v21;
	v21 =	vld [tilespmem:s29+$0x80];
	[tilespmem:s29+$0xFFFFFF90] =	vst v25;
	v18 =	vadd.f32 v25, v18;
	v24 =	vpop (erf)  }
0x18c: {  	v25 =	vmul.f32 $1.442695020e+00, v26;
	(erf) = vpow2.f32 v23;
	v23 =	vld [tilespmem:s29+$0x90];
	[tilespmem:s29+$0xFFFFFFA0] =	vst v24;
	v17 =	vadd.f32 v24, v17;
	v24 =	vpop (erf)  }
0x18d: {  	v26 =	vmul.f32 $1.442695020e+00, v27;
	(erf) = vpow2.f32 v22;
	v22 =	vld [tilespmem:s29+$0xA0];
	[tilespmem:s29+$0xFFFFFFB0] =	vst v24;
	v15 =	vadd.f32 v24, v15;
	v24 =	vpop (erf)  }
0x18e: {  	v27 =	vmul.f32 $1.442695020e+00, v28;
	(erf) = vpow2.f32 v25;
	v25 =	vld [tilespmem:s29+$0xB0];
	[tilespmem:s29+$0xFFFFFFC0] =	vst v24;
	v12 =	vadd.f32 v24, v12;
	v24 =	vpop (erf)  }
0x18f: {  	v28 =	vmul.f32 $1.442695020e+00, v29;
	(erf) = vpow2.f32 v26;
	v26 =	vld [tilespmem:s29+$0xC0];
	[tilespmem:s29+$0xFFFFFFD0] =	vst v24;
	v10 =	vadd.f32 v24, v10;
	v24 =	vpop (erf)  }
0x190: {  	v21 =	vmul.f32 $1.442695020e+00, v21;
	(erf) = vpow2.f32 v27;
	v27 =	vld [tilespmem:s29+$0xD0];
	[tilespmem:s29+$0xFFFFFFE0] =	vst v24;
	v13 =	vadd.f32 v24, v13;
	v24 =	vpop (erf)  }
0x191: {  	v29 =	vmul.f32 $1.442695020e+00, v23;
	(erf) = vpow2.f32 v28;
	v28 =	vld [tilespmem:s29+$0xE0];
	[tilespmem:s29+$0xFFFFFFF0] =	vst v24;
	v11 =	vadd.f32 v24, v11  }
0x192: {  	v22 =	vmul.f32 $1.442695020e+00, v22;
	(erf) = vpow2.f32 v21;
	v24 =	vld [tilespmem:s29+$0xF0]  }
0x193: {  	v21 =	vmul.f32 $1.442695020e+00, v25;
	(erf) = vpow2.f32 v29;
	v23 =	vpop (erf)  }
0x194: {  	s30 =	sadd.s32 $0x10, s30;
	v25 =	vmul.f32 $1.442695020e+00, v26;
	v26 =	vpop (erf);
	(erf) = vpow2.f32 v22;
	[tilespmem:s29+$0x0] =	vst v23;
	v8 =	vadd.f32 v23, v8;
	s29 =	sadd.s32 $0x100, s29  }
0x195: {  	p0 =	slt.u32 s30, $0x7F0;
	v22 =	vld [tilespmem:s29+$0x0];
	v29 =	vmul.f32 $1.442695020e+00, v27;
	[tilespmem:s29+$0xFFFFFF10] =	vst v26;
	v6 =	vadd.f32 v26, v6;
	v23 =	vpop (erf);
	(erf) = vpow2.f32 v21  }
.Ltmp5:
0x196: {  	v26 =	vmul.f32 $1.442695020e+00, v28;
	v21 =	vld [tilespmem:s29+$0x10];
	[tilespmem:s29+$0xFFFFFF20] =	vst v23;
	v7 =	vadd.f32 v23, v7;
	v28 =	vpop (erf);
	(erf) = vpow2.f32 v25;
	(pc) =	sbr.rel @p0 .LBB2_12-.Ltmp5, $4  }
0x197: {  	v30 =	vmul.f32 $1.442695020e+00, v24;
	v23 =	vld [tilespmem:s29+$0x20];
	[tilespmem:s29+$0xFFFFFF30] =	vst v28;
	v9 =	vadd.f32 v28, v9;
	v28 =	vpop (erf);
	(erf) = vpow2.f32 v29  }
0x198: {  	v24 =	vld [tilespmem:s29+$0x30];
	[tilespmem:s29+$0xFFFFFF40] =	vst v28;
	v14 =	vadd.f32 v28, v14;
	v27 =	vpop (erf);
	(erf) = vpow2.f32 v26  }
0x199: {  	v26 =	vld [tilespmem:s29+$0x40];
	[tilespmem:s29+$0xFFFFFF50] =	vst v27;
	v16 =	vadd.f32 v27, v16;
	v28 =	vpop (erf);
	(erf) = vpow2.f32 v30  }
0x19a: {  	v22 =	vmul.f32 $1.442695020e+00, v22;
	v27 =	vld [tilespmem:s29+$0x50];
	[tilespmem:s29+$0xFFFFFF60] =	vst v28;
	v19 =	vadd.f32 v28, v19;
	v25 =	vpop (erf)  }
0x19b: {  	v6 =	vadd.f32 v7, v6;
	_ =	sdelay $0x1  }
0x19c: {  	v6 =	vadd.f32 v9, v6;
	_ =	sdelay $0x1  }
0x19d: {  	v6 =	vadd.f32 v14, v6;
	_ =	sdelay $0x1  }
0x19e: {  	v6 =	vadd.f32 v16, v6;
	_ =	sdelay $0x1  }
0x19f: {  	v6 =	vadd.f32 v19, v6  }
0x1a0: {  	v7 =	vpop (erf)  }
0x1a1: {  	v5 =	vadd.f32 v25, v5;
	v9 =	vadd.f32 v7, v20;
	_ =	sdelay $0x1  }
0x1a2: {  	v5 =	vadd.f32 v5, v6;
	v6 =	vpop (erf)  }
0x1a3: {  	v14 =	vadd.f32 v6, v18  }
0x1a4: {  	v5 =	vadd.f32 v9, v5;
	v9 =	vpop (erf)  }
0x1a5: {  	v16 =	vadd.f32 v9, v17;
	_ =	sdelay $0x1  }
0x1a6: {  	v5 =	vadd.f32 v14, v5;
	v14 =	vpop (erf)  }
0x1a7: {  	v15 =	vadd.f32 v14, v15  }
0x1a8: {  	v5 =	vadd.f32 v16, v5;
	v16 =	vpop (erf)  }
0x1a9: {  	(erf) = vpow2.f32 v22;
	v12 =	vadd.f32 v16, v12;
	_ =	sdelay $0x1  }
0x1aa: {  	v5 =	vadd.f32 v15, v5;
	v15 =	vpop (erf)  }
0x1ab: {  	v10 =	vadd.f32 v15, v10  }
0x1ac: {  	v5 =	vadd.f32 v12, v5;
	v12 =	vpop (erf)  }
0x1ad: {  	v13 =	vadd.f32 v12, v13  }
0x1ae: {  	v5 =	vadd.f32 v10, v5  }
0x1af: {  	v10 =	vpop (erf)  }
0x1b0: {  	v5 =	vadd.f32 v13, v5;
	v11 =	vadd.f32 v10, v11  }
0x1b1: {  	v13 =	vpop (erf)  }
0x1b2: {  	v8 =	vadd.f32 v13, v8;
	v5 =	vadd.f32 v11, v5;
	_ =	sdelay $0x1  }
0x1b3: {  	v5 =	vadd.f32 v8, v5;
	_ =	sdelay $0x1  }
0x1b4: {  	v8 =	vperm.xlane v5, v0;
	_ =	sdelay $0x1  }
0x1b5: {  	v5 =	vadd.f32 v8, v5  }
0x1b6: {  	[tilespmem:s29+$0xFFFFFF70] =	vst v25  }
0x1b7: {  	[tilespmem:s29+$0xFFFFFF80] =	vst v7;
	v7 =	vperm.xlane v5, v1  }
0x1b8: {  	[tilespmem:s29+$0xFFFFFF90] =	vst v6  }
0x1b9: {  	[tilespmem:s29+$0xFFFFFFA0] =	vst v9;
	v5 =	vadd.f32 v7, v5  }
0x1ba: {  	[tilespmem:s29+$0xFFFFFFB0] =	vst v14  }
0x1bb: {  	[tilespmem:s29+$0xFFFFFFC0] =	vst v16;
	v6 =	vperm.xlane v5, v2  }
0x1bc: {  	[tilespmem:s29+$0xFFFFFFD0] =	vst v15  }
0x1bd: {  	[tilespmem:s29+$0xFFFFFFE0] =	vst v12;
	v5 =	vadd.f32 v6, v5  }
0x1be: {  	[tilespmem:s29+$0xFFFFFFF0] =	vst v10  }
0x1bf: {  	[tilespmem:s29+$0x0] =	vst v13;
	v6 =	vperm.xlane v5, v4  }
0x1c0: {  	v9 =	vld [tilespmem:$0x10230]  }
0x1c1: {  	v10 =	vld [tilespmem:$0x10240];
	v5 =	vadd.f32 v6, v5  }
0x1c2: {  	v11 =	vld [tilespmem:$0x10250]  }
0x1c3: {  	v12 =	vld [tilespmem:$0x10260];
	(erf) = vrcp.f32 v5  }
0x1c4: {  	v13 =	vld [tilespmem:$0x10270]  }
0x1c5: {  	v14 =	vld [tilespmem:$0x10280]  }
0x1c6: {  	v16 =	vld [tilespmem:$0x10290]  }
0x1c7: {  	v7 =	vld [tilespmem:$0x10200]  }
0x1c8: {  	v6 =	vld [tilespmem:$0x10210]  }
0x1c9: {  	v8 =	vld [tilespmem:$0x10220]  }
0x1ca: {  	v17 =	vld [tilespmem:$0x102A0]  }
0x1cb: {  	v18 =	vld [tilespmem:$0x102B0]  }
0x1cc: {  	v19 =	vld [tilespmem:$0x102C0];
	v5 =	vpop (erf)  }
0x1cd: {  	s29 =	simm.s32 $0x102F0;
	v20 =	vld [tilespmem:$0x102D0];
	v7 =	vmul.f32 v7, v5;
	v21 =	vmul.f32 v6, v5  }
0x1ce: {  	v27 =	vld [tilespmem:s29+$0x0];
	v23 =	vmul.f32 v8, v5;
	v24 =	vmul.f32 v9, v5  }
0x1cf: {  	v22 =	vld [tilespmem:$0x102E0];
	v63 =	vmul.f32 v10, v5;
	v26 =	vmul.f32 v11, v5;
	[tilespmem:s29+$0xFFFFFF10] =	vst v7  }
0x1d0: {  	v15 =	vld [tilespmem:s29+$0x10];
	v9 =	vmul.f32 v12, v5;
	v6 =	vmul.f32 v13, v5;
	[tilespmem:s29+$0xFFFFFF20] =	vst v21  }
0x1d1: {  	v8 =	vmul.f32 v16, v5;
	v16 =	vld [tilespmem:s29+$0x20];
	v10 =	vmul.f32 v17, v5;
	[tilespmem:s29+$0xFFFFFF30] =	vst v23  }
0x1d2: {  	v11 =	vmul.f32 v18, v5;
	v17 =	vld [tilespmem:s29+$0x30];
	v12 =	vmul.f32 v19, v5;
	[tilespmem:s29+$0xFFFFFF40] =	vst v24  }
0x1d3: {  	v13 =	vmul.f32 v20, v5;
	v18 =	vld [tilespmem:s29+$0x40];
	v20 =	vmul.f32 v27, v5;
	[tilespmem:s29+$0xFFFFFF50] =	vst v63  }
0x1d4: {  	s30 =	simm.s32 $0x0;
	v19 =	vld [tilespmem:s29+$0x50];
	v7 =	vmul.f32 v14, v5;
	v14 =	vmul.f32 v22, v5;
	[tilespmem:s29+$0xFFFFFF60] =	vst v26  }
.LBB2_14:
0x1d5: {  	v15 =	vmul.f32 v15, v5;
	v21 =	vld [tilespmem:s29+$0x60];
	[tilespmem:s29+$0xFFFFFF70] =	vst v9  }
0x1d6: {  	v16 =	vmul.f32 v16, v5;
	v9 =	vld [tilespmem:s29+$0x70];
	[tilespmem:s29+$0x0] =	vst v20  }
0x1d7: {  	v17 =	vmul.f32 v17, v5;
	[tilespmem:s29+$0xFFFFFF80] =	vst v6;
	v6 =	vld [tilespmem:s29+$0x80]  }
0x1d8: {  	v18 =	vmul.f32 v18, v5;
	[tilespmem:s29+$0xFFFFFF90] =	vst v7;
	v7 =	vld [tilespmem:s29+$0x90]  }
0x1d9: {  	v19 =	vmul.f32 v19, v5;
	[tilespmem:s29+$0xFFFFFFA0] =	vst v8;
	v8 =	vld [tilespmem:s29+$0xA0]  }
0x1da: {  	v20 =	vmul.f32 v21, v5;
	[tilespmem:s29+$0xFFFFFFB0] =	vst v10;
	v10 =	vld [tilespmem:s29+$0xB0]  }
0x1db: {  	v9 =	vmul.f32 v9, v5;
	[tilespmem:s29+$0xFFFFFFC0] =	vst v11;
	v11 =	vld [tilespmem:s29+$0xC0]  }
0x1dc: {  	v6 =	vmul.f32 v6, v5;
	[tilespmem:s29+$0xFFFFFFD0] =	vst v12;
	v12 =	vld [tilespmem:s29+$0xD0]  }
0x1dd: {  	v7 =	vmul.f32 v7, v5;
	[tilespmem:s29+$0xFFFFFFE0] =	vst v13;
	v13 =	vld [tilespmem:s29+$0xE0]  }
0x1de: {  	s30 =	sadd.s32 $0x10, s30;
	v8 =	vmul.f32 v8, v5;
	[tilespmem:s29+$0xFFFFFFF0] =	vst v14;
	v14 =	vld [tilespmem:s29+$0xF0];
	s29 =	sadd.s32 $0x100, s29  }
0x1df: {  	p0 =	slt.u32 s30, $0x7F0;
	v21 =	vld [tilespmem:s29+$0x0];
	[tilespmem:s29+$0xFFFFFF10] =	vst v15;
	v10 =	vmul.f32 v10, v5  }
.Ltmp6:
0x1e0: {  	v15 =	vld [tilespmem:s29+$0x10];
	[tilespmem:s29+$0xFFFFFF20] =	vst v16;
	v11 =	vmul.f32 v11, v5;
	(pc) =	sbr.rel @p0 .LBB2_14-.Ltmp6, $4  }
0x1e1: {  	v16 =	vld [tilespmem:s29+$0x20];
	[tilespmem:s29+$0xFFFFFF30] =	vst v17;
	v12 =	vmul.f32 v12, v5  }
0x1e2: {  	v17 =	vld [tilespmem:s29+$0x30];
	[tilespmem:s29+$0xFFFFFF40] =	vst v18;
	v13 =	vmul.f32 v13, v5  }
0x1e3: {  	v18 =	vld [tilespmem:s29+$0x40];
	[tilespmem:s29+$0xFFFFFF50] =	vst v19;
	v14 =	vmul.f32 v14, v5  }
0x1e4: {  	v19 =	vld [tilespmem:s29+$0x50];
	[tilespmem:s29+$0xFFFFFF60] =	vst v20;
	v20 =	vmul.f32 v21, v5  }
0x1e5: {  	[tilespmem:s29+$0xFFFFFF70] =	vst v9  }
0x1e6: {  	[tilespmem:s29+$0xFFFFFF80] =	vst v6  }
0x1e7: {  	[tilespmem:s29+$0xFFFFFF90] =	vst v7  }
0x1e8: {  	[tilespmem:s29+$0xFFFFFFA0] =	vst v8  }
0x1e9: {  	[tilespmem:s29+$0xFFFFFFB0] =	vst v10  }
0x1ea: {  	[tilespmem:s29+$0xFFFFFFC0] =	vst v11  }
0x1eb: {  	[tilespmem:s29+$0xFFFFFFD0] =	vst v12  }
0x1ec: {  	[tilespmem:s29+$0xFFFFFFE0] =	vst v13  }
0x1ed: {  	[tilespmem:s29+$0xFFFFFFF0] =	vst v14  }
0x1ee: {  	[tilespmem:s29+$0x0] =	vst v20  }
0x1ef: {  	[hbm4b:s11+s14] =	stream.strided.scatter [tilespmem:s21], [sflag:$0x6], $0x8000, s15, s14, $0x38;
	[tilespmem:$0x18300] =	vst v63  }
0x1f0: {  	_ =	swait.ge [sflag:s17], $0x8000  }
0x1f1: {  	[sflag:s17] =	ssyncset.done $0x0  }
0x1f2: {  	[sflag:s17] =	ssyncadd.s32 $0xFFFF8000  }
0x1f3: {  	v5 =	vld [tilespmem:$0x0]  }
0x1f4: {  	v6 =	vld [tilespmem:$0x10]  }
0x1f5: {  	v7 =	vld [tilespmem:$0x20]  }
0x1f6: {  	v8 =	vld [tilespmem:$0x30]  }
0x1f7: {  	v9 =	vld [tilespmem:$0x40]  }
0x1f8: {  	vm0 =	veq.s32 v3, $0x0;
	v10 =	vld [tilespmem:$0x50]  }
0x1f9: {  	v12 =	vld [tilespmem:$0x60];
	v5 =	vsel vm0, $0xFF800000, v5  }
0x1fa: {  	s29 =	simm.s32 $0xF0;
	v13 =	vld [tilespmem:$0xD0];
	v11 =	vmul.f32 $1.442695020e+00, v5;
	[tilespmem:$0x0] =	vst v5  }
0x1fb: {  	v6 =	vmul.f32 $1.442695020e+00, v6;
	v7 =	vmul.f32 $1.442695020e+00, v7;
	v15 =	vld [tilespmem:s29+$0x0]  }
0x1fc: {  	v8 =	vmul.f32 $1.442695020e+00, v8;
	(erf) = vpow2.f32 v11;
	v11 =	vld [tilespmem:$0x70]  }
0x1fd: {  	v9 =	vmul.f32 $1.442695020e+00, v9;
	(erf) = vpow2.f32 v6;
	v6 =	vld [tilespmem:$0x80]  }
0x1fe: {  	v10 =	vmul.f32 $1.442695020e+00, v10;
	(erf) = vpow2.f32 v7;
	v7 =	vld [tilespmem:$0x90]  }
0x1ff: {  	v12 =	vmul.f32 $1.442695020e+00, v12;
	(erf) = vpow2.f32 v8;
	v8 =	vld [tilespmem:$0xA0]  }
0x200: {  	v13 =	vmul.f32 $1.442695020e+00, v13;
	(erf) = vpow2.f32 v9;
	v9 =	vld [tilespmem:$0xB0]  }
0x201: {  	(erf) = vpow2.f32 v10;
	v10 =	vld [tilespmem:$0xC0];
	v11 =	vmul.f32 $1.442695020e+00, v11  }
0x202: {  	v22 =	vmul.f32 $1.442695020e+00, v15;
	v6 =	vmul.f32 $1.442695020e+00, v6  }
0x203: {  	v18 =	vimm.f32 $0.0e+00;
	(erf) = vpow2.f32 v12;
	v12 =	vld [tilespmem:$0xE0];
	v7 =	vmul.f32 $1.442695020e+00, v7  }
0x204: {  	v20 =	vimm.f32 $0.0e+00;
	(erf) = vpow2.f32 v11;
	v8 =	vmul.f32 $1.442695020e+00, v8  }
0x205: {  	v5 =	vimm.f32 $0.0e+00;
	(erf) = vpow2.f32 v6;
	v11 =	vpop (erf);
	v9 =	vmul.f32 $1.442695020e+00, v9  }
0x206: {  	v15 =	vimm.f32 $0.0e+00;
	(erf) = vpow2.f32 v7;
	v14 =	vpop (erf);
	v10 =	vmul.f32 $1.442695020e+00, v10  }
0x207: {  	v6 =	vadd.f32 v11, v5;
	(erf) = vpow2.f32 v8;
	[tilespmem:s29+$0xFFFFFF10] =	vst v11;
	v7 =	vadd.f32 v14, v5  }
0x208: {  	v21 =	vld [tilespmem:s29+$0x10];
	v11 =	vmul.f32 $1.442695020e+00, v12;
	[tilespmem:s29+$0xFFFFFF20] =	vst v14;
	v12 =	vimm.f32 $0.0e+00;
	v8 =	vpop (erf);
	(erf) = vpow2.f32 v9  }
0x209: {  	v23 =	vld [tilespmem:s29+$0x20];
	v17 =	vpop (erf);
	v9 =	vadd.f32 v8, v5;
	(erf) = vpow2.f32 v10;
	[tilespmem:s29+$0xFFFFFF30] =	vst v8;
	v8 =	vimm.f32 $0.0e+00  }
0x20a: {  	v24 =	vld [tilespmem:s29+$0x30];
	v10 =	vpop (erf);
	v14 =	vadd.f32 v17, v5;
	(erf) = vpow2.f32 v13;
	[tilespmem:s29+$0xFFFFFF40] =	vst v17;
	v17 =	vimm.f32 $0.0e+00  }
0x20b: {  	v26 =	vld [tilespmem:s29+$0x40];
	v16 =	vadd.f32 v10, v5;
	v13 =	vpop (erf);
	(erf) = vpow2.f32 v11;
	[tilespmem:s29+$0xFFFFFF50] =	vst v10;
	v10 =	vimm.f32 $0.0e+00  }
0x20c: {  	s30 =	simm.s32 $0x0;
	v27 =	vld [tilespmem:s29+$0x50];
	v11 =	vimm.f32 $0.0e+00;
	v19 =	vadd.f32 v13, v5;
	[tilespmem:s29+$0xFFFFFF60] =	vst v13;
	v25 =	vpop (erf);
	v13 =	vimm.f32 $0.0e+00  }
.LBB2_16:
0x20d: {  	v21 =	vmul.f32 $1.442695020e+00, v21;
	v28 =	vld [tilespmem:s29+$0x60];
	[tilespmem:s29+$0xFFFFFF70] =	vst v25;
	v5 =	vadd.f32 v25, v5;
	v25 =	vpop (erf)  }
0x20e: {  	v23 =	vmul.f32 $1.442695020e+00, v23;
	v29 =	vld [tilespmem:s29+$0x70];
	[tilespmem:s29+$0xFFFFFF80] =	vst v25;
	v20 =	vadd.f32 v25, v20;
	v25 =	vpop (erf);
	(erf) = vpow2.f32 v22  }
0x20f: {  	v22 =	vmul.f32 $1.442695020e+00, v24;
	(erf) = vpow2.f32 v21;
	v21 =	vld [tilespmem:s29+$0x80];
	[tilespmem:s29+$0xFFFFFF90] =	vst v25;
	v18 =	vadd.f32 v25, v18;
	v24 =	vpop (erf)  }
0x210: {  	v25 =	vmul.f32 $1.442695020e+00, v26;
	(erf) = vpow2.f32 v23;
	v23 =	vld [tilespmem:s29+$0x90];
	[tilespmem:s29+$0xFFFFFFA0] =	vst v24;
	v17 =	vadd.f32 v24, v17;
	v24 =	vpop (erf)  }
0x211: {  	v26 =	vmul.f32 $1.442695020e+00, v27;
	(erf) = vpow2.f32 v22;
	v22 =	vld [tilespmem:s29+$0xA0];
	[tilespmem:s29+$0xFFFFFFB0] =	vst v24;
	v15 =	vadd.f32 v24, v15;
	v24 =	vpop (erf)  }
0x212: {  	v27 =	vmul.f32 $1.442695020e+00, v28;
	(erf) = vpow2.f32 v25;
	v25 =	vld [tilespmem:s29+$0xB0];
	[tilespmem:s29+$0xFFFFFFC0] =	vst v24;
	v12 =	vadd.f32 v24, v12;
	v24 =	vpop (erf)  }
0x213: {  	v28 =	vmul.f32 $1.442695020e+00, v29;
	(erf) = vpow2.f32 v26;
	v26 =	vld [tilespmem:s29+$0xC0];
	[tilespmem:s29+$0xFFFFFFD0] =	vst v24;
	v10 =	vadd.f32 v24, v10;
	v24 =	vpop (erf)  }
0x214: {  	v21 =	vmul.f32 $1.442695020e+00, v21;
	(erf) = vpow2.f32 v27;
	v27 =	vld [tilespmem:s29+$0xD0];
	[tilespmem:s29+$0xFFFFFFE0] =	vst v24;
	v13 =	vadd.f32 v24, v13;
	v24 =	vpop (erf)  }
0x215: {  	v29 =	vmul.f32 $1.442695020e+00, v23;
	(erf) = vpow2.f32 v28;
	v28 =	vld [tilespmem:s29+$0xE0];
	[tilespmem:s29+$0xFFFFFFF0] =	vst v24;
	v11 =	vadd.f32 v24, v11  }
0x216: {  	v22 =	vmul.f32 $1.442695020e+00, v22;
	(erf) = vpow2.f32 v21;
	v24 =	vld [tilespmem:s29+$0xF0]  }
0x217: {  	v21 =	vmul.f32 $1.442695020e+00, v25;
	(erf) = vpow2.f32 v29;
	v23 =	vpop (erf)  }
0x218: {  	s30 =	sadd.s32 $0x10, s30;
	v25 =	vmul.f32 $1.442695020e+00, v26;
	v26 =	vpop (erf);
	(erf) = vpow2.f32 v22;
	[tilespmem:s29+$0x0] =	vst v23;
	v8 =	vadd.f32 v23, v8;
	s29 =	sadd.s32 $0x100, s29  }
0x219: {  	p0 =	slt.u32 s30, $0x7F0;
	v22 =	vld [tilespmem:s29+$0x0];
	v29 =	vmul.f32 $1.442695020e+00, v27;
	[tilespmem:s29+$0xFFFFFF10] =	vst v26;
	v6 =	vadd.f32 v26, v6;
	v23 =	vpop (erf);
	(erf) = vpow2.f32 v21  }
.Ltmp7:
0x21a: {  	v26 =	vmul.f32 $1.442695020e+00, v28;
	v21 =	vld [tilespmem:s29+$0x10];
	[tilespmem:s29+$0xFFFFFF20] =	vst v23;
	v7 =	vadd.f32 v23, v7;
	v28 =	vpop (erf);
	(erf) = vpow2.f32 v25;
	(pc) =	sbr.rel @p0 .LBB2_16-.Ltmp7, $4  }
0x21b: {  	v30 =	vmul.f32 $1.442695020e+00, v24;
	v23 =	vld [tilespmem:s29+$0x20];
	[tilespmem:s29+$0xFFFFFF30] =	vst v28;
	v9 =	vadd.f32 v28, v9;
	v28 =	vpop (erf);
	(erf) = vpow2.f32 v29  }
0x21c: {  	v24 =	vld [tilespmem:s29+$0x30];
	[tilespmem:s29+$0xFFFFFF40] =	vst v28;
	v14 =	vadd.f32 v28, v14;
	v27 =	vpop (erf);
	(erf) = vpow2.f32 v26  }
0x21d: {  	v26 =	vld [tilespmem:s29+$0x40];
	[tilespmem:s29+$0xFFFFFF50] =	vst v27;
	v16 =	vadd.f32 v27, v16;
	v28 =	vpop (erf);
	(erf) = vpow2.f32 v30  }
0x21e: {  	v22 =	vmul.f32 $1.442695020e+00, v22;
	v27 =	vld [tilespmem:s29+$0x50];
	[tilespmem:s29+$0xFFFFFF60] =	vst v28;
	v19 =	vadd.f32 v28, v19;
	v25 =	vpop (erf)  }
0x21f: {  	v6 =	vadd.f32 v7, v6;
	_ =	sdelay $0x1  }
0x220: {  	v6 =	vadd.f32 v9, v6;
	_ =	sdelay $0x1  }
0x221: {  	v6 =	vadd.f32 v14, v6;
	_ =	sdelay $0x1  }
0x222: {  	v6 =	vadd.f32 v16, v6;
	_ =	sdelay $0x1  }
0x223: {  	v6 =	vadd.f32 v19, v6  }
0x224: {  	v7 =	vpop (erf)  }
0x225: {  	v5 =	vadd.f32 v25, v5;
	v9 =	vadd.f32 v7, v20;
	_ =	sdelay $0x1  }
0x226: {  	v5 =	vadd.f32 v5, v6;
	v6 =	vpop (erf)  }
0x227: {  	v14 =	vadd.f32 v6, v18  }
0x228: {  	v5 =	vadd.f32 v9, v5;
	v9 =	vpop (erf)  }
0x229: {  	v16 =	vadd.f32 v9, v17;
	_ =	sdelay $0x1  }
0x22a: {  	v5 =	vadd.f32 v14, v5;
	v14 =	vpop (erf)  }
0x22b: {  	v15 =	vadd.f32 v14, v15  }
0x22c: {  	v5 =	vadd.f32 v16, v5;
	v16 =	vpop (erf)  }
0x22d: {  	(erf) = vpow2.f32 v22;
	v12 =	vadd.f32 v16, v12;
	_ =	sdelay $0x1  }
0x22e: {  	v5 =	vadd.f32 v15, v5;
	v15 =	vpop (erf)  }
0x22f: {  	v10 =	vadd.f32 v15, v10  }
0x230: {  	v5 =	vadd.f32 v12, v5;
	v12 =	vpop (erf)  }
0x231: {  	v13 =	vadd.f32 v12, v13  }
0x232: {  	v5 =	vadd.f32 v10, v5  }
0x233: {  	v10 =	vpop (erf)  }
0x234: {  	v5 =	vadd.f32 v13, v5;
	v11 =	vadd.f32 v10, v11  }
0x235: {  	v13 =	vpop (erf)  }
0x236: {  	v8 =	vadd.f32 v13, v8;
	v5 =	vadd.f32 v11, v5;
	_ =	sdelay $0x1  }
0x237: {  	v5 =	vadd.f32 v8, v5;
	_ =	sdelay $0x1  }
0x238: {  	v8 =	vperm.xlane v5, v0;
	_ =	sdelay $0x1  }
0x239: {  	v5 =	vadd.f32 v8, v5  }
0x23a: {  	[tilespmem:s29+$0xFFFFFF70] =	vst v25  }
0x23b: {  	[tilespmem:s29+$0xFFFFFF80] =	vst v7;
	v7 =	vperm.xlane v5, v1  }
0x23c: {  	[tilespmem:s29+$0xFFFFFF90] =	vst v6  }
0x23d: {  	[tilespmem:s29+$0xFFFFFFA0] =	vst v9;
	v5 =	vadd.f32 v7, v5  }
0x23e: {  	[tilespmem:s29+$0xFFFFFFB0] =	vst v14  }
0x23f: {  	[tilespmem:s29+$0xFFFFFFC0] =	vst v16;
	v6 =	vperm.xlane v5, v2  }
0x240: {  	[tilespmem:s29+$0xFFFFFFD0] =	vst v15  }
0x241: {  	[tilespmem:s29+$0xFFFFFFE0] =	vst v12;
	v5 =	vadd.f32 v6, v5  }
0x242: {  	[tilespmem:s29+$0xFFFFFFF0] =	vst v10  }
0x243: {  	[tilespmem:s29+$0x0] =	vst v13;
	v6 =	vperm.xlane v5, v4  }
0x244: {  	v9 =	vld [tilespmem:$0x30]  }
0x245: {  	v10 =	vld [tilespmem:$0x40];
	v5 =	vadd.f32 v6, v5  }
0x246: {  	v11 =	vld [tilespmem:$0x50]  }
0x247: {  	v12 =	vld [tilespmem:$0x60];
	(erf) = vrcp.f32 v5  }
0x248: {  	v13 =	vld [tilespmem:$0x70]  }
0x249: {  	v14 =	vld [tilespmem:$0x80]  }
0x24a: {  	v16 =	vld [tilespmem:$0x90]  }
0x24b: {  	v7 =	vld [tilespmem:$0x0]  }
0x24c: {  	v6 =	vld [tilespmem:$0x10]  }
0x24d: {  	v8 =	vld [tilespmem:$0x20]  }
0x24e: {  	v17 =	vld [tilespmem:$0xA0]  }
0x24f: {  	v18 =	vld [tilespmem:$0xB0]  }
0x250: {  	v19 =	vld [tilespmem:$0xC0];
	v5 =	vpop (erf)  }
0x251: {  	s29 =	simm.s32 $0xF0;
	v20 =	vld [tilespmem:$0xD0];
	v7 =	vmul.f32 v7, v5;
	v21 =	vmul.f32 v6, v5  }
0x252: {  	v27 =	vld [tilespmem:s29+$0x0];
	v23 =	vmul.f32 v8, v5;
	v24 =	vmul.f32 v9, v5  }
0x253: {  	v22 =	vld [tilespmem:$0xE0];
	v63 =	vmul.f32 v10, v5;
	v26 =	vmul.f32 v11, v5;
	[tilespmem:s29+$0xFFFFFF10] =	vst v7  }
0x254: {  	v15 =	vld [tilespmem:s29+$0x10];
	v9 =	vmul.f32 v12, v5;
	v6 =	vmul.f32 v13, v5;
	[tilespmem:s29+$0xFFFFFF20] =	vst v21  }
0x255: {  	v8 =	vmul.f32 v16, v5;
	v16 =	vld [tilespmem:s29+$0x20];
	v10 =	vmul.f32 v17, v5;
	[tilespmem:s29+$0xFFFFFF30] =	vst v23  }
0x256: {  	v11 =	vmul.f32 v18, v5;
	v17 =	vld [tilespmem:s29+$0x30];
	v12 =	vmul.f32 v19, v5;
	[tilespmem:s29+$0xFFFFFF40] =	vst v24  }
0x257: {  	v13 =	vmul.f32 v20, v5;
	v18 =	vld [tilespmem:s29+$0x40];
	v20 =	vmul.f32 v27, v5;
	[tilespmem:s29+$0xFFFFFF50] =	vst v63  }
0x258: {  	s30 =	simm.s32 $0x0;
	v19 =	vld [tilespmem:s29+$0x50];
	v7 =	vmul.f32 v14, v5;
	v14 =	vmul.f32 v22, v5;
	[tilespmem:s29+$0xFFFFFF60] =	vst v26  }
.LBB2_18:
0x259: {  	v15 =	vmul.f32 v15, v5;
	v21 =	vld [tilespmem:s29+$0x60];
	[tilespmem:s29+$0xFFFFFF70] =	vst v9  }
0x25a: {  	v16 =	vmul.f32 v16, v5;
	v9 =	vld [tilespmem:s29+$0x70];
	[tilespmem:s29+$0x0] =	vst v20  }
0x25b: {  	v17 =	vmul.f32 v17, v5;
	[tilespmem:s29+$0xFFFFFF80] =	vst v6;
	v6 =	vld [tilespmem:s29+$0x80]  }
0x25c: {  	v18 =	vmul.f32 v18, v5;
	[tilespmem:s29+$0xFFFFFF90] =	vst v7;
	v7 =	vld [tilespmem:s29+$0x90]  }
0x25d: {  	v19 =	vmul.f32 v19, v5;
	[tilespmem:s29+$0xFFFFFFA0] =	vst v8;
	v8 =	vld [tilespmem:s29+$0xA0]  }
0x25e: {  	v20 =	vmul.f32 v21, v5;
	[tilespmem:s29+$0xFFFFFFB0] =	vst v10;
	v10 =	vld [tilespmem:s29+$0xB0]  }
0x25f: {  	v9 =	vmul.f32 v9, v5;
	[tilespmem:s29+$0xFFFFFFC0] =	vst v11;
	v11 =	vld [tilespmem:s29+$0xC0]  }
0x260: {  	v6 =	vmul.f32 v6, v5;
	[tilespmem:s29+$0xFFFFFFD0] =	vst v12;
	v12 =	vld [tilespmem:s29+$0xD0]  }
0x261: {  	v7 =	vmul.f32 v7, v5;
	[tilespmem:s29+$0xFFFFFFE0] =	vst v13;
	v13 =	vld [tilespmem:s29+$0xE0]  }
0x262: {  	s30 =	sadd.s32 $0x10, s30;
	v8 =	vmul.f32 v8, v5;
	[tilespmem:s29+$0xFFFFFFF0] =	vst v14;
	v14 =	vld [tilespmem:s29+$0xF0];
	s29 =	sadd.s32 $0x100, s29  }
0x263: {  	p0 =	slt.u32 s30, $0x3F0;
	v21 =	vld [tilespmem:s29+$0x0];
	[tilespmem:s29+$0xFFFFFF10] =	vst v15;
	v10 =	vmul.f32 v10, v5  }
.Ltmp8:
0x264: {  	v15 =	vld [tilespmem:s29+$0x10];
	[tilespmem:s29+$0xFFFFFF20] =	vst v16;
	v11 =	vmul.f32 v11, v5;
	(pc) =	sbr.rel @p0 .LBB2_18-.Ltmp8, $4  }
0x265: {  	v16 =	vld [tilespmem:s29+$0x20];
	[tilespmem:s29+$0xFFFFFF30] =	vst v17;
	v12 =	vmul.f32 v12, v5  }
0x266: {  	v17 =	vld [tilespmem:s29+$0x30];
	[tilespmem:s29+$0xFFFFFF40] =	vst v18;
	v13 =	vmul.f32 v13, v5  }
0x267: {  	v18 =	vld [tilespmem:s29+$0x40];
	[tilespmem:s29+$0xFFFFFF50] =	vst v19;
	v14 =	vmul.f32 v14, v5  }
0x268: {  	v19 =	vld [tilespmem:s29+$0x50];
	[tilespmem:s29+$0xFFFFFF60] =	vst v20;
	v20 =	vmul.f32 v21, v5  }
0x269: {  	[tilespmem:s29+$0xFFFFFF70] =	vst v9  }
0x26a: {  	[tilespmem:s29+$0xFFFFFF80] =	vst v6  }
0x26b: {  	[tilespmem:s29+$0xFFFFFF90] =	vst v7  }
0x26c: {  	[tilespmem:s29+$0xFFFFFFA0] =	vst v8  }
0x26d: {  	[tilespmem:s29+$0xFFFFFFB0] =	vst v10  }
0x26e: {  	[tilespmem:s29+$0xFFFFFFC0] =	vst v11  }
0x26f: {  	[tilespmem:s29+$0xFFFFFFD0] =	vst v12  }
0x270: {  	[tilespmem:s29+$0xFFFFFFE0] =	vst v13  }
0x271: {  	[tilespmem:s29+$0xFFFFFFF0] =	vst v14  }
0x272: {  	[tilespmem:s29+$0x0] =	vst v20  }
0x273: {  	[hbm4b:s9+s14] =	stream.strided.scatter [tilespmem:s2], [sflag:$0x4], $0x4000, s15, s14, $0x38;
	[tilespmem:$0x18300] =	vst v63  }
0x274: {  	v6 =	vld [tilespmem:$0x4000]  }
0x275: {  	v7 =	vld [tilespmem:$0x4010]  }
0x276: {  	v8 =	vld [tilespmem:$0x4020]  }
0x277: {  	v9 =	vld [tilespmem:$0x4030]  }
0x278: {  	v10 =	vld [tilespmem:$0x4040]  }
0x279: {  	v11 =	vld [tilespmem:$0x4050]  }
0x27a: {  	v12 =	vld [tilespmem:$0x4060]  }
0x27b: {  	v13 =	vld [tilespmem:$0x4070]  }
0x27c: {  	v14 =	vld [tilespmem:$0x4080]  }
0x27d: {  	v16 =	vld [tilespmem:$0x4090]  }
0x27e: {  	v17 =	vld [tilespmem:$0x40A0]  }
0x27f: {  	v18 =	vld [tilespmem:$0x40B0]  }
0x280: {  	v19 =	vld [tilespmem:$0x40C0]  }
0x281: {  	v20 =	vld [tilespmem:$0x40D0];
	v6 =	vmul.f32 v6, v5;
	v7 =	vmul.f32 v7, v5  }
0x282: {  	s29 =	simm.s32 $0x40F0;
	v21 =	vld [tilespmem:$0x40E0];
	v22 =	vmul.f32 v8, v5;
	v23 =	vmul.f32 v9, v5  }
0x283: {  	v26 =	vld [tilespmem:s29+$0x0];
	v24 =	vmul.f32 v10, v5;
	v25 =	vmul.f32 v11, v5;
	[tilespmem:s29+$0xFFFFFF10] =	vst v6  }
0x284: {  	v15 =	vld [tilespmem:s29+$0x10];
	v9 =	vmul.f32 v12, v5;
	v8 =	vmul.f32 v16, v5;
	[tilespmem:s29+$0xFFFFFF20] =	vst v7  }
0x285: {  	v16 =	vld [tilespmem:s29+$0x20];
	v10 =	vmul.f32 v17, v5;
	v11 =	vmul.f32 v18, v5;
	[tilespmem:s29+$0xFFFFFF30] =	vst v22  }
0x286: {  	v17 =	vld [tilespmem:s29+$0x30];
	v12 =	vmul.f32 v19, v5;
	v6 =	vmul.f32 v13, v5;
	[tilespmem:s29+$0xFFFFFF40] =	vst v23  }
0x287: {  	v18 =	vld [tilespmem:s29+$0x40];
	v7 =	vmul.f32 v14, v5;
	v13 =	vmul.f32 v20, v5;
	[tilespmem:s29+$0xFFFFFF50] =	vst v24  }
0x288: {  	s30 =	simm.s32 $0x400;
	v19 =	vld [tilespmem:s29+$0x50];
	v14 =	vmul.f32 v21, v5;
	[tilespmem:s29+$0xFFFFFF60] =	vst v25;
	v20 =	vmul.f32 v26, v5  }
.LBB2_20:
0x289: {  	v15 =	vmul.f32 v15, v5;
	v21 =	vld [tilespmem:s29+$0x60];
	[tilespmem:s29+$0xFFFFFF70] =	vst v9  }
0x28a: {  	v16 =	vmul.f32 v16, v5;
	v9 =	vld [tilespmem:s29+$0x70];
	[tilespmem:s29+$0x0] =	vst v20  }
0x28b: {  	v17 =	vmul.f32 v17, v5;
	[tilespmem:s29+$0xFFFFFF80] =	vst v6;
	v6 =	vld [tilespmem:s29+$0x80]  }
0x28c: {  	v18 =	vmul.f32 v18, v5;
	[tilespmem:s29+$0xFFFFFF90] =	vst v7;
	v7 =	vld [tilespmem:s29+$0x90]  }
0x28d: {  	v19 =	vmul.f32 v19, v5;
	[tilespmem:s29+$0xFFFFFFA0] =	vst v8;
	v8 =	vld [tilespmem:s29+$0xA0]  }
0x28e: {  	v20 =	vmul.f32 v21, v5;
	[tilespmem:s29+$0xFFFFFFB0] =	vst v10;
	v10 =	vld [tilespmem:s29+$0xB0]  }
0x28f: {  	v9 =	vmul.f32 v9, v5;
	[tilespmem:s29+$0xFFFFFFC0] =	vst v11;
	v11 =	vld [tilespmem:s29+$0xC0]  }
0x290: {  	v6 =	vmul.f32 v6, v5;
	[tilespmem:s29+$0xFFFFFFD0] =	vst v12;
	v12 =	vld [tilespmem:s29+$0xD0]  }
0x291: {  	v7 =	vmul.f32 v7, v5;
	[tilespmem:s29+$0xFFFFFFE0] =	vst v13;
	v13 =	vld [tilespmem:s29+$0xE0]  }
0x292: {  	s30 =	sadd.s32 $0x10, s30;
	v8 =	vmul.f32 v8, v5;
	[tilespmem:s29+$0xFFFFFFF0] =	vst v14;
	v14 =	vld [tilespmem:s29+$0xF0];
	s29 =	sadd.s32 $0x100, s29  }
0x293: {  	p0 =	slt.u32 s30, $0x7F0;
	v21 =	vld [tilespmem:s29+$0x0];
	[tilespmem:s29+$0xFFFFFF10] =	vst v15;
	v10 =	vmul.f32 v10, v5  }
.Ltmp9:
0x294: {  	v15 =	vld [tilespmem:s29+$0x10];
	[tilespmem:s29+$0xFFFFFF20] =	vst v16;
	v11 =	vmul.f32 v11, v5;
	(pc) =	sbr.rel @p0 .LBB2_20-.Ltmp9, $4  }
0x295: {  	v16 =	vld [tilespmem:s29+$0x20];
	[tilespmem:s29+$0xFFFFFF30] =	vst v17;
	v12 =	vmul.f32 v12, v5  }
0x296: {  	v17 =	vld [tilespmem:s29+$0x30];
	[tilespmem:s29+$0xFFFFFF40] =	vst v18;
	v13 =	vmul.f32 v13, v5  }
0x297: {  	v18 =	vld [tilespmem:s29+$0x40];
	[tilespmem:s29+$0xFFFFFF50] =	vst v19;
	v14 =	vmul.f32 v14, v5  }
0x298: {  	v19 =	vld [tilespmem:s29+$0x50];
	[tilespmem:s29+$0xFFFFFF60] =	vst v20;
	v20 =	vmul.f32 v21, v5  }
0x299: {  	[tilespmem:s29+$0xFFFFFF70] =	vst v9  }
0x29a: {  	[tilespmem:s29+$0xFFFFFF80] =	vst v6  }
0x29b: {  	[tilespmem:s29+$0xFFFFFF90] =	vst v7  }
0x29c: {  	[tilespmem:s29+$0xFFFFFFA0] =	vst v8  }
0x29d: {  	[tilespmem:s29+$0xFFFFFFB0] =	vst v10  }
0x29e: {  	[tilespmem:s29+$0xFFFFFFC0] =	vst v11  }
0x29f: {  	[tilespmem:s29+$0xFFFFFFD0] =	vst v12  }
0x2a0: {  	[tilespmem:s29+$0xFFFFFFE0] =	vst v13  }
0x2a1: {  	[tilespmem:s29+$0xFFFFFFF0] =	vst v14  }
0x2a2: {  	[tilespmem:s29+$0x0] =	vst v20  }
0x2a3: {  	[hbm4b:s12+s14] =	stream.strided.scatter [tilespmem:s16], [sflag:$0x8], $0x4000, s15, s14, $0x38;
	[tilespmem:$0x18300] =	vst v63  }
0x2a4: {  	_ =	swait.ge [sflag:s24], $0x8000  }
0x2a5: {  	[sflag:s24] =	ssyncset.done $0x0  }
0x2a6: {  	[sflag:s24] =	ssyncadd.s32 $0xFFFF8000  }
0x2a7: {  	_ =	swait.ge [sflag:s25], $0x8000  }
0x2a8: {  	[sflag:s25] =	ssyncset.done $0x0  }
0x2a9: {  	s28 =	sadd.s32 $0x1, s28;
	[sflag:s25] =	ssyncadd.s32 $0xFFFF8000  }
0x2aa: {  	p0 =	sne.s32 s28, s13;
	_ =	swait.ge [sflag:s23], $0x4000  }
.Ltmp10:
0x2ab: {  	[sflag:s23] =	ssyncset.done $0x0;
	(pc) =	sbr.rel @p0 .LBB2_1-.Ltmp10, $4  }
0x2ac: {  	[sflag:s23] =	ssyncadd.s32 $0xFFFFC000  }
0x2ad: {  	_ =	swait.ge [sflag:s26], $0x4000  }
0x2ae: {  	[sflag:s26] =	ssyncset.done $0x0  }
0x2af: {  	[sflag:s26] =	ssyncadd.s32 $0xFFFFC000  }
0x2b0: {  	_ =	sfence.sel $0x180000  }
0x2b1: {  	[bflag:$0x0] =	sbarrier.arrive $0xFFFF  }
0x2b2: {  	p0 =	sne.s32 s1, $0x0;
	_ =	strace $0x90000047  }
0x2b3: {  	s0 =	sadd.s32 @!p0 $0x100000, s0;
	[bflag:$0x2] =	sbarrier.arrive $0xFFFF  }
0x2b4: {  	[sflag:s0] =	ssyncadd.tile.s32 @!p0 $0x1;
	_ =	shalt  }
.Lfunc_end2:
_tile_overlayer_lowered:
.L_overlay_start_2:
0x2b5: {  	(tag) =	ssettag $0x2  }
0x2b6: {  	s0 =	rddreg [dreg:$0x0];
	s2 =	stileid.u32  }
0x2b7: {  	s1 =	rddreg [dreg:$0x1];
	p0 =	sne.s32 s2, $0x0  }
0x2b8: {  	s3 =	rddreg [dreg:$0x2];
	[bflag:$0x3] =	sbarrier.arrive $0xFFFF;
	s2 =	simm.s32 @!p0 $0x1C09  }
0x2b9: {  	[timem:s3], [sflag:s2] =	dma.local @!p0 [hbm:s0], s1  }
0x2ba: {  	s0 =	simm.s32 @!p0 $0x9  }
0x2bb: {  	_ =	swait.ge @!p0 [sflag:s0], s1  }
0x2bc: {  	s1 =	ssub.s32 @!p0 $0x0, s1;
	[sflag:s0] =	ssyncset.done @!p0 $0x0  }
0x2bd: {  	[sflag:s0] =	ssyncadd.s32 @!p0 s1  }
0x2be: {  	[bflag:$0x3] =	sbarrier.arrive $0xFFFF  }
0x2bf: {  	_ =	shalt  }

</sc_bundles>
